<compile_context>
chip_gen: v7x
topology: tpu7x:2x2x1
jax: 0.10.2.dev20260603
libtpu: 0.0.44.dev20260713+nightly
codegen_flags: <defaults>
</compile_context>

<pallas_src>
import functools

import jax
import jax.numpy as jnp
from jax import lax
from jax.experimental import pallas as pl
from jax.experimental.pallas import tpu as pltpu
from jax.experimental.pallas import tpu_sc as plsc

N = 10000
E = 320000
D1 = 128
D2 = 16
D1P = D1 + 16
D2P = D2 + 16
NC, NS, L = 2, 16, 16
NW = NC * NS



def _lin1_body(x_ref, w_ref, b_ref, o_ref):
    rb = x_ref.shape[0]
    feat = (
        jnp.dot(x_ref[...], w_ref[...], preferred_element_type=jnp.float32)
        + b_ref[...]
    )
    col = lax.broadcasted_iota(jnp.int32, (rb, D1P - D1), 1)
    pad = jnp.where(col == 0, 1.0, 0.0)
    o_ref[...] = jnp.concatenate([feat, pad], axis=1)


def _edge_proj_body(ea_ref, we1_ref, we2_ref, o1_ref, o2_ref):
    dn = (((0,), (0,)), ((), ()))
    ea_t = ea_ref[...]
    o1_ref[...] = lax.dot_general(ea_t, we1_ref[...], dn,
                                  preferred_element_type=jnp.float32)
    o2_ref[...] = lax.dot_general(ea_t, we2_ref[...], dn,
                                  preferred_element_type=jnp.float32)


def _norm_lin2_body(acc_ref, bias1_ref, w2_ref, b2_ref, o_ref):
    rb = o_ref.shape[0]
    acc = acc_ref[0] + acc_ref[1]
    den = acc[:, D1] + 1e-16
    lat = acc[:, :D1] / den[:, None] + bias1_ref[...]
    feat = (
        jnp.dot(lat, w2_ref[...], preferred_element_type=jnp.float32)
        + b2_ref[...]
    )
    col = lax.broadcasted_iota(jnp.int32, (rb, D2P - D2), 1)
    pad = jnp.where(col == 0, 1.0, 0.0)
    o_ref[...] = jnp.concatenate([feat, pad], axis=1)


def _norm2_body(acc_ref, bias2_ref, o_ref):
    acc = acc_ref[0] + acc_ref[1]
    den = acc[:, D2] + 1e-16
    o_ref[...] = acc[:, :D2] / den[:, None] + bias2_ref[...]



_MESH = plsc.VectorSubcoreMesh(core_axis_name="c", subcore_axis_name="s")


def _sc_edge_body(dp, dfull, ch, xl_hbm, ei_hbm, ef_hbm, att_hbm,
                  acc_out,
                  acc_sh, idx2, sbuf, ab, bb, efb, ob, attv,
                  sem_i, sem_a, sem_b, sem_e, sem_s):
    cid = lax.axis_index("c")
    sid = lax.axis_index("s")
    wid = sid * NC + cid
    nj = dfull // L
    njp = dp // L
    nchunks = E // ch
    total = nchunks // NW
    assert total * NW == nchunks

    zero16 = jnp.zeros((L,), jnp.float32)

    def _zrow(i, carry):
        for j in range(njp):
            ob[i, pl.ds(L * j, L)] = zero16
        return carry

    lax.fori_loop(0, ch, _zrow, 0)

    base_row = sid * 624
    _sizes, _offs, _rem = [], [], 624
    while _rem:
        _offs.append(624 - _rem)
        _sizes.append(min(_rem, ch))
        _rem -= _sizes[-1]
    for sz, off in zip(_sizes, _offs):
        pltpu.sync_copy(ob.at[pl.ds(0, sz)],
                        acc_sh.at[pl.ds(base_row + off, sz)])

    @pl.when(sid == NS - 1)
    def _():
        pltpu.sync_copy(ob.at[pl.ds(0, 16)], acc_sh.at[pl.ds(624 * NS, 16)])

    plsc.subcore_barrier()

    pltpu.sync_copy(att_hbm, attv)
    att_regs = [attv[pl.ds(L * j, L)] for j in range(nj)]
    lane = lax.iota(jnp.int32, L)

    def _ebase(i):
        return (wid + NW * i) * ch

    def _idx_start(p, i):
        eb = _ebase(i)
        pltpu.async_copy(ei_hbm.at[:, pl.ds(eb, ch)], idx2[p], sem_i[p])

    def _idx_wait(p):
        pltpu.make_async_copy(ei_hbm.at[:, pl.ds(0, ch)], idx2[p],
                              sem_i[p]).wait()

    def _gather_start(p, i):
        eb = _ebase(i)
        pltpu.async_copy(xl_hbm.at[idx2[p].at[0]], ab[p], sem_a[p])
        pltpu.async_copy(xl_hbm.at[idx2[p].at[1]], bb[p], sem_b[p])
        if dfull == D1:
            pltpu.async_copy(ef_hbm.at[pl.ds(eb, ch)], efb[p], sem_e[p])
        else:
            pltpu.async_copy(ef_hbm.at[pl.ds(eb, ch), pl.ds(0, dfull)],
                             efb[p], sem_e[p])

    def _gather_wait(p):
        pltpu.make_async_copy(xl_hbm.at[idx2[p].at[0]], ab[p],
                              sem_a[p]).wait()
        pltpu.make_async_copy(xl_hbm.at[idx2[p].at[1]], bb[p],
                              sem_b[p]).wait()
        if dfull == D1:
            pltpu.make_async_copy(ef_hbm.at[pl.ds(0, ch)], efb[p],
                                  sem_e[p]).wait()
        else:
            pltpu.make_async_copy(ef_hbm.at[pl.ds(0, ch), pl.ds(0, dfull)],
                                  efb[p], sem_e[p]).wait()

    def _scatter_wait():
        pltpu.make_async_copy(ob, acc_sh.at[sbuf], sem_s).wait()

    def _compute(p):
        for off in range(0, ch - L + 1, L):
            sbuf[pl.ds(off, L)] = idx2[p][1, pl.ds(off, L)]
        if ch % L:
            off = ch - L
            sbuf[pl.ds(off, L)] = idx2[p][1, pl.ds(off, L)]

        def _edge(e, cc):
            s = zero16
            a_regs = []
            for j in range(nj):
                sl = pl.ds(L * j, L)
                a = ab[p][e, sl]
                a_regs.append(a)
                v = a + bb[p][e, sl] + efb[p][e, sl]
                lv = jnp.where(v > 0, v, 0.2 * v)
                s = s + lv * att_regs[j]
            wv = jnp.exp(jnp.broadcast_to(jnp.sum(s), (L,)))
            for j in range(nj):
                ob[e, pl.ds(L * j, L)] = a_regs[j] * wv
            ob[e, pl.ds(nj * L, L)] = jnp.where(lane == 0, wv, 0.0)
            return cc

        lax.fori_loop(0, ch, _edge, 0)

    def _scatter_start():
        pltpu.async_copy(ob, acc_sh.at[sbuf], sem_s, add=True)

    _idx_start(0, 0)
    _idx_start(1, 1)
    _idx_wait(0)
    _gather_start(0, 0)

    def _iter(i, p):
        @pl.when(i + 1 < total)
        def _():
            _idx_wait(1 - p)
            _gather_start(1 - p, i + 1)

        _gather_wait(p)

        @pl.when(i + 2 < total)
        def _():
            _idx_start(p, i + 2)

        @pl.when(i >= 1)
        def _():
            _scatter_wait()

        _compute(p)
        _scatter_start()

    def _pair(t, carry):
        _iter(2 * t, 0)
        _iter(2 * t + 1, 1)
        return carry

    lax.fori_loop(0, total // 2, _pair, 0)
    if total % 2:
        _iter(total - 1, 0)
    _scatter_wait()

    plsc.subcore_barrier()

    for sz, off in zip(_sizes, _offs):
        sl = pl.ds(base_row + off, sz)
        pltpu.sync_copy(acc_sh.at[sl], acc_out.at[cid, sl])

    @pl.when(sid == NS - 1)
    def _():
        sl = pl.ds(624 * NS, 16)
        pltpu.sync_copy(acc_sh.at[sl], acc_out.at[cid, sl])


def _make_sc_edge(dp, dfull, ch):
    return functools.partial(
        pl.kernel,
        out_type=jax.ShapeDtypeStruct((NC, N, dp), jnp.float32),
        mesh=_MESH,
        scratch_types=[
            pltpu.VMEM_SHARED((N, dp), jnp.float32),
            [pltpu.VMEM((2, ch), jnp.int32)] * 2,
            pltpu.VMEM((ch,), jnp.int32),
            [pltpu.VMEM((ch, dp), jnp.float32)] * 2,
            [pltpu.VMEM((ch, dp), jnp.float32)] * 2,
            [pltpu.VMEM((ch, dfull), jnp.float32)] * 2,
            pltpu.VMEM((ch, dp), jnp.float32),
            pltpu.VMEM((dfull,), jnp.float32),
            [pltpu.SemaphoreType.DMA] * 2,
            [pltpu.SemaphoreType.DMA] * 2,
            [pltpu.SemaphoreType.DMA] * 2,
            [pltpu.SemaphoreType.DMA] * 2,
            pltpu.SemaphoreType.DMA,
        ],
        compiler_params=pltpu.CompilerParams(use_tc_tiling_on_sc=False,
                                             needs_layout_passes=False),
    )(functools.partial(_sc_edge_body, dp, dfull, ch))


_sc_edge1 = _make_sc_edge(D1P, D1, 40)
_sc_edge2 = _make_sc_edge(D2P, D2, 80)



def kernel(x, edge_index, edge_attr, W1, b1, We1, att1, bias1,
           W2, b2, We2, att2, bias2):
    RB = 400
    xl1 = pl.pallas_call(
        _lin1_body,
        grid=(N // RB,),
        in_specs=[
            pl.BlockSpec((RB, D1), lambda i: (i, 0)),
            pl.BlockSpec((D1, D1), lambda i: (0, 0)),
            pl.BlockSpec((D1,), lambda i: (0,)),
        ],
        out_specs=pl.BlockSpec((RB, D1P), lambda i: (i, 0)),
        out_shape=jax.ShapeDtypeStruct((N, D1P), jnp.float32),
    )(x, W1, b1)

    EB = 6400
    We2p = jnp.pad(We2, ((0, 0), (0, D1 - D2)))
    ef1, ef2 = pl.pallas_call(
        _edge_proj_body,
        grid=(E // EB,),
        in_specs=[
            pl.BlockSpec((D2, EB), lambda i: (0, i)),
            pl.BlockSpec((D2, D1), lambda i: (0, 0)),
            pl.BlockSpec((D2, D1), lambda i: (0, 0)),
        ],
        out_specs=[
            pl.BlockSpec((EB, D1), lambda i: (i, 0)),
            pl.BlockSpec((EB, D1), lambda i: (i, 0)),
        ],
        out_shape=[
            jax.ShapeDtypeStruct((E, D1), jnp.float32),
            jax.ShapeDtypeStruct((E, D1), jnp.float32),
        ],
    )(edge_attr.T, We1, We2p)

    acc1 = _sc_edge1(xl1, edge_index, ef1, att1)

    xl2 = pl.pallas_call(
        _norm_lin2_body,
        grid=(N // RB,),
        in_specs=[
            pl.BlockSpec((NC, RB, D1P), lambda i: (0, i, 0)),
            pl.BlockSpec((D1,), lambda i: (0,)),
            pl.BlockSpec((D1, D2), lambda i: (0, 0)),
            pl.BlockSpec((D2,), lambda i: (0,)),
        ],
        out_specs=pl.BlockSpec((RB, D2P), lambda i: (i, 0)),
        out_shape=jax.ShapeDtypeStruct((N, D2P), jnp.float32),
    )(acc1, bias1, W2, b2)

    acc2 = _sc_edge2(xl2, edge_index, ef2, att2)

    action_logits = pl.pallas_call(
        _norm2_body,
        grid=(N // RB,),
        in_specs=[
            pl.BlockSpec((NC, RB, D2P), lambda i: (0, i, 0)),
            pl.BlockSpec((D2,), lambda i: (0,)),
        ],
        out_specs=pl.BlockSpec((RB, D2), lambda i: (i, 0)),
        out_shape=jax.ShapeDtypeStruct((N, D2), jnp.float32),
    )(acc2, bias2)

    flat = action_logits.reshape(-1)
    skey = jax.random.key(42)
    idx = jax.random.categorical(skey, flat)
    log_prob = jax.nn.log_softmax(flat)[idx]
    sel_node, sel_action = jnp.unravel_index(idx, action_logits.shape)
    return (sel_node, sel_action, log_prob)

# --- scband reference (transcript-rebuilt; emitter-appended) ---
"""Pipeline reference for scband-police-17377437680144 (READ-ONLY COPY).

The authoritative reference and input builder live on the scoring server;
editing this copy changes nothing except your own understanding.
"""

import jax, jax.numpy as jnp
import numpy as np

N_NODES = 10000
N_EDGES = 320000
D_FEAT = 128
D_EDGE = 16
LATENT = 128
N_ACT = 16


def _glorot(key, shape):
    fan_in, fan_out = shape[0], shape[-1]
    scale = jnp.sqrt(6.0 / (fan_in + fan_out))
    return jax.random.uniform(key, shape, jnp.float32, -scale, scale)


def setup_inputs(seed: int = 0) -> dict:
    key = jax.random.key(seed)
    ks = jax.random.split(key, 14)
    x = jax.random.normal(ks[0], (N_NODES, D_FEAT), dtype=jnp.float32)
    edge_index = jax.random.randint(ks[1], (2, N_EDGES), 0, N_NODES, dtype=jnp.int32)
    edge_attr = jax.random.normal(ks[2], (N_EDGES, D_EDGE), dtype=jnp.float32)
    # layer 1 (GATv2Conv, heads=1, share_weights=True: lin_l == lin_r)
    W1 = _glorot(ks[3], (D_FEAT, LATENT))
    b1 = jnp.zeros((LATENT,), jnp.float32)
    We1 = _glorot(ks[4], (D_EDGE, LATENT))
    att1 = _glorot(ks[5], (LATENT,))
    bias1 = jnp.zeros((LATENT,), jnp.float32)
    # layer 2
    W2 = _glorot(ks[6], (LATENT, N_ACT))
    b2 = jnp.zeros((N_ACT,), jnp.float32)
    We2 = _glorot(ks[7], (D_EDGE, N_ACT))
    att2 = _glorot(ks[8], (N_ACT,))
    bias2 = jnp.zeros((N_ACT,), jnp.float32)
    return {"x": x, "edge_index": edge_index, "edge_attr": edge_attr,
            "W1": W1, "b1": b1, "We1": We1, "att1": att1, "bias1": bias1,
            "W2": W2, "b2": b2, "We2": We2, "att2": att2, "bias2": bias2}


def _gatv2(x, src, dst, edge_attr, W, b, We, att, bias, n_nodes):
    # share_weights=True: x_l = x_r = lin(x)
    xl = x @ W + b
    ef = edge_attr @ We
    e = jax.nn.leaky_relu(xl[src] + xl[dst] + ef, negative_slope=0.2)
    logits = e @ att  # [E]
    m = jax.ops.segment_max(logits, dst, num_segments=n_nodes)
    m = jnp.where(jnp.isfinite(m), m, 0.0)
    ex = jnp.exp(logits - m[dst])
    den = jax.ops.segment_sum(ex, dst, num_segments=n_nodes)
    alpha = ex / (den[dst] + 1e-16)
    out = jax.ops.segment_sum(xl[src] * alpha[:, None], dst, num_segments=n_nodes)
    return out + bias


def reference(x, edge_index, edge_attr, W1, b1, We1, att1, bias1, W2, b2, We2, att2, bias2):
    src, dst = edge_index[0], edge_index[1]
    n = x.shape[0]
    latent = _gatv2(x, src, dst, edge_attr, W1, b1, We1, att1, bias1, n)
    action_logits = _gatv2(latent, src, dst, edge_attr, W2, b2, We2, att2, bias2, n)
    flat = action_logits.reshape(-1)
    skey = jax.random.key(42)
    idx = jax.random.categorical(skey, flat)
    log_prob = jax.nn.log_softmax(flat)[idx]
    sel_node, sel_action = jnp.unravel_index(idx, action_logits.shape)
    return (sel_node, sel_action, log_prob)

if __name__ == "__main__":
    import jax
    _d = setup_inputs()
    print(jax.jit(kernel)(*tuple(_d.values())))

</pallas_src>

<mosaic_0001>
#map = affine_map<(d0, d1) -> (0, 0)>
#map1 = affine_map<(d0, d1) -> (0)>
#map2 = affine_map<(d0, d1) -> (0, 0, 0)>
module attributes {stable_mosaic.version = 14 : i64} {
  func.func @_sc_edge_body(%arg0: i32, %arg1: i32, %arg2: memref<10000x32xf32, #tpu.memory_space<hbm>>, %arg3: memref<2x320000xi32, #tpu.memory_space<hbm>>, %arg4: memref<320000x128xf32, #tpu.memory_space<hbm>>, %arg5: memref<16xf32, #tpu.memory_space<hbm>>, %arg6: memref<2x10000x32xf32, #tpu.memory_space<hbm>>, %arg7: memref<10000x32xf32, #tpu.memory_space<vmem_shared>>, %arg8: memref<2x80xi32, #tpu.memory_space<vmem>>, %arg9: memref<2x80xi32, #tpu.memory_space<vmem>>, %arg10: memref<80xi32, #tpu.memory_space<vmem>>, %arg11: memref<80x32xf32, #tpu.memory_space<vmem>>, %arg12: memref<80x32xf32, #tpu.memory_space<vmem>>, %arg13: memref<80x32xf32, #tpu.memory_space<vmem>>, %arg14: memref<80x32xf32, #tpu.memory_space<vmem>>, %arg15: memref<80x16xf32, #tpu.memory_space<vmem>>, %arg16: memref<80x16xf32, #tpu.memory_space<vmem>>, %arg17: memref<80x32xf32, #tpu.memory_space<vmem>>, %arg18: memref<16xf32, #tpu.memory_space<vmem>>, %arg19: memref<!tpu.dma_semaphore, #tpu.memory_space<semaphore_mem>>, %arg20: memref<!tpu.dma_semaphore, #tpu.memory_space<semaphore_mem>>, %arg21: memref<!tpu.dma_semaphore, #tpu.memory_space<semaphore_mem>>, %arg22: memref<!tpu.dma_semaphore, #tpu.memory_space<semaphore_mem>>, %arg23: memref<!tpu.dma_semaphore, #tpu.memory_space<semaphore_mem>>, %arg24: memref<!tpu.dma_semaphore, #tpu.memory_space<semaphore_mem>>, %arg25: memref<!tpu.dma_semaphore, #tpu.memory_space<semaphore_mem>>, %arg26: memref<!tpu.dma_semaphore, #tpu.memory_space<semaphore_mem>>, %arg27: memref<!tpu.dma_semaphore, #tpu.memory_space<semaphore_mem>>) attributes {dimension_semantics = [#tpu.dimension_semantics<core_parallel>, #tpu.dimension_semantics<subcore_parallel>], iteration_bounds = array<i64: 2, 16>, scalar_prefetch = 0 : i64, scratch_operands = 21 : i64, tpu.core_type = #tpu.core_type<sc_vector_subcore>, window_params = [{transform_indices = #map}, {transform_indices = #map}, {transform_indices = #map}, {transform_indices = #map1}, {transform_indices = #map2}]} {
    %mul3A = arith.constant 2 : i32
    %mul3A_0 = arith.muli %arg1, %mul3A : i32
    %add3A = arith.addi %mul3A_0, %arg0 : i32
    %broadcast_in_dim3A = arith.constant 0.000000e+00 : f32
    %broadcast_in_dim3A_1 = vector.broadcast %broadcast_in_dim3A : f32 to vector<16xf32>
    %scan3A = arith.constant 0 : i32
    %scan3A_2 = arith.constant 0 : i32
    %scan3A_3 = arith.constant 80 : i32
    %scan3A_4 = arith.addi %scan3A_2, %scan3A_3 : i32
    %scan3A_5 = arith.constant 1 : i32
    scf.for %scan3A_162 = %scan3A_2 to %scan3A_4 step %scan3A_5  : i32 {
      %swap3A_163 = arith.index_cast %scan3A_162 : i32 to index
      %swap3A_164 = arith.constant 0 : index
      %swap3A_165 = tpu.vector_load %arg17[%swap3A_163, %swap3A_164] {strides = array<i32>} : memref<80x32xf32, #tpu.memory_space<vmem>>, vector<16xf32>,
      tpu.vector_store %arg17[%swap3A_163, %swap3A_164], %broadcast_in_dim3A_1 {strides = array<i32>} : memref<80x32xf32, #tpu.memory_space<vmem>>, vector<16xf32>,
      %swap3A_166 = arith.index_cast %scan3A_162 : i32 to index
      %swap3A_167 = arith.constant 16 : index
      %swap3A_168 = tpu.vector_load %arg17[%swap3A_166, %swap3A_167] {strides = array<i32>} : memref<80x32xf32, #tpu.memory_space<vmem>>, vector<16xf32>,
      tpu.vector_store %arg17[%swap3A_166, %swap3A_167], %broadcast_in_dim3A_1 {strides = array<i32>} : memref<80x32xf32, #tpu.memory_space<vmem>>, vector<16xf32>,
    }
    %scan3A_6 = arith.constant 80 : i32
    %mul3A_7 = arith.constant 624 : i32
    %mul3A_8 = arith.muli %arg1, %mul3A_7 : i32
    %add3A_9 = arith.constant 0 : i32
    %add3A_10 = arith.addi %mul3A_8, %add3A_9 : i32
    "tpu.region"() ({
      %run_scoped3A = tpu.sem_alloc : memref<!tpu.dma_semaphore, #tpu.memory_space<semaphore_mem>>
      %dma_start3A_162 = arith.constant 0 : i32
      %dma_start3A_163 = arith.constant 0 : i32
      %dma_start3A_164 = tpu.memref_slice %arg17[%dma_start3A_162, %dma_start3A_163] : memref<80x32xf32, #tpu.memory_space<vmem>> -> memref<80x32xf32, #tpu.memory_space<vmem>>
      %dma_start3A_165 = arith.constant 0 : i32
      %dma_start3A_166 = tpu.memref_slice %arg7[%add3A_10, %dma_start3A_165] : memref<10000x32xf32, #tpu.memory_space<vmem_shared>> -> memref<80x32xf32, #tpu.memory_space<vmem_shared>>
      %dma_start3A_167 = arith.constant 0 : i32
      %dma_start3A_168 = tpu.memref_slice %arg7[%add3A_10, %dma_start3A_167] : memref<10000x32xf32, #tpu.memory_space<vmem_shared>> -> memref<80x32xf32, #tpu.memory_space<vmem_shared>>
      %dma_start3A_169 = arith.constant 0 : i32
      %dma_start3A_170 = arith.constant 0 : i32
      %dma_start3A_171 = tpu.memref_slice %arg17[%dma_start3A_169, %dma_start3A_170] : memref<80x32xf32, #tpu.memory_space<vmem>> -> memref<80x32xf32, #tpu.memory_space<vmem>>
      tpu.enqueue_dma source(%dma_start3A_171 : memref<80x32xf32, #tpu.memory_space<vmem>>) target(%dma_start3A_168 : memref<80x32xf32, #tpu.memory_space<vmem_shared>>) target_semaphore(%run_scoped3A : memref<!tpu.dma_semaphore, #tpu.memory_space<semaphore_mem>>)
      %dma_wait3A_172 = arith.constant 0 : i32
      %dma_wait3A_173 = arith.constant 0 : i32
      %dma_wait3A_174 = tpu.memref_slice %arg17[%dma_wait3A_172, %dma_wait3A_173] : memref<80x32xf32, #tpu.memory_space<vmem>> -> memref<80x32xf32, #tpu.memory_space<vmem>>
      %dma_wait3A_175 = arith.constant 0 : i32
      %dma_wait3A_176 = tpu.memref_slice %arg7[%add3A_10, %dma_wait3A_175] : memref<10000x32xf32, #tpu.memory_space<vmem_shared>> -> memref<80x32xf32, #tpu.memory_space<vmem_shared>>
      %dma_wait3A_177 = arith.constant 0 : i32
      %dma_wait3A_178 = tpu.memref_slice %arg7[%add3A_10, %dma_wait3A_177] : memref<10000x32xf32, #tpu.memory_space<vmem_shared>> -> memref<80x32xf32, #tpu.memory_space<vmem_shared>>
      %dma_wait3A_179 = arith.constant 0 : i32
      %dma_wait3A_180 = arith.constant 0 : i32
      %dma_wait3A_181 = tpu.memref_slice %arg17[%dma_wait3A_179, %dma_wait3A_180] : memref<80x32xf32, #tpu.memory_space<vmem>> -> memref<80x32xf32, #tpu.memory_space<vmem>>
      tpu.wait_dma2 semaphore(%run_scoped3A : memref<!tpu.dma_semaphore, #tpu.memory_space<semaphore_mem>>) src(%dma_wait3A_181 : memref<80x32xf32, #tpu.memory_space<vmem>>) dst(%dma_wait3A_178 : memref<80x32xf32, #tpu.memory_space<vmem_shared>>)
      tpu.yield
    }) : () -> ()
    %add3A_11 = arith.constant 80 : i32
    %add3A_12 = arith.addi %mul3A_8, %add3A_11 : i32
    "tpu.region"() ({
      %run_scoped3A = tpu.sem_alloc : memref<!tpu.dma_semaphore, #tpu.memory_space<semaphore_mem>>
      %dma_start3A_162 = arith.constant 0 : i32
      %dma_start3A_163 = arith.constant 0 : i32
      %dma_start3A_164 = tpu.memref_slice %arg17[%dma_start3A_162, %dma_start3A_163] : memref<80x32xf32, #tpu.memory_space<vmem>> -> memref<80x32xf32, #tpu.memory_space<vmem>>
      %dma_start3A_165 = arith.constant 0 : i32
      %dma_start3A_166 = tpu.memref_slice %arg7[%add3A_12, %dma_start3A_165] : memref<10000x32xf32, #tpu.memory_space<vmem_shared>> -> memref<80x32xf32, #tpu.memory_space<vmem_shared>>
      %dma_start3A_167 = arith.constant 0 : i32
      %dma_start3A_168 = tpu.memref_slice %arg7[%add3A_12, %dma_start3A_167] : memref<10000x32xf32, #tpu.memory_space<vmem_shared>> -> memref<80x32xf32, #tpu.memory_space<vmem_shared>>
      %dma_start3A_169 = arith.constant 0 : i32
      %dma_start3A_170 = arith.constant 0 : i32
      %dma_start3A_171 = tpu.memref_slice %arg17[%dma_start3A_169, %dma_start3A_170] : memref<80x32xf32, #tpu.memory_space<vmem>> -> memref<80x32xf32, #tpu.memory_space<vmem>>
      tpu.enqueue_dma source(%dma_start3A_171 : memref<80x32xf32, #tpu.memory_space<vmem>>) target(%dma_start3A_168 : memref<80x32xf32, #tpu.memory_space<vmem_shared>>) target_semaphore(%run_scoped3A : memref<!tpu.dma_semaphore, #tpu.memory_space<semaphore_mem>>)
      %dma_wait3A_172 = arith.constant 0 : i32
      %dma_wait3A_173 = arith.constant 0 : i32
      %dma_wait3A_174 = tpu.memref_slice %arg17[%dma_wait3A_172, %dma_wait3A_173] : memref<80x32xf32, #tpu.memory_space<vmem>> -> memref<80x32xf32, #tpu.memory_space<vmem>>
      %dma_wait3A_175 = arith.constant 0 : i32
      %dma_wait3A_176 = tpu.memref_slice %arg7[%add3A_12, %dma_wait3A_175] : memref<10000x32xf32, #tpu.memory_space<vmem_shared>> -> memref<80x32xf32, #tpu.memory_space<vmem_shared>>
      %dma_wait3A_177 = arith.constant 0 : i32
      %dma_wait3A_178 = tpu.memref_slice %arg7[%add3A_12, %dma_wait3A_177] : memref<10000x32xf32, #tpu.memory_space<vmem_shared>> -> memref<80x32xf32, #tpu.memory_space<vmem_shared>>
      %dma_wait3A_179 = arith.constant 0 : i32
      %dma_wait3A_180 = arith.constant 0 : i32
      %dma_wait3A_181 = tpu.memref_slice %arg17[%dma_wait3A_179, %dma_wait3A_180] : memref<80x32xf32, #tpu.memory_space<vmem>> -> memref<80x32xf32, #tpu.memory_space<vmem>>
      tpu.wait_dma2 semaphore(%run_scoped3A : memref<!tpu.dma_semaphore, #tpu.memory_space<semaphore_mem>>) src(%dma_wait3A_181 : memref<80x32xf32, #tpu.memory_space<vmem>>) dst(%dma_wait3A_178 : memref<80x32xf32, #tpu.memory_space<vmem_shared>>)
      tpu.yield
    }) : () -> ()
    %add3A_13 = arith.constant 160 : i32
    %add3A_14 = arith.addi %mul3A_8, %add3A_13 : i32
    "tpu.region"() ({
      %run_scoped3A = tpu.sem_alloc : memref<!tpu.dma_semaphore, #tpu.memory_space<semaphore_mem>>
      %dma_start3A_162 = arith.constant 0 : i32
      %dma_start3A_163 = arith.constant 0 : i32
      %dma_start3A_164 = tpu.memref_slice %arg17[%dma_start3A_162, %dma_start3A_163] : memref<80x32xf32, #tpu.memory_space<vmem>> -> memref<80x32xf32, #tpu.memory_space<vmem>>
      %dma_start3A_165 = arith.constant 0 : i32
      %dma_start3A_166 = tpu.memref_slice %arg7[%add3A_14, %dma_start3A_165] : memref<10000x32xf32, #tpu.memory_space<vmem_shared>> -> memref<80x32xf32, #tpu.memory_space<vmem_shared>>
      %dma_start3A_167 = arith.constant 0 : i32
      %dma_start3A_168 = tpu.memref_slice %arg7[%add3A_14, %dma_start3A_167] : memref<10000x32xf32, #tpu.memory_space<vmem_shared>> -> memref<80x32xf32, #tpu.memory_space<vmem_shared>>
      %dma_start3A_169 = arith.constant 0 : i32
      %dma_start3A_170 = arith.constant 0 : i32
      %dma_start3A_171 = tpu.memref_slice %arg17[%dma_start3A_169, %dma_start3A_170] : memref<80x32xf32, #tpu.memory_space<vmem>> -> memref<80x32xf32, #tpu.memory_space<vmem>>
      tpu.enqueue_dma source(%dma_start3A_171 : memref<80x32xf32, #tpu.memory_space<vmem>>) target(%dma_start3A_168 : memref<80x32xf32, #tpu.memory_space<vmem_shared>>) target_semaphore(%run_scoped3A : memref<!tpu.dma_semaphore, #tpu.memory_space<semaphore_mem>>)
      %dma_wait3A_172 = arith.constant 0 : i32
      %dma_wait3A_173 = arith.constant 0 : i32
      %dma_wait3A_174 = tpu.memref_slice %arg17[%dma_wait3A_172, %dma_wait3A_173] : memref<80x32xf32, #tpu.memory_space<vmem>> -> memref<80x32xf32, #tpu.memory_space<vmem>>
      %dma_wait3A_175 = arith.constant 0 : i32
      %dma_wait3A_176 = tpu.memref_slice %arg7[%add3A_14, %dma_wait3A_175] : memref<10000x32xf32, #tpu.memory_space<vmem_shared>> -> memref<80x32xf32, #tpu.memory_space<vmem_shared>>
      %dma_wait3A_177 = arith.constant 0 : i32
      %dma_wait3A_178 = tpu.memref_slice %arg7[%add3A_14, %dma_wait3A_177] : memref<10000x32xf32, #tpu.memory_space<vmem_shared>> -> memref<80x32xf32, #tpu.memory_space<vmem_shared>>
      %dma_wait3A_179 = arith.constant 0 : i32
      %dma_wait3A_180 = arith.constant 0 : i32
      %dma_wait3A_181 = tpu.memref_slice %arg17[%dma_wait3A_179, %dma_wait3A_180] : memref<80x32xf32, #tpu.memory_space<vmem>> -> memref<80x32xf32, #tpu.memory_space<vmem>>
      tpu.wait_dma2 semaphore(%run_scoped3A : memref<!tpu.dma_semaphore, #tpu.memory_space<semaphore_mem>>) src(%dma_wait3A_181 : memref<80x32xf32, #tpu.memory_space<vmem>>) dst(%dma_wait3A_178 : memref<80x32xf32, #tpu.memory_space<vmem_shared>>)
      tpu.yield
    }) : () -> ()
    %add3A_15 = arith.constant 240 : i32
    %add3A_16 = arith.addi %mul3A_8, %add3A_15 : i32
    "tpu.region"() ({
      %run_scoped3A = tpu.sem_alloc : memref<!tpu.dma_semaphore, #tpu.memory_space<semaphore_mem>>
      %dma_start3A_162 = arith.constant 0 : i32
      %dma_start3A_163 = arith.constant 0 : i32
      %dma_start3A_164 = tpu.memref_slice %arg17[%dma_start3A_162, %dma_start3A_163] : memref<80x32xf32, #tpu.memory_space<vmem>> -> memref<80x32xf32, #tpu.memory_space<vmem>>
      %dma_start3A_165 = arith.constant 0 : i32
      %dma_start3A_166 = tpu.memref_slice %arg7[%add3A_16, %dma_start3A_165] : memref<10000x32xf32, #tpu.memory_space<vmem_shared>> -> memref<80x32xf32, #tpu.memory_space<vmem_shared>>
      %dma_start3A_167 = arith.constant 0 : i32
      %dma_start3A_168 = tpu.memref_slice %arg7[%add3A_16, %dma_start3A_167] : memref<10000x32xf32, #tpu.memory_space<vmem_shared>> -> memref<80x32xf32, #tpu.memory_space<vmem_shared>>
      %dma_start3A_169 = arith.constant 0 : i32
      %dma_start3A_170 = arith.constant 0 : i32
      %dma_start3A_171 = tpu.memref_slice %arg17[%dma_start3A_169, %dma_start3A_170] : memref<80x32xf32, #tpu.memory_space<vmem>> -> memref<80x32xf32, #tpu.memory_space<vmem>>
      tpu.enqueue_dma source(%dma_start3A_171 : memref<80x32xf32, #tpu.memory_space<vmem>>) target(%dma_start3A_168 : memref<80x32xf32, #tpu.memory_space<vmem_shared>>) target_semaphore(%run_scoped3A : memref<!tpu.dma_semaphore, #tpu.memory_space<semaphore_mem>>)
      %dma_wait3A_172 = arith.constant 0 : i32
      %dma_wait3A_173 = arith.constant 0 : i32
      %dma_wait3A_174 = tpu.memref_slice %arg17[%dma_wait3A_172, %dma_wait3A_173] : memref<80x32xf32, #tpu.memory_space<vmem>> -> memref<80x32xf32, #tpu.memory_space<vmem>>
      %dma_wait3A_175 = arith.constant 0 : i32
      %dma_wait3A_176 = tpu.memref_slice %arg7[%add3A_16, %dma_wait3A_175] : memref<10000x32xf32, #tpu.memory_space<vmem_shared>> -> memref<80x32xf32, #tpu.memory_space<vmem_shared>>
      %dma_wait3A_177 = arith.constant 0 : i32
      %dma_wait3A_178 = tpu.memref_slice %arg7[%add3A_16, %dma_wait3A_177] : memref<10000x32xf32, #tpu.memory_space<vmem_shared>> -> memref<80x32xf32, #tpu.memory_space<vmem_shared>>
      %dma_wait3A_179 = arith.constant 0 : i32
      %dma_wait3A_180 = arith.constant 0 : i32
      %dma_wait3A_181 = tpu.memref_slice %arg17[%dma_wait3A_179, %dma_wait3A_180] : memref<80x32xf32, #tpu.memory_space<vmem>> -> memref<80x32xf32, #tpu.memory_space<vmem>>
      tpu.wait_dma2 semaphore(%run_scoped3A : memref<!tpu.dma_semaphore, #tpu.memory_space<semaphore_mem>>) src(%dma_wait3A_181 : memref<80x32xf32, #tpu.memory_space<vmem>>) dst(%dma_wait3A_178 : memref<80x32xf32, #tpu.memory_space<vmem_shared>>)
      tpu.yield
    }) : () -> ()
    %add3A_17 = arith.constant 320 : i32
    %add3A_18 = arith.addi %mul3A_8, %add3A_17 : i32
    "tpu.region"() ({
      %run_scoped3A = tpu.sem_alloc : memref<!tpu.dma_semaphore, #tpu.memory_space<semaphore_mem>>
      %dma_start3A_162 = arith.constant 0 : i32
      %dma_start3A_163 = arith.constant 0 : i32
      %dma_start3A_164 = tpu.memref_slice %arg17[%dma_start3A_162, %dma_start3A_163] : memref<80x32xf32, #tpu.memory_space<vmem>> -> memref<80x32xf32, #tpu.memory_space<vmem>>
      %dma_start3A_165 = arith.constant 0 : i32
      %dma_start3A_166 = tpu.memref_slice %arg7[%add3A_18, %dma_start3A_165] : memref<10000x32xf32, #tpu.memory_space<vmem_shared>> -> memref<80x32xf32, #tpu.memory_space<vmem_shared>>
      %dma_start3A_167 = arith.constant 0 : i32
      %dma_start3A_168 = tpu.memref_slice %arg7[%add3A_18, %dma_start3A_167] : memref<10000x32xf32, #tpu.memory_space<vmem_shared>> -> memref<80x32xf32, #tpu.memory_space<vmem_shared>>
      %dma_start3A_169 = arith.constant 0 : i32
      %dma_start3A_170 = arith.constant 0 : i32
      %dma_start3A_171 = tpu.memref_slice %arg17[%dma_start3A_169, %dma_start3A_170] : memref<80x32xf32, #tpu.memory_space<vmem>> -> memref<80x32xf32, #tpu.memory_space<vmem>>
      tpu.enqueue_dma source(%dma_start3A_171 : memref<80x32xf32, #tpu.memory_space<vmem>>) target(%dma_start3A_168 : memref<80x32xf32, #tpu.memory_space<vmem_shared>>) target_semaphore(%run_scoped3A : memref<!tpu.dma_semaphore, #tpu.memory_space<semaphore_mem>>)
      %dma_wait3A_172 = arith.constant 0 : i32
      %dma_wait3A_173 = arith.constant 0 : i32
      %dma_wait3A_174 = tpu.memref_slice %arg17[%dma_wait3A_172, %dma_wait3A_173] : memref<80x32xf32, #tpu.memory_space<vmem>> -> memref<80x32xf32, #tpu.memory_space<vmem>>
      %dma_wait3A_175 = arith.constant 0 : i32
      %dma_wait3A_176 = tpu.memref_slice %arg7[%add3A_18, %dma_wait3A_175] : memref<10000x32xf32, #tpu.memory_space<vmem_shared>> -> memref<80x32xf32, #tpu.memory_space<vmem_shared>>
      %dma_wait3A_177 = arith.constant 0 : i32
      %dma_wait3A_178 = tpu.memref_slice %arg7[%add3A_18, %dma_wait3A_177] : memref<10000x32xf32, #tpu.memory_space<vmem_shared>> -> memref<80x32xf32, #tpu.memory_space<vmem_shared>>
      %dma_wait3A_179 = arith.constant 0 : i32
      %dma_wait3A_180 = arith.constant 0 : i32
      %dma_wait3A_181 = tpu.memref_slice %arg17[%dma_wait3A_179, %dma_wait3A_180] : memref<80x32xf32, #tpu.memory_space<vmem>> -> memref<80x32xf32, #tpu.memory_space<vmem>>
      tpu.wait_dma2 semaphore(%run_scoped3A : memref<!tpu.dma_semaphore, #tpu.memory_space<semaphore_mem>>) src(%dma_wait3A_181 : memref<80x32xf32, #tpu.memory_space<vmem>>) dst(%dma_wait3A_178 : memref<80x32xf32, #tpu.memory_space<vmem_shared>>)
      tpu.yield
    }) : () -> ()
    %add3A_19 = arith.constant 400 : i32
    %add3A_20 = arith.addi %mul3A_8, %add3A_19 : i32
    "tpu.region"() ({
      %run_scoped3A = tpu.sem_alloc : memref<!tpu.dma_semaphore, #tpu.memory_space<semaphore_mem>>
      %dma_start3A_162 = arith.constant 0 : i32
      %dma_start3A_163 = arith.constant 0 : i32
      %dma_start3A_164 = tpu.memref_slice %arg17[%dma_start3A_162, %dma_start3A_163] : memref<80x32xf32, #tpu.memory_space<vmem>> -> memref<80x32xf32, #tpu.memory_space<vmem>>
      %dma_start3A_165 = arith.constant 0 : i32
      %dma_start3A_166 = tpu.memref_slice %arg7[%add3A_20, %dma_start3A_165] : memref<10000x32xf32, #tpu.memory_space<vmem_shared>> -> memref<80x32xf32, #tpu.memory_space<vmem_shared>>
      %dma_start3A_167 = arith.constant 0 : i32
      %dma_start3A_168 = tpu.memref_slice %arg7[%add3A_20, %dma_start3A_167] : memref<10000x32xf32, #tpu.memory_space<vmem_shared>> -> memref<80x32xf32, #tpu.memory_space<vmem_shared>>
      %dma_start3A_169 = arith.constant 0 : i32
      %dma_start3A_170 = arith.constant 0 : i32
      %dma_start3A_171 = tpu.memref_slice %arg17[%dma_start3A_169, %dma_start3A_170] : memref<80x32xf32, #tpu.memory_space<vmem>> -> memref<80x32xf32, #tpu.memory_space<vmem>>
      tpu.enqueue_dma source(%dma_start3A_171 : memref<80x32xf32, #tpu.memory_space<vmem>>) target(%dma_start3A_168 : memref<80x32xf32, #tpu.memory_space<vmem_shared>>) target_semaphore(%run_scoped3A : memref<!tpu.dma_semaphore, #tpu.memory_space<semaphore_mem>>)
      %dma_wait3A_172 = arith.constant 0 : i32
      %dma_wait3A_173 = arith.constant 0 : i32
      %dma_wait3A_174 = tpu.memref_slice %arg17[%dma_wait3A_172, %dma_wait3A_173] : memref<80x32xf32, #tpu.memory_space<vmem>> -> memref<80x32xf32, #tpu.memory_space<vmem>>
      %dma_wait3A_175 = arith.constant 0 : i32
      %dma_wait3A_176 = tpu.memref_slice %arg7[%add3A_20, %dma_wait3A_175] : memref<10000x32xf32, #tpu.memory_space<vmem_shared>> -> memref<80x32xf32, #tpu.memory_space<vmem_shared>>
      %dma_wait3A_177 = arith.constant 0 : i32
      %dma_wait3A_178 = tpu.memref_slice %arg7[%add3A_20, %dma_wait3A_177] : memref<10000x32xf32, #tpu.memory_space<vmem_shared>> -> memref<80x32xf32, #tpu.memory_space<vmem_shared>>
      %dma_wait3A_179 = arith.constant 0 : i32
      %dma_wait3A_180 = arith.constant 0 : i32
      %dma_wait3A_181 = tpu.memref_slice %arg17[%dma_wait3A_179, %dma_wait3A_180] : memref<80x32xf32, #tpu.memory_space<vmem>> -> memref<80x32xf32, #tpu.memory_space<vmem>>
      tpu.wait_dma2 semaphore(%run_scoped3A : memref<!tpu.dma_semaphore, #tpu.memory_space<semaphore_mem>>) src(%dma_wait3A_181 : memref<80x32xf32, #tpu.memory_space<vmem>>) dst(%dma_wait3A_178 : memref<80x32xf32, #tpu.memory_space<vmem_shared>>)
      tpu.yield
    }) : () -> ()
    %add3A_21 = arith.constant 480 : i32
    %add3A_22 = arith.addi %mul3A_8, %add3A_21 : i32
    "tpu.region"() ({
      %run_scoped3A = tpu.sem_alloc : memref<!tpu.dma_semaphore, #tpu.memory_space<semaphore_mem>>
      %dma_start3A_162 = arith.constant 0 : i32
      %dma_start3A_163 = arith.constant 0 : i32
      %dma_start3A_164 = tpu.memref_slice %arg17[%dma_start3A_162, %dma_start3A_163] : memref<80x32xf32, #tpu.memory_space<vmem>> -> memref<80x32xf32, #tpu.memory_space<vmem>>
      %dma_start3A_165 = arith.constant 0 : i32
      %dma_start3A_166 = tpu.memref_slice %arg7[%add3A_22, %dma_start3A_165] : memref<10000x32xf32, #tpu.memory_space<vmem_shared>> -> memref<80x32xf32, #tpu.memory_space<vmem_shared>>
      %dma_start3A_167 = arith.constant 0 : i32
      %dma_start3A_168 = tpu.memref_slice %arg7[%add3A_22, %dma_start3A_167] : memref<10000x32xf32, #tpu.memory_space<vmem_shared>> -> memref<80x32xf32, #tpu.memory_space<vmem_shared>>
      %dma_start3A_169 = arith.constant 0 : i32
      %dma_start3A_170 = arith.constant 0 : i32
      %dma_start3A_171 = tpu.memref_slice %arg17[%dma_start3A_169, %dma_start3A_170] : memref<80x32xf32, #tpu.memory_space<vmem>> -> memref<80x32xf32, #tpu.memory_space<vmem>>
      tpu.enqueue_dma source(%dma_start3A_171 : memref<80x32xf32, #tpu.memory_space<vmem>>) target(%dma_start3A_168 : memref<80x32xf32, #tpu.memory_space<vmem_shared>>) target_semaphore(%run_scoped3A : memref<!tpu.dma_semaphore, #tpu.memory_space<semaphore_mem>>)
      %dma_wait3A_172 = arith.constant 0 : i32
      %dma_wait3A_173 = arith.constant 0 : i32
      %dma_wait3A_174 = tpu.memref_slice %arg17[%dma_wait3A_172, %dma_wait3A_173] : memref<80x32xf32, #tpu.memory_space<vmem>> -> memref<80x32xf32, #tpu.memory_space<vmem>>
      %dma_wait3A_175 = arith.constant 0 : i32
      %dma_wait3A_176 = tpu.memref_slice %arg7[%add3A_22, %dma_wait3A_175] : memref<10000x32xf32, #tpu.memory_space<vmem_shared>> -> memref<80x32xf32, #tpu.memory_space<vmem_shared>>
      %dma_wait3A_177 = arith.constant 0 : i32
      %dma_wait3A_178 = tpu.memref_slice %arg7[%add3A_22, %dma_wait3A_177] : memref<10000x32xf32, #tpu.memory_space<vmem_shared>> -> memref<80x32xf32, #tpu.memory_space<vmem_shared>>
      %dma_wait3A_179 = arith.constant 0 : i32
      %dma_wait3A_180 = arith.constant 0 : i32
      %dma_wait3A_181 = tpu.memref_slice %arg17[%dma_wait3A_179, %dma_wait3A_180] : memref<80x32xf32, #tpu.memory_space<vmem>> -> memref<80x32xf32, #tpu.memory_space<vmem>>
      tpu.wait_dma2 semaphore(%run_scoped3A : memref<!tpu.dma_semaphore, #tpu.memory_space<semaphore_mem>>) src(%dma_wait3A_181 : memref<80x32xf32, #tpu.memory_space<vmem>>) dst(%dma_wait3A_178 : memref<80x32xf32, #tpu.memory_space<vmem_shared>>)
      tpu.yield
    }) : () -> ()
    %add3A_23 = arith.constant 560 : i32
    %add3A_24 = arith.addi %mul3A_8, %add3A_23 : i32
    "tpu.region"() ({
      %run_scoped3A = tpu.sem_alloc : memref<!tpu.dma_semaphore, #tpu.memory_space<semaphore_mem>>
      %dma_start3A_162 = arith.constant 0 : i32
      %dma_start3A_163 = arith.constant 0 : i32
      %dma_start3A_164 = tpu.memref_slice %arg17[%dma_start3A_162, %dma_start3A_163] : memref<80x32xf32, #tpu.memory_space<vmem>> -> memref<64x32xf32, #tpu.memory_space<vmem>>
      %dma_start3A_165 = arith.constant 0 : i32
      %dma_start3A_166 = tpu.memref_slice %arg7[%add3A_24, %dma_start3A_165] : memref<10000x32xf32, #tpu.memory_space<vmem_shared>> -> memref<64x32xf32, #tpu.memory_space<vmem_shared>>
      %dma_start3A_167 = arith.constant 0 : i32
      %dma_start3A_168 = tpu.memref_slice %arg7[%add3A_24, %dma_start3A_167] : memref<10000x32xf32, #tpu.memory_space<vmem_shared>> -> memref<64x32xf32, #tpu.memory_space<vmem_shared>>
      %dma_start3A_169 = arith.constant 0 : i32
      %dma_start3A_170 = arith.constant 0 : i32
      %dma_start3A_171 = tpu.memref_slice %arg17[%dma_start3A_169, %dma_start3A_170] : memref<80x32xf32, #tpu.memory_space<vmem>> -> memref<64x32xf32, #tpu.memory_space<vmem>>
      tpu.enqueue_dma source(%dma_start3A_171 : memref<64x32xf32, #tpu.memory_space<vmem>>) target(%dma_start3A_168 : memref<64x32xf32, #tpu.memory_space<vmem_shared>>) target_semaphore(%run_scoped3A : memref<!tpu.dma_semaphore, #tpu.memory_space<semaphore_mem>>)
      %dma_wait3A_172 = arith.constant 0 : i32
      %dma_wait3A_173 = arith.constant 0 : i32
      %dma_wait3A_174 = tpu.memref_slice %arg17[%dma_wait3A_172, %dma_wait3A_173] : memref<80x32xf32, #tpu.memory_space<vmem>> -> memref<64x32xf32, #tpu.memory_space<vmem>>
      %dma_wait3A_175 = arith.constant 0 : i32
      %dma_wait3A_176 = tpu.memref_slice %arg7[%add3A_24, %dma_wait3A_175] : memref<10000x32xf32, #tpu.memory_space<vmem_shared>> -> memref<64x32xf32, #tpu.memory_space<vmem_shared>>
      %dma_wait3A_177 = arith.constant 0 : i32
      %dma_wait3A_178 = tpu.memref_slice %arg7[%add3A_24, %dma_wait3A_177] : memref<10000x32xf32, #tpu.memory_space<vmem_shared>> -> memref<64x32xf32, #tpu.memory_space<vmem_shared>>
      %dma_wait3A_179 = arith.constant 0 : i32
      %dma_wait3A_180 = arith.constant 0 : i32
      %dma_wait3A_181 = tpu.memref_slice %arg17[%dma_wait3A_179, %dma_wait3A_180] : memref<80x32xf32, #tpu.memory_space<vmem>> -> memref<64x32xf32, #tpu.memory_space<vmem>>
      tpu.wait_dma2 semaphore(%run_scoped3A : memref<!tpu.dma_semaphore, #tpu.memory_space<semaphore_mem>>) src(%dma_wait3A_181 : memref<64x32xf32, #tpu.memory_space<vmem>>) dst(%dma_wait3A_178 : memref<64x32xf32, #tpu.memory_space<vmem_shared>>)
      tpu.yield
    }) : () -> ()
    %eq3A = arith.constant 15 : i32
    %eq3A_25 = arith.cmpi eq, %arg1, %eq3A : i32
    %convert_element_type3A = arith.extui %eq3A_25 : i1 to i32
    %cond3A = arith.constant 0 : i32
    %cond3A_26 = arith.cmpi ne, %convert_element_type3A, %cond3A : i32
    scf.if %cond3A_26 {
      "tpu.region"() ({
        %run_scoped3A = tpu.sem_alloc : memref<!tpu.dma_semaphore, #tpu.memory_space<semaphore_mem>>
        %dma_start3A_162 = arith.constant 0 : i32
        %dma_start3A_163 = arith.constant 0 : i32
        %dma_start3A_164 = tpu.memref_slice %arg17[%dma_start3A_162, %dma_start3A_163] : memref<80x32xf32, #tpu.memory_space<vmem>> -> memref<16x32xf32, #tpu.memory_space<vmem>>
        %dma_start3A_165 = arith.constant 9984 : i32
        %dma_start3A_166 = arith.constant 0 : i32
        %dma_start3A_167 = tpu.memref_slice %arg7[%dma_start3A_165, %dma_start3A_166] : memref<10000x32xf32, #tpu.memory_space<vmem_shared>> -> memref<16x32xf32, #tpu.memory_space<vmem_shared>>
        %dma_start3A_168 = arith.constant 9984 : i32
        %dma_start3A_169 = arith.constant 0 : i32
        %dma_start3A_170 = tpu.memref_slice %arg7[%dma_start3A_168, %dma_start3A_169] : memref<10000x32xf32, #tpu.memory_space<vmem_shared>> -> memref<16x32xf32, #tpu.memory_space<vmem_shared>>
        %dma_start3A_171 = arith.constant 0 : i32
        %dma_start3A_172 = arith.constant 0 : i32
        %dma_start3A_173 = tpu.memref_slice %arg17[%dma_start3A_171, %dma_start3A_172] : memref<80x32xf32, #tpu.memory_space<vmem>> -> memref<16x32xf32, #tpu.memory_space<vmem>>
        tpu.enqueue_dma source(%dma_start3A_173 : memref<16x32xf32, #tpu.memory_space<vmem>>) target(%dma_start3A_170 : memref<16x32xf32, #tpu.memory_space<vmem_shared>>) target_semaphore(%run_scoped3A : memref<!tpu.dma_semaphore, #tpu.memory_space<semaphore_mem>>)
        %dma_wait3A_174 = arith.constant 0 : i32
        %dma_wait3A_175 = arith.constant 0 : i32
        %dma_wait3A_176 = tpu.memref_slice %arg17[%dma_wait3A_174, %dma_wait3A_175] : memref<80x32xf32, #tpu.memory_space<vmem>> -> memref<16x32xf32, #tpu.memory_space<vmem>>
        %dma_wait3A_177 = arith.constant 9984 : i32
        %dma_wait3A_178 = arith.constant 0 : i32
        %dma_wait3A_179 = tpu.memref_slice %arg7[%dma_wait3A_177, %dma_wait3A_178] : memref<10000x32xf32, #tpu.memory_space<vmem_shared>> -> memref<16x32xf32, #tpu.memory_space<vmem_shared>>
        %dma_wait3A_180 = arith.constant 9984 : i32
        %dma_wait3A_181 = arith.constant 0 : i32
        %dma_wait3A_182 = tpu.memref_slice %arg7[%dma_wait3A_180, %dma_wait3A_181] : memref<10000x32xf32, #tpu.memory_space<vmem_shared>> -> memref<16x32xf32, #tpu.memory_space<vmem_shared>>
        %dma_wait3A_183 = arith.constant 0 : i32
        %dma_wait3A_184 = arith.constant 0 : i32
        %dma_wait3A_185 = tpu.memref_slice %arg17[%dma_wait3A_183, %dma_wait3A_184] : memref<80x32xf32, #tpu.memory_space<vmem>> -> memref<16x32xf32, #tpu.memory_space<vmem>>
        tpu.wait_dma2 semaphore(%run_scoped3A : memref<!tpu.dma_semaphore, #tpu.memory_space<semaphore_mem>>) src(%dma_wait3A_185 : memref<16x32xf32, #tpu.memory_space<vmem>>) dst(%dma_wait3A_182 : memref<16x32xf32, #tpu.memory_space<vmem_shared>>)
        tpu.yield
      }) : () -> ()
    } else {
    }
    %barrier3A = arith.constant 0 : index
    tpu.barrier barrier_id(%barrier3A)
    "tpu.region"() ({
      %run_scoped3A = tpu.sem_alloc : memref<!tpu.dma_semaphore, #tpu.memory_space<semaphore_mem>>
      tpu.enqueue_dma source(%arg5 : memref<16xf32, #tpu.memory_space<hbm>>) target(%arg18 : memref<16xf32, #tpu.memory_space<vmem>>) target_semaphore(%run_scoped3A : memref<!tpu.dma_semaphore, #tpu.memory_space<semaphore_mem>>)
      tpu.wait_dma2 semaphore(%run_scoped3A : memref<!tpu.dma_semaphore, #tpu.memory_space<semaphore_mem>>) src(%arg5 : memref<16xf32, #tpu.memory_space<hbm>>) dst(%arg18 : memref<16xf32, #tpu.memory_space<vmem>>)
      tpu.yield
    }) : () -> ()
    %get3A = arith.constant 0 : index
    %get3A_27 = tpu.vector_load %arg18[%get3A] {strides = array<i32>} : memref<16xf32, #tpu.memory_space<vmem>>, vector<16xf32>,
    %iota3A = tpu.iota {dimensions = array<i32: 0>} : vector<16xi32>
    %add3A_28 = arith.constant 0 : i32
    %add3A_29 = arith.addi %add3A, %add3A_28 : i32
    %mul3A_30 = arith.constant 80 : i32
    %mul3A_31 = arith.muli %add3A_29, %mul3A_30 : i32
    %dma_start3A = arith.constant 0 : i32
    %dma_start3A_32 = tpu.memref_slice %arg3[%dma_start3A, %mul3A_31] : memref<2x320000xi32, #tpu.memory_space<hbm>> -> memref<2x80xi32, #tpu.memory_space<hbm>>
    %dma_start3A_33 = arith.constant 0 : i32
    %dma_start3A_34 = tpu.memref_slice %arg3[%dma_start3A_33, %mul3A_31] : memref<2x320000xi32, #tpu.memory_space<hbm>> -> memref<2x80xi32, #tpu.memory_space<hbm>>
    tpu.enqueue_dma source(%dma_start3A_34 : memref<2x80xi32, #tpu.memory_space<hbm>>) target(%arg8 : memref<2x80xi32, #tpu.memory_space<vmem>>) target_semaphore(%arg19 : memref<!tpu.dma_semaphore, #tpu.memory_space<semaphore_mem>>)
    %add3A_35 = arith.constant 32 : i32
    %add3A_36 = arith.addi %add3A, %add3A_35 : i32
    %mul3A_37 = arith.constant 80 : i32
    %mul3A_38 = arith.muli %add3A_36, %mul3A_37 : i32
    %dma_start3A_39 = arith.constant 0 : i32
    %dma_start3A_40 = tpu.memref_slice %arg3[%dma_start3A_39, %mul3A_38] : memref<2x320000xi32, #tpu.memory_space<hbm>> -> memref<2x80xi32, #tpu.memory_space<hbm>>
    %dma_start3A_41 = arith.constant 0 : i32
    %dma_start3A_42 = tpu.memref_slice %arg3[%dma_start3A_41, %mul3A_38] : memref<2x320000xi32, #tpu.memory_space<hbm>> -> memref<2x80xi32, #tpu.memory_space<hbm>>
    tpu.enqueue_dma source(%dma_start3A_42 : memref<2x80xi32, #tpu.memory_space<hbm>>) target(%arg9 : memref<2x80xi32, #tpu.memory_space<vmem>>) target_semaphore(%arg20 : memref<!tpu.dma_semaphore, #tpu.memory_space<semaphore_mem>>)
    %dma_wait3A = arith.constant 0 : i32
    %dma_wait3A_43 = arith.constant 0 : i32
    %dma_wait3A_44 = tpu.memref_slice %arg3[%dma_wait3A, %dma_wait3A_43] : memref<2x320000xi32, #tpu.memory_space<hbm>> -> memref<2x80xi32, #tpu.memory_space<hbm>>
    %dma_wait3A_45 = arith.constant 0 : i32
    %dma_wait3A_46 = arith.constant 0 : i32
    %dma_wait3A_47 = tpu.memref_slice %arg3[%dma_wait3A_45, %dma_wait3A_46] : memref<2x320000xi32, #tpu.memory_space<hbm>> -> memref<2x80xi32, #tpu.memory_space<hbm>>
    tpu.wait_dma2 semaphore(%arg19 : memref<!tpu.dma_semaphore, #tpu.memory_space<semaphore_mem>>) src(%dma_wait3A_47 : memref<2x80xi32, #tpu.memory_space<hbm>>) dst(%arg8 : memref<2x80xi32, #tpu.memory_space<vmem>>)
    %add3A_48 = arith.constant 0 : i32
    %add3A_49 = arith.addi %add3A, %add3A_48 : i32
    %mul3A_50 = arith.constant 80 : i32
    %mul3A_51 = arith.muli %add3A_49, %mul3A_50 : i32
    %dma_start3A_52 = arith.constant 0 : i32
    %dma_start3A_53 = arith.constant 0 : i32
    %dma_start3A_54 = tpu.memref_slice %arg8[%dma_start3A_52, %dma_start3A_53] : memref<2x80xi32, #tpu.memory_space<vmem>> -> memref<1x80xi32, #tpu.memory_space<vmem>>
    %dma_start3A_55 = tpu.memref_squeeze %dma_start3A_54 : memref<1x80xi32, #tpu.memory_space<vmem>> -> memref<80xi32, #tpu.memory_space<vmem>>
    %dma_start3A_56 = arith.constant 0 : i32
    %dma_start3A_57 = arith.constant 0 : i32
    %dma_start3A_58 = tpu.memref_slice %arg2[%dma_start3A_56, %dma_start3A_57] : memref<10000x32xf32, #tpu.memory_space<hbm>> -> memref<10000x32xf32, #tpu.memory_space<hbm>>
    tpu.enqueue_indirect_dma source(%dma_start3A_58 : memref<10000x32xf32, #tpu.memory_space<hbm>>) target(%arg11 : memref<80x32xf32, #tpu.memory_space<vmem>>) offsets(%dma_start3A_55 : memref<80xi32, #tpu.memory_space<vmem>>) semaphore(%arg21 : memref<!tpu.dma_semaphore, #tpu.memory_space<semaphore_mem>>)
    %dma_start3A_59 = arith.constant 1 : i32
    %dma_start3A_60 = arith.constant 0 : i32
    %dma_start3A_61 = tpu.memref_slice %arg8[%dma_start3A_59, %dma_start3A_60] : memref<2x80xi32, #tpu.memory_space<vmem>> -> memref<1x80xi32, #tpu.memory_space<vmem>>
    %dma_start3A_62 = tpu.memref_squeeze %dma_start3A_61 : memref<1x80xi32, #tpu.memory_space<vmem>> -> memref<80xi32, #tpu.memory_space<vmem>>
    %dma_start3A_63 = arith.constant 0 : i32
    %dma_start3A_64 = arith.constant 0 : i32
    %dma_start3A_65 = tpu.memref_slice %arg2[%dma_start3A_63, %dma_start3A_64] : memref<10000x32xf32, #tpu.memory_space<hbm>> -> memref<10000x32xf32, #tpu.memory_space<hbm>>
    tpu.enqueue_indirect_dma source(%dma_start3A_65 : memref<10000x32xf32, #tpu.memory_space<hbm>>) target(%arg13 : memref<80x32xf32, #tpu.memory_space<vmem>>) offsets(%dma_start3A_62 : memref<80xi32, #tpu.memory_space<vmem>>) semaphore(%arg23 : memref<!tpu.dma_semaphore, #tpu.memory_space<semaphore_mem>>)
    %dma_start3A_66 = arith.constant 0 : i32
    %dma_start3A_67 = tpu.memref_slice %arg4[%mul3A_51, %dma_start3A_66] : memref<320000x128xf32, #tpu.memory_space<hbm>> -> memref<80x16xf32, #tpu.memory_space<hbm>>
    %dma_start3A_68 = arith.constant 0 : i32
    %dma_start3A_69 = tpu.memref_slice %arg4[%mul3A_51, %dma_start3A_68] : memref<320000x128xf32, #tpu.memory_space<hbm>> -> memref<80x16xf32, #tpu.memory_space<hbm>>
    tpu.enqueue_dma source(%dma_start3A_69 : memref<80x16xf32, #tpu.memory_space<hbm>>) target(%arg15 : memref<80x16xf32, #tpu.memory_space<vmem>>) target_semaphore(%arg25 : memref<!tpu.dma_semaphore, #tpu.memory_space<semaphore_mem>>)
    %scan3A_70 = arith.constant 0 : i32
    %scan3A_71 = arith.constant 0 : i32
    %scan3A_72 = arith.constant 62 : i32
    %scan3A_73 = arith.addi %scan3A_71, %scan3A_72 : i32
    %scan3A_74 = arith.constant 1 : i32
    scf.for %scan3A_162 = %scan3A_71 to %scan3A_73 step %scan3A_74  : i32 {
      %mul3A_163 = arith.constant 2 : i32
      %mul3A_164 = arith.muli %mul3A_163, %scan3A_162 : i32
      %add3A_165 = arith.constant 1 : i32
      %add3A_166 = arith.addi %mul3A_164, %add3A_165 : i32
      %lt3A = arith.constant 125 : i32
      %lt3A_167 = arith.cmpi slt, %add3A_166, %lt3A : i32
      %convert_element_type3A_168 = arith.extui %lt3A_167 : i1 to i32
      %cond3A_169 = arith.constant 0 : i32
      %cond3A_170 = arith.cmpi ne, %convert_element_type3A_168, %cond3A_169 : i32
      scf.if %cond3A_170 {
        %dma_wait3A_323 = arith.constant 0 : i32
        %dma_wait3A_324 = arith.constant 0 : i32
        %dma_wait3A_325 = tpu.memref_slice %arg3[%dma_wait3A_323, %dma_wait3A_324] : memref<2x320000xi32, #tpu.memory_space<hbm>> -> memref<2x80xi32, #tpu.memory_space<hbm>>
        %dma_wait3A_326 = arith.constant 0 : i32
        %dma_wait3A_327 = arith.constant 0 : i32
        %dma_wait3A_328 = tpu.memref_slice %arg3[%dma_wait3A_326, %dma_wait3A_327] : memref<2x320000xi32, #tpu.memory_space<hbm>> -> memref<2x80xi32, #tpu.memory_space<hbm>>
        tpu.wait_dma2 semaphore(%arg20 : memref<!tpu.dma_semaphore, #tpu.memory_space<semaphore_mem>>) src(%dma_wait3A_328 : memref<2x80xi32, #tpu.memory_space<hbm>>) dst(%arg9 : memref<2x80xi32, #tpu.memory_space<vmem>>)
        %add3A_329 = arith.constant 1 : i32
        %add3A_330 = arith.addi %mul3A_164, %add3A_329 : i32
        %mul3A_331 = arith.constant 32 : i32
        %mul3A_332 = arith.muli %mul3A_331, %add3A_330 : i32
        %add3A_333 = arith.addi %add3A, %mul3A_332 : i32
        %mul3A_334 = arith.constant 80 : i32
        %mul3A_335 = arith.muli %add3A_333, %mul3A_334 : i32
        %dma_start3A_336 = arith.constant 0 : i32
        %dma_start3A_337 = arith.constant 0 : i32
        %dma_start3A_338 = tpu.memref_slice %arg9[%dma_start3A_336, %dma_start3A_337] : memref<2x80xi32, #tpu.memory_space<vmem>> -> memref<1x80xi32, #tpu.memory_space<vmem>>
        %dma_start3A_339 = tpu.memref_squeeze %dma_start3A_338 : memref<1x80xi32, #tpu.memory_space<vmem>> -> memref<80xi32, #tpu.memory_space<vmem>>
        %dma_start3A_340 = arith.constant 0 : i32
        %dma_start3A_341 = arith.constant 0 : i32
        %dma_start3A_342 = tpu.memref_slice %arg2[%dma_start3A_340, %dma_start3A_341] : memref<10000x32xf32, #tpu.memory_space<hbm>> -> memref<10000x32xf32, #tpu.memory_space<hbm>>
        tpu.enqueue_indirect_dma source(%dma_start3A_342 : memref<10000x32xf32, #tpu.memory_space<hbm>>) target(%arg12 : memref<80x32xf32, #tpu.memory_space<vmem>>) offsets(%dma_start3A_339 : memref<80xi32, #tpu.memory_space<vmem>>) semaphore(%arg22 : memref<!tpu.dma_semaphore, #tpu.memory_space<semaphore_mem>>)
        %dma_start3A_343 = arith.constant 1 : i32
        %dma_start3A_344 = arith.constant 0 : i32
        %dma_start3A_345 = tpu.memref_slice %arg9[%dma_start3A_343, %dma_start3A_344] : memref<2x80xi32, #tpu.memory_space<vmem>> -> memref<1x80xi32, #tpu.memory_space<vmem>>
        %dma_start3A_346 = tpu.memref_squeeze %dma_start3A_345 : memref<1x80xi32, #tpu.memory_space<vmem>> -> memref<80xi32, #tpu.memory_space<vmem>>
        %dma_start3A_347 = arith.constant 0 : i32
        %dma_start3A_348 = arith.constant 0 : i32
        %dma_start3A_349 = tpu.memref_slice %arg2[%dma_start3A_347, %dma_start3A_348] : memref<10000x32xf32, #tpu.memory_space<hbm>> -> memref<10000x32xf32, #tpu.memory_space<hbm>>
        tpu.enqueue_indirect_dma source(%dma_start3A_349 : memref<10000x32xf32, #tpu.memory_space<hbm>>) target(%arg14 : memref<80x32xf32, #tpu.memory_space<vmem>>) offsets(%dma_start3A_346 : memref<80xi32, #tpu.memory_space<vmem>>) semaphore(%arg24 : memref<!tpu.dma_semaphore, #tpu.memory_space<semaphore_mem>>)
        %dma_start3A_350 = arith.constant 0 : i32
        %dma_start3A_351 = tpu.memref_slice %arg4[%mul3A_335, %dma_start3A_350] : memref<320000x128xf32, #tpu.memory_space<hbm>> -> memref<80x16xf32, #tpu.memory_space<hbm>>
        %dma_start3A_352 = arith.constant 0 : i32
        %dma_start3A_353 = tpu.memref_slice %arg4[%mul3A_335, %dma_start3A_352] : memref<320000x128xf32, #tpu.memory_space<hbm>> -> memref<80x16xf32, #tpu.memory_space<hbm>>
        tpu.enqueue_dma source(%dma_start3A_353 : memref<80x16xf32, #tpu.memory_space<hbm>>) target(%arg16 : memref<80x16xf32, #tpu.memory_space<vmem>>) target_semaphore(%arg26 : memref<!tpu.dma_semaphore, #tpu.memory_space<semaphore_mem>>)
      } else {
      }
      %dma_wait3A_171 = arith.constant 0 : i32
      %dma_wait3A_172 = arith.constant 0 : i32
      %dma_wait3A_173 = tpu.memref_slice %arg8[%dma_wait3A_171, %dma_wait3A_172] : memref<2x80xi32, #tpu.memory_space<vmem>> -> memref<1x80xi32, #tpu.memory_space<vmem>>
      %dma_wait3A_174 = tpu.memref_squeeze %dma_wait3A_173 : memref<1x80xi32, #tpu.memory_space<vmem>> -> memref<80xi32, #tpu.memory_space<vmem>>
      %dma_wait3A_175 = arith.constant 0 : i32
      %dma_wait3A_176 = arith.constant 0 : i32
      %dma_wait3A_177 = tpu.memref_slice %arg2[%dma_wait3A_175, %dma_wait3A_176] : memref<10000x32xf32, #tpu.memory_space<hbm>> -> memref<10000x32xf32, #tpu.memory_space<hbm>>
      tpu.wait_indirect_dma semaphore(%arg21 : memref<!tpu.dma_semaphore, #tpu.memory_space<semaphore_mem>>) src(%dma_wait3A_177 : memref<10000x32xf32, #tpu.memory_space<hbm>>) dst(%arg11 : memref<80x32xf32, #tpu.memory_space<vmem>>)
      %dma_wait3A_178 = arith.constant 1 : i32
      %dma_wait3A_179 = arith.constant 0 : i32
      %dma_wait3A_180 = tpu.memref_slice %arg8[%dma_wait3A_178, %dma_wait3A_179] : memref<2x80xi32, #tpu.memory_space<vmem>> -> memref<1x80xi32, #tpu.memory_space<vmem>>
      %dma_wait3A_181 = tpu.memref_squeeze %dma_wait3A_180 : memref<1x80xi32, #tpu.memory_space<vmem>> -> memref<80xi32, #tpu.memory_space<vmem>>
      %dma_wait3A_182 = arith.constant 0 : i32
      %dma_wait3A_183 = arith.constant 0 : i32
      %dma_wait3A_184 = tpu.memref_slice %arg2[%dma_wait3A_182, %dma_wait3A_183] : memref<10000x32xf32, #tpu.memory_space<hbm>> -> memref<10000x32xf32, #tpu.memory_space<hbm>>
      tpu.wait_indirect_dma semaphore(%arg23 : memref<!tpu.dma_semaphore, #tpu.memory_space<semaphore_mem>>) src(%dma_wait3A_184 : memref<10000x32xf32, #tpu.memory_space<hbm>>) dst(%arg13 : memref<80x32xf32, #tpu.memory_space<vmem>>)
      %dma_wait3A_185 = arith.constant 0 : i32
      %dma_wait3A_186 = arith.constant 0 : i32
      %dma_wait3A_187 = tpu.memref_slice %arg4[%dma_wait3A_185, %dma_wait3A_186] : memref<320000x128xf32, #tpu.memory_space<hbm>> -> memref<80x16xf32, #tpu.memory_space<hbm>>
      %dma_wait3A_188 = arith.constant 0 : i32
      %dma_wait3A_189 = arith.constant 0 : i32
      %dma_wait3A_190 = tpu.memref_slice %arg4[%dma_wait3A_188, %dma_wait3A_189] : memref<320000x128xf32, #tpu.memory_space<hbm>> -> memref<80x16xf32, #tpu.memory_space<hbm>>
      tpu.wait_dma2 semaphore(%arg25 : memref<!tpu.dma_semaphore, #tpu.memory_space<semaphore_mem>>) src(%dma_wait3A_190 : memref<80x16xf32, #tpu.memory_space<hbm>>) dst(%arg15 : memref<80x16xf32, #tpu.memory_space<vmem>>)
      %add3A_191 = arith.constant 2 : i32
      %add3A_192 = arith.addi %mul3A_164, %add3A_191 : i32
      %lt3A_193 = arith.constant 125 : i32
      %lt3A_194 = arith.cmpi slt, %add3A_192, %lt3A_193 : i32
      %convert_element_type3A_195 = arith.extui %lt3A_194 : i1 to i32
      %cond3A_196 = arith.constant 0 : i32
      %cond3A_197 = arith.cmpi ne, %convert_element_type3A_195, %cond3A_196 : i32
      scf.if %cond3A_197 {
        %add3A_323 = arith.constant 2 : i32
        %add3A_324 = arith.addi %mul3A_164, %add3A_323 : i32
        %mul3A_325 = arith.constant 32 : i32
        %mul3A_326 = arith.muli %mul3A_325, %add3A_324 : i32
        %add3A_327 = arith.addi %add3A, %mul3A_326 : i32
        %mul3A_328 = arith.constant 80 : i32
        %mul3A_329 = arith.muli %add3A_327, %mul3A_328 : i32
        %dma_start3A_330 = arith.constant 0 : i32
        %dma_start3A_331 = tpu.memref_slice %arg3[%dma_start3A_330, %mul3A_329] : memref<2x320000xi32, #tpu.memory_space<hbm>> -> memref<2x80xi32, #tpu.memory_space<hbm>>
        %dma_start3A_332 = arith.constant 0 : i32
        %dma_start3A_333 = tpu.memref_slice %arg3[%dma_start3A_332, %mul3A_329] : memref<2x320000xi32, #tpu.memory_space<hbm>> -> memref<2x80xi32, #tpu.memory_space<hbm>>
        tpu.enqueue_dma source(%dma_start3A_333 : memref<2x80xi32, #tpu.memory_space<hbm>>) target(%arg8 : memref<2x80xi32, #tpu.memory_space<vmem>>) target_semaphore(%arg19 : memref<!tpu.dma_semaphore, #tpu.memory_space<semaphore_mem>>)
      } else {
      }
      %ge3A = arith.constant 1 : i32
      %ge3A_198 = arith.cmpi sge, %mul3A_164, %ge3A : i32
      %convert_element_type3A_199 = arith.extui %ge3A_198 : i1 to i32
      %cond3A_200 = arith.constant 0 : i32
      %cond3A_201 = arith.cmpi ne, %convert_element_type3A_199, %cond3A_200 : i32
      scf.if %cond3A_201 {
        %dma_wait3A_323 = arith.constant 0 : i32
        %dma_wait3A_324 = arith.constant 0 : i32
        %dma_wait3A_325 = tpu.memref_slice %arg7[%dma_wait3A_323, %dma_wait3A_324] : memref<10000x32xf32, #tpu.memory_space<vmem_shared>> -> memref<10000x32xf32, #tpu.memory_space<vmem_shared>>
        tpu.wait_indirect_dma semaphore(%arg27 : memref<!tpu.dma_semaphore, #tpu.memory_space<semaphore_mem>>) src(%arg17 : memref<80x32xf32, #tpu.memory_space<vmem>>) dst(%dma_wait3A_325 : memref<10000x32xf32, #tpu.memory_space<vmem_shared>>)
      } else {
      }
      %get3A_202 = arith.constant 1 : i32
      %get3A_203 = arith.index_cast %get3A_202 : i32 to index
      %get3A_204 = arith.constant 0 : index
      %get3A_205 = tpu.vector_load %arg8[%get3A_203, %get3A_204] {strides = array<i32>} : memref<2x80xi32, #tpu.memory_space<vmem>>, vector<16xi32>,
      %swap3A_206 = arith.constant 0 : index
      %swap3A_207 = tpu.vector_load %arg10[%swap3A_206] {strides = array<i32>} : memref<80xi32, #tpu.memory_space<vmem>>, vector<16xi32>,
      tpu.vector_store %arg10[%swap3A_206], %get3A_205 {strides = array<i32>} : memref<80xi32, #tpu.memory_space<vmem>>, vector<16xi32>,
      %get3A_208 = arith.constant 1 : i32
      %get3A_209 = arith.index_cast %get3A_208 : i32 to index
      %get3A_210 = arith.constant 16 : index
      %get3A_211 = tpu.vector_load %arg8[%get3A_209, %get3A_210] {strides = array<i32>} : memref<2x80xi32, #tpu.memory_space<vmem>>, vector<16xi32>,
      %swap3A_212 = arith.constant 16 : index
      %swap3A_213 = tpu.vector_load %arg10[%swap3A_212] {strides = array<i32>} : memref<80xi32, #tpu.memory_space<vmem>>, vector<16xi32>,
      tpu.vector_store %arg10[%swap3A_212], %get3A_211 {strides = array<i32>} : memref<80xi32, #tpu.memory_space<vmem>>, vector<16xi32>,
      %get3A_214 = arith.constant 1 : i32
      %get3A_215 = arith.index_cast %get3A_214 : i32 to index
      %get3A_216 = arith.constant 32 : index
      %get3A_217 = tpu.vector_load %arg8[%get3A_215, %get3A_216] {strides = array<i32>} : memref<2x80xi32, #tpu.memory_space<vmem>>, vector<16xi32>,
      %swap3A_218 = arith.constant 32 : index
      %swap3A_219 = tpu.vector_load %arg10[%swap3A_218] {strides = array<i32>} : memref<80xi32, #tpu.memory_space<vmem>>, vector<16xi32>,
      tpu.vector_store %arg10[%swap3A_218], %get3A_217 {strides = array<i32>} : memref<80xi32, #tpu.memory_space<vmem>>, vector<16xi32>,
      %get3A_220 = arith.constant 1 : i32
      %get3A_221 = arith.index_cast %get3A_220 : i32 to index
      %get3A_222 = arith.constant 48 : index
      %get3A_223 = tpu.vector_load %arg8[%get3A_221, %get3A_222] {strides = array<i32>} : memref<2x80xi32, #tpu.memory_space<vmem>>, vector<16xi32>,
      %swap3A_224 = arith.constant 48 : index
      %swap3A_225 = tpu.vector_load %arg10[%swap3A_224] {strides = array<i32>} : memref<80xi32, #tpu.memory_space<vmem>>, vector<16xi32>,
      tpu.vector_store %arg10[%swap3A_224], %get3A_223 {strides = array<i32>} : memref<80xi32, #tpu.memory_space<vmem>>, vector<16xi32>,
      %get3A_226 = arith.constant 1 : i32
      %get3A_227 = arith.index_cast %get3A_226 : i32 to index
      %get3A_228 = arith.constant 64 : index
      %get3A_229 = tpu.vector_load %arg8[%get3A_227, %get3A_228] {strides = array<i32>} : memref<2x80xi32, #tpu.memory_space<vmem>>, vector<16xi32>,
      %swap3A_230 = arith.constant 64 : index
      %swap3A_231 = tpu.vector_load %arg10[%swap3A_230] {strides = array<i32>} : memref<80xi32, #tpu.memory_space<vmem>>, vector<16xi32>,
      tpu.vector_store %arg10[%swap3A_230], %get3A_229 {strides = array<i32>} : memref<80xi32, #tpu.memory_space<vmem>>, vector<16xi32>,
      %scan3A_232 = arith.constant 0 : i32
      %scan3A_233 = arith.constant 0 : i32
      %scan3A_234 = arith.constant 80 : i32
      %scan3A_235 = arith.addi %scan3A_233, %scan3A_234 : i32
      %scan3A_236 = arith.constant 1 : i32
      scf.for %scan3A_323 = %scan3A_233 to %scan3A_235 step %scan3A_236  : i32 {
        %get3A_324 = arith.index_cast %scan3A_323 : i32 to index
        %get3A_325 = arith.constant 0 : index
        %get3A_326 = tpu.vector_load %arg11[%get3A_324, %get3A_325] {strides = array<i32>} : memref<80x32xf32, #tpu.memory_space<vmem>>, vector<16xf32>,
        %get3A_327 = arith.index_cast %scan3A_323 : i32 to index
        %get3A_328 = arith.constant 0 : index
        %get3A_329 = tpu.vector_load %arg13[%get3A_327, %get3A_328] {strides = array<i32>} : memref<80x32xf32, #tpu.memory_space<vmem>>, vector<16xf32>,
        %add3A_330 = arith.addf %get3A_326, %get3A_329 : vector<16xf32>
        %get3A_331 = arith.index_cast %scan3A_323 : i32 to index
        %get3A_332 = arith.constant 0 : index
        %get3A_333 = tpu.vector_load %arg15[%get3A_331, %get3A_332] {strides = array<i32>} : memref<80x16xf32, #tpu.memory_space<vmem>>, vector<16xf32>,
        %add3A_334 = arith.addf %add3A_330, %get3A_333 : vector<16xf32>
        %gt3A = arith.constant 0.000000e+00 : f32
        %gt3A_335 = vector.broadcast %gt3A : f32 to vector<16xf32>
        %gt3A_336 = arith.cmpf ogt, %add3A_334, %gt3A_335 : vector<16xf32>
        %mul3A_337 = arith.constant 2.000000e-01 : f32
        %mul3A_338 = vector.broadcast %mul3A_337 : f32 to vector<16xf32>
        %mul3A_339 = arith.mulf %mul3A_338, %add3A_334 : vector<16xf32>
        %select_n3A = arith.select %gt3A_336, %add3A_334, %mul3A_339 : vector<16xi1>, vector<16xf32>
        %mul3A_340 = arith.mulf %select_n3A, %get3A_27 : vector<16xf32>
        %add3A_341 = arith.addf %broadcast_in_dim3A_1, %mul3A_340 : vector<16xf32>
        %reduce_sum3A = arith.constant true
        %reduce_sum3A_342 = vector.broadcast %reduce_sum3A : i1 to vector<16xi1>
        %reduce_sum3A_343 = tpu.scan <sum>, %add3A_341 masked %reduce_sum3A_342 : vector<16xf32>, vector<16xi1> -> vector<16xf32>
        %reduce_sum3A_344 = vector.extract %reduce_sum3A_343[15] : f32 from vector<16xf32>
        %broadcast_in_dim3A_345 = vector.broadcast %reduce_sum3A_344 : f32 to vector<16xf32>
        %exp3A = math.exp %broadcast_in_dim3A_345 : vector<16xf32>
        %mul3A_346 = arith.mulf %get3A_326, %exp3A : vector<16xf32>
        %swap3A_347 = arith.index_cast %scan3A_323 : i32 to index
        %swap3A_348 = arith.constant 0 : index
        %swap3A_349 = tpu.vector_load %arg17[%swap3A_347, %swap3A_348] {strides = array<i32>} : memref<80x32xf32, #tpu.memory_space<vmem>>, vector<16xf32>,
        tpu.vector_store %arg17[%swap3A_347, %swap3A_348], %mul3A_346 {strides = array<i32>} : memref<80x32xf32, #tpu.memory_space<vmem>>, vector<16xf32>,
        %eq3A_350 = arith.constant 0 : i32
        %eq3A_351 = vector.broadcast %eq3A_350 : i32 to vector<16xi32>
        %eq3A_352 = arith.cmpi eq, %iota3A, %eq3A_351 : vector<16xi32>
        %jit3A = arith.constant 0.000000e+00 : f32
        %broadcast_in_dim3A_353 = vector.broadcast %jit3A : f32 to vector<16xf32>
        %select_n3A_354 = arith.select %eq3A_352, %exp3A, %broadcast_in_dim3A_353 : vector<16xi1>, vector<16xf32>
        %swap3A_355 = arith.index_cast %scan3A_323 : i32 to index
        %swap3A_356 = arith.constant 16 : index
        %swap3A_357 = tpu.vector_load %arg17[%swap3A_355, %swap3A_356] {strides = array<i32>} : memref<80x32xf32, #tpu.memory_space<vmem>>, vector<16xf32>,
        tpu.vector_store %arg17[%swap3A_355, %swap3A_356], %select_n3A_354 {strides = array<i32>} : memref<80x32xf32, #tpu.memory_space<vmem>>, vector<16xf32>,
      }
      %scan3A_237 = arith.constant 80 : i32
      %dma_start3A_238 = arith.constant 0 : i32
      %dma_start3A_239 = arith.constant 0 : i32
      %dma_start3A_240 = tpu.memref_slice %arg7[%dma_start3A_238, %dma_start3A_239] : memref<10000x32xf32, #tpu.memory_space<vmem_shared>> -> memref<10000x32xf32, #tpu.memory_space<vmem_shared>>
      tpu.enqueue_indirect_dma source(%arg17 : memref<80x32xf32, #tpu.memory_space<vmem>>) target(%dma_start3A_240 : memref<10000x32xf32, #tpu.memory_space<vmem_shared>>) offsets(%arg10 : memref<80xi32, #tpu.memory_space<vmem>>) semaphore(%arg27 : memref<!tpu.dma_semaphore, #tpu.memory_space<semaphore_mem>>) {add = true}
      %mul3A_241 = arith.constant 2 : i32
      %mul3A_242 = arith.muli %mul3A_241, %scan3A_162 : i32
      %add3A_243 = arith.constant 1 : i32
      %add3A_244 = arith.addi %mul3A_242, %add3A_243 : i32
      %add3A_245 = arith.constant 1 : i32
      %add3A_246 = arith.addi %add3A_244, %add3A_245 : i32
      %lt3A_247 = arith.constant 125 : i32
      %lt3A_248 = arith.cmpi slt, %add3A_246, %lt3A_247 : i32
      %convert_element_type3A_249 = arith.extui %lt3A_248 : i1 to i32
      %cond3A_250 = arith.constant 0 : i32
      %cond3A_251 = arith.cmpi ne, %convert_element_type3A_249, %cond3A_250 : i32
      scf.if %cond3A_251 {
        %dma_wait3A_323 = arith.constant 0 : i32
        %dma_wait3A_324 = arith.constant 0 : i32
        %dma_wait3A_325 = tpu.memref_slice %arg3[%dma_wait3A_323, %dma_wait3A_324] : memref<2x320000xi32, #tpu.memory_space<hbm>> -> memref<2x80xi32, #tpu.memory_space<hbm>>
        %dma_wait3A_326 = arith.constant 0 : i32
        %dma_wait3A_327 = arith.constant 0 : i32
        %dma_wait3A_328 = tpu.memref_slice %arg3[%dma_wait3A_326, %dma_wait3A_327] : memref<2x320000xi32, #tpu.memory_space<hbm>> -> memref<2x80xi32, #tpu.memory_space<hbm>>
        tpu.wait_dma2 semaphore(%arg19 : memref<!tpu.dma_semaphore, #tpu.memory_space<semaphore_mem>>) src(%dma_wait3A_328 : memref<2x80xi32, #tpu.memory_space<hbm>>) dst(%arg8 : memref<2x80xi32, #tpu.memory_space<vmem>>)
        %add3A_329 = arith.constant 1 : i32
        %add3A_330 = arith.addi %add3A_244, %add3A_329 : i32
        %mul3A_331 = arith.constant 32 : i32
        %mul3A_332 = arith.muli %mul3A_331, %add3A_330 : i32
        %add3A_333 = arith.addi %add3A, %mul3A_332 : i32
        %mul3A_334 = arith.constant 80 : i32
        %mul3A_335 = arith.muli %add3A_333, %mul3A_334 : i32
        %dma_start3A_336 = arith.constant 0 : i32
        %dma_start3A_337 = arith.constant 0 : i32
        %dma_start3A_338 = tpu.memref_slice %arg8[%dma_start3A_336, %dma_start3A_337] : memref<2x80xi32, #tpu.memory_space<vmem>> -> memref<1x80xi32, #tpu.memory_space<vmem>>
        %dma_start3A_339 = tpu.memref_squeeze %dma_start3A_338 : memref<1x80xi32, #tpu.memory_space<vmem>> -> memref<80xi32, #tpu.memory_space<vmem>>
        %dma_start3A_340 = arith.constant 0 : i32
        %dma_start3A_341 = arith.constant 0 : i32
        %dma_start3A_342 = tpu.memref_slice %arg2[%dma_start3A_340, %dma_start3A_341] : memref<10000x32xf32, #tpu.memory_space<hbm>> -> memref<10000x32xf32, #tpu.memory_space<hbm>>
        tpu.enqueue_indirect_dma source(%dma_start3A_342 : memref<10000x32xf32, #tpu.memory_space<hbm>>) target(%arg11 : memref<80x32xf32, #tpu.memory_space<vmem>>) offsets(%dma_start3A_339 : memref<80xi32, #tpu.memory_space<vmem>>) semaphore(%arg21 : memref<!tpu.dma_semaphore, #tpu.memory_space<semaphore_mem>>)
        %dma_start3A_343 = arith.constant 1 : i32
        %dma_start3A_344 = arith.constant 0 : i32
        %dma_start3A_345 = tpu.memref_slice %arg8[%dma_start3A_343, %dma_start3A_344] : memref<2x80xi32, #tpu.memory_space<vmem>> -> memref<1x80xi32, #tpu.memory_space<vmem>>
        %dma_start3A_346 = tpu.memref_squeeze %dma_start3A_345 : memref<1x80xi32, #tpu.memory_space<vmem>> -> memref<80xi32, #tpu.memory_space<vmem>>
        %dma_start3A_347 = arith.constant 0 : i32
        %dma_start3A_348 = arith.constant 0 : i32
        %dma_start3A_349 = tpu.memref_slice %arg2[%dma_start3A_347, %dma_start3A_348] : memref<10000x32xf32, #tpu.memory_space<hbm>> -> memref<10000x32xf32, #tpu.memory_space<hbm>>
        tpu.enqueue_indirect_dma source(%dma_start3A_349 : memref<10000x32xf32, #tpu.memory_space<hbm>>) target(%arg13 : memref<80x32xf32, #tpu.memory_space<vmem>>) offsets(%dma_start3A_346 : memref<80xi32, #tpu.memory_space<vmem>>) semaphore(%arg23 : memref<!tpu.dma_semaphore, #tpu.memory_space<semaphore_mem>>)
        %dma_start3A_350 = arith.constant 0 : i32
        %dma_start3A_351 = tpu.memref_slice %arg4[%mul3A_335, %dma_start3A_350] : memref<320000x128xf32, #tpu.memory_space<hbm>> -> memref<80x16xf32, #tpu.memory_space<hbm>>
        %dma_start3A_352 = arith.constant 0 : i32
        %dma_start3A_353 = tpu.memref_slice %arg4[%mul3A_335, %dma_start3A_352] : memref<320000x128xf32, #tpu.memory_space<hbm>> -> memref<80x16xf32, #tpu.memory_space<hbm>>
        tpu.enqueue_dma source(%dma_start3A_353 : memref<80x16xf32, #tpu.memory_space<hbm>>) target(%arg15 : memref<80x16xf32, #tpu.memory_space<vmem>>) target_semaphore(%arg25 : memref<!tpu.dma_semaphore, #tpu.memory_space<semaphore_mem>>)
      } else {
      }
      %dma_wait3A_252 = arith.constant 0 : i32
      %dma_wait3A_253 = arith.constant 0 : i32
      %dma_wait3A_254 = tpu.memref_slice %arg9[%dma_wait3A_252, %dma_wait3A_253] : memref<2x80xi32, #tpu.memory_space<vmem>> -> memref<1x80xi32, #tpu.memory_space<vmem>>
      %dma_wait3A_255 = tpu.memref_squeeze %dma_wait3A_254 : memref<1x80xi32, #tpu.memory_space<vmem>> -> memref<80xi32, #tpu.memory_space<vmem>>
      %dma_wait3A_256 = arith.constant 0 : i32
      %dma_wait3A_257 = arith.constant 0 : i32
      %dma_wait3A_258 = tpu.memref_slice %arg2[%dma_wait3A_256, %dma_wait3A_257] : memref<10000x32xf32, #tpu.memory_space<hbm>> -> memref<10000x32xf32, #tpu.memory_space<hbm>>
      tpu.wait_indirect_dma semaphore(%arg22 : memref<!tpu.dma_semaphore, #tpu.memory_space<semaphore_mem>>) src(%dma_wait3A_258 : memref<10000x32xf32, #tpu.memory_space<hbm>>) dst(%arg12 : memref<80x32xf32, #tpu.memory_space<vmem>>)
      %dma_wait3A_259 = arith.constant 1 : i32
      %dma_wait3A_260 = arith.constant 0 : i32
      %dma_wait3A_261 = tpu.memref_slice %arg9[%dma_wait3A_259, %dma_wait3A_260] : memref<2x80xi32, #tpu.memory_space<vmem>> -> memref<1x80xi32, #tpu.memory_space<vmem>>
      %dma_wait3A_262 = tpu.memref_squeeze %dma_wait3A_261 : memref<1x80xi32, #tpu.memory_space<vmem>> -> memref<80xi32, #tpu.memory_space<vmem>>
      %dma_wait3A_263 = arith.constant 0 : i32
      %dma_wait3A_264 = arith.constant 0 : i32
      %dma_wait3A_265 = tpu.memref_slice %arg2[%dma_wait3A_263, %dma_wait3A_264] : memref<10000x32xf32, #tpu.memory_space<hbm>> -> memref<10000x32xf32, #tpu.memory_space<hbm>>
      tpu.wait_indirect_dma semaphore(%arg24 : memref<!tpu.dma_semaphore, #tpu.memory_space<semaphore_mem>>) src(%dma_wait3A_265 : memref<10000x32xf32, #tpu.memory_space<hbm>>) dst(%arg14 : memref<80x32xf32, #tpu.memory_space<vmem>>)
      %dma_wait3A_266 = arith.constant 0 : i32
      %dma_wait3A_267 = arith.constant 0 : i32
      %dma_wait3A_268 = tpu.memref_slice %arg4[%dma_wait3A_266, %dma_wait3A_267] : memref<320000x128xf32, #tpu.memory_space<hbm>> -> memref<80x16xf32, #tpu.memory_space<hbm>>
      %dma_wait3A_269 = arith.constant 0 : i32
      %dma_wait3A_270 = arith.constant 0 : i32
      %dma_wait3A_271 = tpu.memref_slice %arg4[%dma_wait3A_269, %dma_wait3A_270] : memref<320000x128xf32, #tpu.memory_space<hbm>> -> memref<80x16xf32, #tpu.memory_space<hbm>>
      tpu.wait_dma2 semaphore(%arg26 : memref<!tpu.dma_semaphore, #tpu.memory_space<semaphore_mem>>) src(%dma_wait3A_271 : memref<80x16xf32, #tpu.memory_space<hbm>>) dst(%arg16 : memref<80x16xf32, #tpu.memory_space<vmem>>)
      %add3A_272 = arith.constant 2 : i32
      %add3A_273 = arith.addi %add3A_244, %add3A_272 : i32
      %lt3A_274 = arith.constant 125 : i32
      %lt3A_275 = arith.cmpi slt, %add3A_273, %lt3A_274 : i32
      %convert_element_type3A_276 = arith.extui %lt3A_275 : i1 to i32
      %cond3A_277 = arith.constant 0 : i32
      %cond3A_278 = arith.cmpi ne, %convert_element_type3A_276, %cond3A_277 : i32
      scf.if %cond3A_278 {
        %add3A_323 = arith.constant 2 : i32
        %add3A_324 = arith.addi %add3A_244, %add3A_323 : i32
        %mul3A_325 = arith.constant 32 : i32
        %mul3A_326 = arith.muli %mul3A_325, %add3A_324 : i32
        %add3A_327 = arith.addi %add3A, %mul3A_326 : i32
        %mul3A_328 = arith.constant 80 : i32
        %mul3A_329 = arith.muli %add3A_327, %mul3A_328 : i32
        %dma_start3A_330 = arith.constant 0 : i32
        %dma_start3A_331 = tpu.memref_slice %arg3[%dma_start3A_330, %mul3A_329] : memref<2x320000xi32, #tpu.memory_space<hbm>> -> memref<2x80xi32, #tpu.memory_space<hbm>>
        %dma_start3A_332 = arith.constant 0 : i32
        %dma_start3A_333 = tpu.memref_slice %arg3[%dma_start3A_332, %mul3A_329] : memref<2x320000xi32, #tpu.memory_space<hbm>> -> memref<2x80xi32, #tpu.memory_space<hbm>>
        tpu.enqueue_dma source(%dma_start3A_333 : memref<2x80xi32, #tpu.memory_space<hbm>>) target(%arg9 : memref<2x80xi32, #tpu.memory_space<vmem>>) target_semaphore(%arg20 : memref<!tpu.dma_semaphore, #tpu.memory_space<semaphore_mem>>)
      } else {
      }
      %ge3A_279 = arith.constant 1 : i32
      %ge3A_280 = arith.cmpi sge, %add3A_244, %ge3A_279 : i32
      %convert_element_type3A_281 = arith.extui %ge3A_280 : i1 to i32
      %cond3A_282 = arith.constant 0 : i32
      %cond3A_283 = arith.cmpi ne, %convert_element_type3A_281, %cond3A_282 : i32
      scf.if %cond3A_283 {
        %dma_wait3A_323 = arith.constant 0 : i32
        %dma_wait3A_324 = arith.constant 0 : i32
        %dma_wait3A_325 = tpu.memref_slice %arg7[%dma_wait3A_323, %dma_wait3A_324] : memref<10000x32xf32, #tpu.memory_space<vmem_shared>> -> memref<10000x32xf32, #tpu.memory_space<vmem_shared>>
        tpu.wait_indirect_dma semaphore(%arg27 : memref<!tpu.dma_semaphore, #tpu.memory_space<semaphore_mem>>) src(%arg17 : memref<80x32xf32, #tpu.memory_space<vmem>>) dst(%dma_wait3A_325 : memref<10000x32xf32, #tpu.memory_space<vmem_shared>>)
      } else {
      }
      %get3A_284 = arith.constant 1 : i32
      %get3A_285 = arith.index_cast %get3A_284 : i32 to index
      %get3A_286 = arith.constant 0 : index
      %get3A_287 = tpu.vector_load %arg9[%get3A_285, %get3A_286] {strides = array<i32>} : memref<2x80xi32, #tpu.memory_space<vmem>>, vector<16xi32>,
      %swap3A_288 = arith.constant 0 : index
      %swap3A_289 = tpu.vector_load %arg10[%swap3A_288] {strides = array<i32>} : memref<80xi32, #tpu.memory_space<vmem>>, vector<16xi32>,
      tpu.vector_store %arg10[%swap3A_288], %get3A_287 {strides = array<i32>} : memref<80xi32, #tpu.memory_space<vmem>>, vector<16xi32>,
      %get3A_290 = arith.constant 1 : i32
      %get3A_291 = arith.index_cast %get3A_290 : i32 to index
      %get3A_292 = arith.constant 16 : index
      %get3A_293 = tpu.vector_load %arg9[%get3A_291, %get3A_292] {strides = array<i32>} : memref<2x80xi32, #tpu.memory_space<vmem>>, vector<16xi32>,
      %swap3A_294 = arith.constant 16 : index
      %swap3A_295 = tpu.vector_load %arg10[%swap3A_294] {strides = array<i32>} : memref<80xi32, #tpu.memory_space<vmem>>, vector<16xi32>,
      tpu.vector_store %arg10[%swap3A_294], %get3A_293 {strides = array<i32>} : memref<80xi32, #tpu.memory_space<vmem>>, vector<16xi32>,
      %get3A_296 = arith.constant 1 : i32
      %get3A_297 = arith.index_cast %get3A_296 : i32 to index
      %get3A_298 = arith.constant 32 : index
      %get3A_299 = tpu.vector_load %arg9[%get3A_297, %get3A_298] {strides = array<i32>} : memref<2x80xi32, #tpu.memory_space<vmem>>, vector<16xi32>,
      %swap3A_300 = arith.constant 32 : index
      %swap3A_301 = tpu.vector_load %arg10[%swap3A_300] {strides = array<i32>} : memref<80xi32, #tpu.memory_space<vmem>>, vector<16xi32>,
      tpu.vector_store %arg10[%swap3A_300], %get3A_299 {strides = array<i32>} : memref<80xi32, #tpu.memory_space<vmem>>, vector<16xi32>,
      %get3A_302 = arith.constant 1 : i32
      %get3A_303 = arith.index_cast %get3A_302 : i32 to index
      %get3A_304 = arith.constant 48 : index
      %get3A_305 = tpu.vector_load %arg9[%get3A_303, %get3A_304] {strides = array<i32>} : memref<2x80xi32, #tpu.memory_space<vmem>>, vector<16xi32>,
      %swap3A_306 = arith.constant 48 : index
      %swap3A_307 = tpu.vector_load %arg10[%swap3A_306] {strides = array<i32>} : memref<80xi32, #tpu.memory_space<vmem>>, vector<16xi32>,
      tpu.vector_store %arg10[%swap3A_306], %get3A_305 {strides = array<i32>} : memref<80xi32, #tpu.memory_space<vmem>>, vector<16xi32>,
      %get3A_308 = arith.constant 1 : i32
      %get3A_309 = arith.index_cast %get3A_308 : i32 to index
      %get3A_310 = arith.constant 64 : index
      %get3A_311 = tpu.vector_load %arg9[%get3A_309, %get3A_310] {strides = array<i32>} : memref<2x80xi32, #tpu.memory_space<vmem>>, vector<16xi32>,
      %swap3A_312 = arith.constant 64 : index
      %swap3A_313 = tpu.vector_load %arg10[%swap3A_312] {strides = array<i32>} : memref<80xi32, #tpu.memory_space<vmem>>, vector<16xi32>,
      tpu.vector_store %arg10[%swap3A_312], %get3A_311 {strides = array<i32>} : memref<80xi32, #tpu.memory_space<vmem>>, vector<16xi32>,
      %scan3A_314 = arith.constant 0 : i32
      %scan3A_315 = arith.constant 0 : i32
      %scan3A_316 = arith.constant 80 : i32
      %scan3A_317 = arith.addi %scan3A_315, %scan3A_316 : i32
      %scan3A_318 = arith.constant 1 : i32
      scf.for %scan3A_323 = %scan3A_315 to %scan3A_317 step %scan3A_318  : i32 {
        %get3A_324 = arith.index_cast %scan3A_323 : i32 to index
        %get3A_325 = arith.constant 0 : index
        %get3A_326 = tpu.vector_load %arg12[%get3A_324, %get3A_325] {strides = array<i32>} : memref<80x32xf32, #tpu.memory_space<vmem>>, vector<16xf32>,
        %get3A_327 = arith.index_cast %scan3A_323 : i32 to index
        %get3A_328 = arith.constant 0 : index
        %get3A_329 = tpu.vector_load %arg14[%get3A_327, %get3A_328] {strides = array<i32>} : memref<80x32xf32, #tpu.memory_space<vmem>>, vector<16xf32>,
        %add3A_330 = arith.addf %get3A_326, %get3A_329 : vector<16xf32>
        %get3A_331 = arith.index_cast %scan3A_323 : i32 to index
        %get3A_332 = arith.constant 0 : index
        %get3A_333 = tpu.vector_load %arg16[%get3A_331, %get3A_332] {strides = array<i32>} : memref<80x16xf32, #tpu.memory_space<vmem>>, vector<16xf32>,
        %add3A_334 = arith.addf %add3A_330, %get3A_333 : vector<16xf32>
        %gt3A = arith.constant 0.000000e+00 : f32
        %gt3A_335 = vector.broadcast %gt3A : f32 to vector<16xf32>
        %gt3A_336 = arith.cmpf ogt, %add3A_334, %gt3A_335 : vector<16xf32>
        %mul3A_337 = arith.constant 2.000000e-01 : f32
        %mul3A_338 = vector.broadcast %mul3A_337 : f32 to vector<16xf32>
        %mul3A_339 = arith.mulf %mul3A_338, %add3A_334 : vector<16xf32>
        %select_n3A = arith.select %gt3A_336, %add3A_334, %mul3A_339 : vector<16xi1>, vector<16xf32>
        %mul3A_340 = arith.mulf %select_n3A, %get3A_27 : vector<16xf32>
        %add3A_341 = arith.addf %broadcast_in_dim3A_1, %mul3A_340 : vector<16xf32>
        %reduce_sum3A = arith.constant true
        %reduce_sum3A_342 = vector.broadcast %reduce_sum3A : i1 to vector<16xi1>
        %reduce_sum3A_343 = tpu.scan <sum>, %add3A_341 masked %reduce_sum3A_342 : vector<16xf32>, vector<16xi1> -> vector<16xf32>
        %reduce_sum3A_344 = vector.extract %reduce_sum3A_343[15] : f32 from vector<16xf32>
        %broadcast_in_dim3A_345 = vector.broadcast %reduce_sum3A_344 : f32 to vector<16xf32>
        %exp3A = math.exp %broadcast_in_dim3A_345 : vector<16xf32>
        %mul3A_346 = arith.mulf %get3A_326, %exp3A : vector<16xf32>
        %swap3A_347 = arith.index_cast %scan3A_323 : i32 to index
        %swap3A_348 = arith.constant 0 : index
        %swap3A_349 = tpu.vector_load %arg17[%swap3A_347, %swap3A_348] {strides = array<i32>} : memref<80x32xf32, #tpu.memory_space<vmem>>, vector<16xf32>,
        tpu.vector_store %arg17[%swap3A_347, %swap3A_348], %mul3A_346 {strides = array<i32>} : memref<80x32xf32, #tpu.memory_space<vmem>>, vector<16xf32>,
        %eq3A_350 = arith.constant 0 : i32
        %eq3A_351 = vector.broadcast %eq3A_350 : i32 to vector<16xi32>
        %eq3A_352 = arith.cmpi eq, %iota3A, %eq3A_351 : vector<16xi32>
        %jit3A = arith.constant 0.000000e+00 : f32
        %broadcast_in_dim3A_353 = vector.broadcast %jit3A : f32 to vector<16xf32>
        %select_n3A_354 = arith.select %eq3A_352, %exp3A, %broadcast_in_dim3A_353 : vector<16xi1>, vector<16xf32>
        %swap3A_355 = arith.index_cast %scan3A_323 : i32 to index
        %swap3A_356 = arith.constant 16 : index
        %swap3A_357 = tpu.vector_load %arg17[%swap3A_355, %swap3A_356] {strides = array<i32>} : memref<80x32xf32, #tpu.memory_space<vmem>>, vector<16xf32>,
        tpu.vector_store %arg17[%swap3A_355, %swap3A_356], %select_n3A_354 {strides = array<i32>} : memref<80x32xf32, #tpu.memory_space<vmem>>, vector<16xf32>,
      }
      %scan3A_319 = arith.constant 80 : i32
      %dma_start3A_320 = arith.constant 0 : i32
      %dma_start3A_321 = arith.constant 0 : i32
      %dma_start3A_322 = tpu.memref_slice %arg7[%dma_start3A_320, %dma_start3A_321] : memref<10000x32xf32, #tpu.memory_space<vmem_shared>> -> memref<10000x32xf32, #tpu.memory_space<vmem_shared>>
      tpu.enqueue_indirect_dma source(%arg17 : memref<80x32xf32, #tpu.memory_space<vmem>>) target(%dma_start3A_322 : memref<10000x32xf32, #tpu.memory_space<vmem_shared>>) offsets(%arg10 : memref<80xi32, #tpu.memory_space<vmem>>) semaphore(%arg27 : memref<!tpu.dma_semaphore, #tpu.memory_space<semaphore_mem>>) {add = true}
    }
    %scan3A_75 = arith.constant 62 : i32
    %dma_wait3A_76 = arith.constant 0 : i32
    %dma_wait3A_77 = arith.constant 0 : i32
    %dma_wait3A_78 = tpu.memref_slice %arg8[%dma_wait3A_76, %dma_wait3A_77] : memref<2x80xi32, #tpu.memory_space<vmem>> -> memref<1x80xi32, #tpu.memory_space<vmem>>
    %dma_wait3A_79 = tpu.memref_squeeze %dma_wait3A_78 : memref<1x80xi32, #tpu.memory_space<vmem>> -> memref<80xi32, #tpu.memory_space<vmem>>
    %dma_wait3A_80 = arith.constant 0 : i32
    %dma_wait3A_81 = arith.constant 0 : i32
    %dma_wait3A_82 = tpu.memref_slice %arg2[%dma_wait3A_80, %dma_wait3A_81] : memref<10000x32xf32, #tpu.memory_space<hbm>> -> memref<10000x32xf32, #tpu.memory_space<hbm>>
    tpu.wait_indirect_dma semaphore(%arg21 : memref<!tpu.dma_semaphore, #tpu.memory_space<semaphore_mem>>) src(%dma_wait3A_82 : memref<10000x32xf32, #tpu.memory_space<hbm>>) dst(%arg11 : memref<80x32xf32, #tpu.memory_space<vmem>>)
    %dma_wait3A_83 = arith.constant 1 : i32
    %dma_wait3A_84 = arith.constant 0 : i32
    %dma_wait3A_85 = tpu.memref_slice %arg8[%dma_wait3A_83, %dma_wait3A_84] : memref<2x80xi32, #tpu.memory_space<vmem>> -> memref<1x80xi32, #tpu.memory_space<vmem>>
    %dma_wait3A_86 = tpu.memref_squeeze %dma_wait3A_85 : memref<1x80xi32, #tpu.memory_space<vmem>> -> memref<80xi32, #tpu.memory_space<vmem>>
    %dma_wait3A_87 = arith.constant 0 : i32
    %dma_wait3A_88 = arith.constant 0 : i32
    %dma_wait3A_89 = tpu.memref_slice %arg2[%dma_wait3A_87, %dma_wait3A_88] : memref<10000x32xf32, #tpu.memory_space<hbm>> -> memref<10000x32xf32, #tpu.memory_space<hbm>>
    tpu.wait_indirect_dma semaphore(%arg23 : memref<!tpu.dma_semaphore, #tpu.memory_space<semaphore_mem>>) src(%dma_wait3A_89 : memref<10000x32xf32, #tpu.memory_space<hbm>>) dst(%arg13 : memref<80x32xf32, #tpu.memory_space<vmem>>)
    %dma_wait3A_90 = arith.constant 0 : i32
    %dma_wait3A_91 = arith.constant 0 : i32
    %dma_wait3A_92 = tpu.memref_slice %arg4[%dma_wait3A_90, %dma_wait3A_91] : memref<320000x128xf32, #tpu.memory_space<hbm>> -> memref<80x16xf32, #tpu.memory_space<hbm>>
    %dma_wait3A_93 = arith.constant 0 : i32
    %dma_wait3A_94 = arith.constant 0 : i32
    %dma_wait3A_95 = tpu.memref_slice %arg4[%dma_wait3A_93, %dma_wait3A_94] : memref<320000x128xf32, #tpu.memory_space<hbm>> -> memref<80x16xf32, #tpu.memory_space<hbm>>
    tpu.wait_dma2 semaphore(%arg25 : memref<!tpu.dma_semaphore, #tpu.memory_space<semaphore_mem>>) src(%dma_wait3A_95 : memref<80x16xf32, #tpu.memory_space<hbm>>) dst(%arg15 : memref<80x16xf32, #tpu.memory_space<vmem>>)
    %dma_wait3A_96 = arith.constant 0 : i32
    %dma_wait3A_97 = arith.constant 0 : i32
    %dma_wait3A_98 = tpu.memref_slice %arg7[%dma_wait3A_96, %dma_wait3A_97] : memref<10000x32xf32, #tpu.memory_space<vmem_shared>> -> memref<10000x32xf32, #tpu.memory_space<vmem_shared>>
    tpu.wait_indirect_dma semaphore(%arg27 : memref<!tpu.dma_semaphore, #tpu.memory_space<semaphore_mem>>) src(%arg17 : memref<80x32xf32, #tpu.memory_space<vmem>>) dst(%dma_wait3A_98 : memref<10000x32xf32, #tpu.memory_space<vmem_shared>>)
    %get3A_99 = arith.constant 1 : i32
    %get3A_100 = arith.index_cast %get3A_99 : i32 to index
    %get3A_101 = arith.constant 0 : index
    %get3A_102 = tpu.vector_load %arg8[%get3A_100, %get3A_101] {strides = array<i32>} : memref<2x80xi32, #tpu.memory_space<vmem>>, vector<16xi32>,
    %swap3A = arith.constant 0 : index
    %swap3A_103 = tpu.vector_load %arg10[%swap3A] {strides = array<i32>} : memref<80xi32, #tpu.memory_space<vmem>>, vector<16xi32>,
    tpu.vector_store %arg10[%swap3A], %get3A_102 {strides = array<i32>} : memref<80xi32, #tpu.memory_space<vmem>>, vector<16xi32>,
    %get3A_104 = arith.constant 1 : i32
    %get3A_105 = arith.index_cast %get3A_104 : i32 to index
    %get3A_106 = arith.constant 16 : index
    %get3A_107 = tpu.vector_load %arg8[%get3A_105, %get3A_106] {strides = array<i32>} : memref<2x80xi32, #tpu.memory_space<vmem>>, vector<16xi32>,
    %swap3A_108 = arith.constant 16 : index
    %swap3A_109 = tpu.vector_load %arg10[%swap3A_108] {strides = array<i32>} : memref<80xi32, #tpu.memory_space<vmem>>, vector<16xi32>,
    tpu.vector_store %arg10[%swap3A_108], %get3A_107 {strides = array<i32>} : memref<80xi32, #tpu.memory_space<vmem>>, vector<16xi32>,
    %get3A_110 = arith.constant 1 : i32
    %get3A_111 = arith.index_cast %get3A_110 : i32 to index
    %get3A_112 = arith.constant 32 : index
    %get3A_113 = tpu.vector_load %arg8[%get3A_111, %get3A_112] {strides = array<i32>} : memref<2x80xi32, #tpu.memory_space<vmem>>, vector<16xi32>,
    %swap3A_114 = arith.constant 32 : index
    %swap3A_115 = tpu.vector_load %arg10[%swap3A_114] {strides = array<i32>} : memref<80xi32, #tpu.memory_space<vmem>>, vector<16xi32>,
    tpu.vector_store %arg10[%swap3A_114], %get3A_113 {strides = array<i32>} : memref<80xi32, #tpu.memory_space<vmem>>, vector<16xi32>,
    %get3A_116 = arith.constant 1 : i32
    %get3A_117 = arith.index_cast %get3A_116 : i32 to index
    %get3A_118 = arith.constant 48 : index
    %get3A_119 = tpu.vector_load %arg8[%get3A_117, %get3A_118] {strides = array<i32>} : memref<2x80xi32, #tpu.memory_space<vmem>>, vector<16xi32>,
    %swap3A_120 = arith.constant 48 : index
    %swap3A_121 = tpu.vector_load %arg10[%swap3A_120] {strides = array<i32>} : memref<80xi32, #tpu.memory_space<vmem>>, vector<16xi32>,
    tpu.vector_store %arg10[%swap3A_120], %get3A_119 {strides = array<i32>} : memref<80xi32, #tpu.memory_space<vmem>>, vector<16xi32>,
    %get3A_122 = arith.constant 1 : i32
    %get3A_123 = arith.index_cast %get3A_122 : i32 to index
    %get3A_124 = arith.constant 64 : index
    %get3A_125 = tpu.vector_load %arg8[%get3A_123, %get3A_124] {strides = array<i32>} : memref<2x80xi32, #tpu.memory_space<vmem>>, vector<16xi32>,
    %swap3A_126 = arith.constant 64 : index
    %swap3A_127 = tpu.vector_load %arg10[%swap3A_126] {strides = array<i32>} : memref<80xi32, #tpu.memory_space<vmem>>, vector<16xi32>,
    tpu.vector_store %arg10[%swap3A_126], %get3A_125 {strides = array<i32>} : memref<80xi32, #tpu.memory_space<vmem>>, vector<16xi32>,
    %scan3A_128 = arith.constant 0 : i32
    %scan3A_129 = arith.constant 0 : i32
    %scan3A_130 = arith.constant 80 : i32
    %scan3A_131 = arith.addi %scan3A_129, %scan3A_130 : i32
    %scan3A_132 = arith.constant 1 : i32
    scf.for %scan3A_162 = %scan3A_129 to %scan3A_131 step %scan3A_132  : i32 {
      %get3A_163 = arith.index_cast %scan3A_162 : i32 to index
      %get3A_164 = arith.constant 0 : index
      %get3A_165 = tpu.vector_load %arg11[%get3A_163, %get3A_164] {strides = array<i32>} : memref<80x32xf32, #tpu.memory_space<vmem>>, vector<16xf32>,
      %get3A_166 = arith.index_cast %scan3A_162 : i32 to index
      %get3A_167 = arith.constant 0 : index
      %get3A_168 = tpu.vector_load %arg13[%get3A_166, %get3A_167] {strides = array<i32>} : memref<80x32xf32, #tpu.memory_space<vmem>>, vector<16xf32>,
      %add3A_169 = arith.addf %get3A_165, %get3A_168 : vector<16xf32>
      %get3A_170 = arith.index_cast %scan3A_162 : i32 to index
      %get3A_171 = arith.constant 0 : index
      %get3A_172 = tpu.vector_load %arg15[%get3A_170, %get3A_171] {strides = array<i32>} : memref<80x16xf32, #tpu.memory_space<vmem>>, vector<16xf32>,
      %add3A_173 = arith.addf %add3A_169, %get3A_172 : vector<16xf32>
      %gt3A = arith.constant 0.000000e+00 : f32
      %gt3A_174 = vector.broadcast %gt3A : f32 to vector<16xf32>
      %gt3A_175 = arith.cmpf ogt, %add3A_173, %gt3A_174 : vector<16xf32>
      %mul3A_176 = arith.constant 2.000000e-01 : f32
      %mul3A_177 = vector.broadcast %mul3A_176 : f32 to vector<16xf32>
      %mul3A_178 = arith.mulf %mul3A_177, %add3A_173 : vector<16xf32>
      %select_n3A = arith.select %gt3A_175, %add3A_173, %mul3A_178 : vector<16xi1>, vector<16xf32>
      %mul3A_179 = arith.mulf %select_n3A, %get3A_27 : vector<16xf32>
      %add3A_180 = arith.addf %broadcast_in_dim3A_1, %mul3A_179 : vector<16xf32>
      %reduce_sum3A = arith.constant true
      %reduce_sum3A_181 = vector.broadcast %reduce_sum3A : i1 to vector<16xi1>
      %reduce_sum3A_182 = tpu.scan <sum>, %add3A_180 masked %reduce_sum3A_181 : vector<16xf32>, vector<16xi1> -> vector<16xf32>
      %reduce_sum3A_183 = vector.extract %reduce_sum3A_182[15] : f32 from vector<16xf32>
      %broadcast_in_dim3A_184 = vector.broadcast %reduce_sum3A_183 : f32 to vector<16xf32>
      %exp3A = math.exp %broadcast_in_dim3A_184 : vector<16xf32>
      %mul3A_185 = arith.mulf %get3A_165, %exp3A : vector<16xf32>
      %swap3A_186 = arith.index_cast %scan3A_162 : i32 to index
      %swap3A_187 = arith.constant 0 : index
      %swap3A_188 = tpu.vector_load %arg17[%swap3A_186, %swap3A_187] {strides = array<i32>} : memref<80x32xf32, #tpu.memory_space<vmem>>, vector<16xf32>,
      tpu.vector_store %arg17[%swap3A_186, %swap3A_187], %mul3A_185 {strides = array<i32>} : memref<80x32xf32, #tpu.memory_space<vmem>>, vector<16xf32>,
      %eq3A_189 = arith.constant 0 : i32
      %eq3A_190 = vector.broadcast %eq3A_189 : i32 to vector<16xi32>
      %eq3A_191 = arith.cmpi eq, %iota3A, %eq3A_190 : vector<16xi32>
      %jit3A = arith.constant 0.000000e+00 : f32
      %broadcast_in_dim3A_192 = vector.broadcast %jit3A : f32 to vector<16xf32>
      %select_n3A_193 = arith.select %eq3A_191, %exp3A, %broadcast_in_dim3A_192 : vector<16xi1>, vector<16xf32>
      %swap3A_194 = arith.index_cast %scan3A_162 : i32 to index
      %swap3A_195 = arith.constant 16 : index
      %swap3A_196 = tpu.vector_load %arg17[%swap3A_194, %swap3A_195] {strides = array<i32>} : memref<80x32xf32, #tpu.memory_space<vmem>>, vector<16xf32>,
      tpu.vector_store %arg17[%swap3A_194, %swap3A_195], %select_n3A_193 {strides = array<i32>} : memref<80x32xf32, #tpu.memory_space<vmem>>, vector<16xf32>,
    }
    %scan3A_133 = arith.constant 80 : i32
    %dma_start3A_134 = arith.constant 0 : i32
    %dma_start3A_135 = arith.constant 0 : i32
    %dma_start3A_136 = tpu.memref_slice %arg7[%dma_start3A_134, %dma_start3A_135] : memref<10000x32xf32, #tpu.memory_space<vmem_shared>> -> memref<10000x32xf32, #tpu.memory_space<vmem_shared>>
    tpu.enqueue_indirect_dma source(%arg17 : memref<80x32xf32, #tpu.memory_space<vmem>>) target(%dma_start3A_136 : memref<10000x32xf32, #tpu.memory_space<vmem_shared>>) offsets(%arg10 : memref<80xi32, #tpu.memory_space<vmem>>) semaphore(%arg27 : memref<!tpu.dma_semaphore, #tpu.memory_space<semaphore_mem>>) {add = true}
    %dma_wait3A_137 = arith.constant 0 : i32
    %dma_wait3A_138 = arith.constant 0 : i32
    %dma_wait3A_139 = tpu.memref_slice %arg7[%dma_wait3A_137, %dma_wait3A_138] : memref<10000x32xf32, #tpu.memory_space<vmem_shared>> -> memref<10000x32xf32, #tpu.memory_space<vmem_shared>>
    tpu.wait_indirect_dma semaphore(%arg27 : memref<!tpu.dma_semaphore, #tpu.memory_space<semaphore_mem>>) src(%arg17 : memref<80x32xf32, #tpu.memory_space<vmem>>) dst(%dma_wait3A_139 : memref<10000x32xf32, #tpu.memory_space<vmem_shared>>)
    %barrier3A_140 = arith.constant 0 : index
    tpu.barrier barrier_id(%barrier3A_140)
    %add3A_141 = arith.constant 0 : i32
    %add3A_142 = arith.addi %mul3A_8, %add3A_141 : i32
    "tpu.region"() ({
      %run_scoped3A = tpu.sem_alloc : memref<!tpu.dma_semaphore, #tpu.memory_space<semaphore_mem>>
      %dma_start3A_162 = arith.constant 0 : i32
      %dma_start3A_163 = tpu.memref_slice %arg6[%arg0, %add3A_142, %dma_start3A_162] : memref<2x10000x32xf32, #tpu.memory_space<hbm>> -> memref<1x80x32xf32, #tpu.memory_space<hbm>>
      %dma_start3A_164 = tpu.memref_squeeze %dma_start3A_163 : memref<1x80x32xf32, #tpu.memory_space<hbm>> -> memref<80x32xf32, #tpu.memory_space<hbm>>
      %dma_start3A_165 = arith.constant 0 : i32
      %dma_start3A_166 = tpu.memref_slice %arg7[%add3A_142, %dma_start3A_165] : memref<10000x32xf32, #tpu.memory_space<vmem_shared>> -> memref<80x32xf32, #tpu.memory_space<vmem_shared>>
      tpu.enqueue_dma source(%dma_start3A_166 : memref<80x32xf32, #tpu.memory_space<vmem_shared>>) target(%dma_start3A_164 : memref<80x32xf32, #tpu.memory_space<hbm>>) target_semaphore(%run_scoped3A : memref<!tpu.dma_semaphore, #tpu.memory_space<semaphore_mem>>)
      %dma_wait3A_167 = arith.constant 0 : i32
      %dma_wait3A_168 = tpu.memref_slice %arg6[%arg0, %add3A_142, %dma_wait3A_167] : memref<2x10000x32xf32, #tpu.memory_space<hbm>> -> memref<1x80x32xf32, #tpu.memory_space<hbm>>
      %dma_wait3A_169 = tpu.memref_squeeze %dma_wait3A_168 : memref<1x80x32xf32, #tpu.memory_space<hbm>> -> memref<80x32xf32, #tpu.memory_space<hbm>>
      %dma_wait3A_170 = arith.constant 0 : i32
      %dma_wait3A_171 = tpu.memref_slice %arg7[%add3A_142, %dma_wait3A_170] : memref<10000x32xf32, #tpu.memory_space<vmem_shared>> -> memref<80x32xf32, #tpu.memory_space<vmem_shared>>
      tpu.wait_dma2 semaphore(%run_scoped3A : memref<!tpu.dma_semaphore, #tpu.memory_space<semaphore_mem>>) src(%dma_wait3A_171 : memref<80x32xf32, #tpu.memory_space<vmem_shared>>) dst(%dma_wait3A_169 : memref<80x32xf32, #tpu.memory_space<hbm>>)
      tpu.yield
    }) : () -> ()
    %add3A_143 = arith.constant 80 : i32
    %add3A_144 = arith.addi %mul3A_8, %add3A_143 : i32
    "tpu.region"() ({
      %run_scoped3A = tpu.sem_alloc : memref<!tpu.dma_semaphore, #tpu.memory_space<semaphore_mem>>
      %dma_start3A_162 = arith.constant 0 : i32
      %dma_start3A_163 = tpu.memref_slice %arg6[%arg0, %add3A_144, %dma_start3A_162] : memref<2x10000x32xf32, #tpu.memory_space<hbm>> -> memref<1x80x32xf32, #tpu.memory_space<hbm>>
      %dma_start3A_164 = tpu.memref_squeeze %dma_start3A_163 : memref<1x80x32xf32, #tpu.memory_space<hbm>> -> memref<80x32xf32, #tpu.memory_space<hbm>>
      %dma_start3A_165 = arith.constant 0 : i32
      %dma_start3A_166 = tpu.memref_slice %arg7[%add3A_144, %dma_start3A_165] : memref<10000x32xf32, #tpu.memory_space<vmem_shared>> -> memref<80x32xf32, #tpu.memory_space<vmem_shared>>
      tpu.enqueue_dma source(%dma_start3A_166 : memref<80x32xf32, #tpu.memory_space<vmem_shared>>) target(%dma_start3A_164 : memref<80x32xf32, #tpu.memory_space<hbm>>) target_semaphore(%run_scoped3A : memref<!tpu.dma_semaphore, #tpu.memory_space<semaphore_mem>>)
      %dma_wait3A_167 = arith.constant 0 : i32
      %dma_wait3A_168 = tpu.memref_slice %arg6[%arg0, %add3A_144, %dma_wait3A_167] : memref<2x10000x32xf32, #tpu.memory_space<hbm>> -> memref<1x80x32xf32, #tpu.memory_space<hbm>>
      %dma_wait3A_169 = tpu.memref_squeeze %dma_wait3A_168 : memref<1x80x32xf32, #tpu.memory_space<hbm>> -> memref<80x32xf32, #tpu.memory_space<hbm>>
      %dma_wait3A_170 = arith.constant 0 : i32
      %dma_wait3A_171 = tpu.memref_slice %arg7[%add3A_144, %dma_wait3A_170] : memref<10000x32xf32, #tpu.memory_space<vmem_shared>> -> memref<80x32xf32, #tpu.memory_space<vmem_shared>>
      tpu.wait_dma2 semaphore(%run_scoped3A : memref<!tpu.dma_semaphore, #tpu.memory_space<semaphore_mem>>) src(%dma_wait3A_171 : memref<80x32xf32, #tpu.memory_space<vmem_shared>>) dst(%dma_wait3A_169 : memref<80x32xf32, #tpu.memory_space<hbm>>)
      tpu.yield
    }) : () -> ()
    %add3A_145 = arith.constant 160 : i32
    %add3A_146 = arith.addi %mul3A_8, %add3A_145 : i32
    "tpu.region"() ({
      %run_scoped3A = tpu.sem_alloc : memref<!tpu.dma_semaphore, #tpu.memory_space<semaphore_mem>>
      %dma_start3A_162 = arith.constant 0 : i32
      %dma_start3A_163 = tpu.memref_slice %arg6[%arg0, %add3A_146, %dma_start3A_162] : memref<2x10000x32xf32, #tpu.memory_space<hbm>> -> memref<1x80x32xf32, #tpu.memory_space<hbm>>
      %dma_start3A_164 = tpu.memref_squeeze %dma_start3A_163 : memref<1x80x32xf32, #tpu.memory_space<hbm>> -> memref<80x32xf32, #tpu.memory_space<hbm>>
      %dma_start3A_165 = arith.constant 0 : i32
      %dma_start3A_166 = tpu.memref_slice %arg7[%add3A_146, %dma_start3A_165] : memref<10000x32xf32, #tpu.memory_space<vmem_shared>> -> memref<80x32xf32, #tpu.memory_space<vmem_shared>>
      tpu.enqueue_dma source(%dma_start3A_166 : memref<80x32xf32, #tpu.memory_space<vmem_shared>>) target(%dma_start3A_164 : memref<80x32xf32, #tpu.memory_space<hbm>>) target_semaphore(%run_scoped3A : memref<!tpu.dma_semaphore, #tpu.memory_space<semaphore_mem>>)
      %dma_wait3A_167 = arith.constant 0 : i32
      %dma_wait3A_168 = tpu.memref_slice %arg6[%arg0, %add3A_146, %dma_wait3A_167] : memref<2x10000x32xf32, #tpu.memory_space<hbm>> -> memref<1x80x32xf32, #tpu.memory_space<hbm>>
      %dma_wait3A_169 = tpu.memref_squeeze %dma_wait3A_168 : memref<1x80x32xf32, #tpu.memory_space<hbm>> -> memref<80x32xf32, #tpu.memory_space<hbm>>
      %dma_wait3A_170 = arith.constant 0 : i32
      %dma_wait3A_171 = tpu.memref_slice %arg7[%add3A_146, %dma_wait3A_170] : memref<10000x32xf32, #tpu.memory_space<vmem_shared>> -> memref<80x32xf32, #tpu.memory_space<vmem_shared>>
      tpu.wait_dma2 semaphore(%run_scoped3A : memref<!tpu.dma_semaphore, #tpu.memory_space<semaphore_mem>>) src(%dma_wait3A_171 : memref<80x32xf32, #tpu.memory_space<vmem_shared>>) dst(%dma_wait3A_169 : memref<80x32xf32, #tpu.memory_space<hbm>>)
      tpu.yield
    }) : () -> ()
    %add3A_147 = arith.constant 240 : i32
    %add3A_148 = arith.addi %mul3A_8, %add3A_147 : i32
    "tpu.region"() ({
      %run_scoped3A = tpu.sem_alloc : memref<!tpu.dma_semaphore, #tpu.memory_space<semaphore_mem>>
      %dma_start3A_162 = arith.constant 0 : i32
      %dma_start3A_163 = tpu.memref_slice %arg6[%arg0, %add3A_148, %dma_start3A_162] : memref<2x10000x32xf32, #tpu.memory_space<hbm>> -> memref<1x80x32xf32, #tpu.memory_space<hbm>>
      %dma_start3A_164 = tpu.memref_squeeze %dma_start3A_163 : memref<1x80x32xf32, #tpu.memory_space<hbm>> -> memref<80x32xf32, #tpu.memory_space<hbm>>
      %dma_start3A_165 = arith.constant 0 : i32
      %dma_start3A_166 = tpu.memref_slice %arg7[%add3A_148, %dma_start3A_165] : memref<10000x32xf32, #tpu.memory_space<vmem_shared>> -> memref<80x32xf32, #tpu.memory_space<vmem_shared>>
      tpu.enqueue_dma source(%dma_start3A_166 : memref<80x32xf32, #tpu.memory_space<vmem_shared>>) target(%dma_start3A_164 : memref<80x32xf32, #tpu.memory_space<hbm>>) target_semaphore(%run_scoped3A : memref<!tpu.dma_semaphore, #tpu.memory_space<semaphore_mem>>)
      %dma_wait3A_167 = arith.constant 0 : i32
      %dma_wait3A_168 = tpu.memref_slice %arg6[%arg0, %add3A_148, %dma_wait3A_167] : memref<2x10000x32xf32, #tpu.memory_space<hbm>> -> memref<1x80x32xf32, #tpu.memory_space<hbm>>
      %dma_wait3A_169 = tpu.memref_squeeze %dma_wait3A_168 : memref<1x80x32xf32, #tpu.memory_space<hbm>> -> memref<80x32xf32, #tpu.memory_space<hbm>>
      %dma_wait3A_170 = arith.constant 0 : i32
      %dma_wait3A_171 = tpu.memref_slice %arg7[%add3A_148, %dma_wait3A_170] : memref<10000x32xf32, #tpu.memory_space<vmem_shared>> -> memref<80x32xf32, #tpu.memory_space<vmem_shared>>
      tpu.wait_dma2 semaphore(%run_scoped3A : memref<!tpu.dma_semaphore, #tpu.memory_space<semaphore_mem>>) src(%dma_wait3A_171 : memref<80x32xf32, #tpu.memory_space<vmem_shared>>) dst(%dma_wait3A_169 : memref<80x32xf32, #tpu.memory_space<hbm>>)
      tpu.yield
    }) : () -> ()
    %add3A_149 = arith.constant 320 : i32
    %add3A_150 = arith.addi %mul3A_8, %add3A_149 : i32
    "tpu.region"() ({
      %run_scoped3A = tpu.sem_alloc : memref<!tpu.dma_semaphore, #tpu.memory_space<semaphore_mem>>
      %dma_start3A_162 = arith.constant 0 : i32
      %dma_start3A_163 = tpu.memref_slice %arg6[%arg0, %add3A_150, %dma_start3A_162] : memref<2x10000x32xf32, #tpu.memory_space<hbm>> -> memref<1x80x32xf32, #tpu.memory_space<hbm>>
      %dma_start3A_164 = tpu.memref_squeeze %dma_start3A_163 : memref<1x80x32xf32, #tpu.memory_space<hbm>> -> memref<80x32xf32, #tpu.memory_space<hbm>>
      %dma_start3A_165 = arith.constant 0 : i32
      %dma_start3A_166 = tpu.memref_slice %arg7[%add3A_150, %dma_start3A_165] : memref<10000x32xf32, #tpu.memory_space<vmem_shared>> -> memref<80x32xf32, #tpu.memory_space<vmem_shared>>
      tpu.enqueue_dma source(%dma_start3A_166 : memref<80x32xf32, #tpu.memory_space<vmem_shared>>) target(%dma_start3A_164 : memref<80x32xf32, #tpu.memory_space<hbm>>) target_semaphore(%run_scoped3A : memref<!tpu.dma_semaphore, #tpu.memory_space<semaphore_mem>>)
      %dma_wait3A_167 = arith.constant 0 : i32
      %dma_wait3A_168 = tpu.memref_slice %arg6[%arg0, %add3A_150, %dma_wait3A_167] : memref<2x10000x32xf32, #tpu.memory_space<hbm>> -> memref<1x80x32xf32, #tpu.memory_space<hbm>>
      %dma_wait3A_169 = tpu.memref_squeeze %dma_wait3A_168 : memref<1x80x32xf32, #tpu.memory_space<hbm>> -> memref<80x32xf32, #tpu.memory_space<hbm>>
      %dma_wait3A_170 = arith.constant 0 : i32
      %dma_wait3A_171 = tpu.memref_slice %arg7[%add3A_150, %dma_wait3A_170] : memref<10000x32xf32, #tpu.memory_space<vmem_shared>> -> memref<80x32xf32, #tpu.memory_space<vmem_shared>>
      tpu.wait_dma2 semaphore(%run_scoped3A : memref<!tpu.dma_semaphore, #tpu.memory_space<semaphore_mem>>) src(%dma_wait3A_171 : memref<80x32xf32, #tpu.memory_space<vmem_shared>>) dst(%dma_wait3A_169 : memref<80x32xf32, #tpu.memory_space<hbm>>)
      tpu.yield
    }) : () -> ()
    %add3A_151 = arith.constant 400 : i32
    %add3A_152 = arith.addi %mul3A_8, %add3A_151 : i32
    "tpu.region"() ({
      %run_scoped3A = tpu.sem_alloc : memref<!tpu.dma_semaphore, #tpu.memory_space<semaphore_mem>>
      %dma_start3A_162 = arith.constant 0 : i32
      %dma_start3A_163 = tpu.memref_slice %arg6[%arg0, %add3A_152, %dma_start3A_162] : memref<2x10000x32xf32, #tpu.memory_space<hbm>> -> memref<1x80x32xf32, #tpu.memory_space<hbm>>
      %dma_start3A_164 = tpu.memref_squeeze %dma_start3A_163 : memref<1x80x32xf32, #tpu.memory_space<hbm>> -> memref<80x32xf32, #tpu.memory_space<hbm>>
      %dma_start3A_165 = arith.constant 0 : i32
      %dma_start3A_166 = tpu.memref_slice %arg7[%add3A_152, %dma_start3A_165] : memref<10000x32xf32, #tpu.memory_space<vmem_shared>> -> memref<80x32xf32, #tpu.memory_space<vmem_shared>>
      tpu.enqueue_dma source(%dma_start3A_166 : memref<80x32xf32, #tpu.memory_space<vmem_shared>>) target(%dma_start3A_164 : memref<80x32xf32, #tpu.memory_space<hbm>>) target_semaphore(%run_scoped3A : memref<!tpu.dma_semaphore, #tpu.memory_space<semaphore_mem>>)
      %dma_wait3A_167 = arith.constant 0 : i32
      %dma_wait3A_168 = tpu.memref_slice %arg6[%arg0, %add3A_152, %dma_wait3A_167] : memref<2x10000x32xf32, #tpu.memory_space<hbm>> -> memref<1x80x32xf32, #tpu.memory_space<hbm>>
      %dma_wait3A_169 = tpu.memref_squeeze %dma_wait3A_168 : memref<1x80x32xf32, #tpu.memory_space<hbm>> -> memref<80x32xf32, #tpu.memory_space<hbm>>
      %dma_wait3A_170 = arith.constant 0 : i32
      %dma_wait3A_171 = tpu.memref_slice %arg7[%add3A_152, %dma_wait3A_170] : memref<10000x32xf32, #tpu.memory_space<vmem_shared>> -> memref<80x32xf32, #tpu.memory_space<vmem_shared>>
      tpu.wait_dma2 semaphore(%run_scoped3A : memref<!tpu.dma_semaphore, #tpu.memory_space<semaphore_mem>>) src(%dma_wait3A_171 : memref<80x32xf32, #tpu.memory_space<vmem_shared>>) dst(%dma_wait3A_169 : memref<80x32xf32, #tpu.memory_space<hbm>>)
      tpu.yield
    }) : () -> ()
    %add3A_153 = arith.constant 480 : i32
    %add3A_154 = arith.addi %mul3A_8, %add3A_153 : i32
    "tpu.region"() ({
      %run_scoped3A = tpu.sem_alloc : memref<!tpu.dma_semaphore, #tpu.memory_space<semaphore_mem>>
      %dma_start3A_162 = arith.constant 0 : i32
      %dma_start3A_163 = tpu.memref_slice %arg6[%arg0, %add3A_154, %dma_start3A_162] : memref<2x10000x32xf32, #tpu.memory_space<hbm>> -> memref<1x80x32xf32, #tpu.memory_space<hbm>>
      %dma_start3A_164 = tpu.memref_squeeze %dma_start3A_163 : memref<1x80x32xf32, #tpu.memory_space<hbm>> -> memref<80x32xf32, #tpu.memory_space<hbm>>
      %dma_start3A_165 = arith.constant 0 : i32
      %dma_start3A_166 = tpu.memref_slice %arg7[%add3A_154, %dma_start3A_165] : memref<10000x32xf32, #tpu.memory_space<vmem_shared>> -> memref<80x32xf32, #tpu.memory_space<vmem_shared>>
      tpu.enqueue_dma source(%dma_start3A_166 : memref<80x32xf32, #tpu.memory_space<vmem_shared>>) target(%dma_start3A_164 : memref<80x32xf32, #tpu.memory_space<hbm>>) target_semaphore(%run_scoped3A : memref<!tpu.dma_semaphore, #tpu.memory_space<semaphore_mem>>)
      %dma_wait3A_167 = arith.constant 0 : i32
      %dma_wait3A_168 = tpu.memref_slice %arg6[%arg0, %add3A_154, %dma_wait3A_167] : memref<2x10000x32xf32, #tpu.memory_space<hbm>> -> memref<1x80x32xf32, #tpu.memory_space<hbm>>
      %dma_wait3A_169 = tpu.memref_squeeze %dma_wait3A_168 : memref<1x80x32xf32, #tpu.memory_space<hbm>> -> memref<80x32xf32, #tpu.memory_space<hbm>>
      %dma_wait3A_170 = arith.constant 0 : i32
      %dma_wait3A_171 = tpu.memref_slice %arg7[%add3A_154, %dma_wait3A_170] : memref<10000x32xf32, #tpu.memory_space<vmem_shared>> -> memref<80x32xf32, #tpu.memory_space<vmem_shared>>
      tpu.wait_dma2 semaphore(%run_scoped3A : memref<!tpu.dma_semaphore, #tpu.memory_space<semaphore_mem>>) src(%dma_wait3A_171 : memref<80x32xf32, #tpu.memory_space<vmem_shared>>) dst(%dma_wait3A_169 : memref<80x32xf32, #tpu.memory_space<hbm>>)
      tpu.yield
    }) : () -> ()
    %add3A_155 = arith.constant 560 : i32
    %add3A_156 = arith.addi %mul3A_8, %add3A_155 : i32
    "tpu.region"() ({
      %run_scoped3A = tpu.sem_alloc : memref<!tpu.dma_semaphore, #tpu.memory_space<semaphore_mem>>
      %dma_start3A_162 = arith.constant 0 : i32
      %dma_start3A_163 = tpu.memref_slice %arg6[%arg0, %add3A_156, %dma_start3A_162] : memref<2x10000x32xf32, #tpu.memory_space<hbm>> -> memref<1x64x32xf32, #tpu.memory_space<hbm>>
      %dma_start3A_164 = tpu.memref_squeeze %dma_start3A_163 : memref<1x64x32xf32, #tpu.memory_space<hbm>> -> memref<64x32xf32, #tpu.memory_space<hbm>>
      %dma_start3A_165 = arith.constant 0 : i32
      %dma_start3A_166 = tpu.memref_slice %arg7[%add3A_156, %dma_start3A_165] : memref<10000x32xf32, #tpu.memory_space<vmem_shared>> -> memref<64x32xf32, #tpu.memory_space<vmem_shared>>
      tpu.enqueue_dma source(%dma_start3A_166 : memref<64x32xf32, #tpu.memory_space<vmem_shared>>) target(%dma_start3A_164 : memref<64x32xf32, #tpu.memory_space<hbm>>) target_semaphore(%run_scoped3A : memref<!tpu.dma_semaphore, #tpu.memory_space<semaphore_mem>>)
      %dma_wait3A_167 = arith.constant 0 : i32
      %dma_wait3A_168 = tpu.memref_slice %arg6[%arg0, %add3A_156, %dma_wait3A_167] : memref<2x10000x32xf32, #tpu.memory_space<hbm>> -> memref<1x64x32xf32, #tpu.memory_space<hbm>>
      %dma_wait3A_169 = tpu.memref_squeeze %dma_wait3A_168 : memref<1x64x32xf32, #tpu.memory_space<hbm>> -> memref<64x32xf32, #tpu.memory_space<hbm>>
      %dma_wait3A_170 = arith.constant 0 : i32
      %dma_wait3A_171 = tpu.memref_slice %arg7[%add3A_156, %dma_wait3A_170] : memref<10000x32xf32, #tpu.memory_space<vmem_shared>> -> memref<64x32xf32, #tpu.memory_space<vmem_shared>>
      tpu.wait_dma2 semaphore(%run_scoped3A : memref<!tpu.dma_semaphore, #tpu.memory_space<semaphore_mem>>) src(%dma_wait3A_171 : memref<64x32xf32, #tpu.memory_space<vmem_shared>>) dst(%dma_wait3A_169 : memref<64x32xf32, #tpu.memory_space<hbm>>)
      tpu.yield
    }) : () -> ()
    %eq3A_157 = arith.constant 15 : i32
    %eq3A_158 = arith.cmpi eq, %arg1, %eq3A_157 : i32
    %convert_element_type3A_159 = arith.extui %eq3A_158 : i1 to i32
    %cond3A_160 = arith.constant 0 : i32
    %cond3A_161 = arith.cmpi ne, %convert_element_type3A_159, %cond3A_160 : i32
    scf.if %cond3A_161 {
      "tpu.region"() ({
        %run_scoped3A = tpu.sem_alloc : memref<!tpu.dma_semaphore, #tpu.memory_space<semaphore_mem>>
        %dma_start3A_162 = arith.constant 9984 : i32
        %dma_start3A_163 = arith.constant 0 : i32
        %dma_start3A_164 = tpu.memref_slice %arg6[%arg0, %dma_start3A_162, %dma_start3A_163] : memref<2x10000x32xf32, #tpu.memory_space<hbm>> -> memref<1x16x32xf32, #tpu.memory_space<hbm>>
        %dma_start3A_165 = tpu.memref_squeeze %dma_start3A_164 : memref<1x16x32xf32, #tpu.memory_space<hbm>> -> memref<16x32xf32, #tpu.memory_space<hbm>>
        %dma_start3A_166 = arith.constant 9984 : i32
        %dma_start3A_167 = arith.constant 0 : i32
        %dma_start3A_168 = tpu.memref_slice %arg7[%dma_start3A_166, %dma_start3A_167] : memref<10000x32xf32, #tpu.memory_space<vmem_shared>> -> memref<16x32xf32, #tpu.memory_space<vmem_shared>>
        tpu.enqueue_dma source(%dma_start3A_168 : memref<16x32xf32, #tpu.memory_space<vmem_shared>>) target(%dma_start3A_165 : memref<16x32xf32, #tpu.memory_space<hbm>>) target_semaphore(%run_scoped3A : memref<!tpu.dma_semaphore, #tpu.memory_space<semaphore_mem>>)
        %dma_wait3A_169 = arith.constant 9984 : i32
        %dma_wait3A_170 = arith.constant 0 : i32
        %dma_wait3A_171 = tpu.memref_slice %arg6[%arg0, %dma_wait3A_169, %dma_wait3A_170] : memref<2x10000x32xf32, #tpu.memory_space<hbm>> -> memref<1x16x32xf32, #tpu.memory_space<hbm>>
        %dma_wait3A_172 = tpu.memref_squeeze %dma_wait3A_171 : memref<1x16x32xf32, #tpu.memory_space<hbm>> -> memref<16x32xf32, #tpu.memory_space<hbm>>
        %dma_wait3A_173 = arith.constant 9984 : i32
        %dma_wait3A_174 = arith.constant 0 : i32
        %dma_wait3A_175 = tpu.memref_slice %arg7[%dma_wait3A_173, %dma_wait3A_174] : memref<10000x32xf32, #tpu.memory_space<vmem_shared>> -> memref<16x32xf32, #tpu.memory_space<vmem_shared>>
        tpu.wait_dma2 semaphore(%run_scoped3A : memref<!tpu.dma_semaphore, #tpu.memory_space<semaphore_mem>>) src(%dma_wait3A_175 : memref<16x32xf32, #tpu.memory_space<vmem_shared>>) dst(%dma_wait3A_172 : memref<16x32xf32, #tpu.memory_space<hbm>>)
        tpu.yield
      }) : () -> ()
    } else {
    }
    return
  }
}

#map = affine_map<(d0, d1) -> (0, 0)>
#map1 = affine_map<(d0, d1) -> (0)>
#map2 = affine_map<(d0, d1) -> (0, 0, 0)>
module attributes {stable_mosaic.version = 14 : i64} {
  func.func @_sc_edge_body(%arg0: i32, %arg1: i32, %arg2: memref<10000x144xf32, #tpu.memory_space<hbm>>, %arg3: memref<2x320000xi32, #tpu.memory_space<hbm>>, %arg4: memref<320000x128xf32, #tpu.memory_space<hbm>>, %arg5: memref<128xf32, #tpu.memory_space<hbm>>, %arg6: memref<2x10000x144xf32, #tpu.memory_space<hbm>>, %arg7: memref<10000x144xf32, #tpu.memory_space<vmem_shared>>, %arg8: memref<2x40xi32, #tpu.memory_space<vmem>>, %arg9: memref<2x40xi32, #tpu.memory_space<vmem>>, %arg10: memref<40xi32, #tpu.memory_space<vmem>>, %arg11: memref<40x144xf32, #tpu.memory_space<vmem>>, %arg12: memref<40x144xf32, #tpu.memory_space<vmem>>, %arg13: memref<40x144xf32, #tpu.memory_space<vmem>>, %arg14: memref<40x144xf32, #tpu.memory_space<vmem>>, %arg15: memref<40x128xf32, #tpu.memory_space<vmem>>, %arg16: memref<40x128xf32, #tpu.memory_space<vmem>>, %arg17: memref<40x144xf32, #tpu.memory_space<vmem>>, %arg18: memref<128xf32, #tpu.memory_space<vmem>>, %arg19: memref<!tpu.dma_semaphore, #tpu.memory_space<semaphore_mem>>, %arg20: memref<!tpu.dma_semaphore, #tpu.memory_space<semaphore_mem>>, %arg21: memref<!tpu.dma_semaphore, #tpu.memory_space<semaphore_mem>>, %arg22: memref<!tpu.dma_semaphore, #tpu.memory_space<semaphore_mem>>, %arg23: memref<!tpu.dma_semaphore, #tpu.memory_space<semaphore_mem>>, %arg24: memref<!tpu.dma_semaphore, #tpu.memory_space<semaphore_mem>>, %arg25: memref<!tpu.dma_semaphore, #tpu.memory_space<semaphore_mem>>, %arg26: memref<!tpu.dma_semaphore, #tpu.memory_space<semaphore_mem>>, %arg27: memref<!tpu.dma_semaphore, #tpu.memory_space<semaphore_mem>>) attributes {dimension_semantics = [#tpu.dimension_semantics<core_parallel>, #tpu.dimension_semantics<subcore_parallel>], iteration_bounds = array<i64: 2, 16>, scalar_prefetch = 0 : i64, scratch_operands = 21 : i64, tpu.core_type = #tpu.core_type<sc_vector_subcore>, window_params = [{transform_indices = #map}, {transform_indices = #map}, {transform_indices = #map}, {transform_indices = #map1}, {transform_indices = #map2}]} {
    %mul3A = arith.constant 2 : i32
    %mul3A_0 = arith.muli %arg1, %mul3A : i32
    %add3A = arith.addi %mul3A_0, %arg0 : i32
    %broadcast_in_dim3A = arith.constant 0.000000e+00 : f32
    %broadcast_in_dim3A_1 = vector.broadcast %broadcast_in_dim3A : f32 to vector<16xf32>
    %scan3A = arith.constant 0 : i32
    %scan3A_2 = arith.constant 0 : i32
    %scan3A_3 = arith.constant 40 : i32
    %scan3A_4 = arith.addi %scan3A_2, %scan3A_3 : i32
    %scan3A_5 = arith.constant 1 : i32
    scf.for %scan3A_147 = %scan3A_2 to %scan3A_4 step %scan3A_5  : i32 {
      %swap3A = arith.index_cast %scan3A_147 : i32 to index
      %swap3A_148 = arith.constant 0 : index
      %swap3A_149 = tpu.vector_load %arg17[%swap3A, %swap3A_148] {strides = array<i32>} : memref<40x144xf32, #tpu.memory_space<vmem>>, vector<16xf32>,
      tpu.vector_store %arg17[%swap3A, %swap3A_148], %broadcast_in_dim3A_1 {strides = array<i32>} : memref<40x144xf32, #tpu.memory_space<vmem>>, vector<16xf32>,
      %swap3A_150 = arith.index_cast %scan3A_147 : i32 to index
      %swap3A_151 = arith.constant 16 : index
      %swap3A_152 = tpu.vector_load %arg17[%swap3A_150, %swap3A_151] {strides = array<i32>} : memref<40x144xf32, #tpu.memory_space<vmem>>, vector<16xf32>,
      tpu.vector_store %arg17[%swap3A_150, %swap3A_151], %broadcast_in_dim3A_1 {strides = array<i32>} : memref<40x144xf32, #tpu.memory_space<vmem>>, vector<16xf32>,
      %swap3A_153 = arith.index_cast %scan3A_147 : i32 to index
      %swap3A_154 = arith.constant 32 : index
      %swap3A_155 = tpu.vector_load %arg17[%swap3A_153, %swap3A_154] {strides = array<i32>} : memref<40x144xf32, #tpu.memory_space<vmem>>, vector<16xf32>,
      tpu.vector_store %arg17[%swap3A_153, %swap3A_154], %broadcast_in_dim3A_1 {strides = array<i32>} : memref<40x144xf32, #tpu.memory_space<vmem>>, vector<16xf32>,
      %swap3A_156 = arith.index_cast %scan3A_147 : i32 to index
      %swap3A_157 = arith.constant 48 : index
      %swap3A_158 = tpu.vector_load %arg17[%swap3A_156, %swap3A_157] {strides = array<i32>} : memref<40x144xf32, #tpu.memory_space<vmem>>, vector<16xf32>,
      tpu.vector_store %arg17[%swap3A_156, %swap3A_157], %broadcast_in_dim3A_1 {strides = array<i32>} : memref<40x144xf32, #tpu.memory_space<vmem>>, vector<16xf32>,
      %swap3A_159 = arith.index_cast %scan3A_147 : i32 to index
      %swap3A_160 = arith.constant 64 : index
      %swap3A_161 = tpu.vector_load %arg17[%swap3A_159, %swap3A_160] {strides = array<i32>} : memref<40x144xf32, #tpu.memory_space<vmem>>, vector<16xf32>,
      tpu.vector_store %arg17[%swap3A_159, %swap3A_160], %broadcast_in_dim3A_1 {strides = array<i32>} : memref<40x144xf32, #tpu.memory_space<vmem>>, vector<16xf32>,
      %swap3A_162 = arith.index_cast %scan3A_147 : i32 to index
      %swap3A_163 = arith.constant 80 : index
      %swap3A_164 = tpu.vector_load %arg17[%swap3A_162, %swap3A_163] {strides = array<i32>} : memref<40x144xf32, #tpu.memory_space<vmem>>, vector<16xf32>,
      tpu.vector_store %arg17[%swap3A_162, %swap3A_163], %broadcast_in_dim3A_1 {strides = array<i32>} : memref<40x144xf32, #tpu.memory_space<vmem>>, vector<16xf32>,
      %swap3A_165 = arith.index_cast %scan3A_147 : i32 to index
      %swap3A_166 = arith.constant 96 : index
      %swap3A_167 = tpu.vector_load %arg17[%swap3A_165, %swap3A_166] {strides = array<i32>} : memref<40x144xf32, #tpu.memory_space<vmem>>, vector<16xf32>,
      tpu.vector_store %arg17[%swap3A_165, %swap3A_166], %broadcast_in_dim3A_1 {strides = array<i32>} : memref<40x144xf32, #tpu.memory_space<vmem>>, vector<16xf32>,
      %swap3A_168 = arith.index_cast %scan3A_147 : i32 to index
      %swap3A_169 = arith.constant 112 : index
      %swap3A_170 = tpu.vector_load %arg17[%swap3A_168, %swap3A_169] {strides = array<i32>} : memref<40x144xf32, #tpu.memory_space<vmem>>, vector<16xf32>,
      tpu.vector_store %arg17[%swap3A_168, %swap3A_169], %broadcast_in_dim3A_1 {strides = array<i32>} : memref<40x144xf32, #tpu.memory_space<vmem>>, vector<16xf32>,
      %swap3A_171 = arith.index_cast %scan3A_147 : i32 to index
      %swap3A_172 = arith.constant 128 : index
      %swap3A_173 = tpu.vector_load %arg17[%swap3A_171, %swap3A_172] {strides = array<i32>} : memref<40x144xf32, #tpu.memory_space<vmem>>, vector<16xf32>,
      tpu.vector_store %arg17[%swap3A_171, %swap3A_172], %broadcast_in_dim3A_1 {strides = array<i32>} : memref<40x144xf32, #tpu.memory_space<vmem>>, vector<16xf32>,
    }
    %scan3A_6 = arith.constant 40 : i32
    %mul3A_7 = arith.constant 624 : i32
    %mul3A_8 = arith.muli %arg1, %mul3A_7 : i32
    %add3A_9 = arith.constant 0 : i32
    %add3A_10 = arith.addi %mul3A_8, %add3A_9 : i32
    "tpu.region"() ({
      %run_scoped3A = tpu.sem_alloc : memref<!tpu.dma_semaphore, #tpu.memory_space<semaphore_mem>>
      %dma_start3A_147 = arith.constant 0 : i32
      %dma_start3A_148 = arith.constant 0 : i32
      %dma_start3A_149 = tpu.memref_slice %arg17[%dma_start3A_147, %dma_start3A_148] : memref<40x144xf32, #tpu.memory_space<vmem>> -> memref<40x144xf32, #tpu.memory_space<vmem>>
      %dma_start3A_150 = arith.constant 0 : i32
      %dma_start3A_151 = tpu.memref_slice %arg7[%add3A_10, %dma_start3A_150] : memref<10000x144xf32, #tpu.memory_space<vmem_shared>> -> memref<40x144xf32, #tpu.memory_space<vmem_shared>>
      %dma_start3A_152 = arith.constant 0 : i32
      %dma_start3A_153 = tpu.memref_slice %arg7[%add3A_10, %dma_start3A_152] : memref<10000x144xf32, #tpu.memory_space<vmem_shared>> -> memref<40x144xf32, #tpu.memory_space<vmem_shared>>
      %dma_start3A_154 = arith.constant 0 : i32
      %dma_start3A_155 = arith.constant 0 : i32
      %dma_start3A_156 = tpu.memref_slice %arg17[%dma_start3A_154, %dma_start3A_155] : memref<40x144xf32, #tpu.memory_space<vmem>> -> memref<40x144xf32, #tpu.memory_space<vmem>>
      tpu.enqueue_dma source(%dma_start3A_156 : memref<40x144xf32, #tpu.memory_space<vmem>>) target(%dma_start3A_153 : memref<40x144xf32, #tpu.memory_space<vmem_shared>>) target_semaphore(%run_scoped3A : memref<!tpu.dma_semaphore, #tpu.memory_space<semaphore_mem>>)
      %dma_wait3A_157 = arith.constant 0 : i32
      %dma_wait3A_158 = arith.constant 0 : i32
      %dma_wait3A_159 = tpu.memref_slice %arg17[%dma_wait3A_157, %dma_wait3A_158] : memref<40x144xf32, #tpu.memory_space<vmem>> -> memref<40x144xf32, #tpu.memory_space<vmem>>
      %dma_wait3A_160 = arith.constant 0 : i32
      %dma_wait3A_161 = tpu.memref_slice %arg7[%add3A_10, %dma_wait3A_160] : memref<10000x144xf32, #tpu.memory_space<vmem_shared>> -> memref<40x144xf32, #tpu.memory_space<vmem_shared>>
      %dma_wait3A_162 = arith.constant 0 : i32
      %dma_wait3A_163 = tpu.memref_slice %arg7[%add3A_10, %dma_wait3A_162] : memref<10000x144xf32, #tpu.memory_space<vmem_shared>> -> memref<40x144xf32, #tpu.memory_space<vmem_shared>>
      %dma_wait3A_164 = arith.constant 0 : i32
      %dma_wait3A_165 = arith.constant 0 : i32
      %dma_wait3A_166 = tpu.memref_slice %arg17[%dma_wait3A_164, %dma_wait3A_165] : memref<40x144xf32, #tpu.memory_space<vmem>> -> memref<40x144xf32, #tpu.memory_space<vmem>>
      tpu.wait_dma2 semaphore(%run_scoped3A : memref<!tpu.dma_semaphore, #tpu.memory_space<semaphore_mem>>) src(%dma_wait3A_166 : memref<40x144xf32, #tpu.memory_space<vmem>>) dst(%dma_wait3A_163 : memref<40x144xf32, #tpu.memory_space<vmem_shared>>)
      tpu.yield
    }) : () -> ()
    %add3A_11 = arith.constant 40 : i32
    %add3A_12 = arith.addi %mul3A_8, %add3A_11 : i32
    "tpu.region"() ({
      %run_scoped3A = tpu.sem_alloc : memref<!tpu.dma_semaphore, #tpu.memory_space<semaphore_mem>>
      %dma_start3A_147 = arith.constant 0 : i32
      %dma_start3A_148 = arith.constant 0 : i32
      %dma_start3A_149 = tpu.memref_slice %arg17[%dma_start3A_147, %dma_start3A_148] : memref<40x144xf32, #tpu.memory_space<vmem>> -> memref<40x144xf32, #tpu.memory_space<vmem>>
      %dma_start3A_150 = arith.constant 0 : i32
      %dma_start3A_151 = tpu.memref_slice %arg7[%add3A_12, %dma_start3A_150] : memref<10000x144xf32, #tpu.memory_space<vmem_shared>> -> memref<40x144xf32, #tpu.memory_space<vmem_shared>>
      %dma_start3A_152 = arith.constant 0 : i32
      %dma_start3A_153 = tpu.memref_slice %arg7[%add3A_12, %dma_start3A_152] : memref<10000x144xf32, #tpu.memory_space<vmem_shared>> -> memref<40x144xf32, #tpu.memory_space<vmem_shared>>
      %dma_start3A_154 = arith.constant 0 : i32
      %dma_start3A_155 = arith.constant 0 : i32
      %dma_start3A_156 = tpu.memref_slice %arg17[%dma_start3A_154, %dma_start3A_155] : memref<40x144xf32, #tpu.memory_space<vmem>> -> memref<40x144xf32, #tpu.memory_space<vmem>>
      tpu.enqueue_dma source(%dma_start3A_156 : memref<40x144xf32, #tpu.memory_space<vmem>>) target(%dma_start3A_153 : memref<40x144xf32, #tpu.memory_space<vmem_shared>>) target_semaphore(%run_scoped3A : memref<!tpu.dma_semaphore, #tpu.memory_space<semaphore_mem>>)
      %dma_wait3A_157 = arith.constant 0 : i32
      %dma_wait3A_158 = arith.constant 0 : i32
      %dma_wait3A_159 = tpu.memref_slice %arg17[%dma_wait3A_157, %dma_wait3A_158] : memref<40x144xf32, #tpu.memory_space<vmem>> -> memref<40x144xf32, #tpu.memory_space<vmem>>
      %dma_wait3A_160 = arith.constant 0 : i32
      %dma_wait3A_161 = tpu.memref_slice %arg7[%add3A_12, %dma_wait3A_160] : memref<10000x144xf32, #tpu.memory_space<vmem_shared>> -> memref<40x144xf32, #tpu.memory_space<vmem_shared>>
      %dma_wait3A_162 = arith.constant 0 : i32
      %dma_wait3A_163 = tpu.memref_slice %arg7[%add3A_12, %dma_wait3A_162] : memref<10000x144xf32, #tpu.memory_space<vmem_shared>> -> memref<40x144xf32, #tpu.memory_space<vmem_shared>>
      %dma_wait3A_164 = arith.constant 0 : i32
      %dma_wait3A_165 = arith.constant 0 : i32
      %dma_wait3A_166 = tpu.memref_slice %arg17[%dma_wait3A_164, %dma_wait3A_165] : memref<40x144xf32, #tpu.memory_space<vmem>> -> memref<40x144xf32, #tpu.memory_space<vmem>>
      tpu.wait_dma2 semaphore(%run_scoped3A : memref<!tpu.dma_semaphore, #tpu.memory_space<semaphore_mem>>) src(%dma_wait3A_166 : memref<40x144xf32, #tpu.memory_space<vmem>>) dst(%dma_wait3A_163 : memref<40x144xf32, #tpu.memory_space<vmem_shared>>)
      tpu.yield
    }) : () -> ()
    %add3A_13 = arith.constant 80 : i32
    %add3A_14 = arith.addi %mul3A_8, %add3A_13 : i32
    "tpu.region"() ({
      %run_scoped3A = tpu.sem_alloc : memref<!tpu.dma_semaphore, #tpu.memory_space<semaphore_mem>>
      %dma_start3A_147 = arith.constant 0 : i32
      %dma_start3A_148 = arith.constant 0 : i32
      %dma_start3A_149 = tpu.memref_slice %arg17[%dma_start3A_147, %dma_start3A_148] : memref<40x144xf32, #tpu.memory_space<vmem>> -> memref<40x144xf32, #tpu.memory_space<vmem>>
      %dma_start3A_150 = arith.constant 0 : i32
      %dma_start3A_151 = tpu.memref_slice %arg7[%add3A_14, %dma_start3A_150] : memref<10000x144xf32, #tpu.memory_space<vmem_shared>> -> memref<40x144xf32, #tpu.memory_space<vmem_shared>>
      %dma_start3A_152 = arith.constant 0 : i32
      %dma_start3A_153 = tpu.memref_slice %arg7[%add3A_14, %dma_start3A_152] : memref<10000x144xf32, #tpu.memory_space<vmem_shared>> -> memref<40x144xf32, #tpu.memory_space<vmem_shared>>
      %dma_start3A_154 = arith.constant 0 : i32
      %dma_start3A_155 = arith.constant 0 : i32
      %dma_start3A_156 = tpu.memref_slice %arg17[%dma_start3A_154, %dma_start3A_155] : memref<40x144xf32, #tpu.memory_space<vmem>> -> memref<40x144xf32, #tpu.memory_space<vmem>>
      tpu.enqueue_dma source(%dma_start3A_156 : memref<40x144xf32, #tpu.memory_space<vmem>>) target(%dma_start3A_153 : memref<40x144xf32, #tpu.memory_space<vmem_shared>>) target_semaphore(%run_scoped3A : memref<!tpu.dma_semaphore, #tpu.memory_space<semaphore_mem>>)
      %dma_wait3A_157 = arith.constant 0 : i32
      %dma_wait3A_158 = arith.constant 0 : i32
      %dma_wait3A_159 = tpu.memref_slice %arg17[%dma_wait3A_157, %dma_wait3A_158] : memref<40x144xf32, #tpu.memory_space<vmem>> -> memref<40x144xf32, #tpu.memory_space<vmem>>
      %dma_wait3A_160 = arith.constant 0 : i32
      %dma_wait3A_161 = tpu.memref_slice %arg7[%add3A_14, %dma_wait3A_160] : memref<10000x144xf32, #tpu.memory_space<vmem_shared>> -> memref<40x144xf32, #tpu.memory_space<vmem_shared>>
      %dma_wait3A_162 = arith.constant 0 : i32
      %dma_wait3A_163 = tpu.memref_slice %arg7[%add3A_14, %dma_wait3A_162] : memref<10000x144xf32, #tpu.memory_space<vmem_shared>> -> memref<40x144xf32, #tpu.memory_space<vmem_shared>>
      %dma_wait3A_164 = arith.constant 0 : i32
      %dma_wait3A_165 = arith.constant 0 : i32
      %dma_wait3A_166 = tpu.memref_slice %arg17[%dma_wait3A_164, %dma_wait3A_165] : memref<40x144xf32, #tpu.memory_space<vmem>> -> memref<40x144xf32, #tpu.memory_space<vmem>>
      tpu.wait_dma2 semaphore(%run_scoped3A : memref<!tpu.dma_semaphore, #tpu.memory_space<semaphore_mem>>) src(%dma_wait3A_166 : memref<40x144xf32, #tpu.memory_space<vmem>>) dst(%dma_wait3A_163 : memref<40x144xf32, #tpu.memory_space<vmem_shared>>)
      tpu.yield
    }) : () -> ()
    %add3A_15 = arith.constant 120 : i32
    %add3A_16 = arith.addi %mul3A_8, %add3A_15 : i32
    "tpu.region"() ({
      %run_scoped3A = tpu.sem_alloc : memref<!tpu.dma_semaphore, #tpu.memory_space<semaphore_mem>>
      %dma_start3A_147 = arith.constant 0 : i32
      %dma_start3A_148 = arith.constant 0 : i32
      %dma_start3A_149 = tpu.memref_slice %arg17[%dma_start3A_147, %dma_start3A_148] : memref<40x144xf32, #tpu.memory_space<vmem>> -> memref<40x144xf32, #tpu.memory_space<vmem>>
      %dma_start3A_150 = arith.constant 0 : i32
      %dma_start3A_151 = tpu.memref_slice %arg7[%add3A_16, %dma_start3A_150] : memref<10000x144xf32, #tpu.memory_space<vmem_shared>> -> memref<40x144xf32, #tpu.memory_space<vmem_shared>>
      %dma_start3A_152 = arith.constant 0 : i32
      %dma_start3A_153 = tpu.memref_slice %arg7[%add3A_16, %dma_start3A_152] : memref<10000x144xf32, #tpu.memory_space<vmem_shared>> -> memref<40x144xf32, #tpu.memory_space<vmem_shared>>
      %dma_start3A_154 = arith.constant 0 : i32
      %dma_start3A_155 = arith.constant 0 : i32
      %dma_start3A_156 = tpu.memref_slice %arg17[%dma_start3A_154, %dma_start3A_155] : memref<40x144xf32, #tpu.memory_space<vmem>> -> memref<40x144xf32, #tpu.memory_space<vmem>>
      tpu.enqueue_dma source(%dma_start3A_156 : memref<40x144xf32, #tpu.memory_space<vmem>>) target(%dma_start3A_153 : memref<40x144xf32, #tpu.memory_space<vmem_shared>>) target_semaphore(%run_scoped3A : memref<!tpu.dma_semaphore, #tpu.memory_space<semaphore_mem>>)
      %dma_wait3A_157 = arith.constant 0 : i32
      %dma_wait3A_158 = arith.constant 0 : i32
      %dma_wait3A_159 = tpu.memref_slice %arg17[%dma_wait3A_157, %dma_wait3A_158] : memref<40x144xf32, #tpu.memory_space<vmem>> -> memref<40x144xf32, #tpu.memory_space<vmem>>
      %dma_wait3A_160 = arith.constant 0 : i32
      %dma_wait3A_161 = tpu.memref_slice %arg7[%add3A_16, %dma_wait3A_160] : memref<10000x144xf32, #tpu.memory_space<vmem_shared>> -> memref<40x144xf32, #tpu.memory_space<vmem_shared>>
      %dma_wait3A_162 = arith.constant 0 : i32
      %dma_wait3A_163 = tpu.memref_slice %arg7[%add3A_16, %dma_wait3A_162] : memref<10000x144xf32, #tpu.memory_space<vmem_shared>> -> memref<40x144xf32, #tpu.memory_space<vmem_shared>>
      %dma_wait3A_164 = arith.constant 0 : i32
      %dma_wait3A_165 = arith.constant 0 : i32
      %dma_wait3A_166 = tpu.memref_slice %arg17[%dma_wait3A_164, %dma_wait3A_165] : memref<40x144xf32, #tpu.memory_space<vmem>> -> memref<40x144xf32, #tpu.memory_space<vmem>>
      tpu.wait_dma2 semaphore(%run_scoped3A : memref<!tpu.dma_semaphore, #tpu.memory_space<semaphore_mem>>) src(%dma_wait3A_166 : memref<40x144xf32, #tpu.memory_space<vmem>>) dst(%dma_wait3A_163 : memref<40x144xf32, #tpu.memory_space<vmem_shared>>)
      tpu.yield
    }) : () -> ()
    %add3A_17 = arith.constant 160 : i32
    %add3A_18 = arith.addi %mul3A_8, %add3A_17 : i32
    "tpu.region"() ({
      %run_scoped3A = tpu.sem_alloc : memref<!tpu.dma_semaphore, #tpu.memory_space<semaphore_mem>>
      %dma_start3A_147 = arith.constant 0 : i32
      %dma_start3A_148 = arith.constant 0 : i32
      %dma_start3A_149 = tpu.memref_slice %arg17[%dma_start3A_147, %dma_start3A_148] : memref<40x144xf32, #tpu.memory_space<vmem>> -> memref<40x144xf32, #tpu.memory_space<vmem>>
      %dma_start3A_150 = arith.constant 0 : i32
      %dma_start3A_151 = tpu.memref_slice %arg7[%add3A_18, %dma_start3A_150] : memref<10000x144xf32, #tpu.memory_space<vmem_shared>> -> memref<40x144xf32, #tpu.memory_space<vmem_shared>>
      %dma_start3A_152 = arith.constant 0 : i32
      %dma_start3A_153 = tpu.memref_slice %arg7[%add3A_18, %dma_start3A_152] : memref<10000x144xf32, #tpu.memory_space<vmem_shared>> -> memref<40x144xf32, #tpu.memory_space<vmem_shared>>
      %dma_start3A_154 = arith.constant 0 : i32
      %dma_start3A_155 = arith.constant 0 : i32
      %dma_start3A_156 = tpu.memref_slice %arg17[%dma_start3A_154, %dma_start3A_155] : memref<40x144xf32, #tpu.memory_space<vmem>> -> memref<40x144xf32, #tpu.memory_space<vmem>>
      tpu.enqueue_dma source(%dma_start3A_156 : memref<40x144xf32, #tpu.memory_space<vmem>>) target(%dma_start3A_153 : memref<40x144xf32, #tpu.memory_space<vmem_shared>>) target_semaphore(%run_scoped3A : memref<!tpu.dma_semaphore, #tpu.memory_space<semaphore_mem>>)
      %dma_wait3A_157 = arith.constant 0 : i32
      %dma_wait3A_158 = arith.constant 0 : i32
      %dma_wait3A_159 = tpu.memref_slice %arg17[%dma_wait3A_157, %dma_wait3A_158] : memref<40x144xf32, #tpu.memory_space<vmem>> -> memref<40x144xf32, #tpu.memory_space<vmem>>
      %dma_wait3A_160 = arith.constant 0 : i32
      %dma_wait3A_161 = tpu.memref_slice %arg7[%add3A_18, %dma_wait3A_160] : memref<10000x144xf32, #tpu.memory_space<vmem_shared>> -> memref<40x144xf32, #tpu.memory_space<vmem_shared>>
      %dma_wait3A_162 = arith.constant 0 : i32
      %dma_wait3A_163 = tpu.memref_slice %arg7[%add3A_18, %dma_wait3A_162] : memref<10000x144xf32, #tpu.memory_space<vmem_shared>> -> memref<40x144xf32, #tpu.memory_space<vmem_shared>>
      %dma_wait3A_164 = arith.constant 0 : i32
      %dma_wait3A_165 = arith.constant 0 : i32
      %dma_wait3A_166 = tpu.memref_slice %arg17[%dma_wait3A_164, %dma_wait3A_165] : memref<40x144xf32, #tpu.memory_space<vmem>> -> memref<40x144xf32, #tpu.memory_space<vmem>>
      tpu.wait_dma2 semaphore(%run_scoped3A : memref<!tpu.dma_semaphore, #tpu.memory_space<semaphore_mem>>) src(%dma_wait3A_166 : memref<40x144xf32, #tpu.memory_space<vmem>>) dst(%dma_wait3A_163 : memref<40x144xf32, #tpu.memory_space<vmem_shared>>)
      tpu.yield
    }) : () -> ()
    %add3A_19 = arith.constant 200 : i32
    %add3A_20 = arith.addi %mul3A_8, %add3A_19 : i32
    "tpu.region"() ({
      %run_scoped3A = tpu.sem_alloc : memref<!tpu.dma_semaphore, #tpu.memory_space<semaphore_mem>>
      %dma_start3A_147 = arith.constant 0 : i32
      %dma_start3A_148 = arith.constant 0 : i32
      %dma_start3A_149 = tpu.memref_slice %arg17[%dma_start3A_147, %dma_start3A_148] : memref<40x144xf32, #tpu.memory_space<vmem>> -> memref<40x144xf32, #tpu.memory_space<vmem>>
      %dma_start3A_150 = arith.constant 0 : i32
      %dma_start3A_151 = tpu.memref_slice %arg7[%add3A_20, %dma_start3A_150] : memref<10000x144xf32, #tpu.memory_space<vmem_shared>> -> memref<40x144xf32, #tpu.memory_space<vmem_shared>>
      %dma_start3A_152 = arith.constant 0 : i32
      %dma_start3A_153 = tpu.memref_slice %arg7[%add3A_20, %dma_start3A_152] : memref<10000x144xf32, #tpu.memory_space<vmem_shared>> -> memref<40x144xf32, #tpu.memory_space<vmem_shared>>
      %dma_start3A_154 = arith.constant 0 : i32
      %dma_start3A_155 = arith.constant 0 : i32
      %dma_start3A_156 = tpu.memref_slice %arg17[%dma_start3A_154, %dma_start3A_155] : memref<40x144xf32, #tpu.memory_space<vmem>> -> memref<40x144xf32, #tpu.memory_space<vmem>>
      tpu.enqueue_dma source(%dma_start3A_156 : memref<40x144xf32, #tpu.memory_space<vmem>>) target(%dma_start3A_153 : memref<40x144xf32, #tpu.memory_space<vmem_shared>>) target_semaphore(%run_scoped3A : memref<!tpu.dma_semaphore, #tpu.memory_space<semaphore_mem>>)
      %dma_wait3A_157 = arith.constant 0 : i32
      %dma_wait3A_158 = arith.constant 0 : i32
      %dma_wait3A_159 = tpu.memref_slice %arg17[%dma_wait3A_157, %dma_wait3A_158] : memref<40x144xf32, #tpu.memory_space<vmem>> -> memref<40x144xf32, #tpu.memory_space<vmem>>
      %dma_wait3A_160 = arith.constant 0 : i32
      %dma_wait3A_161 = tpu.memref_slice %arg7[%add3A_20, %dma_wait3A_160] : memref<10000x144xf32, #tpu.memory_space<vmem_shared>> -> memref<40x144xf32, #tpu.memory_space<vmem_shared>>
      %dma_wait3A_162 = arith.constant 0 : i32
      %dma_wait3A_163 = tpu.memref_slice %arg7[%add3A_20, %dma_wait3A_162] : memref<10000x144xf32, #tpu.memory_space<vmem_shared>> -> memref<40x144xf32, #tpu.memory_space<vmem_shared>>
      %dma_wait3A_164 = arith.constant 0 : i32
      %dma_wait3A_165 = arith.constant 0 : i32
      %dma_wait3A_166 = tpu.memref_slice %arg17[%dma_wait3A_164, %dma_wait3A_165] : memref<40x144xf32, #tpu.memory_space<vmem>> -> memref<40x144xf32, #tpu.memory_space<vmem>>
      tpu.wait_dma2 semaphore(%run_scoped3A : memref<!tpu.dma_semaphore, #tpu.memory_space<semaphore_mem>>) src(%dma_wait3A_166 : memref<40x144xf32, #tpu.memory_space<vmem>>) dst(%dma_wait3A_163 : memref<40x144xf32, #tpu.memory_space<vmem_shared>>)
      tpu.yield
    }) : () -> ()
    %add3A_21 = arith.constant 240 : i32
    %add3A_22 = arith.addi %mul3A_8, %add3A_21 : i32
    "tpu.region"() ({
      %run_scoped3A = tpu.sem_alloc : memref<!tpu.dma_semaphore, #tpu.memory_space<semaphore_mem>>
      %dma_start3A_147 = arith.constant 0 : i32
      %dma_start3A_148 = arith.constant 0 : i32
      %dma_start3A_149 = tpu.memref_slice %arg17[%dma_start3A_147, %dma_start3A_148] : memref<40x144xf32, #tpu.memory_space<vmem>> -> memref<40x144xf32, #tpu.memory_space<vmem>>
      %dma_start3A_150 = arith.constant 0 : i32
      %dma_start3A_151 = tpu.memref_slice %arg7[%add3A_22, %dma_start3A_150] : memref<10000x144xf32, #tpu.memory_space<vmem_shared>> -> memref<40x144xf32, #tpu.memory_space<vmem_shared>>
      %dma_start3A_152 = arith.constant 0 : i32
      %dma_start3A_153 = tpu.memref_slice %arg7[%add3A_22, %dma_start3A_152] : memref<10000x144xf32, #tpu.memory_space<vmem_shared>> -> memref<40x144xf32, #tpu.memory_space<vmem_shared>>
      %dma_start3A_154 = arith.constant 0 : i32
      %dma_start3A_155 = arith.constant 0 : i32
      %dma_start3A_156 = tpu.memref_slice %arg17[%dma_start3A_154, %dma_start3A_155] : memref<40x144xf32, #tpu.memory_space<vmem>> -> memref<40x144xf32, #tpu.memory_space<vmem>>
      tpu.enqueue_dma source(%dma_start3A_156 : memref<40x144xf32, #tpu.memory_space<vmem>>) target(%dma_start3A_153 : memref<40x144xf32, #tpu.memory_space<vmem_shared>>) target_semaphore(%run_scoped3A : memref<!tpu.dma_semaphore, #tpu.memory_space<semaphore_mem>>)
      %dma_wait3A_157 = arith.constant 0 : i32
      %dma_wait3A_158 = arith.constant 0 : i32
      %dma_wait3A_159 = tpu.memref_slice %arg17[%dma_wait3A_157, %dma_wait3A_158] : memref<40x144xf32, #tpu.memory_space<vmem>> -> memref<40x144xf32, #tpu.memory_space<vmem>>
      %dma_wait3A_160 = arith.constant 0 : i32
      %dma_wait3A_161 = tpu.memref_slice %arg7[%add3A_22, %dma_wait3A_160] : memref<10000x144xf32, #tpu.memory_space<vmem_shared>> -> memref<40x144xf32, #tpu.memory_space<vmem_shared>>
      %dma_wait3A_162 = arith.constant 0 : i32
      %dma_wait3A_163 = tpu.memref_slice %arg7[%add3A_22, %dma_wait3A_162] : memref<10000x144xf32, #tpu.memory_space<vmem_shared>> -> memref<40x144xf32, #tpu.memory_space<vmem_shared>>
      %dma_wait3A_164 = arith.constant 0 : i32
      %dma_wait3A_165 = arith.constant 0 : i32
      %dma_wait3A_166 = tpu.memref_slice %arg17[%dma_wait3A_164, %dma_wait3A_165] : memref<40x144xf32, #tpu.memory_space<vmem>> -> memref<40x144xf32, #tpu.memory_space<vmem>>
      tpu.wait_dma2 semaphore(%run_scoped3A : memref<!tpu.dma_semaphore, #tpu.memory_space<semaphore_mem>>) src(%dma_wait3A_166 : memref<40x144xf32, #tpu.memory_space<vmem>>) dst(%dma_wait3A_163 : memref<40x144xf32, #tpu.memory_space<vmem_shared>>)
      tpu.yield
    }) : () -> ()
    %add3A_23 = arith.constant 280 : i32
    %add3A_24 = arith.addi %mul3A_8, %add3A_23 : i32
    "tpu.region"() ({
      %run_scoped3A = tpu.sem_alloc : memref<!tpu.dma_semaphore, #tpu.memory_space<semaphore_mem>>
      %dma_start3A_147 = arith.constant 0 : i32
      %dma_start3A_148 = arith.constant 0 : i32
      %dma_start3A_149 = tpu.memref_slice %arg17[%dma_start3A_147, %dma_start3A_148] : memref<40x144xf32, #tpu.memory_space<vmem>> -> memref<40x144xf32, #tpu.memory_space<vmem>>
      %dma_start3A_150 = arith.constant 0 : i32
      %dma_start3A_151 = tpu.memref_slice %arg7[%add3A_24, %dma_start3A_150] : memref<10000x144xf32, #tpu.memory_space<vmem_shared>> -> memref<40x144xf32, #tpu.memory_space<vmem_shared>>
      %dma_start3A_152 = arith.constant 0 : i32
      %dma_start3A_153 = tpu.memref_slice %arg7[%add3A_24, %dma_start3A_152] : memref<10000x144xf32, #tpu.memory_space<vmem_shared>> -> memref<40x144xf32, #tpu.memory_space<vmem_shared>>
      %dma_start3A_154 = arith.constant 0 : i32
      %dma_start3A_155 = arith.constant 0 : i32
      %dma_start3A_156 = tpu.memref_slice %arg17[%dma_start3A_154, %dma_start3A_155] : memref<40x144xf32, #tpu.memory_space<vmem>> -> memref<40x144xf32, #tpu.memory_space<vmem>>
      tpu.enqueue_dma source(%dma_start3A_156 : memref<40x144xf32, #tpu.memory_space<vmem>>) target(%dma_start3A_153 : memref<40x144xf32, #tpu.memory_space<vmem_shared>>) target_semaphore(%run_scoped3A : memref<!tpu.dma_semaphore, #tpu.memory_space<semaphore_mem>>)
      %dma_wait3A_157 = arith.constant 0 : i32
      %dma_wait3A_158 = arith.constant 0 : i32
      %dma_wait3A_159 = tpu.memref_slice %arg17[%dma_wait3A_157, %dma_wait3A_158] : memref<40x144xf32, #tpu.memory_space<vmem>> -> memref<40x144xf32, #tpu.memory_space<vmem>>
      %dma_wait3A_160 = arith.constant 0 : i32
      %dma_wait3A_161 = tpu.memref_slice %arg7[%add3A_24, %dma_wait3A_160] : memref<10000x144xf32, #tpu.memory_space<vmem_shared>> -> memref<40x144xf32, #tpu.memory_space<vmem_shared>>
      %dma_wait3A_162 = arith.constant 0 : i32
      %dma_wait3A_163 = tpu.memref_slice %arg7[%add3A_24, %dma_wait3A_162] : memref<10000x144xf32, #tpu.memory_space<vmem_shared>> -> memref<40x144xf32, #tpu.memory_space<vmem_shared>>
      %dma_wait3A_164 = arith.constant 0 : i32
      %dma_wait3A_165 = arith.constant 0 : i32
      %dma_wait3A_166 = tpu.memref_slice %arg17[%dma_wait3A_164, %dma_wait3A_165] : memref<40x144xf32, #tpu.memory_space<vmem>> -> memref<40x144xf32, #tpu.memory_space<vmem>>
      tpu.wait_dma2 semaphore(%run_scoped3A : memref<!tpu.dma_semaphore, #tpu.memory_space<semaphore_mem>>) src(%dma_wait3A_166 : memref<40x144xf32, #tpu.memory_space<vmem>>) dst(%dma_wait3A_163 : memref<40x144xf32, #tpu.memory_space<vmem_shared>>)
      tpu.yield
    }) : () -> ()
    %add3A_25 = arith.constant 320 : i32
    %add3A_26 = arith.addi %mul3A_8, %add3A_25 : i32
    "tpu.region"() ({
      %run_scoped3A = tpu.sem_alloc : memref<!tpu.dma_semaphore, #tpu.memory_space<semaphore_mem>>
      %dma_start3A_147 = arith.constant 0 : i32
      %dma_start3A_148 = arith.constant 0 : i32
      %dma_start3A_149 = tpu.memref_slice %arg17[%dma_start3A_147, %dma_start3A_148] : memref<40x144xf32, #tpu.memory_space<vmem>> -> memref<40x144xf32, #tpu.memory_space<vmem>>
      %dma_start3A_150 = arith.constant 0 : i32
      %dma_start3A_151 = tpu.memref_slice %arg7[%add3A_26, %dma_start3A_150] : memref<10000x144xf32, #tpu.memory_space<vmem_shared>> -> memref<40x144xf32, #tpu.memory_space<vmem_shared>>
      %dma_start3A_152 = arith.constant 0 : i32
      %dma_start3A_153 = tpu.memref_slice %arg7[%add3A_26, %dma_start3A_152] : memref<10000x144xf32, #tpu.memory_space<vmem_shared>> -> memref<40x144xf32, #tpu.memory_space<vmem_shared>>
      %dma_start3A_154 = arith.constant 0 : i32
      %dma_start3A_155 = arith.constant 0 : i32
      %dma_start3A_156 = tpu.memref_slice %arg17[%dma_start3A_154, %dma_start3A_155] : memref<40x144xf32, #tpu.memory_space<vmem>> -> memref<40x144xf32, #tpu.memory_space<vmem>>
      tpu.enqueue_dma source(%dma_start3A_156 : memref<40x144xf32, #tpu.memory_space<vmem>>) target(%dma_start3A_153 : memref<40x144xf32, #tpu.memory_space<vmem_shared>>) target_semaphore(%run_scoped3A : memref<!tpu.dma_semaphore, #tpu.memory_space<semaphore_mem>>)
      %dma_wait3A_157 = arith.constant 0 : i32
      %dma_wait3A_158 = arith.constant 0 : i32
      %dma_wait3A_159 = tpu.memref_slice %arg17[%dma_wait3A_157, %dma_wait3A_158] : memref<40x144xf32, #tpu.memory_space<vmem>> -> memref<40x144xf32, #tpu.memory_space<vmem>>
      %dma_wait3A_160 = arith.constant 0 : i32
      %dma_wait3A_161 = tpu.memref_slice %arg7[%add3A_26, %dma_wait3A_160] : memref<10000x144xf32, #tpu.memory_space<vmem_shared>> -> memref<40x144xf32, #tpu.memory_space<vmem_shared>>
      %dma_wait3A_162 = arith.constant 0 : i32
      %dma_wait3A_163 = tpu.memref_slice %arg7[%add3A_26, %dma_wait3A_162] : memref<10000x144xf32, #tpu.memory_space<vmem_shared>> -> memref<40x144xf32, #tpu.memory_space<vmem_shared>>
      %dma_wait3A_164 = arith.constant 0 : i32
      %dma_wait3A_165 = arith.constant 0 : i32
      %dma_wait3A_166 = tpu.memref_slice %arg17[%dma_wait3A_164, %dma_wait3A_165] : memref<40x144xf32, #tpu.memory_space<vmem>> -> memref<40x144xf32, #tpu.memory_space<vmem>>
      tpu.wait_dma2 semaphore(%run_scoped3A : memref<!tpu.dma_semaphore, #tpu.memory_space<semaphore_mem>>) src(%dma_wait3A_166 : memref<40x144xf32, #tpu.memory_space<vmem>>) dst(%dma_wait3A_163 : memref<40x144xf32, #tpu.memory_space<vmem_shared>>)
      tpu.yield
    }) : () -> ()
    %add3A_27 = arith.constant 360 : i32
    %add3A_28 = arith.addi %mul3A_8, %add3A_27 : i32
    "tpu.region"() ({
      %run_scoped3A = tpu.sem_alloc : memref<!tpu.dma_semaphore, #tpu.memory_space<semaphore_mem>>
      %dma_start3A_147 = arith.constant 0 : i32
      %dma_start3A_148 = arith.constant 0 : i32
      %dma_start3A_149 = tpu.memref_slice %arg17[%dma_start3A_147, %dma_start3A_148] : memref<40x144xf32, #tpu.memory_space<vmem>> -> memref<40x144xf32, #tpu.memory_space<vmem>>
      %dma_start3A_150 = arith.constant 0 : i32
      %dma_start3A_151 = tpu.memref_slice %arg7[%add3A_28, %dma_start3A_150] : memref<10000x144xf32, #tpu.memory_space<vmem_shared>> -> memref<40x144xf32, #tpu.memory_space<vmem_shared>>
      %dma_start3A_152 = arith.constant 0 : i32
      %dma_start3A_153 = tpu.memref_slice %arg7[%add3A_28, %dma_start3A_152] : memref<10000x144xf32, #tpu.memory_space<vmem_shared>> -> memref<40x144xf32, #tpu.memory_space<vmem_shared>>
      %dma_start3A_154 = arith.constant 0 : i32
      %dma_start3A_155 = arith.constant 0 : i32
      %dma_start3A_156 = tpu.memref_slice %arg17[%dma_start3A_154, %dma_start3A_155] : memref<40x144xf32, #tpu.memory_space<vmem>> -> memref<40x144xf32, #tpu.memory_space<vmem>>
      tpu.enqueue_dma source(%dma_start3A_156 : memref<40x144xf32, #tpu.memory_space<vmem>>) target(%dma_start3A_153 : memref<40x144xf32, #tpu.memory_space<vmem_shared>>) target_semaphore(%run_scoped3A : memref<!tpu.dma_semaphore, #tpu.memory_space<semaphore_mem>>)
      %dma_wait3A_157 = arith.constant 0 : i32
      %dma_wait3A_158 = arith.constant 0 : i32
      %dma_wait3A_159 = tpu.memref_slice %arg17[%dma_wait3A_157, %dma_wait3A_158] : memref<40x144xf32, #tpu.memory_space<vmem>> -> memref<40x144xf32, #tpu.memory_space<vmem>>
      %dma_wait3A_160 = arith.constant 0 : i32
      %dma_wait3A_161 = tpu.memref_slice %arg7[%add3A_28, %dma_wait3A_160] : memref<10000x144xf32, #tpu.memory_space<vmem_shared>> -> memref<40x144xf32, #tpu.memory_space<vmem_shared>>
      %dma_wait3A_162 = arith.constant 0 : i32
      %dma_wait3A_163 = tpu.memref_slice %arg7[%add3A_28, %dma_wait3A_162] : memref<10000x144xf32, #tpu.memory_space<vmem_shared>> -> memref<40x144xf32, #tpu.memory_space<vmem_shared>>
      %dma_wait3A_164 = arith.constant 0 : i32
      %dma_wait3A_165 = arith.constant 0 : i32
      %dma_wait3A_166 = tpu.memref_slice %arg17[%dma_wait3A_164, %dma_wait3A_165] : memref<40x144xf32, #tpu.memory_space<vmem>> -> memref<40x144xf32, #tpu.memory_space<vmem>>
      tpu.wait_dma2 semaphore(%run_scoped3A : memref<!tpu.dma_semaphore, #tpu.memory_space<semaphore_mem>>) src(%dma_wait3A_166 : memref<40x144xf32, #tpu.memory_space<vmem>>) dst(%dma_wait3A_163 : memref<40x144xf32, #tpu.memory_space<vmem_shared>>)
      tpu.yield
    }) : () -> ()
    %add3A_29 = arith.constant 400 : i32
    %add3A_30 = arith.addi %mul3A_8, %add3A_29 : i32
    "tpu.region"() ({
      %run_scoped3A = tpu.sem_alloc : memref<!tpu.dma_semaphore, #tpu.memory_space<semaphore_mem>>
      %dma_start3A_147 = arith.constant 0 : i32
      %dma_start3A_148 = arith.constant 0 : i32
      %dma_start3A_149 = tpu.memref_slice %arg17[%dma_start3A_147, %dma_start3A_148] : memref<40x144xf32, #tpu.memory_space<vmem>> -> memref<40x144xf32, #tpu.memory_space<vmem>>
      %dma_start3A_150 = arith.constant 0 : i32
      %dma_start3A_151 = tpu.memref_slice %arg7[%add3A_30, %dma_start3A_150] : memref<10000x144xf32, #tpu.memory_space<vmem_shared>> -> memref<40x144xf32, #tpu.memory_space<vmem_shared>>
      %dma_start3A_152 = arith.constant 0 : i32
      %dma_start3A_153 = tpu.memref_slice %arg7[%add3A_30, %dma_start3A_152] : memref<10000x144xf32, #tpu.memory_space<vmem_shared>> -> memref<40x144xf32, #tpu.memory_space<vmem_shared>>
      %dma_start3A_154 = arith.constant 0 : i32
      %dma_start3A_155 = arith.constant 0 : i32
      %dma_start3A_156 = tpu.memref_slice %arg17[%dma_start3A_154, %dma_start3A_155] : memref<40x144xf32, #tpu.memory_space<vmem>> -> memref<40x144xf32, #tpu.memory_space<vmem>>
      tpu.enqueue_dma source(%dma_start3A_156 : memref<40x144xf32, #tpu.memory_space<vmem>>) target(%dma_start3A_153 : memref<40x144xf32, #tpu.memory_space<vmem_shared>>) target_semaphore(%run_scoped3A : memref<!tpu.dma_semaphore, #tpu.memory_space<semaphore_mem>>)
      %dma_wait3A_157 = arith.constant 0 : i32
      %dma_wait3A_158 = arith.constant 0 : i32
      %dma_wait3A_159 = tpu.memref_slice %arg17[%dma_wait3A_157, %dma_wait3A_158] : memref<40x144xf32, #tpu.memory_space<vmem>> -> memref<40x144xf32, #tpu.memory_space<vmem>>
      %dma_wait3A_160 = arith.constant 0 : i32
      %dma_wait3A_161 = tpu.memref_slice %arg7[%add3A_30, %dma_wait3A_160] : memref<10000x144xf32, #tpu.memory_space<vmem_shared>> -> memref<40x144xf32, #tpu.memory_space<vmem_shared>>
      %dma_wait3A_162 = arith.constant 0 : i32
      %dma_wait3A_163 = tpu.memref_slice %arg7[%add3A_30, %dma_wait3A_162] : memref<10000x144xf32, #tpu.memory_space<vmem_shared>> -> memref<40x144xf32, #tpu.memory_space<vmem_shared>>
      %dma_wait3A_164 = arith.constant 0 : i32
      %dma_wait3A_165 = arith.constant 0 : i32
      %dma_wait3A_166 = tpu.memref_slice %arg17[%dma_wait3A_164, %dma_wait3A_165] : memref<40x144xf32, #tpu.memory_space<vmem>> -> memref<40x144xf32, #tpu.memory_space<vmem>>
      tpu.wait_dma2 semaphore(%run_scoped3A : memref<!tpu.dma_semaphore, #tpu.memory_space<semaphore_mem>>) src(%dma_wait3A_166 : memref<40x144xf32, #tpu.memory_space<vmem>>) dst(%dma_wait3A_163 : memref<40x144xf32, #tpu.memory_space<vmem_shared>>)
      tpu.yield
    }) : () -> ()
    %add3A_31 = arith.constant 440 : i32
    %add3A_32 = arith.addi %mul3A_8, %add3A_31 : i32
    "tpu.region"() ({
      %run_scoped3A = tpu.sem_alloc : memref<!tpu.dma_semaphore, #tpu.memory_space<semaphore_mem>>
      %dma_start3A_147 = arith.constant 0 : i32
      %dma_start3A_148 = arith.constant 0 : i32
      %dma_start3A_149 = tpu.memref_slice %arg17[%dma_start3A_147, %dma_start3A_148] : memref<40x144xf32, #tpu.memory_space<vmem>> -> memref<40x144xf32, #tpu.memory_space<vmem>>
      %dma_start3A_150 = arith.constant 0 : i32
      %dma_start3A_151 = tpu.memref_slice %arg7[%add3A_32, %dma_start3A_150] : memref<10000x144xf32, #tpu.memory_space<vmem_shared>> -> memref<40x144xf32, #tpu.memory_space<vmem_shared>>
      %dma_start3A_152 = arith.constant 0 : i32
      %dma_start3A_153 = tpu.memref_slice %arg7[%add3A_32, %dma_start3A_152] : memref<10000x144xf32, #tpu.memory_space<vmem_shared>> -> memref<40x144xf32, #tpu.memory_space<vmem_shared>>
      %dma_start3A_154 = arith.constant 0 : i32
      %dma_start3A_155 = arith.constant 0 : i32
      %dma_start3A_156 = tpu.memref_slice %arg17[%dma_start3A_154, %dma_start3A_155] : memref<40x144xf32, #tpu.memory_space<vmem>> -> memref<40x144xf32, #tpu.memory_space<vmem>>
      tpu.enqueue_dma source(%dma_start3A_156 : memref<40x144xf32, #tpu.memory_space<vmem>>) target(%dma_start3A_153 : memref<40x144xf32, #tpu.memory_space<vmem_shared>>) target_semaphore(%run_scoped3A : memref<!tpu.dma_semaphore, #tpu.memory_space<semaphore_mem>>)
      %dma_wait3A_157 = arith.constant 0 : i32
      %dma_wait3A_158 = arith.constant 0 : i32
      %dma_wait3A_159 = tpu.memref_slice %arg17[%dma_wait3A_157, %dma_wait3A_158] : memref<40x144xf32, #tpu.memory_space<vmem>> -> memref<40x144xf32, #tpu.memory_space<vmem>>
      %dma_wait3A_160 = arith.constant 0 : i32
      %dma_wait3A_161 = tpu.memref_slice %arg7[%add3A_32, %dma_wait3A_160] : memref<10000x144xf32, #tpu.memory_space<vmem_shared>> -> memref<40x144xf32, #tpu.memory_space<vmem_shared>>
      %dma_wait3A_162 = arith.constant 0 : i32
      %dma_wait3A_163 = tpu.memref_slice %arg7[%add3A_32, %dma_wait3A_162] : memref<10000x144xf32, #tpu.memory_space<vmem_shared>> -> memref<40x144xf32, #tpu.memory_space<vmem_shared>>
      %dma_wait3A_164 = arith.constant 0 : i32
      %dma_wait3A_165 = arith.constant 0 : i32
      %dma_wait3A_166 = tpu.memref_slice %arg17[%dma_wait3A_164, %dma_wait3A_165] : memref<40x144xf32, #tpu.memory_space<vmem>> -> memref<40x144xf32, #tpu.memory_space<vmem>>
      tpu.wait_dma2 semaphore(%run_scoped3A : memref<!tpu.dma_semaphore, #tpu.memory_space<semaphore_mem>>) src(%dma_wait3A_166 : memref<40x144xf32, #tpu.memory_space<vmem>>) dst(%dma_wait3A_163 : memref<40x144xf32, #tpu.memory_space<vmem_shared>>)
      tpu.yield
    }) : () -> ()
    %add3A_33 = arith.constant 480 : i32
    %add3A_34 = arith.addi %mul3A_8, %add3A_33 : i32
    "tpu.region"() ({
      %run_scoped3A = tpu.sem_alloc : memref<!tpu.dma_semaphore, #tpu.memory_space<semaphore_mem>>
      %dma_start3A_147 = arith.constant 0 : i32
      %dma_start3A_148 = arith.constant 0 : i32
      %dma_start3A_149 = tpu.memref_slice %arg17[%dma_start3A_147, %dma_start3A_148] : memref<40x144xf32, #tpu.memory_space<vmem>> -> memref<40x144xf32, #tpu.memory_space<vmem>>
      %dma_start3A_150 = arith.constant 0 : i32
      %dma_start3A_151 = tpu.memref_slice %arg7[%add3A_34, %dma_start3A_150] : memref<10000x144xf32, #tpu.memory_space<vmem_shared>> -> memref<40x144xf32, #tpu.memory_space<vmem_shared>>
      %dma_start3A_152 = arith.constant 0 : i32
      %dma_start3A_153 = tpu.memref_slice %arg7[%add3A_34, %dma_start3A_152] : memref<10000x144xf32, #tpu.memory_space<vmem_shared>> -> memref<40x144xf32, #tpu.memory_space<vmem_shared>>
      %dma_start3A_154 = arith.constant 0 : i32
      %dma_start3A_155 = arith.constant 0 : i32
      %dma_start3A_156 = tpu.memref_slice %arg17[%dma_start3A_154, %dma_start3A_155] : memref<40x144xf32, #tpu.memory_space<vmem>> -> memref<40x144xf32, #tpu.memory_space<vmem>>
      tpu.enqueue_dma source(%dma_start3A_156 : memref<40x144xf32, #tpu.memory_space<vmem>>) target(%dma_start3A_153 : memref<40x144xf32, #tpu.memory_space<vmem_shared>>) target_semaphore(%run_scoped3A : memref<!tpu.dma_semaphore, #tpu.memory_space<semaphore_mem>>)
      %dma_wait3A_157 = arith.constant 0 : i32
      %dma_wait3A_158 = arith.constant 0 : i32
      %dma_wait3A_159 = tpu.memref_slice %arg17[%dma_wait3A_157, %dma_wait3A_158] : memref<40x144xf32, #tpu.memory_space<vmem>> -> memref<40x144xf32, #tpu.memory_space<vmem>>
      %dma_wait3A_160 = arith.constant 0 : i32
      %dma_wait3A_161 = tpu.memref_slice %arg7[%add3A_34, %dma_wait3A_160] : memref<10000x144xf32, #tpu.memory_space<vmem_shared>> -> memref<40x144xf32, #tpu.memory_space<vmem_shared>>
      %dma_wait3A_162 = arith.constant 0 : i32
      %dma_wait3A_163 = tpu.memref_slice %arg7[%add3A_34, %dma_wait3A_162] : memref<10000x144xf32, #tpu.memory_space<vmem_shared>> -> memref<40x144xf32, #tpu.memory_space<vmem_shared>>
      %dma_wait3A_164 = arith.constant 0 : i32
      %dma_wait3A_165 = arith.constant 0 : i32
      %dma_wait3A_166 = tpu.memref_slice %arg17[%dma_wait3A_164, %dma_wait3A_165] : memref<40x144xf32, #tpu.memory_space<vmem>> -> memref<40x144xf32, #tpu.memory_space<vmem>>
      tpu.wait_dma2 semaphore(%run_scoped3A : memref<!tpu.dma_semaphore, #tpu.memory_space<semaphore_mem>>) src(%dma_wait3A_166 : memref<40x144xf32, #tpu.memory_space<vmem>>) dst(%dma_wait3A_163 : memref<40x144xf32, #tpu.memory_space<vmem_shared>>)
      tpu.yield
    }) : () -> ()
    %add3A_35 = arith.constant 520 : i32
    %add3A_36 = arith.addi %mul3A_8, %add3A_35 : i32
    "tpu.region"() ({
      %run_scoped3A = tpu.sem_alloc : memref<!tpu.dma_semaphore, #tpu.memory_space<semaphore_mem>>
      %dma_start3A_147 = arith.constant 0 : i32
      %dma_start3A_148 = arith.constant 0 : i32
      %dma_start3A_149 = tpu.memref_slice %arg17[%dma_start3A_147, %dma_start3A_148] : memref<40x144xf32, #tpu.memory_space<vmem>> -> memref<40x144xf32, #tpu.memory_space<vmem>>
      %dma_start3A_150 = arith.constant 0 : i32
      %dma_start3A_151 = tpu.memref_slice %arg7[%add3A_36, %dma_start3A_150] : memref<10000x144xf32, #tpu.memory_space<vmem_shared>> -> memref<40x144xf32, #tpu.memory_space<vmem_shared>>
      %dma_start3A_152 = arith.constant 0 : i32
      %dma_start3A_153 = tpu.memref_slice %arg7[%add3A_36, %dma_start3A_152] : memref<10000x144xf32, #tpu.memory_space<vmem_shared>> -> memref<40x144xf32, #tpu.memory_space<vmem_shared>>
      %dma_start3A_154 = arith.constant 0 : i32
      %dma_start3A_155 = arith.constant 0 : i32
      %dma_start3A_156 = tpu.memref_slice %arg17[%dma_start3A_154, %dma_start3A_155] : memref<40x144xf32, #tpu.memory_space<vmem>> -> memref<40x144xf32, #tpu.memory_space<vmem>>
      tpu.enqueue_dma source(%dma_start3A_156 : memref<40x144xf32, #tpu.memory_space<vmem>>) target(%dma_start3A_153 : memref<40x144xf32, #tpu.memory_space<vmem_shared>>) target_semaphore(%run_scoped3A : memref<!tpu.dma_semaphore, #tpu.memory_space<semaphore_mem>>)
      %dma_wait3A_157 = arith.constant 0 : i32
      %dma_wait3A_158 = arith.constant 0 : i32
      %dma_wait3A_159 = tpu.memref_slice %arg17[%dma_wait3A_157, %dma_wait3A_158] : memref<40x144xf32, #tpu.memory_space<vmem>> -> memref<40x144xf32, #tpu.memory_space<vmem>>
      %dma_wait3A_160 = arith.constant 0 : i32
      %dma_wait3A_161 = tpu.memref_slice %arg7[%add3A_36, %dma_wait3A_160] : memref<10000x144xf32, #tpu.memory_space<vmem_shared>> -> memref<40x144xf32, #tpu.memory_space<vmem_shared>>
      %dma_wait3A_162 = arith.constant 0 : i32
      %dma_wait3A_163 = tpu.memref_slice %arg7[%add3A_36, %dma_wait3A_162] : memref<10000x144xf32, #tpu.memory_space<vmem_shared>> -> memref<40x144xf32, #tpu.memory_space<vmem_shared>>
      %dma_wait3A_164 = arith.constant 0 : i32
      %dma_wait3A_165 = arith.constant 0 : i32
      %dma_wait3A_166 = tpu.memref_slice %arg17[%dma_wait3A_164, %dma_wait3A_165] : memref<40x144xf32, #tpu.memory_space<vmem>> -> memref<40x144xf32, #tpu.memory_space<vmem>>
      tpu.wait_dma2 semaphore(%run_scoped3A : memref<!tpu.dma_semaphore, #tpu.memory_space<semaphore_mem>>) src(%dma_wait3A_166 : memref<40x144xf32, #tpu.memory_space<vmem>>) dst(%dma_wait3A_163 : memref<40x144xf32, #tpu.memory_space<vmem_shared>>)
      tpu.yield
    }) : () -> ()
    %add3A_37 = arith.constant 560 : i32
    %add3A_38 = arith.addi %mul3A_8, %add3A_37 : i32
    "tpu.region"() ({
      %run_scoped3A = tpu.sem_alloc : memref<!tpu.dma_semaphore, #tpu.memory_space<semaphore_mem>>
      %dma_start3A_147 = arith.constant 0 : i32
      %dma_start3A_148 = arith.constant 0 : i32
      %dma_start3A_149 = tpu.memref_slice %arg17[%dma_start3A_147, %dma_start3A_148] : memref<40x144xf32, #tpu.memory_space<vmem>> -> memref<40x144xf32, #tpu.memory_space<vmem>>
      %dma_start3A_150 = arith.constant 0 : i32
      %dma_start3A_151 = tpu.memref_slice %arg7[%add3A_38, %dma_start3A_150] : memref<10000x144xf32, #tpu.memory_space<vmem_shared>> -> memref<40x144xf32, #tpu.memory_space<vmem_shared>>
      %dma_start3A_152 = arith.constant 0 : i32
      %dma_start3A_153 = tpu.memref_slice %arg7[%add3A_38, %dma_start3A_152] : memref<10000x144xf32, #tpu.memory_space<vmem_shared>> -> memref<40x144xf32, #tpu.memory_space<vmem_shared>>
      %dma_start3A_154 = arith.constant 0 : i32
      %dma_start3A_155 = arith.constant 0 : i32
      %dma_start3A_156 = tpu.memref_slice %arg17[%dma_start3A_154, %dma_start3A_155] : memref<40x144xf32, #tpu.memory_space<vmem>> -> memref<40x144xf32, #tpu.memory_space<vmem>>
      tpu.enqueue_dma source(%dma_start3A_156 : memref<40x144xf32, #tpu.memory_space<vmem>>) target(%dma_start3A_153 : memref<40x144xf32, #tpu.memory_space<vmem_shared>>) target_semaphore(%run_scoped3A : memref<!tpu.dma_semaphore, #tpu.memory_space<semaphore_mem>>)
      %dma_wait3A_157 = arith.constant 0 : i32
      %dma_wait3A_158 = arith.constant 0 : i32
      %dma_wait3A_159 = tpu.memref_slice %arg17[%dma_wait3A_157, %dma_wait3A_158] : memref<40x144xf32, #tpu.memory_space<vmem>> -> memref<40x144xf32, #tpu.memory_space<vmem>>
      %dma_wait3A_160 = arith.constant 0 : i32
      %dma_wait3A_161 = tpu.memref_slice %arg7[%add3A_38, %dma_wait3A_160] : memref<10000x144xf32, #tpu.memory_space<vmem_shared>> -> memref<40x144xf32, #tpu.memory_space<vmem_shared>>
      %dma_wait3A_162 = arith.constant 0 : i32
      %dma_wait3A_163 = tpu.memref_slice %arg7[%add3A_38, %dma_wait3A_162] : memref<10000x144xf32, #tpu.memory_space<vmem_shared>> -> memref<40x144xf32, #tpu.memory_space<vmem_shared>>
      %dma_wait3A_164 = arith.constant 0 : i32
      %dma_wait3A_165 = arith.constant 0 : i32
      %dma_wait3A_166 = tpu.memref_slice %arg17[%dma_wait3A_164, %dma_wait3A_165] : memref<40x144xf32, #tpu.memory_space<vmem>> -> memref<40x144xf32, #tpu.memory_space<vmem>>
      tpu.wait_dma2 semaphore(%run_scoped3A : memref<!tpu.dma_semaphore, #tpu.memory_space<semaphore_mem>>) src(%dma_wait3A_166 : memref<40x144xf32, #tpu.memory_space<vmem>>) dst(%dma_wait3A_163 : memref<40x144xf32, #tpu.memory_space<vmem_shared>>)
      tpu.yield
    }) : () -> ()
    %add3A_39 = arith.constant 600 : i32
    %add3A_40 = arith.addi %mul3A_8, %add3A_39 : i32
    "tpu.region"() ({
      %run_scoped3A = tpu.sem_alloc : memref<!tpu.dma_semaphore, #tpu.memory_space<semaphore_mem>>
      %dma_start3A_147 = arith.constant 0 : i32
      %dma_start3A_148 = arith.constant 0 : i32
      %dma_start3A_149 = tpu.memref_slice %arg17[%dma_start3A_147, %dma_start3A_148] : memref<40x144xf32, #tpu.memory_space<vmem>> -> memref<24x144xf32, #tpu.memory_space<vmem>>
      %dma_start3A_150 = arith.constant 0 : i32
      %dma_start3A_151 = tpu.memref_slice %arg7[%add3A_40, %dma_start3A_150] : memref<10000x144xf32, #tpu.memory_space<vmem_shared>> -> memref<24x144xf32, #tpu.memory_space<vmem_shared>>
      %dma_start3A_152 = arith.constant 0 : i32
      %dma_start3A_153 = tpu.memref_slice %arg7[%add3A_40, %dma_start3A_152] : memref<10000x144xf32, #tpu.memory_space<vmem_shared>> -> memref<24x144xf32, #tpu.memory_space<vmem_shared>>
      %dma_start3A_154 = arith.constant 0 : i32
      %dma_start3A_155 = arith.constant 0 : i32
      %dma_start3A_156 = tpu.memref_slice %arg17[%dma_start3A_154, %dma_start3A_155] : memref<40x144xf32, #tpu.memory_space<vmem>> -> memref<24x144xf32, #tpu.memory_space<vmem>>
      tpu.enqueue_dma source(%dma_start3A_156 : memref<24x144xf32, #tpu.memory_space<vmem>>) target(%dma_start3A_153 : memref<24x144xf32, #tpu.memory_space<vmem_shared>>) target_semaphore(%run_scoped3A : memref<!tpu.dma_semaphore, #tpu.memory_space<semaphore_mem>>)
      %dma_wait3A_157 = arith.constant 0 : i32
      %dma_wait3A_158 = arith.constant 0 : i32
      %dma_wait3A_159 = tpu.memref_slice %arg17[%dma_wait3A_157, %dma_wait3A_158] : memref<40x144xf32, #tpu.memory_space<vmem>> -> memref<24x144xf32, #tpu.memory_space<vmem>>
      %dma_wait3A_160 = arith.constant 0 : i32
      %dma_wait3A_161 = tpu.memref_slice %arg7[%add3A_40, %dma_wait3A_160] : memref<10000x144xf32, #tpu.memory_space<vmem_shared>> -> memref<24x144xf32, #tpu.memory_space<vmem_shared>>
      %dma_wait3A_162 = arith.constant 0 : i32
      %dma_wait3A_163 = tpu.memref_slice %arg7[%add3A_40, %dma_wait3A_162] : memref<10000x144xf32, #tpu.memory_space<vmem_shared>> -> memref<24x144xf32, #tpu.memory_space<vmem_shared>>
      %dma_wait3A_164 = arith.constant 0 : i32
      %dma_wait3A_165 = arith.constant 0 : i32
      %dma_wait3A_166 = tpu.memref_slice %arg17[%dma_wait3A_164, %dma_wait3A_165] : memref<40x144xf32, #tpu.memory_space<vmem>> -> memref<24x144xf32, #tpu.memory_space<vmem>>
      tpu.wait_dma2 semaphore(%run_scoped3A : memref<!tpu.dma_semaphore, #tpu.memory_space<semaphore_mem>>) src(%dma_wait3A_166 : memref<24x144xf32, #tpu.memory_space<vmem>>) dst(%dma_wait3A_163 : memref<24x144xf32, #tpu.memory_space<vmem_shared>>)
      tpu.yield
    }) : () -> ()
    %eq3A = arith.constant 15 : i32
    %eq3A_41 = arith.cmpi eq, %arg1, %eq3A : i32
    %convert_element_type3A = arith.extui %eq3A_41 : i1 to i32
    %cond3A = arith.constant 0 : i32
    %cond3A_42 = arith.cmpi ne, %convert_element_type3A, %cond3A : i32
    scf.if %cond3A_42 {
      "tpu.region"() ({
        %run_scoped3A = tpu.sem_alloc : memref<!tpu.dma_semaphore, #tpu.memory_space<semaphore_mem>>
        %dma_start3A_147 = arith.constant 0 : i32
        %dma_start3A_148 = arith.constant 0 : i32
        %dma_start3A_149 = tpu.memref_slice %arg17[%dma_start3A_147, %dma_start3A_148] : memref<40x144xf32, #tpu.memory_space<vmem>> -> memref<16x144xf32, #tpu.memory_space<vmem>>
        %dma_start3A_150 = arith.constant 9984 : i32
        %dma_start3A_151 = arith.constant 0 : i32
        %dma_start3A_152 = tpu.memref_slice %arg7[%dma_start3A_150, %dma_start3A_151] : memref<10000x144xf32, #tpu.memory_space<vmem_shared>> -> memref<16x144xf32, #tpu.memory_space<vmem_shared>>
        %dma_start3A_153 = arith.constant 9984 : i32
        %dma_start3A_154 = arith.constant 0 : i32
        %dma_start3A_155 = tpu.memref_slice %arg7[%dma_start3A_153, %dma_start3A_154] : memref<10000x144xf32, #tpu.memory_space<vmem_shared>> -> memref<16x144xf32, #tpu.memory_space<vmem_shared>>
        %dma_start3A_156 = arith.constant 0 : i32
        %dma_start3A_157 = arith.constant 0 : i32
        %dma_start3A_158 = tpu.memref_slice %arg17[%dma_start3A_156, %dma_start3A_157] : memref<40x144xf32, #tpu.memory_space<vmem>> -> memref<16x144xf32, #tpu.memory_space<vmem>>
        tpu.enqueue_dma source(%dma_start3A_158 : memref<16x144xf32, #tpu.memory_space<vmem>>) target(%dma_start3A_155 : memref<16x144xf32, #tpu.memory_space<vmem_shared>>) target_semaphore(%run_scoped3A : memref<!tpu.dma_semaphore, #tpu.memory_space<semaphore_mem>>)
        %dma_wait3A_159 = arith.constant 0 : i32
        %dma_wait3A_160 = arith.constant 0 : i32
        %dma_wait3A_161 = tpu.memref_slice %arg17[%dma_wait3A_159, %dma_wait3A_160] : memref<40x144xf32, #tpu.memory_space<vmem>> -> memref<16x144xf32, #tpu.memory_space<vmem>>
        %dma_wait3A_162 = arith.constant 9984 : i32
        %dma_wait3A_163 = arith.constant 0 : i32
        %dma_wait3A_164 = tpu.memref_slice %arg7[%dma_wait3A_162, %dma_wait3A_163] : memref<10000x144xf32, #tpu.memory_space<vmem_shared>> -> memref<16x144xf32, #tpu.memory_space<vmem_shared>>
        %dma_wait3A_165 = arith.constant 9984 : i32
        %dma_wait3A_166 = arith.constant 0 : i32
        %dma_wait3A_167 = tpu.memref_slice %arg7[%dma_wait3A_165, %dma_wait3A_166] : memref<10000x144xf32, #tpu.memory_space<vmem_shared>> -> memref<16x144xf32, #tpu.memory_space<vmem_shared>>
        %dma_wait3A_168 = arith.constant 0 : i32
        %dma_wait3A_169 = arith.constant 0 : i32
        %dma_wait3A_170 = tpu.memref_slice %arg17[%dma_wait3A_168, %dma_wait3A_169] : memref<40x144xf32, #tpu.memory_space<vmem>> -> memref<16x144xf32, #tpu.memory_space<vmem>>
        tpu.wait_dma2 semaphore(%run_scoped3A : memref<!tpu.dma_semaphore, #tpu.memory_space<semaphore_mem>>) src(%dma_wait3A_170 : memref<16x144xf32, #tpu.memory_space<vmem>>) dst(%dma_wait3A_167 : memref<16x144xf32, #tpu.memory_space<vmem_shared>>)
        tpu.yield
      }) : () -> ()
    } else {
    }
    %barrier3A = arith.constant 0 : index
    tpu.barrier barrier_id(%barrier3A)
    "tpu.region"() ({
      %run_scoped3A = tpu.sem_alloc : memref<!tpu.dma_semaphore, #tpu.memory_space<semaphore_mem>>
      tpu.enqueue_dma source(%arg5 : memref<128xf32, #tpu.memory_space<hbm>>) target(%arg18 : memref<128xf32, #tpu.memory_space<vmem>>) target_semaphore(%run_scoped3A : memref<!tpu.dma_semaphore, #tpu.memory_space<semaphore_mem>>)
      tpu.wait_dma2 semaphore(%run_scoped3A : memref<!tpu.dma_semaphore, #tpu.memory_space<semaphore_mem>>) src(%arg5 : memref<128xf32, #tpu.memory_space<hbm>>) dst(%arg18 : memref<128xf32, #tpu.memory_space<vmem>>)
      tpu.yield
    }) : () -> ()
    %get3A = arith.constant 0 : index
    %get3A_43 = tpu.vector_load %arg18[%get3A] {strides = array<i32>} : memref<128xf32, #tpu.memory_space<vmem>>, vector<16xf32>,
    %get3A_44 = arith.constant 16 : index
    %get3A_45 = tpu.vector_load %arg18[%get3A_44] {strides = array<i32>} : memref<128xf32, #tpu.memory_space<vmem>>, vector<16xf32>,
    %get3A_46 = arith.constant 32 : index
    %get3A_47 = tpu.vector_load %arg18[%get3A_46] {strides = array<i32>} : memref<128xf32, #tpu.memory_space<vmem>>, vector<16xf32>,
    %get3A_48 = arith.constant 48 : index
    %get3A_49 = tpu.vector_load %arg18[%get3A_48] {strides = array<i32>} : memref<128xf32, #tpu.memory_space<vmem>>, vector<16xf32>,
    %get3A_50 = arith.constant 64 : index
    %get3A_51 = tpu.vector_load %arg18[%get3A_50] {strides = array<i32>} : memref<128xf32, #tpu.memory_space<vmem>>, vector<16xf32>,
    %get3A_52 = arith.constant 80 : index
    %get3A_53 = tpu.vector_load %arg18[%get3A_52] {strides = array<i32>} : memref<128xf32, #tpu.memory_space<vmem>>, vector<16xf32>,
    %get3A_54 = arith.constant 96 : index
    %get3A_55 = tpu.vector_load %arg18[%get3A_54] {strides = array<i32>} : memref<128xf32, #tpu.memory_space<vmem>>, vector<16xf32>,
    %get3A_56 = arith.constant 112 : index
    %get3A_57 = tpu.vector_load %arg18[%get3A_56] {strides = array<i32>} : memref<128xf32, #tpu.memory_space<vmem>>, vector<16xf32>,
    %iota3A = tpu.iota {dimensions = array<i32: 0>} : vector<16xi32>
    %add3A_58 = arith.constant 0 : i32
    %add3A_59 = arith.addi %add3A, %add3A_58 : i32
    %mul3A_60 = arith.constant 40 : i32
    %mul3A_61 = arith.muli %add3A_59, %mul3A_60 : i32
    %dma_start3A = arith.constant 0 : i32
    %dma_start3A_62 = tpu.memref_slice %arg3[%dma_start3A, %mul3A_61] : memref<2x320000xi32, #tpu.memory_space<hbm>> -> memref<2x40xi32, #tpu.memory_space<hbm>>
    %dma_start3A_63 = arith.constant 0 : i32
    %dma_start3A_64 = tpu.memref_slice %arg3[%dma_start3A_63, %mul3A_61] : memref<2x320000xi32, #tpu.memory_space<hbm>> -> memref<2x40xi32, #tpu.memory_space<hbm>>
    tpu.enqueue_dma source(%dma_start3A_64 : memref<2x40xi32, #tpu.memory_space<hbm>>) target(%arg8 : memref<2x40xi32, #tpu.memory_space<vmem>>) target_semaphore(%arg19 : memref<!tpu.dma_semaphore, #tpu.memory_space<semaphore_mem>>)
    %add3A_65 = arith.constant 32 : i32
    %add3A_66 = arith.addi %add3A, %add3A_65 : i32
    %mul3A_67 = arith.constant 40 : i32
    %mul3A_68 = arith.muli %add3A_66, %mul3A_67 : i32
    %dma_start3A_69 = arith.constant 0 : i32
    %dma_start3A_70 = tpu.memref_slice %arg3[%dma_start3A_69, %mul3A_68] : memref<2x320000xi32, #tpu.memory_space<hbm>> -> memref<2x40xi32, #tpu.memory_space<hbm>>
    %dma_start3A_71 = arith.constant 0 : i32
    %dma_start3A_72 = tpu.memref_slice %arg3[%dma_start3A_71, %mul3A_68] : memref<2x320000xi32, #tpu.memory_space<hbm>> -> memref<2x40xi32, #tpu.memory_space<hbm>>
    tpu.enqueue_dma source(%dma_start3A_72 : memref<2x40xi32, #tpu.memory_space<hbm>>) target(%arg9 : memref<2x40xi32, #tpu.memory_space<vmem>>) target_semaphore(%arg20 : memref<!tpu.dma_semaphore, #tpu.memory_space<semaphore_mem>>)
    %dma_wait3A = arith.constant 0 : i32
    %dma_wait3A_73 = arith.constant 0 : i32
    %dma_wait3A_74 = tpu.memref_slice %arg3[%dma_wait3A, %dma_wait3A_73] : memref<2x320000xi32, #tpu.memory_space<hbm>> -> memref<2x40xi32, #tpu.memory_space<hbm>>
    %dma_wait3A_75 = arith.constant 0 : i32
    %dma_wait3A_76 = arith.constant 0 : i32
    %dma_wait3A_77 = tpu.memref_slice %arg3[%dma_wait3A_75, %dma_wait3A_76] : memref<2x320000xi32, #tpu.memory_space<hbm>> -> memref<2x40xi32, #tpu.memory_space<hbm>>
    tpu.wait_dma2 semaphore(%arg19 : memref<!tpu.dma_semaphore, #tpu.memory_space<semaphore_mem>>) src(%dma_wait3A_77 : memref<2x40xi32, #tpu.memory_space<hbm>>) dst(%arg8 : memref<2x40xi32, #tpu.memory_space<vmem>>)
    %add3A_78 = arith.constant 0 : i32
    %add3A_79 = arith.addi %add3A, %add3A_78 : i32
    %mul3A_80 = arith.constant 40 : i32
    %mul3A_81 = arith.muli %add3A_79, %mul3A_80 : i32
    %dma_start3A_82 = arith.constant 0 : i32
    %dma_start3A_83 = arith.constant 0 : i32
    %dma_start3A_84 = tpu.memref_slice %arg8[%dma_start3A_82, %dma_start3A_83] : memref<2x40xi32, #tpu.memory_space<vmem>> -> memref<1x40xi32, #tpu.memory_space<vmem>>
    %dma_start3A_85 = tpu.memref_squeeze %dma_start3A_84 : memref<1x40xi32, #tpu.memory_space<vmem>> -> memref<40xi32, #tpu.memory_space<vmem>>
    %dma_start3A_86 = arith.constant 0 : i32
    %dma_start3A_87 = arith.constant 0 : i32
    %dma_start3A_88 = tpu.memref_slice %arg2[%dma_start3A_86, %dma_start3A_87] : memref<10000x144xf32, #tpu.memory_space<hbm>> -> memref<10000x144xf32, #tpu.memory_space<hbm>>
    tpu.enqueue_indirect_dma source(%dma_start3A_88 : memref<10000x144xf32, #tpu.memory_space<hbm>>) target(%arg11 : memref<40x144xf32, #tpu.memory_space<vmem>>) offsets(%dma_start3A_85 : memref<40xi32, #tpu.memory_space<vmem>>) semaphore(%arg21 : memref<!tpu.dma_semaphore, #tpu.memory_space<semaphore_mem>>)
    %dma_start3A_89 = arith.constant 1 : i32
    %dma_start3A_90 = arith.constant 0 : i32
    %dma_start3A_91 = tpu.memref_slice %arg8[%dma_start3A_89, %dma_start3A_90] : memref<2x40xi32, #tpu.memory_space<vmem>> -> memref<1x40xi32, #tpu.memory_space<vmem>>
    %dma_start3A_92 = tpu.memref_squeeze %dma_start3A_91 : memref<1x40xi32, #tpu.memory_space<vmem>> -> memref<40xi32, #tpu.memory_space<vmem>>
    %dma_start3A_93 = arith.constant 0 : i32
    %dma_start3A_94 = arith.constant 0 : i32
    %dma_start3A_95 = tpu.memref_slice %arg2[%dma_start3A_93, %dma_start3A_94] : memref<10000x144xf32, #tpu.memory_space<hbm>> -> memref<10000x144xf32, #tpu.memory_space<hbm>>
    tpu.enqueue_indirect_dma source(%dma_start3A_95 : memref<10000x144xf32, #tpu.memory_space<hbm>>) target(%arg13 : memref<40x144xf32, #tpu.memory_space<vmem>>) offsets(%dma_start3A_92 : memref<40xi32, #tpu.memory_space<vmem>>) semaphore(%arg23 : memref<!tpu.dma_semaphore, #tpu.memory_space<semaphore_mem>>)
    %dma_start3A_96 = arith.constant 0 : i32
    %dma_start3A_97 = tpu.memref_slice %arg4[%mul3A_81, %dma_start3A_96] : memref<320000x128xf32, #tpu.memory_space<hbm>> -> memref<40x128xf32, #tpu.memory_space<hbm>>
    %dma_start3A_98 = arith.constant 0 : i32
    %dma_start3A_99 = tpu.memref_slice %arg4[%mul3A_81, %dma_start3A_98] : memref<320000x128xf32, #tpu.memory_space<hbm>> -> memref<40x128xf32, #tpu.memory_space<hbm>>
    tpu.enqueue_dma source(%dma_start3A_99 : memref<40x128xf32, #tpu.memory_space<hbm>>) target(%arg15 : memref<40x128xf32, #tpu.memory_space<vmem>>) target_semaphore(%arg25 : memref<!tpu.dma_semaphore, #tpu.memory_space<semaphore_mem>>)
    %scan3A_100 = arith.constant 0 : i32
    %scan3A_101 = arith.constant 0 : i32
    %scan3A_102 = arith.constant 125 : i32
    %scan3A_103 = arith.addi %scan3A_101, %scan3A_102 : i32
    %scan3A_104 = arith.constant 1 : i32
    scf.for %scan3A_147 = %scan3A_101 to %scan3A_103 step %scan3A_104  : i32 {
      %mul3A_148 = arith.constant 2 : i32
      %mul3A_149 = arith.muli %mul3A_148, %scan3A_147 : i32
      %add3A_150 = arith.constant 1 : i32
      %add3A_151 = arith.addi %mul3A_149, %add3A_150 : i32
      %lt3A = arith.constant 250 : i32
      %lt3A_152 = arith.cmpi slt, %add3A_151, %lt3A : i32
      %convert_element_type3A_153 = arith.extui %lt3A_152 : i1 to i32
      %cond3A_154 = arith.constant 0 : i32
      %cond3A_155 = arith.cmpi ne, %convert_element_type3A_153, %cond3A_154 : i32
      scf.if %cond3A_155 {
        %dma_wait3A_283 = arith.constant 0 : i32
        %dma_wait3A_284 = arith.constant 0 : i32
        %dma_wait3A_285 = tpu.memref_slice %arg3[%dma_wait3A_283, %dma_wait3A_284] : memref<2x320000xi32, #tpu.memory_space<hbm>> -> memref<2x40xi32, #tpu.memory_space<hbm>>
        %dma_wait3A_286 = arith.constant 0 : i32
        %dma_wait3A_287 = arith.constant 0 : i32
        %dma_wait3A_288 = tpu.memref_slice %arg3[%dma_wait3A_286, %dma_wait3A_287] : memref<2x320000xi32, #tpu.memory_space<hbm>> -> memref<2x40xi32, #tpu.memory_space<hbm>>
        tpu.wait_dma2 semaphore(%arg20 : memref<!tpu.dma_semaphore, #tpu.memory_space<semaphore_mem>>) src(%dma_wait3A_288 : memref<2x40xi32, #tpu.memory_space<hbm>>) dst(%arg9 : memref<2x40xi32, #tpu.memory_space<vmem>>)
        %add3A_289 = arith.constant 1 : i32
        %add3A_290 = arith.addi %mul3A_149, %add3A_289 : i32
        %mul3A_291 = arith.constant 32 : i32
        %mul3A_292 = arith.muli %mul3A_291, %add3A_290 : i32
        %add3A_293 = arith.addi %add3A, %mul3A_292 : i32
        %mul3A_294 = arith.constant 40 : i32
        %mul3A_295 = arith.muli %add3A_293, %mul3A_294 : i32
        %dma_start3A_296 = arith.constant 0 : i32
        %dma_start3A_297 = arith.constant 0 : i32
        %dma_start3A_298 = tpu.memref_slice %arg9[%dma_start3A_296, %dma_start3A_297] : memref<2x40xi32, #tpu.memory_space<vmem>> -> memref<1x40xi32, #tpu.memory_space<vmem>>
        %dma_start3A_299 = tpu.memref_squeeze %dma_start3A_298 : memref<1x40xi32, #tpu.memory_space<vmem>> -> memref<40xi32, #tpu.memory_space<vmem>>
        %dma_start3A_300 = arith.constant 0 : i32
        %dma_start3A_301 = arith.constant 0 : i32
        %dma_start3A_302 = tpu.memref_slice %arg2[%dma_start3A_300, %dma_start3A_301] : memref<10000x144xf32, #tpu.memory_space<hbm>> -> memref<10000x144xf32, #tpu.memory_space<hbm>>
        tpu.enqueue_indirect_dma source(%dma_start3A_302 : memref<10000x144xf32, #tpu.memory_space<hbm>>) target(%arg12 : memref<40x144xf32, #tpu.memory_space<vmem>>) offsets(%dma_start3A_299 : memref<40xi32, #tpu.memory_space<vmem>>) semaphore(%arg22 : memref<!tpu.dma_semaphore, #tpu.memory_space<semaphore_mem>>)
        %dma_start3A_303 = arith.constant 1 : i32
        %dma_start3A_304 = arith.constant 0 : i32
        %dma_start3A_305 = tpu.memref_slice %arg9[%dma_start3A_303, %dma_start3A_304] : memref<2x40xi32, #tpu.memory_space<vmem>> -> memref<1x40xi32, #tpu.memory_space<vmem>>
        %dma_start3A_306 = tpu.memref_squeeze %dma_start3A_305 : memref<1x40xi32, #tpu.memory_space<vmem>> -> memref<40xi32, #tpu.memory_space<vmem>>
        %dma_start3A_307 = arith.constant 0 : i32
        %dma_start3A_308 = arith.constant 0 : i32
        %dma_start3A_309 = tpu.memref_slice %arg2[%dma_start3A_307, %dma_start3A_308] : memref<10000x144xf32, #tpu.memory_space<hbm>> -> memref<10000x144xf32, #tpu.memory_space<hbm>>
        tpu.enqueue_indirect_dma source(%dma_start3A_309 : memref<10000x144xf32, #tpu.memory_space<hbm>>) target(%arg14 : memref<40x144xf32, #tpu.memory_space<vmem>>) offsets(%dma_start3A_306 : memref<40xi32, #tpu.memory_space<vmem>>) semaphore(%arg24 : memref<!tpu.dma_semaphore, #tpu.memory_space<semaphore_mem>>)
        %dma_start3A_310 = arith.constant 0 : i32
        %dma_start3A_311 = tpu.memref_slice %arg4[%mul3A_295, %dma_start3A_310] : memref<320000x128xf32, #tpu.memory_space<hbm>> -> memref<40x128xf32, #tpu.memory_space<hbm>>
        %dma_start3A_312 = arith.constant 0 : i32
        %dma_start3A_313 = tpu.memref_slice %arg4[%mul3A_295, %dma_start3A_312] : memref<320000x128xf32, #tpu.memory_space<hbm>> -> memref<40x128xf32, #tpu.memory_space<hbm>>
        tpu.enqueue_dma source(%dma_start3A_313 : memref<40x128xf32, #tpu.memory_space<hbm>>) target(%arg16 : memref<40x128xf32, #tpu.memory_space<vmem>>) target_semaphore(%arg26 : memref<!tpu.dma_semaphore, #tpu.memory_space<semaphore_mem>>)
      } else {
      }
      %dma_wait3A_156 = arith.constant 0 : i32
      %dma_wait3A_157 = arith.constant 0 : i32
      %dma_wait3A_158 = tpu.memref_slice %arg8[%dma_wait3A_156, %dma_wait3A_157] : memref<2x40xi32, #tpu.memory_space<vmem>> -> memref<1x40xi32, #tpu.memory_space<vmem>>
      %dma_wait3A_159 = tpu.memref_squeeze %dma_wait3A_158 : memref<1x40xi32, #tpu.memory_space<vmem>> -> memref<40xi32, #tpu.memory_space<vmem>>
      %dma_wait3A_160 = arith.constant 0 : i32
      %dma_wait3A_161 = arith.constant 0 : i32
      %dma_wait3A_162 = tpu.memref_slice %arg2[%dma_wait3A_160, %dma_wait3A_161] : memref<10000x144xf32, #tpu.memory_space<hbm>> -> memref<10000x144xf32, #tpu.memory_space<hbm>>
      tpu.wait_indirect_dma semaphore(%arg21 : memref<!tpu.dma_semaphore, #tpu.memory_space<semaphore_mem>>) src(%dma_wait3A_162 : memref<10000x144xf32, #tpu.memory_space<hbm>>) dst(%arg11 : memref<40x144xf32, #tpu.memory_space<vmem>>)
      %dma_wait3A_163 = arith.constant 1 : i32
      %dma_wait3A_164 = arith.constant 0 : i32
      %dma_wait3A_165 = tpu.memref_slice %arg8[%dma_wait3A_163, %dma_wait3A_164] : memref<2x40xi32, #tpu.memory_space<vmem>> -> memref<1x40xi32, #tpu.memory_space<vmem>>
      %dma_wait3A_166 = tpu.memref_squeeze %dma_wait3A_165 : memref<1x40xi32, #tpu.memory_space<vmem>> -> memref<40xi32, #tpu.memory_space<vmem>>
      %dma_wait3A_167 = arith.constant 0 : i32
      %dma_wait3A_168 = arith.constant 0 : i32
      %dma_wait3A_169 = tpu.memref_slice %arg2[%dma_wait3A_167, %dma_wait3A_168] : memref<10000x144xf32, #tpu.memory_space<hbm>> -> memref<10000x144xf32, #tpu.memory_space<hbm>>
      tpu.wait_indirect_dma semaphore(%arg23 : memref<!tpu.dma_semaphore, #tpu.memory_space<semaphore_mem>>) src(%dma_wait3A_169 : memref<10000x144xf32, #tpu.memory_space<hbm>>) dst(%arg13 : memref<40x144xf32, #tpu.memory_space<vmem>>)
      %dma_wait3A_170 = arith.constant 0 : i32
      %dma_wait3A_171 = arith.constant 0 : i32
      %dma_wait3A_172 = tpu.memref_slice %arg4[%dma_wait3A_170, %dma_wait3A_171] : memref<320000x128xf32, #tpu.memory_space<hbm>> -> memref<40x128xf32, #tpu.memory_space<hbm>>
      %dma_wait3A_173 = arith.constant 0 : i32
      %dma_wait3A_174 = arith.constant 0 : i32
      %dma_wait3A_175 = tpu.memref_slice %arg4[%dma_wait3A_173, %dma_wait3A_174] : memref<320000x128xf32, #tpu.memory_space<hbm>> -> memref<40x128xf32, #tpu.memory_space<hbm>>
      tpu.wait_dma2 semaphore(%arg25 : memref<!tpu.dma_semaphore, #tpu.memory_space<semaphore_mem>>) src(%dma_wait3A_175 : memref<40x128xf32, #tpu.memory_space<hbm>>) dst(%arg15 : memref<40x128xf32, #tpu.memory_space<vmem>>)
      %add3A_176 = arith.constant 2 : i32
      %add3A_177 = arith.addi %mul3A_149, %add3A_176 : i32
      %lt3A_178 = arith.constant 250 : i32
      %lt3A_179 = arith.cmpi slt, %add3A_177, %lt3A_178 : i32
      %convert_element_type3A_180 = arith.extui %lt3A_179 : i1 to i32
      %cond3A_181 = arith.constant 0 : i32
      %cond3A_182 = arith.cmpi ne, %convert_element_type3A_180, %cond3A_181 : i32
      scf.if %cond3A_182 {
        %add3A_283 = arith.constant 2 : i32
        %add3A_284 = arith.addi %mul3A_149, %add3A_283 : i32
        %mul3A_285 = arith.constant 32 : i32
        %mul3A_286 = arith.muli %mul3A_285, %add3A_284 : i32
        %add3A_287 = arith.addi %add3A, %mul3A_286 : i32
        %mul3A_288 = arith.constant 40 : i32
        %mul3A_289 = arith.muli %add3A_287, %mul3A_288 : i32
        %dma_start3A_290 = arith.constant 0 : i32
        %dma_start3A_291 = tpu.memref_slice %arg3[%dma_start3A_290, %mul3A_289] : memref<2x320000xi32, #tpu.memory_space<hbm>> -> memref<2x40xi32, #tpu.memory_space<hbm>>
        %dma_start3A_292 = arith.constant 0 : i32
        %dma_start3A_293 = tpu.memref_slice %arg3[%dma_start3A_292, %mul3A_289] : memref<2x320000xi32, #tpu.memory_space<hbm>> -> memref<2x40xi32, #tpu.memory_space<hbm>>
        tpu.enqueue_dma source(%dma_start3A_293 : memref<2x40xi32, #tpu.memory_space<hbm>>) target(%arg8 : memref<2x40xi32, #tpu.memory_space<vmem>>) target_semaphore(%arg19 : memref<!tpu.dma_semaphore, #tpu.memory_space<semaphore_mem>>)
      } else {
      }
      %ge3A = arith.constant 1 : i32
      %ge3A_183 = arith.cmpi sge, %mul3A_149, %ge3A : i32
      %convert_element_type3A_184 = arith.extui %ge3A_183 : i1 to i32
      %cond3A_185 = arith.constant 0 : i32
      %cond3A_186 = arith.cmpi ne, %convert_element_type3A_184, %cond3A_185 : i32
      scf.if %cond3A_186 {
        %dma_wait3A_283 = arith.constant 0 : i32
        %dma_wait3A_284 = arith.constant 0 : i32
        %dma_wait3A_285 = tpu.memref_slice %arg7[%dma_wait3A_283, %dma_wait3A_284] : memref<10000x144xf32, #tpu.memory_space<vmem_shared>> -> memref<10000x144xf32, #tpu.memory_space<vmem_shared>>
        tpu.wait_indirect_dma semaphore(%arg27 : memref<!tpu.dma_semaphore, #tpu.memory_space<semaphore_mem>>) src(%arg17 : memref<40x144xf32, #tpu.memory_space<vmem>>) dst(%dma_wait3A_285 : memref<10000x144xf32, #tpu.memory_space<vmem_shared>>)
      } else {
      }
      %get3A_187 = arith.constant 1 : i32
      %get3A_188 = arith.index_cast %get3A_187 : i32 to index
      %get3A_189 = arith.constant 0 : index
      %get3A_190 = tpu.vector_load %arg8[%get3A_188, %get3A_189] {strides = array<i32>} : memref<2x40xi32, #tpu.memory_space<vmem>>, vector<16xi32>,
      %swap3A = arith.constant 0 : index
      %swap3A_191 = tpu.vector_load %arg10[%swap3A] {strides = array<i32>} : memref<40xi32, #tpu.memory_space<vmem>>, vector<16xi32>,
      tpu.vector_store %arg10[%swap3A], %get3A_190 {strides = array<i32>} : memref<40xi32, #tpu.memory_space<vmem>>, vector<16xi32>,
      %get3A_192 = arith.constant 1 : i32
      %get3A_193 = arith.index_cast %get3A_192 : i32 to index
      %get3A_194 = arith.constant 16 : index
      %get3A_195 = tpu.vector_load %arg8[%get3A_193, %get3A_194] {strides = array<i32>} : memref<2x40xi32, #tpu.memory_space<vmem>>, vector<16xi32>,
      %swap3A_196 = arith.constant 16 : index
      %swap3A_197 = tpu.vector_load %arg10[%swap3A_196] {strides = array<i32>} : memref<40xi32, #tpu.memory_space<vmem>>, vector<16xi32>,
      tpu.vector_store %arg10[%swap3A_196], %get3A_195 {strides = array<i32>} : memref<40xi32, #tpu.memory_space<vmem>>, vector<16xi32>,
      %get3A_198 = arith.constant 1 : i32
      %get3A_199 = arith.index_cast %get3A_198 : i32 to index
      %get3A_200 = arith.constant 24 : index
      %get3A_201 = tpu.vector_load %arg8[%get3A_199, %get3A_200] {strides = array<i32>} : memref<2x40xi32, #tpu.memory_space<vmem>>, vector<16xi32>,
      %swap3A_202 = arith.constant 24 : index
      %swap3A_203 = tpu.vector_load %arg10[%swap3A_202] {strides = array<i32>} : memref<40xi32, #tpu.memory_space<vmem>>, vector<16xi32>,
      tpu.vector_store %arg10[%swap3A_202], %get3A_201 {strides = array<i32>} : memref<40xi32, #tpu.memory_space<vmem>>, vector<16xi32>,
      %scan3A_204 = arith.constant 0 : i32
      %scan3A_205 = arith.constant 0 : i32
      %scan3A_206 = arith.constant 40 : i32
      %scan3A_207 = arith.addi %scan3A_205, %scan3A_206 : i32
      %scan3A_208 = arith.constant 1 : i32
      scf.for %scan3A_283 = %scan3A_205 to %scan3A_207 step %scan3A_208  : i32 {
        %get3A_284 = arith.index_cast %scan3A_283 : i32 to index
        %get3A_285 = arith.constant 0 : index
        %get3A_286 = tpu.vector_load %arg11[%get3A_284, %get3A_285] {strides = array<i32>} : memref<40x144xf32, #tpu.memory_space<vmem>>, vector<16xf32>,
        %get3A_287 = arith.index_cast %scan3A_283 : i32 to index
        %get3A_288 = arith.constant 0 : index
        %get3A_289 = tpu.vector_load %arg13[%get3A_287, %get3A_288] {strides = array<i32>} : memref<40x144xf32, #tpu.memory_space<vmem>>, vector<16xf32>,
        %add3A_290 = arith.addf %get3A_286, %get3A_289 : vector<16xf32>
        %get3A_291 = arith.index_cast %scan3A_283 : i32 to index
        %get3A_292 = arith.constant 0 : index
        %get3A_293 = tpu.vector_load %arg15[%get3A_291, %get3A_292] {strides = array<i32>} : memref<40x128xf32, #tpu.memory_space<vmem>>, vector<16xf32>,
        %add3A_294 = arith.addf %add3A_290, %get3A_293 : vector<16xf32>
        %gt3A = arith.constant 0.000000e+00 : f32
        %gt3A_295 = vector.broadcast %gt3A : f32 to vector<16xf32>
        %gt3A_296 = arith.cmpf ogt, %add3A_294, %gt3A_295 : vector<16xf32>
        %mul3A_297 = arith.constant 2.000000e-01 : f32
        %mul3A_298 = vector.broadcast %mul3A_297 : f32 to vector<16xf32>
        %mul3A_299 = arith.mulf %mul3A_298, %add3A_294 : vector<16xf32>
        %select_n3A = arith.select %gt3A_296, %add3A_294, %mul3A_299 : vector<16xi1>, vector<16xf32>
        %mul3A_300 = arith.mulf %select_n3A, %get3A_43 : vector<16xf32>
        %add3A_301 = arith.addf %broadcast_in_dim3A_1, %mul3A_300 : vector<16xf32>
        %get3A_302 = arith.index_cast %scan3A_283 : i32 to index
        %get3A_303 = arith.constant 16 : index
        %get3A_304 = tpu.vector_load %arg11[%get3A_302, %get3A_303] {strides = array<i32>} : memref<40x144xf32, #tpu.memory_space<vmem>>, vector<16xf32>,
        %get3A_305 = arith.index_cast %scan3A_283 : i32 to index
        %get3A_306 = arith.constant 16 : index
        %get3A_307 = tpu.vector_load %arg13[%get3A_305, %get3A_306] {strides = array<i32>} : memref<40x144xf32, #tpu.memory_space<vmem>>, vector<16xf32>,
        %add3A_308 = arith.addf %get3A_304, %get3A_307 : vector<16xf32>
        %get3A_309 = arith.index_cast %scan3A_283 : i32 to index
        %get3A_310 = arith.constant 16 : index
        %get3A_311 = tpu.vector_load %arg15[%get3A_309, %get3A_310] {strides = array<i32>} : memref<40x128xf32, #tpu.memory_space<vmem>>, vector<16xf32>,
        %add3A_312 = arith.addf %add3A_308, %get3A_311 : vector<16xf32>
        %gt3A_313 = arith.constant 0.000000e+00 : f32
        %gt3A_314 = vector.broadcast %gt3A_313 : f32 to vector<16xf32>
        %gt3A_315 = arith.cmpf ogt, %add3A_312, %gt3A_314 : vector<16xf32>
        %mul3A_316 = arith.constant 2.000000e-01 : f32
        %mul3A_317 = vector.broadcast %mul3A_316 : f32 to vector<16xf32>
        %mul3A_318 = arith.mulf %mul3A_317, %add3A_312 : vector<16xf32>
        %select_n3A_319 = arith.select %gt3A_315, %add3A_312, %mul3A_318 : vector<16xi1>, vector<16xf32>
        %mul3A_320 = arith.mulf %select_n3A_319, %get3A_45 : vector<16xf32>
        %add3A_321 = arith.addf %add3A_301, %mul3A_320 : vector<16xf32>
        %get3A_322 = arith.index_cast %scan3A_283 : i32 to index
        %get3A_323 = arith.constant 32 : index
        %get3A_324 = tpu.vector_load %arg11[%get3A_322, %get3A_323] {strides = array<i32>} : memref<40x144xf32, #tpu.memory_space<vmem>>, vector<16xf32>,
        %get3A_325 = arith.index_cast %scan3A_283 : i32 to index
        %get3A_326 = arith.constant 32 : index
        %get3A_327 = tpu.vector_load %arg13[%get3A_325, %get3A_326] {strides = array<i32>} : memref<40x144xf32, #tpu.memory_space<vmem>>, vector<16xf32>,
        %add3A_328 = arith.addf %get3A_324, %get3A_327 : vector<16xf32>
        %get3A_329 = arith.index_cast %scan3A_283 : i32 to index
        %get3A_330 = arith.constant 32 : index
        %get3A_331 = tpu.vector_load %arg15[%get3A_329, %get3A_330] {strides = array<i32>} : memref<40x128xf32, #tpu.memory_space<vmem>>, vector<16xf32>,
        %add3A_332 = arith.addf %add3A_328, %get3A_331 : vector<16xf32>
        %gt3A_333 = arith.constant 0.000000e+00 : f32
        %gt3A_334 = vector.broadcast %gt3A_333 : f32 to vector<16xf32>
        %gt3A_335 = arith.cmpf ogt, %add3A_332, %gt3A_334 : vector<16xf32>
        %mul3A_336 = arith.constant 2.000000e-01 : f32
        %mul3A_337 = vector.broadcast %mul3A_336 : f32 to vector<16xf32>
        %mul3A_338 = arith.mulf %mul3A_337, %add3A_332 : vector<16xf32>
        %select_n3A_339 = arith.select %gt3A_335, %add3A_332, %mul3A_338 : vector<16xi1>, vector<16xf32>
        %mul3A_340 = arith.mulf %select_n3A_339, %get3A_47 : vector<16xf32>
        %add3A_341 = arith.addf %add3A_321, %mul3A_340 : vector<16xf32>
        %get3A_342 = arith.index_cast %scan3A_283 : i32 to index
        %get3A_343 = arith.constant 48 : index
        %get3A_344 = tpu.vector_load %arg11[%get3A_342, %get3A_343] {strides = array<i32>} : memref<40x144xf32, #tpu.memory_space<vmem>>, vector<16xf32>,
        %get3A_345 = arith.index_cast %scan3A_283 : i32 to index
        %get3A_346 = arith.constant 48 : index
        %get3A_347 = tpu.vector_load %arg13[%get3A_345, %get3A_346] {strides = array<i32>} : memref<40x144xf32, #tpu.memory_space<vmem>>, vector<16xf32>,
        %add3A_348 = arith.addf %get3A_344, %get3A_347 : vector<16xf32>
        %get3A_349 = arith.index_cast %scan3A_283 : i32 to index
        %get3A_350 = arith.constant 48 : index
        %get3A_351 = tpu.vector_load %arg15[%get3A_349, %get3A_350] {strides = array<i32>} : memref<40x128xf32, #tpu.memory_space<vmem>>, vector<16xf32>,
        %add3A_352 = arith.addf %add3A_348, %get3A_351 : vector<16xf32>
        %gt3A_353 = arith.constant 0.000000e+00 : f32
        %gt3A_354 = vector.broadcast %gt3A_353 : f32 to vector<16xf32>
        %gt3A_355 = arith.cmpf ogt, %add3A_352, %gt3A_354 : vector<16xf32>
        %mul3A_356 = arith.constant 2.000000e-01 : f32
        %mul3A_357 = vector.broadcast %mul3A_356 : f32 to vector<16xf32>
        %mul3A_358 = arith.mulf %mul3A_357, %add3A_352 : vector<16xf32>
        %select_n3A_359 = arith.select %gt3A_355, %add3A_352, %mul3A_358 : vector<16xi1>, vector<16xf32>
        %mul3A_360 = arith.mulf %select_n3A_359, %get3A_49 : vector<16xf32>
        %add3A_361 = arith.addf %add3A_341, %mul3A_360 : vector<16xf32>
        %get3A_362 = arith.index_cast %scan3A_283 : i32 to index
        %get3A_363 = arith.constant 64 : index
        %get3A_364 = tpu.vector_load %arg11[%get3A_362, %get3A_363] {strides = array<i32>} : memref<40x144xf32, #tpu.memory_space<vmem>>, vector<16xf32>,
        %get3A_365 = arith.index_cast %scan3A_283 : i32 to index
        %get3A_366 = arith.constant 64 : index
        %get3A_367 = tpu.vector_load %arg13[%get3A_365, %get3A_366] {strides = array<i32>} : memref<40x144xf32, #tpu.memory_space<vmem>>, vector<16xf32>,
        %add3A_368 = arith.addf %get3A_364, %get3A_367 : vector<16xf32>
        %get3A_369 = arith.index_cast %scan3A_283 : i32 to index
        %get3A_370 = arith.constant 64 : index
        %get3A_371 = tpu.vector_load %arg15[%get3A_369, %get3A_370] {strides = array<i32>} : memref<40x128xf32, #tpu.memory_space<vmem>>, vector<16xf32>,
        %add3A_372 = arith.addf %add3A_368, %get3A_371 : vector<16xf32>
        %gt3A_373 = arith.constant 0.000000e+00 : f32
        %gt3A_374 = vector.broadcast %gt3A_373 : f32 to vector<16xf32>
        %gt3A_375 = arith.cmpf ogt, %add3A_372, %gt3A_374 : vector<16xf32>
        %mul3A_376 = arith.constant 2.000000e-01 : f32
        %mul3A_377 = vector.broadcast %mul3A_376 : f32 to vector<16xf32>
        %mul3A_378 = arith.mulf %mul3A_377, %add3A_372 : vector<16xf32>
        %select_n3A_379 = arith.select %gt3A_375, %add3A_372, %mul3A_378 : vector<16xi1>, vector<16xf32>
        %mul3A_380 = arith.mulf %select_n3A_379, %get3A_51 : vector<16xf32>
        %add3A_381 = arith.addf %add3A_361, %mul3A_380 : vector<16xf32>
        %get3A_382 = arith.index_cast %scan3A_283 : i32 to index
        %get3A_383 = arith.constant 80 : index
        %get3A_384 = tpu.vector_load %arg11[%get3A_382, %get3A_383] {strides = array<i32>} : memref<40x144xf32, #tpu.memory_space<vmem>>, vector<16xf32>,
        %get3A_385 = arith.index_cast %scan3A_283 : i32 to index
        %get3A_386 = arith.constant 80 : index
        %get3A_387 = tpu.vector_load %arg13[%get3A_385, %get3A_386] {strides = array<i32>} : memref<40x144xf32, #tpu.memory_space<vmem>>, vector<16xf32>,
        %add3A_388 = arith.addf %get3A_384, %get3A_387 : vector<16xf32>
        %get3A_389 = arith.index_cast %scan3A_283 : i32 to index
        %get3A_390 = arith.constant 80 : index
        %get3A_391 = tpu.vector_load %arg15[%get3A_389, %get3A_390] {strides = array<i32>} : memref<40x128xf32, #tpu.memory_space<vmem>>, vector<16xf32>,
        %add3A_392 = arith.addf %add3A_388, %get3A_391 : vector<16xf32>
        %gt3A_393 = arith.constant 0.000000e+00 : f32
        %gt3A_394 = vector.broadcast %gt3A_393 : f32 to vector<16xf32>
        %gt3A_395 = arith.cmpf ogt, %add3A_392, %gt3A_394 : vector<16xf32>
        %mul3A_396 = arith.constant 2.000000e-01 : f32
        %mul3A_397 = vector.broadcast %mul3A_396 : f32 to vector<16xf32>
        %mul3A_398 = arith.mulf %mul3A_397, %add3A_392 : vector<16xf32>
        %select_n3A_399 = arith.select %gt3A_395, %add3A_392, %mul3A_398 : vector<16xi1>, vector<16xf32>
        %mul3A_400 = arith.mulf %select_n3A_399, %get3A_53 : vector<16xf32>
        %add3A_401 = arith.addf %add3A_381, %mul3A_400 : vector<16xf32>
        %get3A_402 = arith.index_cast %scan3A_283 : i32 to index
        %get3A_403 = arith.constant 96 : index
        %get3A_404 = tpu.vector_load %arg11[%get3A_402, %get3A_403] {strides = array<i32>} : memref<40x144xf32, #tpu.memory_space<vmem>>, vector<16xf32>,
        %get3A_405 = arith.index_cast %scan3A_283 : i32 to index
        %get3A_406 = arith.constant 96 : index
        %get3A_407 = tpu.vector_load %arg13[%get3A_405, %get3A_406] {strides = array<i32>} : memref<40x144xf32, #tpu.memory_space<vmem>>, vector<16xf32>,
        %add3A_408 = arith.addf %get3A_404, %get3A_407 : vector<16xf32>
        %get3A_409 = arith.index_cast %scan3A_283 : i32 to index
        %get3A_410 = arith.constant 96 : index
        %get3A_411 = tpu.vector_load %arg15[%get3A_409, %get3A_410] {strides = array<i32>} : memref<40x128xf32, #tpu.memory_space<vmem>>, vector<16xf32>,
        %add3A_412 = arith.addf %add3A_408, %get3A_411 : vector<16xf32>
        %gt3A_413 = arith.constant 0.000000e+00 : f32
        %gt3A_414 = vector.broadcast %gt3A_413 : f32 to vector<16xf32>
        %gt3A_415 = arith.cmpf ogt, %add3A_412, %gt3A_414 : vector<16xf32>
        %mul3A_416 = arith.constant 2.000000e-01 : f32
        %mul3A_417 = vector.broadcast %mul3A_416 : f32 to vector<16xf32>
        %mul3A_418 = arith.mulf %mul3A_417, %add3A_412 : vector<16xf32>
        %select_n3A_419 = arith.select %gt3A_415, %add3A_412, %mul3A_418 : vector<16xi1>, vector<16xf32>
        %mul3A_420 = arith.mulf %select_n3A_419, %get3A_55 : vector<16xf32>
        %add3A_421 = arith.addf %add3A_401, %mul3A_420 : vector<16xf32>
        %get3A_422 = arith.index_cast %scan3A_283 : i32 to index
        %get3A_423 = arith.constant 112 : index
        %get3A_424 = tpu.vector_load %arg11[%get3A_422, %get3A_423] {strides = array<i32>} : memref<40x144xf32, #tpu.memory_space<vmem>>, vector<16xf32>,
        %get3A_425 = arith.index_cast %scan3A_283 : i32 to index
        %get3A_426 = arith.constant 112 : index
        %get3A_427 = tpu.vector_load %arg13[%get3A_425, %get3A_426] {strides = array<i32>} : memref<40x144xf32, #tpu.memory_space<vmem>>, vector<16xf32>,
        %add3A_428 = arith.addf %get3A_424, %get3A_427 : vector<16xf32>
        %get3A_429 = arith.index_cast %scan3A_283 : i32 to index
        %get3A_430 = arith.constant 112 : index
        %get3A_431 = tpu.vector_load %arg15[%get3A_429, %get3A_430] {strides = array<i32>} : memref<40x128xf32, #tpu.memory_space<vmem>>, vector<16xf32>,
        %add3A_432 = arith.addf %add3A_428, %get3A_431 : vector<16xf32>
        %gt3A_433 = arith.constant 0.000000e+00 : f32
        %gt3A_434 = vector.broadcast %gt3A_433 : f32 to vector<16xf32>
        %gt3A_435 = arith.cmpf ogt, %add3A_432, %gt3A_434 : vector<16xf32>
        %mul3A_436 = arith.constant 2.000000e-01 : f32
        %mul3A_437 = vector.broadcast %mul3A_436 : f32 to vector<16xf32>
        %mul3A_438 = arith.mulf %mul3A_437, %add3A_432 : vector<16xf32>
        %select_n3A_439 = arith.select %gt3A_435, %add3A_432, %mul3A_438 : vector<16xi1>, vector<16xf32>
        %mul3A_440 = arith.mulf %select_n3A_439, %get3A_57 : vector<16xf32>
        %add3A_441 = arith.addf %add3A_421, %mul3A_440 : vector<16xf32>
        %reduce_sum3A = arith.constant true
        %reduce_sum3A_442 = vector.broadcast %reduce_sum3A : i1 to vector<16xi1>
        %reduce_sum3A_443 = tpu.scan <sum>, %add3A_441 masked %reduce_sum3A_442 : vector<16xf32>, vector<16xi1> -> vector<16xf32>
        %reduce_sum3A_444 = vector.extract %reduce_sum3A_443[15] : f32 from vector<16xf32>
        %broadcast_in_dim3A_445 = vector.broadcast %reduce_sum3A_444 : f32 to vector<16xf32>
        %exp3A = math.exp %broadcast_in_dim3A_445 : vector<16xf32>
        %mul3A_446 = arith.mulf %get3A_286, %exp3A : vector<16xf32>
        %swap3A_447 = arith.index_cast %scan3A_283 : i32 to index
        %swap3A_448 = arith.constant 0 : index
        %swap3A_449 = tpu.vector_load %arg17[%swap3A_447, %swap3A_448] {strides = array<i32>} : memref<40x144xf32, #tpu.memory_space<vmem>>, vector<16xf32>,
        tpu.vector_store %arg17[%swap3A_447, %swap3A_448], %mul3A_446 {strides = array<i32>} : memref<40x144xf32, #tpu.memory_space<vmem>>, vector<16xf32>,
        %mul3A_450 = arith.mulf %get3A_304, %exp3A : vector<16xf32>
        %swap3A_451 = arith.index_cast %scan3A_283 : i32 to index
        %swap3A_452 = arith.constant 16 : index
        %swap3A_453 = tpu.vector_load %arg17[%swap3A_451, %swap3A_452] {strides = array<i32>} : memref<40x144xf32, #tpu.memory_space<vmem>>, vector<16xf32>,
        tpu.vector_store %arg17[%swap3A_451, %swap3A_452], %mul3A_450 {strides = array<i32>} : memref<40x144xf32, #tpu.memory_space<vmem>>, vector<16xf32>,
        %mul3A_454 = arith.mulf %get3A_324, %exp3A : vector<16xf32>
        %swap3A_455 = arith.index_cast %scan3A_283 : i32 to index
        %swap3A_456 = arith.constant 32 : index
        %swap3A_457 = tpu.vector_load %arg17[%swap3A_455, %swap3A_456] {strides = array<i32>} : memref<40x144xf32, #tpu.memory_space<vmem>>, vector<16xf32>,
        tpu.vector_store %arg17[%swap3A_455, %swap3A_456], %mul3A_454 {strides = array<i32>} : memref<40x144xf32, #tpu.memory_space<vmem>>, vector<16xf32>,
        %mul3A_458 = arith.mulf %get3A_344, %exp3A : vector<16xf32>
        %swap3A_459 = arith.index_cast %scan3A_283 : i32 to index
        %swap3A_460 = arith.constant 48 : index
        %swap3A_461 = tpu.vector_load %arg17[%swap3A_459, %swap3A_460] {strides = array<i32>} : memref<40x144xf32, #tpu.memory_space<vmem>>, vector<16xf32>,
        tpu.vector_store %arg17[%swap3A_459, %swap3A_460], %mul3A_458 {strides = array<i32>} : memref<40x144xf32, #tpu.memory_space<vmem>>, vector<16xf32>,
        %mul3A_462 = arith.mulf %get3A_364, %exp3A : vector<16xf32>
        %swap3A_463 = arith.index_cast %scan3A_283 : i32 to index
        %swap3A_464 = arith.constant 64 : index
        %swap3A_465 = tpu.vector_load %arg17[%swap3A_463, %swap3A_464] {strides = array<i32>} : memref<40x144xf32, #tpu.memory_space<vmem>>, vector<16xf32>,
        tpu.vector_store %arg17[%swap3A_463, %swap3A_464], %mul3A_462 {strides = array<i32>} : memref<40x144xf32, #tpu.memory_space<vmem>>, vector<16xf32>,
        %mul3A_466 = arith.mulf %get3A_384, %exp3A : vector<16xf32>
        %swap3A_467 = arith.index_cast %scan3A_283 : i32 to index
        %swap3A_468 = arith.constant 80 : index
        %swap3A_469 = tpu.vector_load %arg17[%swap3A_467, %swap3A_468] {strides = array<i32>} : memref<40x144xf32, #tpu.memory_space<vmem>>, vector<16xf32>,
        tpu.vector_store %arg17[%swap3A_467, %swap3A_468], %mul3A_466 {strides = array<i32>} : memref<40x144xf32, #tpu.memory_space<vmem>>, vector<16xf32>,
        %mul3A_470 = arith.mulf %get3A_404, %exp3A : vector<16xf32>
        %swap3A_471 = arith.index_cast %scan3A_283 : i32 to index
        %swap3A_472 = arith.constant 96 : index
        %swap3A_473 = tpu.vector_load %arg17[%swap3A_471, %swap3A_472] {strides = array<i32>} : memref<40x144xf32, #tpu.memory_space<vmem>>, vector<16xf32>,
        tpu.vector_store %arg17[%swap3A_471, %swap3A_472], %mul3A_470 {strides = array<i32>} : memref<40x144xf32, #tpu.memory_space<vmem>>, vector<16xf32>,
        %mul3A_474 = arith.mulf %get3A_424, %exp3A : vector<16xf32>
        %swap3A_475 = arith.index_cast %scan3A_283 : i32 to index
        %swap3A_476 = arith.constant 112 : index
        %swap3A_477 = tpu.vector_load %arg17[%swap3A_475, %swap3A_476] {strides = array<i32>} : memref<40x144xf32, #tpu.memory_space<vmem>>, vector<16xf32>,
        tpu.vector_store %arg17[%swap3A_475, %swap3A_476], %mul3A_474 {strides = array<i32>} : memref<40x144xf32, #tpu.memory_space<vmem>>, vector<16xf32>,
        %eq3A_478 = arith.constant 0 : i32
        %eq3A_479 = vector.broadcast %eq3A_478 : i32 to vector<16xi32>
        %eq3A_480 = arith.cmpi eq, %iota3A, %eq3A_479 : vector<16xi32>
        %jit3A = arith.constant 0.000000e+00 : f32
        %broadcast_in_dim3A_481 = vector.broadcast %jit3A : f32 to vector<16xf32>
        %select_n3A_482 = arith.select %eq3A_480, %exp3A, %broadcast_in_dim3A_481 : vector<16xi1>, vector<16xf32>
        %swap3A_483 = arith.index_cast %scan3A_283 : i32 to index
        %swap3A_484 = arith.constant 128 : index
        %swap3A_485 = tpu.vector_load %arg17[%swap3A_483, %swap3A_484] {strides = array<i32>} : memref<40x144xf32, #tpu.memory_space<vmem>>, vector<16xf32>,
        tpu.vector_store %arg17[%swap3A_483, %swap3A_484], %select_n3A_482 {strides = array<i32>} : memref<40x144xf32, #tpu.memory_space<vmem>>, vector<16xf32>,
      }
      %scan3A_209 = arith.constant 40 : i32
      %dma_start3A_210 = arith.constant 0 : i32
      %dma_start3A_211 = arith.constant 0 : i32
      %dma_start3A_212 = tpu.memref_slice %arg7[%dma_start3A_210, %dma_start3A_211] : memref<10000x144xf32, #tpu.memory_space<vmem_shared>> -> memref<10000x144xf32, #tpu.memory_space<vmem_shared>>
      tpu.enqueue_indirect_dma source(%arg17 : memref<40x144xf32, #tpu.memory_space<vmem>>) target(%dma_start3A_212 : memref<10000x144xf32, #tpu.memory_space<vmem_shared>>) offsets(%arg10 : memref<40xi32, #tpu.memory_space<vmem>>) semaphore(%arg27 : memref<!tpu.dma_semaphore, #tpu.memory_space<semaphore_mem>>) {add = true}
      %mul3A_213 = arith.constant 2 : i32
      %mul3A_214 = arith.muli %mul3A_213, %scan3A_147 : i32
      %add3A_215 = arith.constant 1 : i32
      %add3A_216 = arith.addi %mul3A_214, %add3A_215 : i32
      %add3A_217 = arith.constant 1 : i32
      %add3A_218 = arith.addi %add3A_216, %add3A_217 : i32
      %lt3A_219 = arith.constant 250 : i32
      %lt3A_220 = arith.cmpi slt, %add3A_218, %lt3A_219 : i32
      %convert_element_type3A_221 = arith.extui %lt3A_220 : i1 to i32
      %cond3A_222 = arith.constant 0 : i32
      %cond3A_223 = arith.cmpi ne, %convert_element_type3A_221, %cond3A_222 : i32
      scf.if %cond3A_223 {
        %dma_wait3A_283 = arith.constant 0 : i32
        %dma_wait3A_284 = arith.constant 0 : i32
        %dma_wait3A_285 = tpu.memref_slice %arg3[%dma_wait3A_283, %dma_wait3A_284] : memref<2x320000xi32, #tpu.memory_space<hbm>> -> memref<2x40xi32, #tpu.memory_space<hbm>>
        %dma_wait3A_286 = arith.constant 0 : i32
        %dma_wait3A_287 = arith.constant 0 : i32
        %dma_wait3A_288 = tpu.memref_slice %arg3[%dma_wait3A_286, %dma_wait3A_287] : memref<2x320000xi32, #tpu.memory_space<hbm>> -> memref<2x40xi32, #tpu.memory_space<hbm>>
        tpu.wait_dma2 semaphore(%arg19 : memref<!tpu.dma_semaphore, #tpu.memory_space<semaphore_mem>>) src(%dma_wait3A_288 : memref<2x40xi32, #tpu.memory_space<hbm>>) dst(%arg8 : memref<2x40xi32, #tpu.memory_space<vmem>>)
        %add3A_289 = arith.constant 1 : i32
        %add3A_290 = arith.addi %add3A_216, %add3A_289 : i32
        %mul3A_291 = arith.constant 32 : i32
        %mul3A_292 = arith.muli %mul3A_291, %add3A_290 : i32
        %add3A_293 = arith.addi %add3A, %mul3A_292 : i32
        %mul3A_294 = arith.constant 40 : i32
        %mul3A_295 = arith.muli %add3A_293, %mul3A_294 : i32
        %dma_start3A_296 = arith.constant 0 : i32
        %dma_start3A_297 = arith.constant 0 : i32
        %dma_start3A_298 = tpu.memref_slice %arg8[%dma_start3A_296, %dma_start3A_297] : memref<2x40xi32, #tpu.memory_space<vmem>> -> memref<1x40xi32, #tpu.memory_space<vmem>>
        %dma_start3A_299 = tpu.memref_squeeze %dma_start3A_298 : memref<1x40xi32, #tpu.memory_space<vmem>> -> memref<40xi32, #tpu.memory_space<vmem>>
        %dma_start3A_300 = arith.constant 0 : i32
        %dma_start3A_301 = arith.constant 0 : i32
        %dma_start3A_302 = tpu.memref_slice %arg2[%dma_start3A_300, %dma_start3A_301] : memref<10000x144xf32, #tpu.memory_space<hbm>> -> memref<10000x144xf32, #tpu.memory_space<hbm>>
        tpu.enqueue_indirect_dma source(%dma_start3A_302 : memref<10000x144xf32, #tpu.memory_space<hbm>>) target(%arg11 : memref<40x144xf32, #tpu.memory_space<vmem>>) offsets(%dma_start3A_299 : memref<40xi32, #tpu.memory_space<vmem>>) semaphore(%arg21 : memref<!tpu.dma_semaphore, #tpu.memory_space<semaphore_mem>>)
        %dma_start3A_303 = arith.constant 1 : i32
        %dma_start3A_304 = arith.constant 0 : i32
        %dma_start3A_305 = tpu.memref_slice %arg8[%dma_start3A_303, %dma_start3A_304] : memref<2x40xi32, #tpu.memory_space<vmem>> -> memref<1x40xi32, #tpu.memory_space<vmem>>
        %dma_start3A_306 = tpu.memref_squeeze %dma_start3A_305 : memref<1x40xi32, #tpu.memory_space<vmem>> -> memref<40xi32, #tpu.memory_space<vmem>>
        %dma_start3A_307 = arith.constant 0 : i32
        %dma_start3A_308 = arith.constant 0 : i32
        %dma_start3A_309 = tpu.memref_slice %arg2[%dma_start3A_307, %dma_start3A_308] : memref<10000x144xf32, #tpu.memory_space<hbm>> -> memref<10000x144xf32, #tpu.memory_space<hbm>>
        tpu.enqueue_indirect_dma source(%dma_start3A_309 : memref<10000x144xf32, #tpu.memory_space<hbm>>) target(%arg13 : memref<40x144xf32, #tpu.memory_space<vmem>>) offsets(%dma_start3A_306 : memref<40xi32, #tpu.memory_space<vmem>>) semaphore(%arg23 : memref<!tpu.dma_semaphore, #tpu.memory_space<semaphore_mem>>)
        %dma_start3A_310 = arith.constant 0 : i32
        %dma_start3A_311 = tpu.memref_slice %arg4[%mul3A_295, %dma_start3A_310] : memref<320000x128xf32, #tpu.memory_space<hbm>> -> memref<40x128xf32, #tpu.memory_space<hbm>>
        %dma_start3A_312 = arith.constant 0 : i32
        %dma_start3A_313 = tpu.memref_slice %arg4[%mul3A_295, %dma_start3A_312] : memref<320000x128xf32, #tpu.memory_space<hbm>> -> memref<40x128xf32, #tpu.memory_space<hbm>>
        tpu.enqueue_dma source(%dma_start3A_313 : memref<40x128xf32, #tpu.memory_space<hbm>>) target(%arg15 : memref<40x128xf32, #tpu.memory_space<vmem>>) target_semaphore(%arg25 : memref<!tpu.dma_semaphore, #tpu.memory_space<semaphore_mem>>)
      } else {
      }
      %dma_wait3A_224 = arith.constant 0 : i32
      %dma_wait3A_225 = arith.constant 0 : i32
      %dma_wait3A_226 = tpu.memref_slice %arg9[%dma_wait3A_224, %dma_wait3A_225] : memref<2x40xi32, #tpu.memory_space<vmem>> -> memref<1x40xi32, #tpu.memory_space<vmem>>
      %dma_wait3A_227 = tpu.memref_squeeze %dma_wait3A_226 : memref<1x40xi32, #tpu.memory_space<vmem>> -> memref<40xi32, #tpu.memory_space<vmem>>
      %dma_wait3A_228 = arith.constant 0 : i32
      %dma_wait3A_229 = arith.constant 0 : i32
      %dma_wait3A_230 = tpu.memref_slice %arg2[%dma_wait3A_228, %dma_wait3A_229] : memref<10000x144xf32, #tpu.memory_space<hbm>> -> memref<10000x144xf32, #tpu.memory_space<hbm>>
      tpu.wait_indirect_dma semaphore(%arg22 : memref<!tpu.dma_semaphore, #tpu.memory_space<semaphore_mem>>) src(%dma_wait3A_230 : memref<10000x144xf32, #tpu.memory_space<hbm>>) dst(%arg12 : memref<40x144xf32, #tpu.memory_space<vmem>>)
      %dma_wait3A_231 = arith.constant 1 : i32
      %dma_wait3A_232 = arith.constant 0 : i32
      %dma_wait3A_233 = tpu.memref_slice %arg9[%dma_wait3A_231, %dma_wait3A_232] : memref<2x40xi32, #tpu.memory_space<vmem>> -> memref<1x40xi32, #tpu.memory_space<vmem>>
      %dma_wait3A_234 = tpu.memref_squeeze %dma_wait3A_233 : memref<1x40xi32, #tpu.memory_space<vmem>> -> memref<40xi32, #tpu.memory_space<vmem>>
      %dma_wait3A_235 = arith.constant 0 : i32
      %dma_wait3A_236 = arith.constant 0 : i32
      %dma_wait3A_237 = tpu.memref_slice %arg2[%dma_wait3A_235, %dma_wait3A_236] : memref<10000x144xf32, #tpu.memory_space<hbm>> -> memref<10000x144xf32, #tpu.memory_space<hbm>>
      tpu.wait_indirect_dma semaphore(%arg24 : memref<!tpu.dma_semaphore, #tpu.memory_space<semaphore_mem>>) src(%dma_wait3A_237 : memref<10000x144xf32, #tpu.memory_space<hbm>>) dst(%arg14 : memref<40x144xf32, #tpu.memory_space<vmem>>)
      %dma_wait3A_238 = arith.constant 0 : i32
      %dma_wait3A_239 = arith.constant 0 : i32
      %dma_wait3A_240 = tpu.memref_slice %arg4[%dma_wait3A_238, %dma_wait3A_239] : memref<320000x128xf32, #tpu.memory_space<hbm>> -> memref<40x128xf32, #tpu.memory_space<hbm>>
      %dma_wait3A_241 = arith.constant 0 : i32
      %dma_wait3A_242 = arith.constant 0 : i32
      %dma_wait3A_243 = tpu.memref_slice %arg4[%dma_wait3A_241, %dma_wait3A_242] : memref<320000x128xf32, #tpu.memory_space<hbm>> -> memref<40x128xf32, #tpu.memory_space<hbm>>
      tpu.wait_dma2 semaphore(%arg26 : memref<!tpu.dma_semaphore, #tpu.memory_space<semaphore_mem>>) src(%dma_wait3A_243 : memref<40x128xf32, #tpu.memory_space<hbm>>) dst(%arg16 : memref<40x128xf32, #tpu.memory_space<vmem>>)
      %add3A_244 = arith.constant 2 : i32
      %add3A_245 = arith.addi %add3A_216, %add3A_244 : i32
      %lt3A_246 = arith.constant 250 : i32
      %lt3A_247 = arith.cmpi slt, %add3A_245, %lt3A_246 : i32
      %convert_element_type3A_248 = arith.extui %lt3A_247 : i1 to i32
      %cond3A_249 = arith.constant 0 : i32
      %cond3A_250 = arith.cmpi ne, %convert_element_type3A_248, %cond3A_249 : i32
      scf.if %cond3A_250 {
        %add3A_283 = arith.constant 2 : i32
        %add3A_284 = arith.addi %add3A_216, %add3A_283 : i32
        %mul3A_285 = arith.constant 32 : i32
        %mul3A_286 = arith.muli %mul3A_285, %add3A_284 : i32
        %add3A_287 = arith.addi %add3A, %mul3A_286 : i32
        %mul3A_288 = arith.constant 40 : i32
        %mul3A_289 = arith.muli %add3A_287, %mul3A_288 : i32
        %dma_start3A_290 = arith.constant 0 : i32
        %dma_start3A_291 = tpu.memref_slice %arg3[%dma_start3A_290, %mul3A_289] : memref<2x320000xi32, #tpu.memory_space<hbm>> -> memref<2x40xi32, #tpu.memory_space<hbm>>
        %dma_start3A_292 = arith.constant 0 : i32
        %dma_start3A_293 = tpu.memref_slice %arg3[%dma_start3A_292, %mul3A_289] : memref<2x320000xi32, #tpu.memory_space<hbm>> -> memref<2x40xi32, #tpu.memory_space<hbm>>
        tpu.enqueue_dma source(%dma_start3A_293 : memref<2x40xi32, #tpu.memory_space<hbm>>) target(%arg9 : memref<2x40xi32, #tpu.memory_space<vmem>>) target_semaphore(%arg20 : memref<!tpu.dma_semaphore, #tpu.memory_space<semaphore_mem>>)
      } else {
      }
      %ge3A_251 = arith.constant 1 : i32
      %ge3A_252 = arith.cmpi sge, %add3A_216, %ge3A_251 : i32
      %convert_element_type3A_253 = arith.extui %ge3A_252 : i1 to i32
      %cond3A_254 = arith.constant 0 : i32
      %cond3A_255 = arith.cmpi ne, %convert_element_type3A_253, %cond3A_254 : i32
      scf.if %cond3A_255 {
        %dma_wait3A_283 = arith.constant 0 : i32
        %dma_wait3A_284 = arith.constant 0 : i32
        %dma_wait3A_285 = tpu.memref_slice %arg7[%dma_wait3A_283, %dma_wait3A_284] : memref<10000x144xf32, #tpu.memory_space<vmem_shared>> -> memref<10000x144xf32, #tpu.memory_space<vmem_shared>>
        tpu.wait_indirect_dma semaphore(%arg27 : memref<!tpu.dma_semaphore, #tpu.memory_space<semaphore_mem>>) src(%arg17 : memref<40x144xf32, #tpu.memory_space<vmem>>) dst(%dma_wait3A_285 : memref<10000x144xf32, #tpu.memory_space<vmem_shared>>)
      } else {
      }
      %get3A_256 = arith.constant 1 : i32
      %get3A_257 = arith.index_cast %get3A_256 : i32 to index
      %get3A_258 = arith.constant 0 : index
      %get3A_259 = tpu.vector_load %arg9[%get3A_257, %get3A_258] {strides = array<i32>} : memref<2x40xi32, #tpu.memory_space<vmem>>, vector<16xi32>,
      %swap3A_260 = arith.constant 0 : index
      %swap3A_261 = tpu.vector_load %arg10[%swap3A_260] {strides = array<i32>} : memref<40xi32, #tpu.memory_space<vmem>>, vector<16xi32>,
      tpu.vector_store %arg10[%swap3A_260], %get3A_259 {strides = array<i32>} : memref<40xi32, #tpu.memory_space<vmem>>, vector<16xi32>,
      %get3A_262 = arith.constant 1 : i32
      %get3A_263 = arith.index_cast %get3A_262 : i32 to index
      %get3A_264 = arith.constant 16 : index
      %get3A_265 = tpu.vector_load %arg9[%get3A_263, %get3A_264] {strides = array<i32>} : memref<2x40xi32, #tpu.memory_space<vmem>>, vector<16xi32>,
      %swap3A_266 = arith.constant 16 : index
      %swap3A_267 = tpu.vector_load %arg10[%swap3A_266] {strides = array<i32>} : memref<40xi32, #tpu.memory_space<vmem>>, vector<16xi32>,
      tpu.vector_store %arg10[%swap3A_266], %get3A_265 {strides = array<i32>} : memref<40xi32, #tpu.memory_space<vmem>>, vector<16xi32>,
      %get3A_268 = arith.constant 1 : i32
      %get3A_269 = arith.index_cast %get3A_268 : i32 to index
      %get3A_270 = arith.constant 24 : index
      %get3A_271 = tpu.vector_load %arg9[%get3A_269, %get3A_270] {strides = array<i32>} : memref<2x40xi32, #tpu.memory_space<vmem>>, vector<16xi32>,
      %swap3A_272 = arith.constant 24 : index
      %swap3A_273 = tpu.vector_load %arg10[%swap3A_272] {strides = array<i32>} : memref<40xi32, #tpu.memory_space<vmem>>, vector<16xi32>,
      tpu.vector_store %arg10[%swap3A_272], %get3A_271 {strides = array<i32>} : memref<40xi32, #tpu.memory_space<vmem>>, vector<16xi32>,
      %scan3A_274 = arith.constant 0 : i32
      %scan3A_275 = arith.constant 0 : i32
      %scan3A_276 = arith.constant 40 : i32
      %scan3A_277 = arith.addi %scan3A_275, %scan3A_276 : i32
      %scan3A_278 = arith.constant 1 : i32
      scf.for %scan3A_283 = %scan3A_275 to %scan3A_277 step %scan3A_278  : i32 {
        %get3A_284 = arith.index_cast %scan3A_283 : i32 to index
        %get3A_285 = arith.constant 0 : index
        %get3A_286 = tpu.vector_load %arg12[%get3A_284, %get3A_285] {strides = array<i32>} : memref<40x144xf32, #tpu.memory_space<vmem>>, vector<16xf32>,
        %get3A_287 = arith.index_cast %scan3A_283 : i32 to index
        %get3A_288 = arith.constant 0 : index
        %get3A_289 = tpu.vector_load %arg14[%get3A_287, %get3A_288] {strides = array<i32>} : memref<40x144xf32, #tpu.memory_space<vmem>>, vector<16xf32>,
        %add3A_290 = arith.addf %get3A_286, %get3A_289 : vector<16xf32>
        %get3A_291 = arith.index_cast %scan3A_283 : i32 to index
        %get3A_292 = arith.constant 0 : index
        %get3A_293 = tpu.vector_load %arg16[%get3A_291, %get3A_292] {strides = array<i32>} : memref<40x128xf32, #tpu.memory_space<vmem>>, vector<16xf32>,
        %add3A_294 = arith.addf %add3A_290, %get3A_293 : vector<16xf32>
        %gt3A = arith.constant 0.000000e+00 : f32
        %gt3A_295 = vector.broadcast %gt3A : f32 to vector<16xf32>
        %gt3A_296 = arith.cmpf ogt, %add3A_294, %gt3A_295 : vector<16xf32>
        %mul3A_297 = arith.constant 2.000000e-01 : f32
        %mul3A_298 = vector.broadcast %mul3A_297 : f32 to vector<16xf32>
        %mul3A_299 = arith.mulf %mul3A_298, %add3A_294 : vector<16xf32>
        %select_n3A = arith.select %gt3A_296, %add3A_294, %mul3A_299 : vector<16xi1>, vector<16xf32>
        %mul3A_300 = arith.mulf %select_n3A, %get3A_43 : vector<16xf32>
        %add3A_301 = arith.addf %broadcast_in_dim3A_1, %mul3A_300 : vector<16xf32>
        %get3A_302 = arith.index_cast %scan3A_283 : i32 to index
        %get3A_303 = arith.constant 16 : index
        %get3A_304 = tpu.vector_load %arg12[%get3A_302, %get3A_303] {strides = array<i32>} : memref<40x144xf32, #tpu.memory_space<vmem>>, vector<16xf32>,
        %get3A_305 = arith.index_cast %scan3A_283 : i32 to index
        %get3A_306 = arith.constant 16 : index
        %get3A_307 = tpu.vector_load %arg14[%get3A_305, %get3A_306] {strides = array<i32>} : memref<40x144xf32, #tpu.memory_space<vmem>>, vector<16xf32>,
        %add3A_308 = arith.addf %get3A_304, %get3A_307 : vector<16xf32>
        %get3A_309 = arith.index_cast %scan3A_283 : i32 to index
        %get3A_310 = arith.constant 16 : index
        %get3A_311 = tpu.vector_load %arg16[%get3A_309, %get3A_310] {strides = array<i32>} : memref<40x128xf32, #tpu.memory_space<vmem>>, vector<16xf32>,
        %add3A_312 = arith.addf %add3A_308, %get3A_311 : vector<16xf32>
        %gt3A_313 = arith.constant 0.000000e+00 : f32
        %gt3A_314 = vector.broadcast %gt3A_313 : f32 to vector<16xf32>
        %gt3A_315 = arith.cmpf ogt, %add3A_312, %gt3A_314 : vector<16xf32>
        %mul3A_316 = arith.constant 2.000000e-01 : f32
        %mul3A_317 = vector.broadcast %mul3A_316 : f32 to vector<16xf32>
        %mul3A_318 = arith.mulf %mul3A_317, %add3A_312 : vector<16xf32>
        %select_n3A_319 = arith.select %gt3A_315, %add3A_312, %mul3A_318 : vector<16xi1>, vector<16xf32>
        %mul3A_320 = arith.mulf %select_n3A_319, %get3A_45 : vector<16xf32>
        %add3A_321 = arith.addf %add3A_301, %mul3A_320 : vector<16xf32>
        %get3A_322 = arith.index_cast %scan3A_283 : i32 to index
        %get3A_323 = arith.constant 32 : index
        %get3A_324 = tpu.vector_load %arg12[%get3A_322, %get3A_323] {strides = array<i32>} : memref<40x144xf32, #tpu.memory_space<vmem>>, vector<16xf32>,
        %get3A_325 = arith.index_cast %scan3A_283 : i32 to index
        %get3A_326 = arith.constant 32 : index
        %get3A_327 = tpu.vector_load %arg14[%get3A_325, %get3A_326] {strides = array<i32>} : memref<40x144xf32, #tpu.memory_space<vmem>>, vector<16xf32>,
        %add3A_328 = arith.addf %get3A_324, %get3A_327 : vector<16xf32>
        %get3A_329 = arith.index_cast %scan3A_283 : i32 to index
        %get3A_330 = arith.constant 32 : index
        %get3A_331 = tpu.vector_load %arg16[%get3A_329, %get3A_330] {strides = array<i32>} : memref<40x128xf32, #tpu.memory_space<vmem>>, vector<16xf32>,
        %add3A_332 = arith.addf %add3A_328, %get3A_331 : vector<16xf32>
        %gt3A_333 = arith.constant 0.000000e+00 : f32
        %gt3A_334 = vector.broadcast %gt3A_333 : f32 to vector<16xf32>
        %gt3A_335 = arith.cmpf ogt, %add3A_332, %gt3A_334 : vector<16xf32>
        %mul3A_336 = arith.constant 2.000000e-01 : f32
        %mul3A_337 = vector.broadcast %mul3A_336 : f32 to vector<16xf32>
        %mul3A_338 = arith.mulf %mul3A_337, %add3A_332 : vector<16xf32>
        %select_n3A_339 = arith.select %gt3A_335, %add3A_332, %mul3A_338 : vector<16xi1>, vector<16xf32>
        %mul3A_340 = arith.mulf %select_n3A_339, %get3A_47 : vector<16xf32>
        %add3A_341 = arith.addf %add3A_321, %mul3A_340 : vector<16xf32>
        %get3A_342 = arith.index_cast %scan3A_283 : i32 to index
        %get3A_343 = arith.constant 48 : index
        %get3A_344 = tpu.vector_load %arg12[%get3A_342, %get3A_343] {strides = array<i32>} : memref<40x144xf32, #tpu.memory_space<vmem>>, vector<16xf32>,
        %get3A_345 = arith.index_cast %scan3A_283 : i32 to index
        %get3A_346 = arith.constant 48 : index
        %get3A_347 = tpu.vector_load %arg14[%get3A_345, %get3A_346] {strides = array<i32>} : memref<40x144xf32, #tpu.memory_space<vmem>>, vector<16xf32>,
        %add3A_348 = arith.addf %get3A_344, %get3A_347 : vector<16xf32>
        %get3A_349 = arith.index_cast %scan3A_283 : i32 to index
        %get3A_350 = arith.constant 48 : index
        %get3A_351 = tpu.vector_load %arg16[%get3A_349, %get3A_350] {strides = array<i32>} : memref<40x128xf32, #tpu.memory_space<vmem>>, vector<16xf32>,
        %add3A_352 = arith.addf %add3A_348, %get3A_351 : vector<16xf32>
        %gt3A_353 = arith.constant 0.000000e+00 : f32
        %gt3A_354 = vector.broadcast %gt3A_353 : f32 to vector<16xf32>
        %gt3A_355 = arith.cmpf ogt, %add3A_352, %gt3A_354 : vector<16xf32>
        %mul3A_356 = arith.constant 2.000000e-01 : f32
        %mul3A_357 = vector.broadcast %mul3A_356 : f32 to vector<16xf32>
        %mul3A_358 = arith.mulf %mul3A_357, %add3A_352 : vector<16xf32>
        %select_n3A_359 = arith.select %gt3A_355, %add3A_352, %mul3A_358 : vector<16xi1>, vector<16xf32>
        %mul3A_360 = arith.mulf %select_n3A_359, %get3A_49 : vector<16xf32>
        %add3A_361 = arith.addf %add3A_341, %mul3A_360 : vector<16xf32>
        %get3A_362 = arith.index_cast %scan3A_283 : i32 to index
        %get3A_363 = arith.constant 64 : index
        %get3A_364 = tpu.vector_load %arg12[%get3A_362, %get3A_363] {strides = array<i32>} : memref<40x144xf32, #tpu.memory_space<vmem>>, vector<16xf32>,
        %get3A_365 = arith.index_cast %scan3A_283 : i32 to index
        %get3A_366 = arith.constant 64 : index
        %get3A_367 = tpu.vector_load %arg14[%get3A_365, %get3A_366] {strides = array<i32>} : memref<40x144xf32, #tpu.memory_space<vmem>>, vector<16xf32>,
        %add3A_368 = arith.addf %get3A_364, %get3A_367 : vector<16xf32>
        %get3A_369 = arith.index_cast %scan3A_283 : i32 to index
        %get3A_370 = arith.constant 64 : index
        %get3A_371 = tpu.vector_load %arg16[%get3A_369, %get3A_370] {strides = array<i32>} : memref<40x128xf32, #tpu.memory_space<vmem>>, vector<16xf32>,
        %add3A_372 = arith.addf %add3A_368, %get3A_371 : vector<16xf32>
        %gt3A_373 = arith.constant 0.000000e+00 : f32
        %gt3A_374 = vector.broadcast %gt3A_373 : f32 to vector<16xf32>
        %gt3A_375 = arith.cmpf ogt, %add3A_372, %gt3A_374 : vector<16xf32>
        %mul3A_376 = arith.constant 2.000000e-01 : f32
        %mul3A_377 = vector.broadcast %mul3A_376 : f32 to vector<16xf32>
        %mul3A_378 = arith.mulf %mul3A_377, %add3A_372 : vector<16xf32>
        %select_n3A_379 = arith.select %gt3A_375, %add3A_372, %mul3A_378 : vector<16xi1>, vector<16xf32>
        %mul3A_380 = arith.mulf %select_n3A_379, %get3A_51 : vector<16xf32>
        %add3A_381 = arith.addf %add3A_361, %mul3A_380 : vector<16xf32>
        %get3A_382 = arith.index_cast %scan3A_283 : i32 to index
        %get3A_383 = arith.constant 80 : index
        %get3A_384 = tpu.vector_load %arg12[%get3A_382, %get3A_383] {strides = array<i32>} : memref<40x144xf32, #tpu.memory_space<vmem>>, vector<16xf32>,
        %get3A_385 = arith.index_cast %scan3A_283 : i32 to index
        %get3A_386 = arith.constant 80 : index
        %get3A_387 = tpu.vector_load %arg14[%get3A_385, %get3A_386] {strides = array<i32>} : memref<40x144xf32, #tpu.memory_space<vmem>>, vector<16xf32>,
        %add3A_388 = arith.addf %get3A_384, %get3A_387 : vector<16xf32>
        %get3A_389 = arith.index_cast %scan3A_283 : i32 to index
        %get3A_390 = arith.constant 80 : index
        %get3A_391 = tpu.vector_load %arg16[%get3A_389, %get3A_390] {strides = array<i32>} : memref<40x128xf32, #tpu.memory_space<vmem>>, vector<16xf32>,
        %add3A_392 = arith.addf %add3A_388, %get3A_391 : vector<16xf32>
        %gt3A_393 = arith.constant 0.000000e+00 : f32
        %gt3A_394 = vector.broadcast %gt3A_393 : f32 to vector<16xf32>
        %gt3A_395 = arith.cmpf ogt, %add3A_392, %gt3A_394 : vector<16xf32>
        %mul3A_396 = arith.constant 2.000000e-01 : f32
        %mul3A_397 = vector.broadcast %mul3A_396 : f32 to vector<16xf32>
        %mul3A_398 = arith.mulf %mul3A_397, %add3A_392 : vector<16xf32>
        %select_n3A_399 = arith.select %gt3A_395, %add3A_392, %mul3A_398 : vector<16xi1>, vector<16xf32>
        %mul3A_400 = arith.mulf %select_n3A_399, %get3A_53 : vector<16xf32>
        %add3A_401 = arith.addf %add3A_381, %mul3A_400 : vector<16xf32>
        %get3A_402 = arith.index_cast %scan3A_283 : i32 to index
        %get3A_403 = arith.constant 96 : index
        %get3A_404 = tpu.vector_load %arg12[%get3A_402, %get3A_403] {strides = array<i32>} : memref<40x144xf32, #tpu.memory_space<vmem>>, vector<16xf32>,
        %get3A_405 = arith.index_cast %scan3A_283 : i32 to index
        %get3A_406 = arith.constant 96 : index
        %get3A_407 = tpu.vector_load %arg14[%get3A_405, %get3A_406] {strides = array<i32>} : memref<40x144xf32, #tpu.memory_space<vmem>>, vector<16xf32>,
        %add3A_408 = arith.addf %get3A_404, %get3A_407 : vector<16xf32>
        %get3A_409 = arith.index_cast %scan3A_283 : i32 to index
        %get3A_410 = arith.constant 96 : index
        %get3A_411 = tpu.vector_load %arg16[%get3A_409, %get3A_410] {strides = array<i32>} : memref<40x128xf32, #tpu.memory_space<vmem>>, vector<16xf32>,
        %add3A_412 = arith.addf %add3A_408, %get3A_411 : vector<16xf32>
        %gt3A_413 = arith.constant 0.000000e+00 : f32
        %gt3A_414 = vector.broadcast %gt3A_413 : f32 to vector<16xf32>
        %gt3A_415 = arith.cmpf ogt, %add3A_412, %gt3A_414 : vector<16xf32>
        %mul3A_416 = arith.constant 2.000000e-01 : f32
        %mul3A_417 = vector.broadcast %mul3A_416 : f32 to vector<16xf32>
        %mul3A_418 = arith.mulf %mul3A_417, %add3A_412 : vector<16xf32>
        %select_n3A_419 = arith.select %gt3A_415, %add3A_412, %mul3A_418 : vector<16xi1>, vector<16xf32>
        %mul3A_420 = arith.mulf %select_n3A_419, %get3A_55 : vector<16xf32>
        %add3A_421 = arith.addf %add3A_401, %mul3A_420 : vector<16xf32>
        %get3A_422 = arith.index_cast %scan3A_283 : i32 to index
        %get3A_423 = arith.constant 112 : index
        %get3A_424 = tpu.vector_load %arg12[%get3A_422, %get3A_423] {strides = array<i32>} : memref<40x144xf32, #tpu.memory_space<vmem>>, vector<16xf32>,
        %get3A_425 = arith.index_cast %scan3A_283 : i32 to index
        %get3A_426 = arith.constant 112 : index
        %get3A_427 = tpu.vector_load %arg14[%get3A_425, %get3A_426] {strides = array<i32>} : memref<40x144xf32, #tpu.memory_space<vmem>>, vector<16xf32>,
        %add3A_428 = arith.addf %get3A_424, %get3A_427 : vector<16xf32>
        %get3A_429 = arith.index_cast %scan3A_283 : i32 to index
        %get3A_430 = arith.constant 112 : index
        %get3A_431 = tpu.vector_load %arg16[%get3A_429, %get3A_430] {strides = array<i32>} : memref<40x128xf32, #tpu.memory_space<vmem>>, vector<16xf32>,
        %add3A_432 = arith.addf %add3A_428, %get3A_431 : vector<16xf32>
        %gt3A_433 = arith.constant 0.000000e+00 : f32
        %gt3A_434 = vector.broadcast %gt3A_433 : f32 to vector<16xf32>
        %gt3A_435 = arith.cmpf ogt, %add3A_432, %gt3A_434 : vector<16xf32>
        %mul3A_436 = arith.constant 2.000000e-01 : f32
        %mul3A_437 = vector.broadcast %mul3A_436 : f32 to vector<16xf32>
        %mul3A_438 = arith.mulf %mul3A_437, %add3A_432 : vector<16xf32>
        %select_n3A_439 = arith.select %gt3A_435, %add3A_432, %mul3A_438 : vector<16xi1>, vector<16xf32>
        %mul3A_440 = arith.mulf %select_n3A_439, %get3A_57 : vector<16xf32>
        %add3A_441 = arith.addf %add3A_421, %mul3A_440 : vector<16xf32>
        %reduce_sum3A = arith.constant true
        %reduce_sum3A_442 = vector.broadcast %reduce_sum3A : i1 to vector<16xi1>
        %reduce_sum3A_443 = tpu.scan <sum>, %add3A_441 masked %reduce_sum3A_442 : vector<16xf32>, vector<16xi1> -> vector<16xf32>
        %reduce_sum3A_444 = vector.extract %reduce_sum3A_443[15] : f32 from vector<16xf32>
        %broadcast_in_dim3A_445 = vector.broadcast %reduce_sum3A_444 : f32 to vector<16xf32>
        %exp3A = math.exp %broadcast_in_dim3A_445 : vector<16xf32>
        %mul3A_446 = arith.mulf %get3A_286, %exp3A : vector<16xf32>
        %swap3A_447 = arith.index_cast %scan3A_283 : i32 to index
        %swap3A_448 = arith.constant 0 : index
        %swap3A_449 = tpu.vector_load %arg17[%swap3A_447, %swap3A_448] {strides = array<i32>} : memref<40x144xf32, #tpu.memory_space<vmem>>, vector<16xf32>,
        tpu.vector_store %arg17[%swap3A_447, %swap3A_448], %mul3A_446 {strides = array<i32>} : memref<40x144xf32, #tpu.memory_space<vmem>>, vector<16xf32>,
        %mul3A_450 = arith.mulf %get3A_304, %exp3A : vector<16xf32>
        %swap3A_451 = arith.index_cast %scan3A_283 : i32 to index
        %swap3A_452 = arith.constant 16 : index
        %swap3A_453 = tpu.vector_load %arg17[%swap3A_451, %swap3A_452] {strides = array<i32>} : memref<40x144xf32, #tpu.memory_space<vmem>>, vector<16xf32>,
        tpu.vector_store %arg17[%swap3A_451, %swap3A_452], %mul3A_450 {strides = array<i32>} : memref<40x144xf32, #tpu.memory_space<vmem>>, vector<16xf32>,
        %mul3A_454 = arith.mulf %get3A_324, %exp3A : vector<16xf32>
        %swap3A_455 = arith.index_cast %scan3A_283 : i32 to index
        %swap3A_456 = arith.constant 32 : index
        %swap3A_457 = tpu.vector_load %arg17[%swap3A_455, %swap3A_456] {strides = array<i32>} : memref<40x144xf32, #tpu.memory_space<vmem>>, vector<16xf32>,
        tpu.vector_store %arg17[%swap3A_455, %swap3A_456], %mul3A_454 {strides = array<i32>} : memref<40x144xf32, #tpu.memory_space<vmem>>, vector<16xf32>,
        %mul3A_458 = arith.mulf %get3A_344, %exp3A : vector<16xf32>
        %swap3A_459 = arith.index_cast %scan3A_283 : i32 to index
        %swap3A_460 = arith.constant 48 : index
        %swap3A_461 = tpu.vector_load %arg17[%swap3A_459, %swap3A_460] {strides = array<i32>} : memref<40x144xf32, #tpu.memory_space<vmem>>, vector<16xf32>,
        tpu.vector_store %arg17[%swap3A_459, %swap3A_460], %mul3A_458 {strides = array<i32>} : memref<40x144xf32, #tpu.memory_space<vmem>>, vector<16xf32>,
        %mul3A_462 = arith.mulf %get3A_364, %exp3A : vector<16xf32>
        %swap3A_463 = arith.index_cast %scan3A_283 : i32 to index
        %swap3A_464 = arith.constant 64 : index
        %swap3A_465 = tpu.vector_load %arg17[%swap3A_463, %swap3A_464] {strides = array<i32>} : memref<40x144xf32, #tpu.memory_space<vmem>>, vector<16xf32>,
        tpu.vector_store %arg17[%swap3A_463, %swap3A_464], %mul3A_462 {strides = array<i32>} : memref<40x144xf32, #tpu.memory_space<vmem>>, vector<16xf32>,
        %mul3A_466 = arith.mulf %get3A_384, %exp3A : vector<16xf32>
        %swap3A_467 = arith.index_cast %scan3A_283 : i32 to index
        %swap3A_468 = arith.constant 80 : index
        %swap3A_469 = tpu.vector_load %arg17[%swap3A_467, %swap3A_468] {strides = array<i32>} : memref<40x144xf32, #tpu.memory_space<vmem>>, vector<16xf32>,
        tpu.vector_store %arg17[%swap3A_467, %swap3A_468], %mul3A_466 {strides = array<i32>} : memref<40x144xf32, #tpu.memory_space<vmem>>, vector<16xf32>,
        %mul3A_470 = arith.mulf %get3A_404, %exp3A : vector<16xf32>
        %swap3A_471 = arith.index_cast %scan3A_283 : i32 to index
        %swap3A_472 = arith.constant 96 : index
        %swap3A_473 = tpu.vector_load %arg17[%swap3A_471, %swap3A_472] {strides = array<i32>} : memref<40x144xf32, #tpu.memory_space<vmem>>, vector<16xf32>,
        tpu.vector_store %arg17[%swap3A_471, %swap3A_472], %mul3A_470 {strides = array<i32>} : memref<40x144xf32, #tpu.memory_space<vmem>>, vector<16xf32>,
        %mul3A_474 = arith.mulf %get3A_424, %exp3A : vector<16xf32>
        %swap3A_475 = arith.index_cast %scan3A_283 : i32 to index
        %swap3A_476 = arith.constant 112 : index
        %swap3A_477 = tpu.vector_load %arg17[%swap3A_475, %swap3A_476] {strides = array<i32>} : memref<40x144xf32, #tpu.memory_space<vmem>>, vector<16xf32>,
        tpu.vector_store %arg17[%swap3A_475, %swap3A_476], %mul3A_474 {strides = array<i32>} : memref<40x144xf32, #tpu.memory_space<vmem>>, vector<16xf32>,
        %eq3A_478 = arith.constant 0 : i32
        %eq3A_479 = vector.broadcast %eq3A_478 : i32 to vector<16xi32>
        %eq3A_480 = arith.cmpi eq, %iota3A, %eq3A_479 : vector<16xi32>
        %jit3A = arith.constant 0.000000e+00 : f32
        %broadcast_in_dim3A_481 = vector.broadcast %jit3A : f32 to vector<16xf32>
        %select_n3A_482 = arith.select %eq3A_480, %exp3A, %broadcast_in_dim3A_481 : vector<16xi1>, vector<16xf32>
        %swap3A_483 = arith.index_cast %scan3A_283 : i32 to index
        %swap3A_484 = arith.constant 128 : index
        %swap3A_485 = tpu.vector_load %arg17[%swap3A_483, %swap3A_484] {strides = array<i32>} : memref<40x144xf32, #tpu.memory_space<vmem>>, vector<16xf32>,
        tpu.vector_store %arg17[%swap3A_483, %swap3A_484], %select_n3A_482 {strides = array<i32>} : memref<40x144xf32, #tpu.memory_space<vmem>>, vector<16xf32>,
      }
      %scan3A_279 = arith.constant 40 : i32
      %dma_start3A_280 = arith.constant 0 : i32
      %dma_start3A_281 = arith.constant 0 : i32
      %dma_start3A_282 = tpu.memref_slice %arg7[%dma_start3A_280, %dma_start3A_281] : memref<10000x144xf32, #tpu.memory_space<vmem_shared>> -> memref<10000x144xf32, #tpu.memory_space<vmem_shared>>
      tpu.enqueue_indirect_dma source(%arg17 : memref<40x144xf32, #tpu.memory_space<vmem>>) target(%dma_start3A_282 : memref<10000x144xf32, #tpu.memory_space<vmem_shared>>) offsets(%arg10 : memref<40xi32, #tpu.memory_space<vmem>>) semaphore(%arg27 : memref<!tpu.dma_semaphore, #tpu.memory_space<semaphore_mem>>) {add = true}
    }
    %scan3A_105 = arith.constant 125 : i32
    %dma_wait3A_106 = arith.constant 0 : i32
    %dma_wait3A_107 = arith.constant 0 : i32
    %dma_wait3A_108 = tpu.memref_slice %arg7[%dma_wait3A_106, %dma_wait3A_107] : memref<10000x144xf32, #tpu.memory_space<vmem_shared>> -> memref<10000x144xf32, #tpu.memory_space<vmem_shared>>
    tpu.wait_indirect_dma semaphore(%arg27 : memref<!tpu.dma_semaphore, #tpu.memory_space<semaphore_mem>>) src(%arg17 : memref<40x144xf32, #tpu.memory_space<vmem>>) dst(%dma_wait3A_108 : memref<10000x144xf32, #tpu.memory_space<vmem_shared>>)
    %barrier3A_109 = arith.constant 0 : index
    tpu.barrier barrier_id(%barrier3A_109)
    %add3A_110 = arith.constant 0 : i32
    %add3A_111 = arith.addi %mul3A_8, %add3A_110 : i32
    "tpu.region"() ({
      %run_scoped3A = tpu.sem_alloc : memref<!tpu.dma_semaphore, #tpu.memory_space<semaphore_mem>>
      %dma_start3A_147 = arith.constant 0 : i32
      %dma_start3A_148 = tpu.memref_slice %arg6[%arg0, %add3A_111, %dma_start3A_147] : memref<2x10000x144xf32, #tpu.memory_space<hbm>> -> memref<1x40x144xf32, #tpu.memory_space<hbm>>
      %dma_start3A_149 = tpu.memref_squeeze %dma_start3A_148 : memref<1x40x144xf32, #tpu.memory_space<hbm>> -> memref<40x144xf32, #tpu.memory_space<hbm>>
      %dma_start3A_150 = arith.constant 0 : i32
      %dma_start3A_151 = tpu.memref_slice %arg7[%add3A_111, %dma_start3A_150] : memref<10000x144xf32, #tpu.memory_space<vmem_shared>> -> memref<40x144xf32, #tpu.memory_space<vmem_shared>>
      tpu.enqueue_dma source(%dma_start3A_151 : memref<40x144xf32, #tpu.memory_space<vmem_shared>>) target(%dma_start3A_149 : memref<40x144xf32, #tpu.memory_space<hbm>>) target_semaphore(%run_scoped3A : memref<!tpu.dma_semaphore, #tpu.memory_space<semaphore_mem>>)
      %dma_wait3A_152 = arith.constant 0 : i32
      %dma_wait3A_153 = tpu.memref_slice %arg6[%arg0, %add3A_111, %dma_wait3A_152] : memref<2x10000x144xf32, #tpu.memory_space<hbm>> -> memref<1x40x144xf32, #tpu.memory_space<hbm>>
      %dma_wait3A_154 = tpu.memref_squeeze %dma_wait3A_153 : memref<1x40x144xf32, #tpu.memory_space<hbm>> -> memref<40x144xf32, #tpu.memory_space<hbm>>
      %dma_wait3A_155 = arith.constant 0 : i32
      %dma_wait3A_156 = tpu.memref_slice %arg7[%add3A_111, %dma_wait3A_155] : memref<10000x144xf32, #tpu.memory_space<vmem_shared>> -> memref<40x144xf32, #tpu.memory_space<vmem_shared>>
      tpu.wait_dma2 semaphore(%run_scoped3A : memref<!tpu.dma_semaphore, #tpu.memory_space<semaphore_mem>>) src(%dma_wait3A_156 : memref<40x144xf32, #tpu.memory_space<vmem_shared>>) dst(%dma_wait3A_154 : memref<40x144xf32, #tpu.memory_space<hbm>>)
      tpu.yield
    }) : () -> ()
    %add3A_112 = arith.constant 40 : i32
    %add3A_113 = arith.addi %mul3A_8, %add3A_112 : i32
    "tpu.region"() ({
      %run_scoped3A = tpu.sem_alloc : memref<!tpu.dma_semaphore, #tpu.memory_space<semaphore_mem>>
      %dma_start3A_147 = arith.constant 0 : i32
      %dma_start3A_148 = tpu.memref_slice %arg6[%arg0, %add3A_113, %dma_start3A_147] : memref<2x10000x144xf32, #tpu.memory_space<hbm>> -> memref<1x40x144xf32, #tpu.memory_space<hbm>>
      %dma_start3A_149 = tpu.memref_squeeze %dma_start3A_148 : memref<1x40x144xf32, #tpu.memory_space<hbm>> -> memref<40x144xf32, #tpu.memory_space<hbm>>
      %dma_start3A_150 = arith.constant 0 : i32
      %dma_start3A_151 = tpu.memref_slice %arg7[%add3A_113, %dma_start3A_150] : memref<10000x144xf32, #tpu.memory_space<vmem_shared>> -> memref<40x144xf32, #tpu.memory_space<vmem_shared>>
      tpu.enqueue_dma source(%dma_start3A_151 : memref<40x144xf32, #tpu.memory_space<vmem_shared>>) target(%dma_start3A_149 : memref<40x144xf32, #tpu.memory_space<hbm>>) target_semaphore(%run_scoped3A : memref<!tpu.dma_semaphore, #tpu.memory_space<semaphore_mem>>)
      %dma_wait3A_152 = arith.constant 0 : i32
      %dma_wait3A_153 = tpu.memref_slice %arg6[%arg0, %add3A_113, %dma_wait3A_152] : memref<2x10000x144xf32, #tpu.memory_space<hbm>> -> memref<1x40x144xf32, #tpu.memory_space<hbm>>
      %dma_wait3A_154 = tpu.memref_squeeze %dma_wait3A_153 : memref<1x40x144xf32, #tpu.memory_space<hbm>> -> memref<40x144xf32, #tpu.memory_space<hbm>>
      %dma_wait3A_155 = arith.constant 0 : i32
      %dma_wait3A_156 = tpu.memref_slice %arg7[%add3A_113, %dma_wait3A_155] : memref<10000x144xf32, #tpu.memory_space<vmem_shared>> -> memref<40x144xf32, #tpu.memory_space<vmem_shared>>
      tpu.wait_dma2 semaphore(%run_scoped3A : memref<!tpu.dma_semaphore, #tpu.memory_space<semaphore_mem>>) src(%dma_wait3A_156 : memref<40x144xf32, #tpu.memory_space<vmem_shared>>) dst(%dma_wait3A_154 : memref<40x144xf32, #tpu.memory_space<hbm>>)
      tpu.yield
    }) : () -> ()
    %add3A_114 = arith.constant 80 : i32
    %add3A_115 = arith.addi %mul3A_8, %add3A_114 : i32
    "tpu.region"() ({
      %run_scoped3A = tpu.sem_alloc : memref<!tpu.dma_semaphore, #tpu.memory_space<semaphore_mem>>
      %dma_start3A_147 = arith.constant 0 : i32
      %dma_start3A_148 = tpu.memref_slice %arg6[%arg0, %add3A_115, %dma_start3A_147] : memref<2x10000x144xf32, #tpu.memory_space<hbm>> -> memref<1x40x144xf32, #tpu.memory_space<hbm>>
      %dma_start3A_149 = tpu.memref_squeeze %dma_start3A_148 : memref<1x40x144xf32, #tpu.memory_space<hbm>> -> memref<40x144xf32, #tpu.memory_space<hbm>>
      %dma_start3A_150 = arith.constant 0 : i32
      %dma_start3A_151 = tpu.memref_slice %arg7[%add3A_115, %dma_start3A_150] : memref<10000x144xf32, #tpu.memory_space<vmem_shared>> -> memref<40x144xf32, #tpu.memory_space<vmem_shared>>
      tpu.enqueue_dma source(%dma_start3A_151 : memref<40x144xf32, #tpu.memory_space<vmem_shared>>) target(%dma_start3A_149 : memref<40x144xf32, #tpu.memory_space<hbm>>) target_semaphore(%run_scoped3A : memref<!tpu.dma_semaphore, #tpu.memory_space<semaphore_mem>>)
      %dma_wait3A_152 = arith.constant 0 : i32
      %dma_wait3A_153 = tpu.memref_slice %arg6[%arg0, %add3A_115, %dma_wait3A_152] : memref<2x10000x144xf32, #tpu.memory_space<hbm>> -> memref<1x40x144xf32, #tpu.memory_space<hbm>>
      %dma_wait3A_154 = tpu.memref_squeeze %dma_wait3A_153 : memref<1x40x144xf32, #tpu.memory_space<hbm>> -> memref<40x144xf32, #tpu.memory_space<hbm>>
      %dma_wait3A_155 = arith.constant 0 : i32
      %dma_wait3A_156 = tpu.memref_slice %arg7[%add3A_115, %dma_wait3A_155] : memref<10000x144xf32, #tpu.memory_space<vmem_shared>> -> memref<40x144xf32, #tpu.memory_space<vmem_shared>>
      tpu.wait_dma2 semaphore(%run_scoped3A : memref<!tpu.dma_semaphore, #tpu.memory_space<semaphore_mem>>) src(%dma_wait3A_156 : memref<40x144xf32, #tpu.memory_space<vmem_shared>>) dst(%dma_wait3A_154 : memref<40x144xf32, #tpu.memory_space<hbm>>)
      tpu.yield
    }) : () -> ()
    %add3A_116 = arith.constant 120 : i32
    %add3A_117 = arith.addi %mul3A_8, %add3A_116 : i32
    "tpu.region"() ({
      %run_scoped3A = tpu.sem_alloc : memref<!tpu.dma_semaphore, #tpu.memory_space<semaphore_mem>>
      %dma_start3A_147 = arith.constant 0 : i32
      %dma_start3A_148 = tpu.memref_slice %arg6[%arg0, %add3A_117, %dma_start3A_147] : memref<2x10000x144xf32, #tpu.memory_space<hbm>> -> memref<1x40x144xf32, #tpu.memory_space<hbm>>
      %dma_start3A_149 = tpu.memref_squeeze %dma_start3A_148 : memref<1x40x144xf32, #tpu.memory_space<hbm>> -> memref<40x144xf32, #tpu.memory_space<hbm>>
      %dma_start3A_150 = arith.constant 0 : i32
      %dma_start3A_151 = tpu.memref_slice %arg7[%add3A_117, %dma_start3A_150] : memref<10000x144xf32, #tpu.memory_space<vmem_shared>> -> memref<40x144xf32, #tpu.memory_space<vmem_shared>>
      tpu.enqueue_dma source(%dma_start3A_151 : memref<40x144xf32, #tpu.memory_space<vmem_shared>>) target(%dma_start3A_149 : memref<40x144xf32, #tpu.memory_space<hbm>>) target_semaphore(%run_scoped3A : memref<!tpu.dma_semaphore, #tpu.memory_space<semaphore_mem>>)
      %dma_wait3A_152 = arith.constant 0 : i32
      %dma_wait3A_153 = tpu.memref_slice %arg6[%arg0, %add3A_117, %dma_wait3A_152] : memref<2x10000x144xf32, #tpu.memory_space<hbm>> -> memref<1x40x144xf32, #tpu.memory_space<hbm>>
      %dma_wait3A_154 = tpu.memref_squeeze %dma_wait3A_153 : memref<1x40x144xf32, #tpu.memory_space<hbm>> -> memref<40x144xf32, #tpu.memory_space<hbm>>
      %dma_wait3A_155 = arith.constant 0 : i32
      %dma_wait3A_156 = tpu.memref_slice %arg7[%add3A_117, %dma_wait3A_155] : memref<10000x144xf32, #tpu.memory_space<vmem_shared>> -> memref<40x144xf32, #tpu.memory_space<vmem_shared>>
      tpu.wait_dma2 semaphore(%run_scoped3A : memref<!tpu.dma_semaphore, #tpu.memory_space<semaphore_mem>>) src(%dma_wait3A_156 : memref<40x144xf32, #tpu.memory_space<vmem_shared>>) dst(%dma_wait3A_154 : memref<40x144xf32, #tpu.memory_space<hbm>>)
      tpu.yield
    }) : () -> ()
    %add3A_118 = arith.constant 160 : i32
    %add3A_119 = arith.addi %mul3A_8, %add3A_118 : i32
    "tpu.region"() ({
      %run_scoped3A = tpu.sem_alloc : memref<!tpu.dma_semaphore, #tpu.memory_space<semaphore_mem>>
      %dma_start3A_147 = arith.constant 0 : i32
      %dma_start3A_148 = tpu.memref_slice %arg6[%arg0, %add3A_119, %dma_start3A_147] : memref<2x10000x144xf32, #tpu.memory_space<hbm>> -> memref<1x40x144xf32, #tpu.memory_space<hbm>>
      %dma_start3A_149 = tpu.memref_squeeze %dma_start3A_148 : memref<1x40x144xf32, #tpu.memory_space<hbm>> -> memref<40x144xf32, #tpu.memory_space<hbm>>
      %dma_start3A_150 = arith.constant 0 : i32
      %dma_start3A_151 = tpu.memref_slice %arg7[%add3A_119, %dma_start3A_150] : memref<10000x144xf32, #tpu.memory_space<vmem_shared>> -> memref<40x144xf32, #tpu.memory_space<vmem_shared>>
      tpu.enqueue_dma source(%dma_start3A_151 : memref<40x144xf32, #tpu.memory_space<vmem_shared>>) target(%dma_start3A_149 : memref<40x144xf32, #tpu.memory_space<hbm>>) target_semaphore(%run_scoped3A : memref<!tpu.dma_semaphore, #tpu.memory_space<semaphore_mem>>)
      %dma_wait3A_152 = arith.constant 0 : i32
      %dma_wait3A_153 = tpu.memref_slice %arg6[%arg0, %add3A_119, %dma_wait3A_152] : memref<2x10000x144xf32, #tpu.memory_space<hbm>> -> memref<1x40x144xf32, #tpu.memory_space<hbm>>
      %dma_wait3A_154 = tpu.memref_squeeze %dma_wait3A_153 : memref<1x40x144xf32, #tpu.memory_space<hbm>> -> memref<40x144xf32, #tpu.memory_space<hbm>>
      %dma_wait3A_155 = arith.constant 0 : i32
      %dma_wait3A_156 = tpu.memref_slice %arg7[%add3A_119, %dma_wait3A_155] : memref<10000x144xf32, #tpu.memory_space<vmem_shared>> -> memref<40x144xf32, #tpu.memory_space<vmem_shared>>
      tpu.wait_dma2 semaphore(%run_scoped3A : memref<!tpu.dma_semaphore, #tpu.memory_space<semaphore_mem>>) src(%dma_wait3A_156 : memref<40x144xf32, #tpu.memory_space<vmem_shared>>) dst(%dma_wait3A_154 : memref<40x144xf32, #tpu.memory_space<hbm>>)
      tpu.yield
    }) : () -> ()
    %add3A_120 = arith.constant 200 : i32
    %add3A_121 = arith.addi %mul3A_8, %add3A_120 : i32
    "tpu.region"() ({
      %run_scoped3A = tpu.sem_alloc : memref<!tpu.dma_semaphore, #tpu.memory_space<semaphore_mem>>
      %dma_start3A_147 = arith.constant 0 : i32
      %dma_start3A_148 = tpu.memref_slice %arg6[%arg0, %add3A_121, %dma_start3A_147] : memref<2x10000x144xf32, #tpu.memory_space<hbm>> -> memref<1x40x144xf32, #tpu.memory_space<hbm>>
      %dma_start3A_149 = tpu.memref_squeeze %dma_start3A_148 : memref<1x40x144xf32, #tpu.memory_space<hbm>> -> memref<40x144xf32, #tpu.memory_space<hbm>>
      %dma_start3A_150 = arith.constant 0 : i32
      %dma_start3A_151 = tpu.memref_slice %arg7[%add3A_121, %dma_start3A_150] : memref<10000x144xf32, #tpu.memory_space<vmem_shared>> -> memref<40x144xf32, #tpu.memory_space<vmem_shared>>
      tpu.enqueue_dma source(%dma_start3A_151 : memref<40x144xf32, #tpu.memory_space<vmem_shared>>) target(%dma_start3A_149 : memref<40x144xf32, #tpu.memory_space<hbm>>) target_semaphore(%run_scoped3A : memref<!tpu.dma_semaphore, #tpu.memory_space<semaphore_mem>>)
      %dma_wait3A_152 = arith.constant 0 : i32
      %dma_wait3A_153 = tpu.memref_slice %arg6[%arg0, %add3A_121, %dma_wait3A_152] : memref<2x10000x144xf32, #tpu.memory_space<hbm>> -> memref<1x40x144xf32, #tpu.memory_space<hbm>>
      %dma_wait3A_154 = tpu.memref_squeeze %dma_wait3A_153 : memref<1x40x144xf32, #tpu.memory_space<hbm>> -> memref<40x144xf32, #tpu.memory_space<hbm>>
      %dma_wait3A_155 = arith.constant 0 : i32
      %dma_wait3A_156 = tpu.memref_slice %arg7[%add3A_121, %dma_wait3A_155] : memref<10000x144xf32, #tpu.memory_space<vmem_shared>> -> memref<40x144xf32, #tpu.memory_space<vmem_shared>>
      tpu.wait_dma2 semaphore(%run_scoped3A : memref<!tpu.dma_semaphore, #tpu.memory_space<semaphore_mem>>) src(%dma_wait3A_156 : memref<40x144xf32, #tpu.memory_space<vmem_shared>>) dst(%dma_wait3A_154 : memref<40x144xf32, #tpu.memory_space<hbm>>)
      tpu.yield
    }) : () -> ()
    %add3A_122 = arith.constant 240 : i32
    %add3A_123 = arith.addi %mul3A_8, %add3A_122 : i32
    "tpu.region"() ({
      %run_scoped3A = tpu.sem_alloc : memref<!tpu.dma_semaphore, #tpu.memory_space<semaphore_mem>>
      %dma_start3A_147 = arith.constant 0 : i32
      %dma_start3A_148 = tpu.memref_slice %arg6[%arg0, %add3A_123, %dma_start3A_147] : memref<2x10000x144xf32, #tpu.memory_space<hbm>> -> memref<1x40x144xf32, #tpu.memory_space<hbm>>
      %dma_start3A_149 = tpu.memref_squeeze %dma_start3A_148 : memref<1x40x144xf32, #tpu.memory_space<hbm>> -> memref<40x144xf32, #tpu.memory_space<hbm>>
      %dma_start3A_150 = arith.constant 0 : i32
      %dma_start3A_151 = tpu.memref_slice %arg7[%add3A_123, %dma_start3A_150] : memref<10000x144xf32, #tpu.memory_space<vmem_shared>> -> memref<40x144xf32, #tpu.memory_space<vmem_shared>>
      tpu.enqueue_dma source(%dma_start3A_151 : memref<40x144xf32, #tpu.memory_space<vmem_shared>>) target(%dma_start3A_149 : memref<40x144xf32, #tpu.memory_space<hbm>>) target_semaphore(%run_scoped3A : memref<!tpu.dma_semaphore, #tpu.memory_space<semaphore_mem>>)
      %dma_wait3A_152 = arith.constant 0 : i32
      %dma_wait3A_153 = tpu.memref_slice %arg6[%arg0, %add3A_123, %dma_wait3A_152] : memref<2x10000x144xf32, #tpu.memory_space<hbm>> -> memref<1x40x144xf32, #tpu.memory_space<hbm>>
      %dma_wait3A_154 = tpu.memref_squeeze %dma_wait3A_153 : memref<1x40x144xf32, #tpu.memory_space<hbm>> -> memref<40x144xf32, #tpu.memory_space<hbm>>
      %dma_wait3A_155 = arith.constant 0 : i32
      %dma_wait3A_156 = tpu.memref_slice %arg7[%add3A_123, %dma_wait3A_155] : memref<10000x144xf32, #tpu.memory_space<vmem_shared>> -> memref<40x144xf32, #tpu.memory_space<vmem_shared>>
      tpu.wait_dma2 semaphore(%run_scoped3A : memref<!tpu.dma_semaphore, #tpu.memory_space<semaphore_mem>>) src(%dma_wait3A_156 : memref<40x144xf32, #tpu.memory_space<vmem_shared>>) dst(%dma_wait3A_154 : memref<40x144xf32, #tpu.memory_space<hbm>>)
      tpu.yield
    }) : () -> ()
    %add3A_124 = arith.constant 280 : i32
    %add3A_125 = arith.addi %mul3A_8, %add3A_124 : i32
    "tpu.region"() ({
      %run_scoped3A = tpu.sem_alloc : memref<!tpu.dma_semaphore, #tpu.memory_space<semaphore_mem>>
      %dma_start3A_147 = arith.constant 0 : i32
      %dma_start3A_148 = tpu.memref_slice %arg6[%arg0, %add3A_125, %dma_start3A_147] : memref<2x10000x144xf32, #tpu.memory_space<hbm>> -> memref<1x40x144xf32, #tpu.memory_space<hbm>>
      %dma_start3A_149 = tpu.memref_squeeze %dma_start3A_148 : memref<1x40x144xf32, #tpu.memory_space<hbm>> -> memref<40x144xf32, #tpu.memory_space<hbm>>
      %dma_start3A_150 = arith.constant 0 : i32
      %dma_start3A_151 = tpu.memref_slice %arg7[%add3A_125, %dma_start3A_150] : memref<10000x144xf32, #tpu.memory_space<vmem_shared>> -> memref<40x144xf32, #tpu.memory_space<vmem_shared>>
      tpu.enqueue_dma source(%dma_start3A_151 : memref<40x144xf32, #tpu.memory_space<vmem_shared>>) target(%dma_start3A_149 : memref<40x144xf32, #tpu.memory_space<hbm>>) target_semaphore(%run_scoped3A : memref<!tpu.dma_semaphore, #tpu.memory_space<semaphore_mem>>)
      %dma_wait3A_152 = arith.constant 0 : i32
      %dma_wait3A_153 = tpu.memref_slice %arg6[%arg0, %add3A_125, %dma_wait3A_152] : memref<2x10000x144xf32, #tpu.memory_space<hbm>> -> memref<1x40x144xf32, #tpu.memory_space<hbm>>
      %dma_wait3A_154 = tpu.memref_squeeze %dma_wait3A_153 : memref<1x40x144xf32, #tpu.memory_space<hbm>> -> memref<40x144xf32, #tpu.memory_space<hbm>>
      %dma_wait3A_155 = arith.constant 0 : i32
      %dma_wait3A_156 = tpu.memref_slice %arg7[%add3A_125, %dma_wait3A_155] : memref<10000x144xf32, #tpu.memory_space<vmem_shared>> -> memref<40x144xf32, #tpu.memory_space<vmem_shared>>
      tpu.wait_dma2 semaphore(%run_scoped3A : memref<!tpu.dma_semaphore, #tpu.memory_space<semaphore_mem>>) src(%dma_wait3A_156 : memref<40x144xf32, #tpu.memory_space<vmem_shared>>) dst(%dma_wait3A_154 : memref<40x144xf32, #tpu.memory_space<hbm>>)
      tpu.yield
    }) : () -> ()
    %add3A_126 = arith.constant 320 : i32
    %add3A_127 = arith.addi %mul3A_8, %add3A_126 : i32
    "tpu.region"() ({
      %run_scoped3A = tpu.sem_alloc : memref<!tpu.dma_semaphore, #tpu.memory_space<semaphore_mem>>
      %dma_start3A_147 = arith.constant 0 : i32
      %dma_start3A_148 = tpu.memref_slice %arg6[%arg0, %add3A_127, %dma_start3A_147] : memref<2x10000x144xf32, #tpu.memory_space<hbm>> -> memref<1x40x144xf32, #tpu.memory_space<hbm>>
      %dma_start3A_149 = tpu.memref_squeeze %dma_start3A_148 : memref<1x40x144xf32, #tpu.memory_space<hbm>> -> memref<40x144xf32, #tpu.memory_space<hbm>>
      %dma_start3A_150 = arith.constant 0 : i32
      %dma_start3A_151 = tpu.memref_slice %arg7[%add3A_127, %dma_start3A_150] : memref<10000x144xf32, #tpu.memory_space<vmem_shared>> -> memref<40x144xf32, #tpu.memory_space<vmem_shared>>
      tpu.enqueue_dma source(%dma_start3A_151 : memref<40x144xf32, #tpu.memory_space<vmem_shared>>) target(%dma_start3A_149 : memref<40x144xf32, #tpu.memory_space<hbm>>) target_semaphore(%run_scoped3A : memref<!tpu.dma_semaphore, #tpu.memory_space<semaphore_mem>>)
      %dma_wait3A_152 = arith.constant 0 : i32
      %dma_wait3A_153 = tpu.memref_slice %arg6[%arg0, %add3A_127, %dma_wait3A_152] : memref<2x10000x144xf32, #tpu.memory_space<hbm>> -> memref<1x40x144xf32, #tpu.memory_space<hbm>>
      %dma_wait3A_154 = tpu.memref_squeeze %dma_wait3A_153 : memref<1x40x144xf32, #tpu.memory_space<hbm>> -> memref<40x144xf32, #tpu.memory_space<hbm>>
      %dma_wait3A_155 = arith.constant 0 : i32
      %dma_wait3A_156 = tpu.memref_slice %arg7[%add3A_127, %dma_wait3A_155] : memref<10000x144xf32, #tpu.memory_space<vmem_shared>> -> memref<40x144xf32, #tpu.memory_space<vmem_shared>>
      tpu.wait_dma2 semaphore(%run_scoped3A : memref<!tpu.dma_semaphore, #tpu.memory_space<semaphore_mem>>) src(%dma_wait3A_156 : memref<40x144xf32, #tpu.memory_space<vmem_shared>>) dst(%dma_wait3A_154 : memref<40x144xf32, #tpu.memory_space<hbm>>)
      tpu.yield
    }) : () -> ()
    %add3A_128 = arith.constant 360 : i32
    %add3A_129 = arith.addi %mul3A_8, %add3A_128 : i32
    "tpu.region"() ({
      %run_scoped3A = tpu.sem_alloc : memref<!tpu.dma_semaphore, #tpu.memory_space<semaphore_mem>>
      %dma_start3A_147 = arith.constant 0 : i32
      %dma_start3A_148 = tpu.memref_slice %arg6[%arg0, %add3A_129, %dma_start3A_147] : memref<2x10000x144xf32, #tpu.memory_space<hbm>> -> memref<1x40x144xf32, #tpu.memory_space<hbm>>
      %dma_start3A_149 = tpu.memref_squeeze %dma_start3A_148 : memref<1x40x144xf32, #tpu.memory_space<hbm>> -> memref<40x144xf32, #tpu.memory_space<hbm>>
      %dma_start3A_150 = arith.constant 0 : i32
      %dma_start3A_151 = tpu.memref_slice %arg7[%add3A_129, %dma_start3A_150] : memref<10000x144xf32, #tpu.memory_space<vmem_shared>> -> memref<40x144xf32, #tpu.memory_space<vmem_shared>>
      tpu.enqueue_dma source(%dma_start3A_151 : memref<40x144xf32, #tpu.memory_space<vmem_shared>>) target(%dma_start3A_149 : memref<40x144xf32, #tpu.memory_space<hbm>>) target_semaphore(%run_scoped3A : memref<!tpu.dma_semaphore, #tpu.memory_space<semaphore_mem>>)
      %dma_wait3A_152 = arith.constant 0 : i32
      %dma_wait3A_153 = tpu.memref_slice %arg6[%arg0, %add3A_129, %dma_wait3A_152] : memref<2x10000x144xf32, #tpu.memory_space<hbm>> -> memref<1x40x144xf32, #tpu.memory_space<hbm>>
      %dma_wait3A_154 = tpu.memref_squeeze %dma_wait3A_153 : memref<1x40x144xf32, #tpu.memory_space<hbm>> -> memref<40x144xf32, #tpu.memory_space<hbm>>
      %dma_wait3A_155 = arith.constant 0 : i32
      %dma_wait3A_156 = tpu.memref_slice %arg7[%add3A_129, %dma_wait3A_155] : memref<10000x144xf32, #tpu.memory_space<vmem_shared>> -> memref<40x144xf32, #tpu.memory_space<vmem_shared>>
      tpu.wait_dma2 semaphore(%run_scoped3A : memref<!tpu.dma_semaphore, #tpu.memory_space<semaphore_mem>>) src(%dma_wait3A_156 : memref<40x144xf32, #tpu.memory_space<vmem_shared>>) dst(%dma_wait3A_154 : memref<40x144xf32, #tpu.memory_space<hbm>>)
      tpu.yield
    }) : () -> ()
    %add3A_130 = arith.constant 400 : i32
    %add3A_131 = arith.addi %mul3A_8, %add3A_130 : i32
    "tpu.region"() ({
      %run_scoped3A = tpu.sem_alloc : memref<!tpu.dma_semaphore, #tpu.memory_space<semaphore_mem>>
      %dma_start3A_147 = arith.constant 0 : i32
      %dma_start3A_148 = tpu.memref_slice %arg6[%arg0, %add3A_131, %dma_start3A_147] : memref<2x10000x144xf32, #tpu.memory_space<hbm>> -> memref<1x40x144xf32, #tpu.memory_space<hbm>>
      %dma_start3A_149 = tpu.memref_squeeze %dma_start3A_148 : memref<1x40x144xf32, #tpu.memory_space<hbm>> -> memref<40x144xf32, #tpu.memory_space<hbm>>
      %dma_start3A_150 = arith.constant 0 : i32
      %dma_start3A_151 = tpu.memref_slice %arg7[%add3A_131, %dma_start3A_150] : memref<10000x144xf32, #tpu.memory_space<vmem_shared>> -> memref<40x144xf32, #tpu.memory_space<vmem_shared>>
      tpu.enqueue_dma source(%dma_start3A_151 : memref<40x144xf32, #tpu.memory_space<vmem_shared>>) target(%dma_start3A_149 : memref<40x144xf32, #tpu.memory_space<hbm>>) target_semaphore(%run_scoped3A : memref<!tpu.dma_semaphore, #tpu.memory_space<semaphore_mem>>)
      %dma_wait3A_152 = arith.constant 0 : i32
      %dma_wait3A_153 = tpu.memref_slice %arg6[%arg0, %add3A_131, %dma_wait3A_152] : memref<2x10000x144xf32, #tpu.memory_space<hbm>> -> memref<1x40x144xf32, #tpu.memory_space<hbm>>
      %dma_wait3A_154 = tpu.memref_squeeze %dma_wait3A_153 : memref<1x40x144xf32, #tpu.memory_space<hbm>> -> memref<40x144xf32, #tpu.memory_space<hbm>>
      %dma_wait3A_155 = arith.constant 0 : i32
      %dma_wait3A_156 = tpu.memref_slice %arg7[%add3A_131, %dma_wait3A_155] : memref<10000x144xf32, #tpu.memory_space<vmem_shared>> -> memref<40x144xf32, #tpu.memory_space<vmem_shared>>
      tpu.wait_dma2 semaphore(%run_scoped3A : memref<!tpu.dma_semaphore, #tpu.memory_space<semaphore_mem>>) src(%dma_wait3A_156 : memref<40x144xf32, #tpu.memory_space<vmem_shared>>) dst(%dma_wait3A_154 : memref<40x144xf32, #tpu.memory_space<hbm>>)
      tpu.yield
    }) : () -> ()
    %add3A_132 = arith.constant 440 : i32
    %add3A_133 = arith.addi %mul3A_8, %add3A_132 : i32
    "tpu.region"() ({
      %run_scoped3A = tpu.sem_alloc : memref<!tpu.dma_semaphore, #tpu.memory_space<semaphore_mem>>
      %dma_start3A_147 = arith.constant 0 : i32
      %dma_start3A_148 = tpu.memref_slice %arg6[%arg0, %add3A_133, %dma_start3A_147] : memref<2x10000x144xf32, #tpu.memory_space<hbm>> -> memref<1x40x144xf32, #tpu.memory_space<hbm>>
      %dma_start3A_149 = tpu.memref_squeeze %dma_start3A_148 : memref<1x40x144xf32, #tpu.memory_space<hbm>> -> memref<40x144xf32, #tpu.memory_space<hbm>>
      %dma_start3A_150 = arith.constant 0 : i32
      %dma_start3A_151 = tpu.memref_slice %arg7[%add3A_133, %dma_start3A_150] : memref<10000x144xf32, #tpu.memory_space<vmem_shared>> -> memref<40x144xf32, #tpu.memory_space<vmem_shared>>
      tpu.enqueue_dma source(%dma_start3A_151 : memref<40x144xf32, #tpu.memory_space<vmem_shared>>) target(%dma_start3A_149 : memref<40x144xf32, #tpu.memory_space<hbm>>) target_semaphore(%run_scoped3A : memref<!tpu.dma_semaphore, #tpu.memory_space<semaphore_mem>>)
      %dma_wait3A_152 = arith.constant 0 : i32
      %dma_wait3A_153 = tpu.memref_slice %arg6[%arg0, %add3A_133, %dma_wait3A_152] : memref<2x10000x144xf32, #tpu.memory_space<hbm>> -> memref<1x40x144xf32, #tpu.memory_space<hbm>>
      %dma_wait3A_154 = tpu.memref_squeeze %dma_wait3A_153 : memref<1x40x144xf32, #tpu.memory_space<hbm>> -> memref<40x144xf32, #tpu.memory_space<hbm>>
      %dma_wait3A_155 = arith.constant 0 : i32
      %dma_wait3A_156 = tpu.memref_slice %arg7[%add3A_133, %dma_wait3A_155] : memref<10000x144xf32, #tpu.memory_space<vmem_shared>> -> memref<40x144xf32, #tpu.memory_space<vmem_shared>>
      tpu.wait_dma2 semaphore(%run_scoped3A : memref<!tpu.dma_semaphore, #tpu.memory_space<semaphore_mem>>) src(%dma_wait3A_156 : memref<40x144xf32, #tpu.memory_space<vmem_shared>>) dst(%dma_wait3A_154 : memref<40x144xf32, #tpu.memory_space<hbm>>)
      tpu.yield
    }) : () -> ()
    %add3A_134 = arith.constant 480 : i32
    %add3A_135 = arith.addi %mul3A_8, %add3A_134 : i32
    "tpu.region"() ({
      %run_scoped3A = tpu.sem_alloc : memref<!tpu.dma_semaphore, #tpu.memory_space<semaphore_mem>>
      %dma_start3A_147 = arith.constant 0 : i32
      %dma_start3A_148 = tpu.memref_slice %arg6[%arg0, %add3A_135, %dma_start3A_147] : memref<2x10000x144xf32, #tpu.memory_space<hbm>> -> memref<1x40x144xf32, #tpu.memory_space<hbm>>
      %dma_start3A_149 = tpu.memref_squeeze %dma_start3A_148 : memref<1x40x144xf32, #tpu.memory_space<hbm>> -> memref<40x144xf32, #tpu.memory_space<hbm>>
      %dma_start3A_150 = arith.constant 0 : i32
      %dma_start3A_151 = tpu.memref_slice %arg7[%add3A_135, %dma_start3A_150] : memref<10000x144xf32, #tpu.memory_space<vmem_shared>> -> memref<40x144xf32, #tpu.memory_space<vmem_shared>>
      tpu.enqueue_dma source(%dma_start3A_151 : memref<40x144xf32, #tpu.memory_space<vmem_shared>>) target(%dma_start3A_149 : memref<40x144xf32, #tpu.memory_space<hbm>>) target_semaphore(%run_scoped3A : memref<!tpu.dma_semaphore, #tpu.memory_space<semaphore_mem>>)
      %dma_wait3A_152 = arith.constant 0 : i32
      %dma_wait3A_153 = tpu.memref_slice %arg6[%arg0, %add3A_135, %dma_wait3A_152] : memref<2x10000x144xf32, #tpu.memory_space<hbm>> -> memref<1x40x144xf32, #tpu.memory_space<hbm>>
      %dma_wait3A_154 = tpu.memref_squeeze %dma_wait3A_153 : memref<1x40x144xf32, #tpu.memory_space<hbm>> -> memref<40x144xf32, #tpu.memory_space<hbm>>
      %dma_wait3A_155 = arith.constant 0 : i32
      %dma_wait3A_156 = tpu.memref_slice %arg7[%add3A_135, %dma_wait3A_155] : memref<10000x144xf32, #tpu.memory_space<vmem_shared>> -> memref<40x144xf32, #tpu.memory_space<vmem_shared>>
      tpu.wait_dma2 semaphore(%run_scoped3A : memref<!tpu.dma_semaphore, #tpu.memory_space<semaphore_mem>>) src(%dma_wait3A_156 : memref<40x144xf32, #tpu.memory_space<vmem_shared>>) dst(%dma_wait3A_154 : memref<40x144xf32, #tpu.memory_space<hbm>>)
      tpu.yield
    }) : () -> ()
    %add3A_136 = arith.constant 520 : i32
    %add3A_137 = arith.addi %mul3A_8, %add3A_136 : i32
    "tpu.region"() ({
      %run_scoped3A = tpu.sem_alloc : memref<!tpu.dma_semaphore, #tpu.memory_space<semaphore_mem>>
      %dma_start3A_147 = arith.constant 0 : i32
      %dma_start3A_148 = tpu.memref_slice %arg6[%arg0, %add3A_137, %dma_start3A_147] : memref<2x10000x144xf32, #tpu.memory_space<hbm>> -> memref<1x40x144xf32, #tpu.memory_space<hbm>>
      %dma_start3A_149 = tpu.memref_squeeze %dma_start3A_148 : memref<1x40x144xf32, #tpu.memory_space<hbm>> -> memref<40x144xf32, #tpu.memory_space<hbm>>
      %dma_start3A_150 = arith.constant 0 : i32
      %dma_start3A_151 = tpu.memref_slice %arg7[%add3A_137, %dma_start3A_150] : memref<10000x144xf32, #tpu.memory_space<vmem_shared>> -> memref<40x144xf32, #tpu.memory_space<vmem_shared>>
      tpu.enqueue_dma source(%dma_start3A_151 : memref<40x144xf32, #tpu.memory_space<vmem_shared>>) target(%dma_start3A_149 : memref<40x144xf32, #tpu.memory_space<hbm>>) target_semaphore(%run_scoped3A : memref<!tpu.dma_semaphore, #tpu.memory_space<semaphore_mem>>)
      %dma_wait3A_152 = arith.constant 0 : i32
      %dma_wait3A_153 = tpu.memref_slice %arg6[%arg0, %add3A_137, %dma_wait3A_152] : memref<2x10000x144xf32, #tpu.memory_space<hbm>> -> memref<1x40x144xf32, #tpu.memory_space<hbm>>
      %dma_wait3A_154 = tpu.memref_squeeze %dma_wait3A_153 : memref<1x40x144xf32, #tpu.memory_space<hbm>> -> memref<40x144xf32, #tpu.memory_space<hbm>>
      %dma_wait3A_155 = arith.constant 0 : i32
      %dma_wait3A_156 = tpu.memref_slice %arg7[%add3A_137, %dma_wait3A_155] : memref<10000x144xf32, #tpu.memory_space<vmem_shared>> -> memref<40x144xf32, #tpu.memory_space<vmem_shared>>
      tpu.wait_dma2 semaphore(%run_scoped3A : memref<!tpu.dma_semaphore, #tpu.memory_space<semaphore_mem>>) src(%dma_wait3A_156 : memref<40x144xf32, #tpu.memory_space<vmem_shared>>) dst(%dma_wait3A_154 : memref<40x144xf32, #tpu.memory_space<hbm>>)
      tpu.yield
    }) : () -> ()
    %add3A_138 = arith.constant 560 : i32
    %add3A_139 = arith.addi %mul3A_8, %add3A_138 : i32
    "tpu.region"() ({
      %run_scoped3A = tpu.sem_alloc : memref<!tpu.dma_semaphore, #tpu.memory_space<semaphore_mem>>
      %dma_start3A_147 = arith.constant 0 : i32
      %dma_start3A_148 = tpu.memref_slice %arg6[%arg0, %add3A_139, %dma_start3A_147] : memref<2x10000x144xf32, #tpu.memory_space<hbm>> -> memref<1x40x144xf32, #tpu.memory_space<hbm>>
      %dma_start3A_149 = tpu.memref_squeeze %dma_start3A_148 : memref<1x40x144xf32, #tpu.memory_space<hbm>> -> memref<40x144xf32, #tpu.memory_space<hbm>>
      %dma_start3A_150 = arith.constant 0 : i32
      %dma_start3A_151 = tpu.memref_slice %arg7[%add3A_139, %dma_start3A_150] : memref<10000x144xf32, #tpu.memory_space<vmem_shared>> -> memref<40x144xf32, #tpu.memory_space<vmem_shared>>
      tpu.enqueue_dma source(%dma_start3A_151 : memref<40x144xf32, #tpu.memory_space<vmem_shared>>) target(%dma_start3A_149 : memref<40x144xf32, #tpu.memory_space<hbm>>) target_semaphore(%run_scoped3A : memref<!tpu.dma_semaphore, #tpu.memory_space<semaphore_mem>>)
      %dma_wait3A_152 = arith.constant 0 : i32
      %dma_wait3A_153 = tpu.memref_slice %arg6[%arg0, %add3A_139, %dma_wait3A_152] : memref<2x10000x144xf32, #tpu.memory_space<hbm>> -> memref<1x40x144xf32, #tpu.memory_space<hbm>>
      %dma_wait3A_154 = tpu.memref_squeeze %dma_wait3A_153 : memref<1x40x144xf32, #tpu.memory_space<hbm>> -> memref<40x144xf32, #tpu.memory_space<hbm>>
      %dma_wait3A_155 = arith.constant 0 : i32
      %dma_wait3A_156 = tpu.memref_slice %arg7[%add3A_139, %dma_wait3A_155] : memref<10000x144xf32, #tpu.memory_space<vmem_shared>> -> memref<40x144xf32, #tpu.memory_space<vmem_shared>>
      tpu.wait_dma2 semaphore(%run_scoped3A : memref<!tpu.dma_semaphore, #tpu.memory_space<semaphore_mem>>) src(%dma_wait3A_156 : memref<40x144xf32, #tpu.memory_space<vmem_shared>>) dst(%dma_wait3A_154 : memref<40x144xf32, #tpu.memory_space<hbm>>)
      tpu.yield
    }) : () -> ()
    %add3A_140 = arith.constant 600 : i32
    %add3A_141 = arith.addi %mul3A_8, %add3A_140 : i32
    "tpu.region"() ({
      %run_scoped3A = tpu.sem_alloc : memref<!tpu.dma_semaphore, #tpu.memory_space<semaphore_mem>>
      %dma_start3A_147 = arith.constant 0 : i32
      %dma_start3A_148 = tpu.memref_slice %arg6[%arg0, %add3A_141, %dma_start3A_147] : memref<2x10000x144xf32, #tpu.memory_space<hbm>> -> memref<1x24x144xf32, #tpu.memory_space<hbm>>
      %dma_start3A_149 = tpu.memref_squeeze %dma_start3A_148 : memref<1x24x144xf32, #tpu.memory_space<hbm>> -> memref<24x144xf32, #tpu.memory_space<hbm>>
      %dma_start3A_150 = arith.constant 0 : i32
      %dma_start3A_151 = tpu.memref_slice %arg7[%add3A_141, %dma_start3A_150] : memref<10000x144xf32, #tpu.memory_space<vmem_shared>> -> memref<24x144xf32, #tpu.memory_space<vmem_shared>>
      tpu.enqueue_dma source(%dma_start3A_151 : memref<24x144xf32, #tpu.memory_space<vmem_shared>>) target(%dma_start3A_149 : memref<24x144xf32, #tpu.memory_space<hbm>>) target_semaphore(%run_scoped3A : memref<!tpu.dma_semaphore, #tpu.memory_space<semaphore_mem>>)
      %dma_wait3A_152 = arith.constant 0 : i32
      %dma_wait3A_153 = tpu.memref_slice %arg6[%arg0, %add3A_141, %dma_wait3A_152] : memref<2x10000x144xf32, #tpu.memory_space<hbm>> -> memref<1x24x144xf32, #tpu.memory_space<hbm>>
      %dma_wait3A_154 = tpu.memref_squeeze %dma_wait3A_153 : memref<1x24x144xf32, #tpu.memory_space<hbm>> -> memref<24x144xf32, #tpu.memory_space<hbm>>
      %dma_wait3A_155 = arith.constant 0 : i32
      %dma_wait3A_156 = tpu.memref_slice %arg7[%add3A_141, %dma_wait3A_155] : memref<10000x144xf32, #tpu.memory_space<vmem_shared>> -> memref<24x144xf32, #tpu.memory_space<vmem_shared>>
      tpu.wait_dma2 semaphore(%run_scoped3A : memref<!tpu.dma_semaphore, #tpu.memory_space<semaphore_mem>>) src(%dma_wait3A_156 : memref<24x144xf32, #tpu.memory_space<vmem_shared>>) dst(%dma_wait3A_154 : memref<24x144xf32, #tpu.memory_space<hbm>>)
      tpu.yield
    }) : () -> ()
    %eq3A_142 = arith.constant 15 : i32
    %eq3A_143 = arith.cmpi eq, %arg1, %eq3A_142 : i32
    %convert_element_type3A_144 = arith.extui %eq3A_143 : i1 to i32
    %cond3A_145 = arith.constant 0 : i32
    %cond3A_146 = arith.cmpi ne, %convert_element_type3A_144, %cond3A_145 : i32
    scf.if %cond3A_146 {
      "tpu.region"() ({
        %run_scoped3A = tpu.sem_alloc : memref<!tpu.dma_semaphore, #tpu.memory_space<semaphore_mem>>
        %dma_start3A_147 = arith.constant 9984 : i32
        %dma_start3A_148 = arith.constant 0 : i32
        %dma_start3A_149 = tpu.memref_slice %arg6[%arg0, %dma_start3A_147, %dma_start3A_148] : memref<2x10000x144xf32, #tpu.memory_space<hbm>> -> memref<1x16x144xf32, #tpu.memory_space<hbm>>
        %dma_start3A_150 = tpu.memref_squeeze %dma_start3A_149 : memref<1x16x144xf32, #tpu.memory_space<hbm>> -> memref<16x144xf32, #tpu.memory_space<hbm>>
        %dma_start3A_151 = arith.constant 9984 : i32
        %dma_start3A_152 = arith.constant 0 : i32
        %dma_start3A_153 = tpu.memref_slice %arg7[%dma_start3A_151, %dma_start3A_152] : memref<10000x144xf32, #tpu.memory_space<vmem_shared>> -> memref<16x144xf32, #tpu.memory_space<vmem_shared>>
        tpu.enqueue_dma source(%dma_start3A_153 : memref<16x144xf32, #tpu.memory_space<vmem_shared>>) target(%dma_start3A_150 : memref<16x144xf32, #tpu.memory_space<hbm>>) target_semaphore(%run_scoped3A : memref<!tpu.dma_semaphore, #tpu.memory_space<semaphore_mem>>)
        %dma_wait3A_154 = arith.constant 9984 : i32
        %dma_wait3A_155 = arith.constant 0 : i32
        %dma_wait3A_156 = tpu.memref_slice %arg6[%arg0, %dma_wait3A_154, %dma_wait3A_155] : memref<2x10000x144xf32, #tpu.memory_space<hbm>> -> memref<1x16x144xf32, #tpu.memory_space<hbm>>
        %dma_wait3A_157 = tpu.memref_squeeze %dma_wait3A_156 : memref<1x16x144xf32, #tpu.memory_space<hbm>> -> memref<16x144xf32, #tpu.memory_space<hbm>>
        %dma_wait3A_158 = arith.constant 9984 : i32
        %dma_wait3A_159 = arith.constant 0 : i32
        %dma_wait3A_160 = tpu.memref_slice %arg7[%dma_wait3A_158, %dma_wait3A_159] : memref<10000x144xf32, #tpu.memory_space<vmem_shared>> -> memref<16x144xf32, #tpu.memory_space<vmem_shared>>
        tpu.wait_dma2 semaphore(%run_scoped3A : memref<!tpu.dma_semaphore, #tpu.memory_space<semaphore_mem>>) src(%dma_wait3A_160 : memref<16x144xf32, #tpu.memory_space<vmem_shared>>) dst(%dma_wait3A_157 : memref<16x144xf32, #tpu.memory_space<hbm>>)
        tpu.yield
      }) : () -> ()
    } else {
    }
    return
  }
}

module attributes {stable_mosaic.version = 14 : i64} {
  func.func @_edge_proj_body(%arg0: i32, %arg1: memref<16x6400xf32, #tpu.memory_space<vmem>>, %arg2: memref<16x128xf32, #tpu.memory_space<vmem>>, %arg3: memref<16x128xf32, #tpu.memory_space<vmem>>, %arg4: memref<6400x128xf32, #tpu.memory_space<vmem>>, %arg5: memref<6400x128xf32, #tpu.memory_space<vmem>>) attributes {dimension_semantics = [#tpu.dimension_semantics<arbitrary>], iteration_bounds = array<i64: 50>, scalar_prefetch = 0 : i64, scratch_operands = 0 : i64, tpu.core_type = #tpu.core_type<tc>, window_params = [{transform_indices = @transform_0, window_bounds = array<i64: 16, 6400>}, {pipeline_mode = #tpu.pipeline_mode<synchronous>, transform_indices = @transform_1, window_bounds = array<i64: 16, 128>}, {pipeline_mode = #tpu.pipeline_mode<synchronous>, transform_indices = @transform_2, window_bounds = array<i64: 16, 128>}, {transform_indices = @transform_3, window_bounds = array<i64: 6400, 128>}, {transform_indices = @transform_4, window_bounds = array<i64: 6400, 128>}]} {
    %get3A = arith.constant 0 : index
    %get3A_0 = arith.constant 0 : index
    %get3A_1 = vector.load %arg1[%get3A, %get3A_0] : memref<16x6400xf32, #tpu.memory_space<vmem>>, vector<16x6400xf32>
    %get3A_2 = arith.constant 0 : index
    %get3A_3 = arith.constant 0 : index
    %get3A_4 = vector.load %arg2[%get3A_2, %get3A_3] : memref<16x128xf32, #tpu.memory_space<vmem>>, vector<16x128xf32>
    %dot_general3A = arith.constant dense<0.000000e+00> : vector<6400x128xf32>
    %dot_general3A_5 = tpu.matmul %get3A_1, %get3A_4, %dot_general3A {dimension_numbers = #tpu.dot_dimension_numbers<[0], [0], [1], [1], [0, 1, 1, 1], [], []>, transpose_lhs_hint = false} : vector<16x6400xf32>, vector<16x128xf32>, vector<6400x128xf32> -> vector<6400x128xf32>
    %swap3A = arith.constant 0 : index
    %swap3A_6 = arith.constant 0 : index
    %swap3A_7 = vector.load %arg4[%swap3A, %swap3A_6] : memref<6400x128xf32, #tpu.memory_space<vmem>>, vector<6400x128xf32>
    tpu.vector_store %arg4[%swap3A, %swap3A_6], %dot_general3A_5 {strides = array<i32>} : memref<6400x128xf32, #tpu.memory_space<vmem>>, vector<6400x128xf32>,
    %get3A_8 = arith.constant 0 : index
    %get3A_9 = arith.constant 0 : index
    %get3A_10 = vector.load %arg3[%get3A_8, %get3A_9] : memref<16x128xf32, #tpu.memory_space<vmem>>, vector<16x128xf32>
    %dot_general3A_11 = arith.constant dense<0.000000e+00> : vector<6400x128xf32>
    %dot_general3A_12 = tpu.matmul %get3A_1, %get3A_10, %dot_general3A_11 {dimension_numbers = #tpu.dot_dimension_numbers<[0], [0], [1], [1], [0, 1, 1, 1], [], []>, transpose_lhs_hint = false} : vector<16x6400xf32>, vector<16x128xf32>, vector<6400x128xf32> -> vector<6400x128xf32>
    %swap3A_13 = arith.constant 0 : index
    %swap3A_14 = arith.constant 0 : index
    %swap3A_15 = vector.load %arg5[%swap3A_13, %swap3A_14] : memref<6400x128xf32, #tpu.memory_space<vmem>>, vector<6400x128xf32>
    tpu.vector_store %arg5[%swap3A_13, %swap3A_14], %dot_general3A_12 {strides = array<i32>} : memref<6400x128xf32, #tpu.memory_space<vmem>>, vector<6400x128xf32>,
    return
  }
  func.func @transform_0(%arg0: i32) -> (i32, i32) {
    %c0_i32 = arith.constant 0 : i32
    %c0_i32_0 = arith.constant 0 : i32
    return %c0_i32, %arg0 : i32, i32
  }
  func.func @transform_1(%arg0: i32) -> (i32, i32) {
    %c0_i32 = arith.constant 0 : i32
    %c0_i32_0 = arith.constant 0 : i32
    %c0_i32_1 = arith.constant 0 : i32
    return %c0_i32, %c0_i32_0 : i32, i32
  }
  func.func @transform_2(%arg0: i32) -> (i32, i32) {
    %c0_i32 = arith.constant 0 : i32
    %c0_i32_0 = arith.constant 0 : i32
    %c0_i32_1 = arith.constant 0 : i32
    return %c0_i32, %c0_i32_0 : i32, i32
  }
  func.func @transform_3(%arg0: i32) -> (i32, i32) {
    %c0_i32 = arith.constant 0 : i32
    %c0_i32_0 = arith.constant 0 : i32
    return %arg0, %c0_i32 : i32, i32
  }
  func.func @transform_4(%arg0: i32) -> (i32, i32) {
    %c0_i32 = arith.constant 0 : i32
    %c0_i32_0 = arith.constant 0 : i32
    return %arg0, %c0_i32 : i32, i32
  }
}

module attributes {stable_mosaic.version = 14 : i64} {
  func.func @_lin1_body(%arg0: i32, %arg1: memref<400x128xf32, #tpu.memory_space<vmem>>, %arg2: memref<128x128xf32, #tpu.memory_space<vmem>>, %arg3: memref<128xf32, #tpu.memory_space<vmem>>, %arg4: memref<400x144xf32, #tpu.memory_space<vmem>>) attributes {dimension_semantics = [#tpu.dimension_semantics<arbitrary>], iteration_bounds = array<i64: 25>, scalar_prefetch = 0 : i64, scratch_operands = 0 : i64, tpu.core_type = #tpu.core_type<tc>, window_params = [{transform_indices = @transform_0, window_bounds = array<i64: 400, 128>}, {pipeline_mode = #tpu.pipeline_mode<synchronous>, transform_indices = @transform_1, window_bounds = array<i64: 128, 128>}, {pipeline_mode = #tpu.pipeline_mode<synchronous>, transform_indices = @transform_2, window_bounds = array<i64: 128>}, {transform_indices = @transform_3, window_bounds = array<i64: 400, 144>}]} {
    %get3A = arith.constant 0 : index
    %get3A_0 = arith.constant 0 : index
    %get3A_1 = vector.load %arg1[%get3A, %get3A_0] : memref<400x128xf32, #tpu.memory_space<vmem>>, vector<400x128xf32>
    %get3A_2 = arith.constant 0 : index
    %get3A_3 = arith.constant 0 : index
    %get3A_4 = vector.load %arg2[%get3A_2, %get3A_3] : memref<128x128xf32, #tpu.memory_space<vmem>>, vector<128x128xf32>
    %dot_general3A = arith.constant dense<0.000000e+00> : vector<400x128xf32>
    %dot_general3A_5 = tpu.matmul %get3A_1, %get3A_4, %dot_general3A {dimension_numbers = #tpu.dot_dimension_numbers<[1], [0], [0], [1], [0, 0, 1, 1], [], []>, transpose_lhs_hint = false} : vector<400x128xf32>, vector<128x128xf32>, vector<400x128xf32> -> vector<400x128xf32>
    %get3A_6 = arith.constant 0 : index
    %get3A_7 = vector.load %arg3[%get3A_6] : memref<128xf32, #tpu.memory_space<vmem>>, vector<128xf32>
    %broadcast_in_dim3A = vector.shape_cast %get3A_7 : vector<128xf32> to vector<1x128xf32>
    %add3A = vector.broadcast %broadcast_in_dim3A : vector<1x128xf32> to vector<400x128xf32>
    %add3A_8 = arith.addf %dot_general3A_5, %add3A : vector<400x128xf32>
    %iota3A = tpu.iota {dimensions = array<i32: 1>} : vector<400x16xi32>
    %eq3A = arith.constant 0 : i32
    %eq3A_9 = vector.broadcast %eq3A : i32 to vector<400x16xi32>
    %eq3A_10 = arith.cmpi eq, %iota3A, %eq3A_9 : vector<400x16xi32>
    %jit3A = arith.constant 1.000000e+00 : f32
    %jit3A_11 = arith.constant 0.000000e+00 : f32
    %broadcast_in_dim3A_12 = vector.broadcast %jit3A : f32 to vector<400x16xf32>
    %broadcast_in_dim3A_13 = vector.broadcast %jit3A_11 : f32 to vector<400x16xf32>
    %select_n3A = arith.select %eq3A_10, %broadcast_in_dim3A_12, %broadcast_in_dim3A_13 : vector<400x16xi1>, vector<400x16xf32>
    %concatenate3A = tpu.concatenate %add3A_8, %select_n3A in 1 : vector<400x128xf32>, vector<400x16xf32> -> vector<400x144xf32>
    %swap3A = arith.constant 0 : index
    %swap3A_14 = arith.constant 0 : index
    %swap3A_15 = vector.load %arg4[%swap3A, %swap3A_14] : memref<400x144xf32, #tpu.memory_space<vmem>>, vector<400x144xf32>
    tpu.vector_store %arg4[%swap3A, %swap3A_14], %concatenate3A {strides = array<i32>} : memref<400x144xf32, #tpu.memory_space<vmem>>, vector<400x144xf32>,
    return
  }
  func.func @transform_0(%arg0: i32) -> (i32, i32) {
    %c0_i32 = arith.constant 0 : i32
    %c0_i32_0 = arith.constant 0 : i32
    return %arg0, %c0_i32 : i32, i32
  }
  func.func @transform_1(%arg0: i32) -> (i32, i32) {
    %c0_i32 = arith.constant 0 : i32
    %c0_i32_0 = arith.constant 0 : i32
    %c0_i32_1 = arith.constant 0 : i32
    return %c0_i32, %c0_i32_0 : i32, i32
  }
  func.func @transform_2(%arg0: i32) -> i32 {
    %c0_i32 = arith.constant 0 : i32
    %c0_i32_0 = arith.constant 0 : i32
    return %c0_i32 : i32
  }
  func.func @transform_3(%arg0: i32) -> (i32, i32) {
    %c0_i32 = arith.constant 0 : i32
    %c0_i32_0 = arith.constant 0 : i32
    return %arg0, %c0_i32 : i32, i32
  }
}

module attributes {stable_mosaic.version = 14 : i64} {
  func.func @_norm_lin2_body(%arg0: i32, %arg1: memref<2x400x144xf32, #tpu.memory_space<vmem>>, %arg2: memref<128xf32, #tpu.memory_space<vmem>>, %arg3: memref<128x16xf32, #tpu.memory_space<vmem>>, %arg4: memref<16xf32, #tpu.memory_space<vmem>>, %arg5: memref<400x32xf32, #tpu.memory_space<vmem>>) attributes {dimension_semantics = [#tpu.dimension_semantics<arbitrary>], iteration_bounds = array<i64: 25>, scalar_prefetch = 0 : i64, scratch_operands = 0 : i64, tpu.core_type = #tpu.core_type<tc>, window_params = [{transform_indices = @transform_0, window_bounds = array<i64: 2, 400, 144>}, {pipeline_mode = #tpu.pipeline_mode<synchronous>, transform_indices = @transform_1, window_bounds = array<i64: 128>}, {pipeline_mode = #tpu.pipeline_mode<synchronous>, transform_indices = @transform_2, window_bounds = array<i64: 128, 16>}, {pipeline_mode = #tpu.pipeline_mode<synchronous>, transform_indices = @transform_3, window_bounds = array<i64: 16>}, {transform_indices = @transform_4, window_bounds = array<i64: 400, 32>}]} {
    %get3A = arith.constant 0 : index
    %get3A_0 = arith.constant 0 : index
    %get3A_1 = arith.constant 0 : index
    %get3A_2 = vector.load %arg1[%get3A, %get3A_0, %get3A_1] : memref<2x400x144xf32, #tpu.memory_space<vmem>>, vector<1x400x144xf32>
    %get3A_3 = vector.shape_cast %get3A_2 : vector<1x400x144xf32> to vector<400x144xf32>
    %get3A_4 = arith.constant 1 : index
    %get3A_5 = arith.constant 0 : index
    %get3A_6 = arith.constant 0 : index
    %get3A_7 = vector.load %arg1[%get3A_4, %get3A_5, %get3A_6] : memref<2x400x144xf32, #tpu.memory_space<vmem>>, vector<1x400x144xf32>
    %get3A_8 = vector.shape_cast %get3A_7 : vector<1x400x144xf32> to vector<400x144xf32>
    %add3A = arith.addf %get3A_3, %get3A_8 : vector<400x144xf32>
    %slice3A = vector.extract_strided_slice %add3A {offsets = [0, 128], sizes = [400, 1], strides = [1, 1]} : vector<400x144xf32> to vector<400x1xf32>
    %squeeze3A = vector.shape_cast %slice3A : vector<400x1xf32> to vector<400xf32>
    %add3A_9 = arith.constant 1.000000e-16 : f32
    %add3A_10 = vector.broadcast %add3A_9 : f32 to vector<400xf32>
    %add3A_11 = arith.addf %squeeze3A, %add3A_10 : vector<400xf32>
    %slice3A_12 = vector.extract_strided_slice %add3A {offsets = [0, 0], sizes = [400, 128], strides = [1, 1]} : vector<400x144xf32> to vector<400x128xf32>
    %broadcast_in_dim3A = vector.shape_cast %add3A_11 : vector<400xf32> to vector<400x1xf32>
    %div3A = vector.broadcast %broadcast_in_dim3A : vector<400x1xf32> to vector<400x128xf32>
    %div3A_13 = arith.divf %slice3A_12, %div3A : vector<400x128xf32>
    %get3A_14 = arith.constant 0 : index
    %get3A_15 = vector.load %arg2[%get3A_14] : memref<128xf32, #tpu.memory_space<vmem>>, vector<128xf32>
    %broadcast_in_dim3A_16 = vector.shape_cast %get3A_15 : vector<128xf32> to vector<1x128xf32>
    %add3A_17 = vector.broadcast %broadcast_in_dim3A_16 : vector<1x128xf32> to vector<400x128xf32>
    %add3A_18 = arith.addf %div3A_13, %add3A_17 : vector<400x128xf32>
    %get3A_19 = arith.constant 0 : index
    %get3A_20 = arith.constant 0 : index
    %get3A_21 = vector.load %arg3[%get3A_19, %get3A_20] : memref<128x16xf32, #tpu.memory_space<vmem>>, vector<128x16xf32>
    %dot_general3A = arith.constant dense<0.000000e+00> : vector<400x16xf32>
    %dot_general3A_22 = tpu.matmul %add3A_18, %get3A_21, %dot_general3A {dimension_numbers = #tpu.dot_dimension_numbers<[1], [0], [0], [1], [0, 0, 1, 1], [], []>, transpose_lhs_hint = false} : vector<400x128xf32>, vector<128x16xf32>, vector<400x16xf32> -> vector<400x16xf32>
    %get3A_23 = arith.constant 0 : index
    %get3A_24 = vector.load %arg4[%get3A_23] : memref<16xf32, #tpu.memory_space<vmem>>, vector<16xf32>
    %broadcast_in_dim3A_25 = vector.shape_cast %get3A_24 : vector<16xf32> to vector<1x16xf32>
    %add3A_26 = vector.broadcast %broadcast_in_dim3A_25 : vector<1x16xf32> to vector<400x16xf32>
    %add3A_27 = arith.addf %dot_general3A_22, %add3A_26 : vector<400x16xf32>
    %iota3A = tpu.iota {dimensions = array<i32: 1>} : vector<400x16xi32>
    %eq3A = arith.constant 0 : i32
    %eq3A_28 = vector.broadcast %eq3A : i32 to vector<400x16xi32>
    %eq3A_29 = arith.cmpi eq, %iota3A, %eq3A_28 : vector<400x16xi32>
    %jit3A = arith.constant 1.000000e+00 : f32
    %jit3A_30 = arith.constant 0.000000e+00 : f32
    %broadcast_in_dim3A_31 = vector.broadcast %jit3A : f32 to vector<400x16xf32>
    %broadcast_in_dim3A_32 = vector.broadcast %jit3A_30 : f32 to vector<400x16xf32>
    %select_n3A = arith.select %eq3A_29, %broadcast_in_dim3A_31, %broadcast_in_dim3A_32 : vector<400x16xi1>, vector<400x16xf32>
    %concatenate3A = tpu.concatenate %add3A_27, %select_n3A in 1 : vector<400x16xf32>, vector<400x16xf32> -> vector<400x32xf32>
    %swap3A = arith.constant 0 : index
    %swap3A_33 = arith.constant 0 : index
    %swap3A_34 = vector.load %arg5[%swap3A, %swap3A_33] : memref<400x32xf32, #tpu.memory_space<vmem>>, vector<400x32xf32>
    tpu.vector_store %arg5[%swap3A, %swap3A_33], %concatenate3A {strides = array<i32>} : memref<400x32xf32, #tpu.memory_space<vmem>>, vector<400x32xf32>,
    return
  }
  func.func @transform_0(%arg0: i32) -> (i32, i32, i32) {
    %c0_i32 = arith.constant 0 : i32
    %c0_i32_0 = arith.constant 0 : i32
    %c0_i32_1 = arith.constant 0 : i32
    return %c0_i32, %arg0, %c0_i32_0 : i32, i32, i32
  }
  func.func @transform_1(%arg0: i32) -> i32 {
    %c0_i32 = arith.constant 0 : i32
    %c0_i32_0 = arith.constant 0 : i32
    return %c0_i32 : i32
  }
  func.func @transform_2(%arg0: i32) -> (i32, i32) {
    %c0_i32 = arith.constant 0 : i32
    %c0_i32_0 = arith.constant 0 : i32
    %c0_i32_1 = arith.constant 0 : i32
    return %c0_i32, %c0_i32_0 : i32, i32
  }
  func.func @transform_3(%arg0: i32) -> i32 {
    %c0_i32 = arith.constant 0 : i32
    %c0_i32_0 = arith.constant 0 : i32
    return %c0_i32 : i32
  }
  func.func @transform_4(%arg0: i32) -> (i32, i32) {
    %c0_i32 = arith.constant 0 : i32
    %c0_i32_0 = arith.constant 0 : i32
    return %arg0, %c0_i32 : i32, i32
  }
}

module attributes {stable_mosaic.version = 14 : i64} {
  func.func @_norm2_body(%arg0: i32, %arg1: memref<2x400x32xf32, #tpu.memory_space<vmem>>, %arg2: memref<16xf32, #tpu.memory_space<vmem>>, %arg3: memref<400x16xf32, #tpu.memory_space<vmem>>) attributes {dimension_semantics = [#tpu.dimension_semantics<arbitrary>], iteration_bounds = array<i64: 25>, scalar_prefetch = 0 : i64, scratch_operands = 0 : i64, tpu.core_type = #tpu.core_type<tc>, window_params = [{transform_indices = @transform_0, window_bounds = array<i64: 2, 400, 32>}, {pipeline_mode = #tpu.pipeline_mode<synchronous>, transform_indices = @transform_1, window_bounds = array<i64: 16>}, {transform_indices = @transform_2, window_bounds = array<i64: 400, 16>}]} {
    %get3A = arith.constant 0 : index
    %get3A_0 = arith.constant 0 : index
    %get3A_1 = arith.constant 0 : index
    %get3A_2 = vector.load %arg1[%get3A, %get3A_0, %get3A_1] : memref<2x400x32xf32, #tpu.memory_space<vmem>>, vector<1x400x32xf32>
    %get3A_3 = vector.shape_cast %get3A_2 : vector<1x400x32xf32> to vector<400x32xf32>
    %get3A_4 = arith.constant 1 : index
    %get3A_5 = arith.constant 0 : index
    %get3A_6 = arith.constant 0 : index
    %get3A_7 = vector.load %arg1[%get3A_4, %get3A_5, %get3A_6] : memref<2x400x32xf32, #tpu.memory_space<vmem>>, vector<1x400x32xf32>
    %get3A_8 = vector.shape_cast %get3A_7 : vector<1x400x32xf32> to vector<400x32xf32>
    %add3A = arith.addf %get3A_3, %get3A_8 : vector<400x32xf32>
    %slice3A = vector.extract_strided_slice %add3A {offsets = [0, 16], sizes = [400, 1], strides = [1, 1]} : vector<400x32xf32> to vector<400x1xf32>
    %squeeze3A = vector.shape_cast %slice3A : vector<400x1xf32> to vector<400xf32>
    %add3A_9 = arith.constant 1.000000e-16 : f32
    %add3A_10 = vector.broadcast %add3A_9 : f32 to vector<400xf32>
    %add3A_11 = arith.addf %squeeze3A, %add3A_10 : vector<400xf32>
    %slice3A_12 = vector.extract_strided_slice %add3A {offsets = [0, 0], sizes = [400, 16], strides = [1, 1]} : vector<400x32xf32> to vector<400x16xf32>
    %broadcast_in_dim3A = vector.shape_cast %add3A_11 : vector<400xf32> to vector<400x1xf32>
    %div3A = vector.broadcast %broadcast_in_dim3A : vector<400x1xf32> to vector<400x16xf32>
    %div3A_13 = arith.divf %slice3A_12, %div3A : vector<400x16xf32>
    %get3A_14 = arith.constant 0 : index
    %get3A_15 = vector.load %arg2[%get3A_14] : memref<16xf32, #tpu.memory_space<vmem>>, vector<16xf32>
    %broadcast_in_dim3A_16 = vector.shape_cast %get3A_15 : vector<16xf32> to vector<1x16xf32>
    %add3A_17 = vector.broadcast %broadcast_in_dim3A_16 : vector<1x16xf32> to vector<400x16xf32>
    %add3A_18 = arith.addf %div3A_13, %add3A_17 : vector<400x16xf32>
    %swap3A = arith.constant 0 : index
    %swap3A_19 = arith.constant 0 : index
    %swap3A_20 = vector.load %arg3[%swap3A, %swap3A_19] : memref<400x16xf32, #tpu.memory_space<vmem>>, vector<400x16xf32>
    tpu.vector_store %arg3[%swap3A, %swap3A_19], %add3A_18 {strides = array<i32>} : memref<400x16xf32, #tpu.memory_space<vmem>>, vector<400x16xf32>,
    return
  }
  func.func @transform_0(%arg0: i32) -> (i32, i32, i32) {
    %c0_i32 = arith.constant 0 : i32
    %c0_i32_0 = arith.constant 0 : i32
    %c0_i32_1 = arith.constant 0 : i32
    return %c0_i32, %arg0, %c0_i32_0 : i32, i32, i32
  }
  func.func @transform_1(%arg0: i32) -> i32 {
    %c0_i32 = arith.constant 0 : i32
    %c0_i32_0 = arith.constant 0 : i32
    return %c0_i32 : i32
  }
  func.func @transform_2(%arg0: i32) -> (i32, i32) {
    %c0_i32 = arith.constant 0 : i32
    %c0_i32_0 = arith.constant 0 : i32
    return %arg0, %c0_i32 : i32, i32
  }
}

</mosaic_0001>

<sc_bundles>
// kernel: kernel.11.cloned.1.call-start
scs
__scs_entry_jumppad:
0x0: {  	(pc) =	sbr.rel $0x88, $3  }
0x1: {  	(tag) =	ssettag $0x0;
	lr =	simm.s32 $0x1  }
0x2: {  	[smem:$0x3F94] =	sst lr;
	_ =	strace $0xD0000000  }
0x3: {  	_ = 	snop  }
0x4: {  	_ = 	snop  }
0x5: {  	_ = 	snop  }
0x6: {  	_ = 	snop  }
0x7: {  	_ = 	snop  }
__scs_overlays_trampoline_lowered:
0x8: {  	[smem:$0x3FA3] =	sst s0  }
0x9: {  	[smem:$0x3FA4] =	sst s1  }
0xa: {  	[smem:$0x3FA5] =	sst s2  }
0xb: {  	[smem:$0x3FA6] =	sst s3  }
0xc: {  	[smem:$0x3FA7] =	sst s4  }
0xd: {  	[smem:$0x3FA8] =	sst s5  }
0xe: {  	[smem:$0x3FA9] =	sst s6  }
0xf: {  	[smem:$0x3FAA] =	sst s7  }
0x10: {  	[smem:$0x3FAB] =	sst s8  }
0x11: {  	[smem:$0x3FAC] =	sst s9;
	s0 =	simm.s32 @!p0 $0x0  }
0x12: {  	s1 =	sld [smem:$0x3F92];
	s0 =	simm.s32 @p0 $0x1  }
0x13: {  	[smem:$0x3FAD] =	sst s0;
	s0 =	simm.s32 @!p1 $0x0  }
0x14: {  	s2 =	sld [smem:$0x3F91];
	s0 =	simm.s32 @p1 $0x1  }
0x15: {  	[smem:$0x3FAE] =	sst s0;
	s0 =	simm.s32 @!p2 $0x0  }
0x16: {  	s3 =	sld [smem:$0x3FDB];
	s0 =	simm.s32 @p2 $0x1  }
0x17: {  	s4 =	simm.s32 $0x1BF5;
	[smem:$0x3FB0] =	sst s0  }
0x18: {  	s0 =	sld [smem:$0x3F93];
	_ =	swait.ge [sflag:s4], $0x0  }
0x19: {  	s7 =	sld [smem:$0x3F94]  }
0x1a: {  	s8 =	sadd.s32 $0xFFFFE003, lr  }
0x1b: {  	s9 =	sadd.s32 $0xFFFFFEF7, lr;
	s5 =	simm.s32 $0xFFFFFFFF;
	p2 =	slt.u32 s8, $0xFFFFF086  }
0x1c: {  	p1 =	slt.u32 s9, $0xF7A;
	s5 =	simm.s32 @!p2 $0x0  }
0x1d: {  	s5 =	simm.s32 @p1 $0x1;
	p0 =	seq.s32 s7, s2  }
0x1e: {  	s7 =	smul.u32 @!p0 $0xF7A, s2;
	p2 =	seq.s32 @!p0 s5, $0x0  }
0x1f: {  	s9 =	smul.u32 $0xF7A, s1;
	s8 =	simm.s32 @!p0 $0x1BF5;
	p2 =	por !p2, p0  }
0x20: {  	[sflag:s8] =	ssyncset.s32 @!p0 $0xFFFFF086;
	s6 =	sadd.s32 @!p0 s3, s7;
	s7 =	simm.s32 @!p0 $0x108  }
0x21: {  	s3 =	sadd.s32 s3, s9;
	s6 =	sadd.s32 @!p0 $0x88, s6;
	s7 =	simm.s32 @p2 $0x1082  }
0x22: {  	[simem:s7], [sflag:s8] =	dma.local @!p0 [hbm:s6], $0xF7A  }
0x23: {  	s9 =	sor.u32 $0xD0000000, s2;
	s6 =	simm.s32 $0x108;
	_ =	swait.ge @!p0 [sflag:s8], $0x0  }
0x24: {  	s3 =	sadd.s32 $0x88, s3;
	s6 =	simm.s32 @!p1 $0x1082;
	[sflag:s4] =	ssyncset.s32 $0xFFFFF086  }
0x25: {  	[simem:s6], [sflag:s4] =	dma.local [hbm:s3], $0xF7A  }
0x26: {  	[smem:$0x3F94] =	sst s1;
	(tag) =	ssettag s2;
	_ =	strace s9  }
0x27: {  	s1 =	sld [smem:$0x3FA4]  }
0x28: {  	s2 =	sld [smem:$0x3FA5]  }
0x29: {  	s4 =	sld [smem:$0x3FA7]  }
0x2a: {  	p0 =	seq.s32 s5, $0x0;
	s5 =	sld [smem:$0x3FA8]  }
0x2b: {  	s6 =	sld [smem:$0x3FA9]  }
0x2c: {  	s7 =	sld [smem:$0x3FAA]  }
0x2d: {  	s3 =	simm.s32 $0x108;
	s8 =	sld [smem:$0x3FAB]  }
0x2e: {  	s3 =	simm.s32 @!p0 $0x1082;
	s9 =	sld [smem:$0x3FAC]  }
0x2f: {  	lr =	sadd.s32 s0, s3;
	s0 =	sld [smem:$0x3FA3]  }
0x30: {  	s3 =	sld [smem:$0x3FA6]  }
0x31: {  	[smem:$0x3FAF] =	sst s10  }
0x32: {  	s10 =	sld [smem:$0x3FAD];
	_ =	sdelay $0x3  }
0x33: {  	p0 =	seq.s32 s10, $0x1;
	s10 =	sld [smem:$0x3FAF];
	_ =	sdelay $0x3  }
0x34: {  	[smem:$0x3FAF] =	sst s10  }
0x35: {  	s10 =	sld [smem:$0x3FAE];
	_ =	sdelay $0x3  }
0x36: {  	p1 =	seq.s32 s10, $0x1;
	s10 =	sld [smem:$0x3FAF];
	_ =	sdelay $0x3  }
0x37: {  	[smem:$0x3FAF] =	sst s10  }
0x38: {  	s10 =	sld [smem:$0x3FB0]  }
0x39: {  	_ = 	snop;
	(pc) =	sbr.ind lr, $3  }
0x3a: {  	_ = 	snop  }
0x3b: {  	_ = 	snop  }
0x3c: {  	p2 =	seq.s32 s10, $0x1;
	s10 =	sld [smem:$0x3FAF]  }
0x3d: {  	_ =	shalt  }
0x3e: {  	_ =	shalt  }
0x3f: {  	_ =	shalt  }
0x40: {  	_ =	shalt  }
0x41: {  	_ =	shalt  }
0x42: {  	_ =	shalt  }
0x43: {  	_ =	shalt  }
0x44: {  	_ =	shalt  }
0x45: {  	_ =	shalt  }
0x46: {  	_ =	shalt  }
0x47: {  	_ =	shalt  }
0x48: {  	_ =	shalt  }
0x49: {  	_ =	shalt  }
0x4a: {  	_ =	shalt  }
0x4b: {  	_ =	shalt  }
0x4c: {  	_ =	shalt  }
0x4d: {  	_ =	shalt  }
0x4e: {  	_ =	shalt  }
0x4f: {  	_ =	shalt  }
0x50: {  	_ =	shalt  }
0x51: {  	_ =	shalt  }
0x52: {  	_ =	shalt  }
0x53: {  	_ =	shalt  }
0x54: {  	_ =	shalt  }
0x55: {  	_ =	shalt  }
0x56: {  	_ =	shalt  }
0x57: {  	_ =	shalt  }
0x58: {  	_ =	shalt  }
0x59: {  	_ =	shalt  }
0x5a: {  	_ =	shalt  }
0x5b: {  	_ =	shalt  }
0x5c: {  	_ =	shalt  }
0x5d: {  	_ =	shalt  }
0x5e: {  	_ =	shalt  }
0x5f: {  	_ =	shalt  }
0x60: {  	_ =	shalt  }
0x61: {  	_ =	shalt  }
0x62: {  	_ =	shalt  }
0x63: {  	_ =	shalt  }
0x64: {  	_ =	shalt  }
0x65: {  	_ =	shalt  }
0x66: {  	_ =	shalt  }
0x67: {  	_ =	shalt  }
0x68: {  	_ =	shalt  }
0x69: {  	_ =	shalt  }
0x6a: {  	_ =	shalt  }
0x6b: {  	_ =	shalt  }
0x6c: {  	_ =	shalt  }
0x6d: {  	_ =	shalt  }
0x6e: {  	_ =	shalt  }
0x6f: {  	_ =	shalt  }
0x70: {  	_ =	shalt  }
0x71: {  	_ =	shalt  }
0x72: {  	_ =	shalt  }
0x73: {  	_ =	shalt  }
0x74: {  	_ =	shalt  }
0x75: {  	_ =	shalt  }
0x76: {  	_ =	shalt  }
0x77: {  	_ =	shalt  }
0x78: {  	_ =	shalt  }
0x79: {  	_ =	shalt  }
0x7a: {  	_ =	shalt  }
0x7b: {  	_ =	shalt  }
0x7c: {  	_ =	shalt  }
0x7d: {  	_ =	shalt  }
0x7e: {  	_ =	shalt  }
0x7f: {  	_ =	shalt  }
0x80: {  	_ =	shalt  }
0x81: {  	_ =	shalt  }
0x82: {  	_ =	shalt  }
0x83: {  	_ =	shalt  }
0x84: {  	_ =	shalt  }
0x85: {  	_ =	shalt  }
0x86: {  	_ =	shalt  }
0x87: {  	_ =	shalt  }
.Lfunc_end0:
.L_simem_size_0:
called_computation.1_lowered:
.L_overlay_start_0:
0x88: {  	s2 =	sld [smem:$0x3FD9]  }
0x89: {  	s3 =	sld [smem:$0x3FFE];
	_ =	sdelay $0x1  }
0x8a: {  	s1 =	srdreg.scid  }
0x8b: {  	s0 =	sand.u32 $0x1, s1  }
0x8c: {  	s17 =	sshll.u32 s0, $0xA;
	s2 =	sadd.s32 s3, s2  }
0x8d: {  	s2 =	sadd.s32 s2, s17  }
0x8e: {  	[smem:$0x3FBB] =	sst s2  }
0x8f: {  	_ = 	snop  }
0x90: {  	s2 =	sld [smem:$0x3FBE];
	(tm) =	ssettm $0x1  }
0x91: {  	s18 =	sld [smem:$0x3FFB];
	_ =	sdelay $0x3  }
0x92: {  	_ =	strace s18  }
0x93: {  	s3 =	sld [smem:$0x3FFC];
	_ =	sdelay $0x3  }
0x94: {  	_ =	strace s3  }
0x95: {  	s3 =	sld [smem:$0x3FFD];
	_ =	sdelay $0x3  }
0x96: {  	_ =	strace s3  }
0x97: {  	_ =	strace $0x8FFFFFFF  }
0x98: {  	s19 =	sld [smem:$0x3FDB];
	_ =	sdelay $0x1  }
0x99: {  	s4 =	simm.s32 $_scs_section_size  }
0x9a: {  	s5 =	simm.s32 $_size__tile_overlayer_lowered;
	s6 =	simm.s32 $_tile_overlayer_lowered  }
0x9b: {  	s22 =	simm.s32 $0x1BFF;
	s21 =	sshll.u32 s6, $0x1;
	s3 =	sadd.s32 s4, s19  }
0x9c: {  	s7 =	simm.s32 $0x0;
	s20 =	sshll.u32 s5, $0x1;
	s5 =	sadd.s32 s21, s3  }
0x9d: {  	[timem:s7], [sflag:s22] =	dma.local [hbm:s5], s20  }
0x9e: {  	_ =	swait.ge [sflag:s22], s20  }
0x9f: {  	s4 =	ssub.s32 $0x0, s20;
	[sflag:s22] =	ssyncset.done $0x0  }
0xa0: {  	[sflag:s22] =	ssyncadd.s32 s4;
	_ =	sdelay $0x1  }
0xa1: {  	s23 =	simm.s32 $0x1B8B  }
0xa2: {  	_ =	swait.ge [sflag:s23], $0x1  }
0xa3: {  	[sflag:s23] =	ssyncset.done $0x0  }
0xa4: {  	s25 =	simm.s32 $0x1B8E;
	s24 =	sld [smem:$0x3FFE];
	[sflag:s23] =	ssyncadd.s32 $0xFFFFFFFF  }
0xa5: {  	s26 =	simm.s32 $execute0_lowered;
	[smem:$0x3FD2] =	sst s25  }
0xa6: {  	s5 =	sshll.u32 s26, $0x1;
	_ =	strace $0x80000049;
	[dreg:$0x1] =	wrdreg $0xFFFFFFFF  }
0xa7: {  	s28 =	simm.s32 $_size_execute0_lowered;
	s3 =	sadd.s32 s3, s5;
	[dreg:$0x0] =	wrdreg $0x0  }
0xa8: {  	s5 =	sshll.u32 s28, $0x1;
	[dreg:$0x2] =	wrdreg s3  }
0xa9: {  	[dreg:$0x3] =	wrdreg s5  }
0xaa: {  	[dreg:$0x4] =	wrdreg $0xC0  }
0xab: {  	_ =	task [dreg:s7], $0x5FFFF  }
0xac: {  	[dreg:$0x1] =	wrdreg $0xFFFFFFFF  }
0xad: {  	[dreg:$0x0] =	wrdreg $0x60  }
0xae: {  	[dreg:$0x2] =	wrdreg s24  }
0xaf: {  	[dreg:$0x3] =	wrdreg s2  }
0xb0: {  	[dreg:$0x4] =	wrdreg $0x0  }
0xb1: {  	[dreg:$0x5] =	wrdreg $0x9  }
0xb2: {  	_ =	task.clear_ibuf [dreg:s7], $0x6FFFF;
	_ =	strace $0x90000049  }
0xb3: {  	s29 =	simm.s32 $0x9;
	_ =	strace $0x8000004B  }
0xb4: {  	_ =	swait.ge [sflag:s29], $0x1  }
0xb5: {  	[sflag:s29] =	ssyncadd.s32 $0xFFFFFFFF  }
0xb6: {  	_ =	strace $0x9000004B  }
0xb7: {  	_ =	sfence  }
0xb8: {  	s30 =	sld [smem:$0x0];
	_ =	sdelay $0x2  }
0xb9: {  	s31 =	sshll.u32 s1, $0xD;
	s1 =	sshrl.u32 s1, $0x2  }
0xba: {  	s3 =	sand.u32 $0x4000, s31;
	s1 =	sadd.s32 s1, s30  }
0xbb: {  	s0 =	sor.u32 s3, s0;
	s1 =	sshll.u32 s1, $0x11  }
0xbc: {  	s0 =	sor.u32 s1, s0  }
0xbd: {  	s0 =	sadd.s32 $0x8F2B, s0  }
0xbe: {  	[sflag:s0] =	ssyncadd.remote.s32 $0x1  }
0xbf: {  	_ =	sfence.sel $0xFFFF  }
0xc0: {  	[dreg:$0x0] =	wrdreg $0xFFFFFFFF;
	(pc) =	sbr.abs _section_cstart, $3  }
0xc1: {  	[dreg:$0x1] =	wrdreg $0xFFFFFFFF  }
0xc2: {  	_ =	task.clear_ibuf [dreg:s7], $0x2FFFF;
	_ =	strace $0x9FFFFFFF  }
0xc3: {  	(tm) =	ssettm $0x7FFFFFFF  }
tec
execute0_lowered:
.L_overlay_start_1:
0x0: {  	(tag) =	ssettag $0x1  }
0x1: {  	s1 =	rddreg [dreg:$0x0]  }
0x2: {  	s3 =	rddreg [dreg:$0x2]  }
0x3: {  	s0 =	srdreg.scid;
	s15 =	simm.s32 $0x0;
	s14 =	stileid.u32  }
0x4: {  	s31 =	simm.s32 $0x2;
	s0 =	sand.u32 $0x1, s0;
	[smem:$0x7FF] =	sst s15  }
0x5: {  	s5 =	smul.u32 $0x4E00, s14;
	s6 =	sadd.s32 $0x1D800, s1;
	s24 =	sshll.u32 s14, $0x1  }
0x6: {  	p0 =	sne.s32 s14, $0xF;
	s14 =	simm.s32 $0x1;
	s2 =	ssub.s32 $0x2, s0  }
0x7: {  	_ =	strace $0x8000004A;
	s4 =	sshrl.u32 s2, $0x1;
	s16 =	sadd.s32 s5, s3  }
0x8: {  	s7 =	sadd.s32 $0xA00, s5;
	s8 =	sadd.s32 $0x1400, s5;
	s9 =	sadd.s32 $0x1E00, s5  }
0x9: {  	s10 =	sadd.s32 $0x2800, s5;
	s11 =	sadd.s32 $0x3200, s5;
	s12 =	sadd.s32 $0x3C00, s5  }
0xa: {  	s2 =	ssub.s32 s2, s4;
	s17 =	sadd.s32 s7, s3;
	[dreg:$0x5] =	wrdreg s16  }
0xb: {  	s4 =	sor.u32 s0, s24;
	s22 =	sadd.s32 s8, s3;
	[dreg:$0x6] =	wrdreg s17  }
0xc: {  	s0 =	smul.u32 $0x4E200, s0;
	s30 =	sadd.s32 s9, s3;
	[dreg:$0x7] =	wrdreg s22  }
0xd: {  	s28 =	sor.u32 $0x40, s4;
	s29 =	sor.u32 $0x60, s4;
	[dreg:$0x10] =	wrdreg s30  }
0xe: {  	s13 =	sadd.s32 s5, s0;
	s5 =	sadd.s32 $0x4600, s5;
	s7 =	sadd.s32 s0, s7  }
0xf: {  	s8 =	sadd.s32 s0, s8;
	s26 =	sadd.s32 s0, s9;
	s18 =	sadd.s32 s0, s10  }
0x10: {  	s20 =	sadd.s32 s0, s11;
	s23 =	sadd.s32 s0, s12;
	s10 =	sadd.s32 s10, s3  }
0x11: {  	s11 =	sadd.s32 s11, s3;
	s9 =	simm.s32 $0xA;
	s13 =	sshrl.u32 s13, $0x3  }
0x12: {  	s7 =	sshrl.u32 s7, $0x3;
	s25 =	sshrl.u32 s8, $0x3;
	s19 =	sshrl.u32 s18, $0x3  }
0x13: {  	s21 =	sshrl.u32 s20, $0x3;
	s8 =	smul.u32 $0x50, s4;
	[dreg:$0x11] =	wrdreg s10  }
0x14: {  	s24 =	sshrl.u32 s23, $0x3;
	[dreg:$0x12] =	wrdreg s11;
	s18 =	smul.u32 $0xA, s4  }
0x15: {  	s20 =	smul.u32 $0x500, s4;
	s23 =	smax.u32 s2, $0x1;
	s10 =	simm.s32 $0x50  }
0x16: {  	s11 =	simm.s32 $0x4E200;
	s13 =	sadd.s32 s6, s13;
	[dreg:$0x19] =	wrdreg s23  }
0x17: {  	s2 =	simm.s32 $0x4;
	s7 =	sadd.s32 s6, s7;
	[dreg:$0x8] =	wrdreg s13  }
0x18: {  	[dreg:$0x9] =	wrdreg s7;
	s7 =	sadd.s32 s6, s25;
	s13 =	sshrl.u32 s26, $0x3  }
0x19: {  	s25 =	sadd.s32 s0, s5;
	s5 =	sadd.s32 s5, s3;
	[dreg:$0xa] =	wrdreg s7  }
0x1a: {  	s23 =	simm.s32 $0x10;
	s7 =	sadd.s32 s6, s13;
	[dreg:$0x14] =	wrdreg s5  }
0x1b: {  	s0 =	sshrl.u32 s0, $0x3;
	s13 =	sadd.s32 s12, s3;
	[dreg:$0xb] =	wrdreg s7  }
0x1c: {  	s26 =	sshrl.u32 s25, $0x3;
	s25 =	sadd.s32 $0x4E000, s3;
	[dreg:$0x13] =	wrdreg s13  }
0x1d: {  	s0 =	sadd.s32 s6, s0;
	s7 =	sadd.s32 s6, s19;
	[dreg:$0x1a] =	wrdreg s25  }
0x1e: {  	s12 =	simm.s32 $0x4E20;
	s0 =	sadd.s32 $0x9C00, s0;
	[dreg:$0xc] =	wrdreg s7  }
0x1f: {  	s25 =	simm.s32 $0x80;
	s7 =	sadd.s32 s6, s21;
	[dreg:$0x18] =	wrdreg s0  }
0x20: {  	s0 =	sadd.s32 $0x13A00, s1;
	[dreg:$0xd] =	wrdreg s7;
	s7 =	sadd.s32 s6, s24  }
0x21: {  	s24 =	sadd.s32 $0x521A00, s1;
	[dreg:$0xe] =	wrdreg s7;
	s7 =	sadd.s32 s6, s26  }
0x22: {  	s6 =	sshrl.u32 s8, $0x3;
	s21 =	sadd.s32 s24, s20;
	s26 =	sor.u32 $0x20, s4  }
0x23: {  	s4 =	simm.s32 $0x81B0;
	s20 =	simm.s32 $0x7;
	[dreg:$0xf] =	wrdreg s7  }
0x24: {  	s19 =	sadd.s32 s1, s6;
	s7 =	sadd.s32 s1, s18;
	[dreg:$0x17] =	wrdreg s21  }
0x25: {  	s18 =	simm.s32 $0x3;
	s21 =	simm.s32 $0x4F60;
	s6 =	simm.s32 $0x8  }
0x26: {  	[dreg:$0x15] =	wrdreg s7;
	s5 =	sadd.s32 $0x140, s19;
	s19 =	simm.s32 $0x5  }
0x27: {  	v0 =	vimm.f32 $0.0e+00;
	vm0 =	vmmov $0x1;
	s7 =	simm.s32 $0x9;
	[dreg:$0x16] =	wrdreg s5;
	s5 =	simm.s32 $0x6  }
.LBB2_1:
0x28: {  	[dreg:$0x4] =	wrdreg s15;
	s8 =	simm.s32 $0x80;
	s13 =	simm.s32 $0x0  }
.LBB2_2:
0x29: {  	p1 =	sne.s32 s8, $0x2780;
	[tilespmem:s13+$0x81B0] =	vst v0;
	s15 =	smov.u32 s8;
	s8 =	sadd.s32 $0x80, s8  }
.Ltmp0:
0x2a: {  	[tilespmem:s13+$0x81C0] =	vst v0;
	(pc) =	sbr.rel @p1 .LBB2_2-.Ltmp0, $2  }
0x2b: {  	_ =	sdelay $0x2  }
0x2c: {  	s13 =	sshra.s32 s15, $0x2  }
0x2d: {  	[tilespmem:s13+$0x81B0] =	vst v0  }
0x2e: {  	[tilespmem:s13+$0x81C0] =	vst v0  }
0x2f: {  	[spmem:s16] =	stream.linear.scatter [tilespmem:s4], [sflag:$0xA], $0xA00, $0x38;
	[tilespmem:$0x8BC0] =	vst v63  }
0x30: {  	_ =	swait.ge [sflag:s9], $0xA00  }
0x31: {  	[sflag:s9] =	ssyncset.done $0x0  }
0x32: {  	[sflag:s9] =	ssyncadd.s32 $0xFFFFF600  }
0x33: {  	[spmem:s17] =	stream.linear.scatter [tilespmem:s4], [sflag:$0xA], $0xA00, $0x38;
	[tilespmem:$0x8BC0] =	vst v63  }
0x34: {  	_ =	swait.ge [sflag:s9], $0xA00  }
0x35: {  	[sflag:s9] =	ssyncset.done $0x0  }
0x36: {  	[sflag:s9] =	ssyncadd.s32 $0xFFFFF600  }
0x37: {  	[spmem:s22] =	stream.linear.scatter [tilespmem:s4], [sflag:$0xA], $0xA00, $0x38;
	[tilespmem:$0x8BC0] =	vst v63  }
0x38: {  	_ =	swait.ge [sflag:s9], $0xA00  }
0x39: {  	[sflag:s9] =	ssyncset.done $0x0  }
0x3a: {  	[sflag:s9] =	ssyncadd.s32 $0xFFFFF600  }
0x3b: {  	[spmem:s30] =	stream.linear.scatter [tilespmem:s4], [sflag:$0xA], $0xA00, $0x38;
	[tilespmem:$0x8BC0] =	vst v63  }
0x3c: {  	_ =	swait.ge [sflag:s9], $0xA00  }
0x3d: {  	[sflag:s9] =	ssyncset.done $0x0  }
0x3e: {  	s8 =	rddreg [dreg:$0x11];
	[sflag:s9] =	ssyncadd.s32 $0xFFFFF600  }
0x3f: {  	[spmem:s8] =	stream.linear.scatter [tilespmem:s4], [sflag:$0xA], $0xA00, $0x38;
	[tilespmem:$0x8BC0] =	vst v63  }
0x40: {  	_ =	swait.ge [sflag:s9], $0xA00  }
0x41: {  	[sflag:s9] =	ssyncset.done $0x0  }
0x42: {  	s30 =	rddreg [dreg:$0x12];
	[sflag:s9] =	ssyncadd.s32 $0xFFFFF600  }
0x43: {  	[spmem:s30] =	stream.linear.scatter [tilespmem:s4], [sflag:$0xA], $0xA00, $0x38;
	[tilespmem:$0x8BC0] =	vst v63  }
0x44: {  	_ =	swait.ge [sflag:s9], $0xA00  }
0x45: {  	[sflag:s9] =	ssyncset.done $0x0  }
0x46: {  	s13 =	rddreg [dreg:$0x13];
	[sflag:s9] =	ssyncadd.s32 $0xFFFFF600  }
0x47: {  	[spmem:s13] =	stream.linear.scatter [tilespmem:s4], [sflag:$0xA], $0xA00, $0x38;
	[tilespmem:$0x8BC0] =	vst v63  }
0x48: {  	_ =	swait.ge [sflag:s9], $0xA00  }
0x49: {  	[sflag:s9] =	ssyncset.done $0x0  }
0x4a: {  	s15 =	rddreg [dreg:$0x14];
	[sflag:s9] =	ssyncadd.s32 $0xFFFFF600  }
0x4b: {  	[spmem:s15] =	stream.linear.scatter [tilespmem:s4], [sflag:$0xA], $0x800, $0x38;
	[tilespmem:$0x8BC0] =	vst v63  }
0x4c: {  	_ =	swait.ge [sflag:s9], $0x800  }
0x4d: {  	[sflag:s9] =	ssyncset.done $0x0  }
0x4e: {  	s8 =	simm.s32 @!p0 $0x81B0;
	s13 =	rddreg [dreg:$0x1a];
	[sflag:s9] =	ssyncadd.s32 $0xFFFFF800  }
0x4f: {  	[spmem:s13] =	stream.linear.scatter @!p0 [tilespmem:s8], [sflag:$0xA], $0x200, $0x38;
	[tilespmem:$0x8BC0] =	vst v63  }
0x50: {  	s8 =	simm.s32 @!p0 $0xA  }
0x51: {  	_ =	swait.ge @!p0 [sflag:s8], $0x200  }
0x52: {  	[sflag:s8] =	ssyncset.done @!p0 $0x0  }
0x53: {  	[sflag:s8] =	ssyncadd.s32 @!p0 $0xFFFFFE00  }
0x54: {  	[bflag:$0x0] =	sbarrier.arrive $0xFFFF  }
0x55: {  	s15 =	simm.s32 $0x8BB0;
	s8 =	simm.s32 $0x0;
	s16 =	rddreg [dreg:$0x1]  }
0x56: {  	[tilespmem:s15], [sflag:$0xA] =	stream.linear.gather [hbm4b:s16+s8], $0x10, $0x38;
	[tilespmem:$0x8BC0] =	vst v63  }
0x57: {  	_ =	swait.ge [sflag:s9], $0x10  }
0x58: {  	[sflag:s9] =	ssyncset.done $0x0  }
0x59: {  	s17 =	rddreg [dreg:$0x15];
	[sflag:s9] =	ssyncadd.s32 $0xFFFFFFF0  }
0x5a: {  	v1 =	vld [tilespmem:$0x8BB0];
	[tilespmem:s12], [sflag:$0x1] =	stream.strided.gather [hbm4b:s17+s10], $0xA0, s11, s10, $0x38  }
0x5b: {  	s30 =	simm.s32 $0x4EC0;
	s22 =	rddreg [dreg:$0x16]  }
0x5c: {  	[tilespmem:s30], [sflag:$0x2] =	stream.strided.gather [hbm4b:s22+s10], $0xA0, s11, s10, $0x38;
	[tilespmem:$0x8BC0] =	vst v63  }
0x5d: {  	_ =	swait.ge [sflag:s14], $0xA0  }
0x5e: {  	[sflag:s14] =	ssyncset.done $0x0  }
0x5f: {  	s15 =	simm.s32 $0x4FB0;
	[sflag:s14] =	ssyncadd.s32 $0xFFFFFF60  }
0x60: {  	[tilespmem:s15], [sflag:$0x3] =	stream.indirect.gather [hbm4b:s0+s10], $0x20, s12, s10, $0xb8;
	[tilespmem:$0x8BC0] =	vst v63  }
0x61: {  	s16 =	simm.s32 $0x4E70;
	s17 =	simm.s32 $0x63B0  }
0x62: {  	[tilespmem:s17], [sflag:$0x5] =	stream.indirect.gather [hbm4b:s0+s10], $0x20, s16, s10, $0xb8;
	[tilespmem:$0x8BC0] =	vst v63  }
0x63: {  	s30 =	simm.s32 $0x77B0;
	s22 =	rddreg [dreg:$0x17]  }
0x64: {  	[tilespmem:s30], [sflag:$0x7] =	stream.strided.gather [hbm4b:s22+s23], $0x500, s25, s23, $0x38;
	[tilespmem:$0x8BC0] =	vst v63  }
.LBB2_4:
0x65: {  	_ =	swait.ge [sflag:s31], $0xA0  }
0x66: {  	s17 =	sshll.u32 s8, $0x6;
	s13 =	simm.s32 $0x4EC0;
	[sflag:s31] =	ssyncset.done $0x0  }
0x67: {  	s15 =	simm.s32 $0x59B0;
	s16 =	sor.u32 s26, s17;
	[sflag:s31] =	ssyncadd.s32 $0xFFFFFF60  }
0x68: {  	[tilespmem:s15], [sflag:$0x4] =	stream.indirect.gather [hbm4b:s0+s10], $0x20, s13, s10, $0xb8;
	[tilespmem:$0x8BC0] =	vst v63  }
0x69: {  	s22 =	simm.s32 $0x4F10;
	s13 =	smul.u32 $0x500, s16;
	s16 =	simm.s32 $0x6DB0  }
0x6a: {  	[tilespmem:s16], [sflag:$0x6] =	stream.indirect.gather [hbm4b:s0+s10], $0x20, s22, s10, $0xb8;
	[tilespmem:$0x8BC0] =	vst v63  }
0x6b: {  	s13 =	sadd.s32 s24, s13;
	s16 =	simm.s32 $0x7CB0  }
0x6c: {  	[tilespmem:s16], [sflag:$0x8] =	stream.strided.gather [hbm4b:s13+s23], $0x500, s25, s23, $0x38;
	[tilespmem:$0x8BC0] =	vst v63  }
0x6d: {  	_ =	swait.ge [sflag:s18], $0xA00  }
0x6e: {  	[sflag:s18] =	ssyncset.done $0x0  }
0x6f: {  	[sflag:s18] =	ssyncadd.s32 $0xFFFFF600  }
0x70: {  	_ =	swait.ge [sflag:s19], $0xA00  }
0x71: {  	[sflag:s19] =	ssyncset.done $0x0  }
0x72: {  	s13 =	sadd.s32 s28, s17;
	[sflag:s19] =	ssyncadd.s32 $0xFFFFF600  }
0x73: {  	s22 =	smul.u32 $0xA, s13;
	_ =	swait.ge [sflag:s20], $0x500  }
0x74: {  	[sflag:s20] =	ssyncset.done $0x0  }
0x75: {  	p1 =	seq.s32 s8, $0x0;
	s15 =	sadd.s32 s1, s22;
	[sflag:s20] =	ssyncadd.s32 $0xFFFFFB00  }
0x76: {  	[tilespmem:s12], [sflag:$0x1] =	stream.strided.gather [hbm4b:s15+s10], $0xA0, s11, s10, $0x38;
	[tilespmem:$0x8BC0] =	vst v63  }
0x77: {  	s15 =	simm.s32 @!p1 $0x9  }
0x78: {  	_ =	swait.ge @!p1 [sflag:s15], $0xA00  }
0x79: {  	[sflag:s15] =	ssyncset.done @!p1 $0x0  }
0x7a: {  	[sflag:s15] =	ssyncadd.s32 @!p1 $0xFFFFF600  }
0x7b: {  	v2 =	vld [tilespmem:$0x4E70]  }
0x7c: {  	v3 =	vld [tilespmem:$0x4E80]  }
0x7d: {  	v4 =	vld [tilespmem:$0x4E90]  }
0x7e: {  	v5 =	vld [tilespmem:$0x4EA0]  }
0x7f: {  	v6 =	vld [tilespmem:$0x4EB0]  }
0x80: {  	[tilespmem:$0x4F60] =	vst v2  }
0x81: {  	[tilespmem:$0x4F70] =	vst v3  }
0x82: {  	[tilespmem:$0x4F80] =	vst v4  }
0x83: {  	[tilespmem:$0x4F90] =	vst v5  }
0x84: {  	s15 =	simm.s32 $0x0;
	[tilespmem:$0x4FA0] =	vst v6  }
0x85: {  	v3 =	vld [tilespmem:s15+$0x4FB0]  }
0x86: {  	v2 =	vld [tilespmem:s15+$0x63B0]  }
0x87: {  	s16 =	simm.s32 $0x77B0  }
0x88: {  	v4 =	vld [tilespmem:s16+$0x0];
	_ =	sdelay $0x2  }
0x89: {  	v2 =	vadd.f32 v2, v3;
	_ =	sdelay $0x1  }
0x8a: {  	v2 =	vadd.f32 v4, v2;
	_ =	sdelay $0x1  }
0x8b: {  	v4 =	vmul.f32 $2.000000030e-01, v2  }
0x8c: {  	vm1 =	vgt.f32 v2, $0.0e+00  }
0x8d: {  	v2 =	vsel vm1, v2, v4  }
0x8e: {  	v2 =	vmul.f32 v2, v1;
	_ =	sdelay $0x1  }
0x8f: {  	v2 =	vadd.f32 $0.0e+00, v2;
	_ =	sdelay $0x1  }
0x90: {  	(xrf2) =	vadd.scan.msk.f32 $0xffff, v2;
	_ =	sdelay $0x9  }
0x91: {  	v2, _, _ =	vpop (xrf2)  }
0x92: {  	v2 =	vmul.f32 $1.442695020e+00, v2;
	_ =	sdelay $0x1  }
0x93: {  	v2 =	vbroadcast v2, $0xF;
	_ =	sdelay $0x1  }
0x94: {  	(erf) = vpow2.f32 v2;
	_ =	sdelay $0x8  }
0x95: {  	s30 =	simm.s32 $0x20;
	v4 =	vpop (erf)  }
0x96: {  	s22 =	simm.s32 $0x100;
	v2 =	vld [tilespmem:s30+$0x4FB0];
	v3 =	vmul.f32 v4, v3;
	v4 =	vnsel vm0, $0x0, v4  }
.LBB2_5:
0x97: {  	p1 =	sne.s32 s22, $0x2780;
	v5 =	vld [tilespmem:s30+$0x63B0];
	[tilespmem:s15+$0x81C0] =	vst v4  }
0x98: {  	s16 =	sadd.s32 $0x10, s16;
	[tilespmem:s15+$0x81B0] =	vst v3;
	s15 =	smov.u32 s30  }
0x99: {  	v3 =	vld [tilespmem:s16+$0x0];
	_ =	sdelay $0x2  }
0x9a: {  	v4 =	vadd.f32 v5, v2;
	_ =	sdelay $0x1  }
0x9b: {  	v3 =	vadd.f32 v3, v4;
	_ =	sdelay $0x1  }
0x9c: {  	v4 =	vmul.f32 $2.000000030e-01, v3  }
0x9d: {  	vm1 =	vgt.f32 v3, $0.0e+00  }
0x9e: {  	v3 =	vsel vm1, v3, v4  }
0x9f: {  	v3 =	vmul.f32 v3, v1;
	_ =	sdelay $0x1  }
0xa0: {  	v3 =	vadd.f32 $0.0e+00, v3;
	_ =	sdelay $0x1  }
0xa1: {  	(xrf2) =	vadd.scan.msk.f32 $0xffff, v3;
	_ =	sdelay $0x9  }
0xa2: {  	v3, _, _ =	vpop (xrf2)  }
0xa3: {  	v3 =	vmul.f32 $1.442695020e+00, v3;
	_ =	sdelay $0x1  }
0xa4: {  	v3 =	vbroadcast v3, $0xF;
	_ =	sdelay $0x1  }
0xa5: {  	(erf) = vpow2.f32 v3;
	_ =	sdelay $0x5  }
.Ltmp1:
0xa6: {  	(pc) =	sbr.rel @p1 .LBB2_5-.Ltmp1, $3  }
0xa7: {  	_ =	sdelay $0x1  }
0xa8: {  	s30 =	sshra.s32 s22, $0x2;
	v4 =	vpop (erf)  }
0xa9: {  	s22 =	sadd.s32 $0x80, s22;
	v3 =	vmul.f32 v4, v2;
	v2 =	vld [tilespmem:s30+$0x4FB0];
	v4 =	vnsel vm0, $0x0, v4  }
0xaa: {  	v5 =	vld [tilespmem:s30+$0x63B0];
	[tilespmem:s15+$0x81C0] =	vst v4  }
0xab: {  	s22 =	sadd.s32 $0x10, s16;
	[tilespmem:s15+$0x81B0] =	vst v3  }
0xac: {  	v3 =	vld [tilespmem:s22+$0x0];
	_ =	sdelay $0x2  }
0xad: {  	v4 =	vadd.f32 v5, v2;
	_ =	sdelay $0x1  }
0xae: {  	v3 =	vadd.f32 v3, v4;
	_ =	sdelay $0x1  }
0xaf: {  	v4 =	vmul.f32 $2.000000030e-01, v3  }
0xb0: {  	vm1 =	vgt.f32 v3, $0.0e+00  }
0xb1: {  	v3 =	vsel vm1, v3, v4  }
0xb2: {  	v3 =	vmul.f32 v3, v1;
	_ =	sdelay $0x1  }
0xb3: {  	v3 =	vadd.f32 $0.0e+00, v3;
	_ =	sdelay $0x1  }
0xb4: {  	(xrf2) =	vadd.scan.msk.f32 $0xffff, v3;
	_ =	sdelay $0x9  }
0xb5: {  	v3, _, _ =	vpop (xrf2)  }
0xb6: {  	v3 =	vmul.f32 $1.442695020e+00, v3;
	_ =	sdelay $0x1  }
0xb7: {  	v3 =	vbroadcast v3, $0xF;
	_ =	sdelay $0x1  }
0xb8: {  	(erf) = vpow2.f32 v3;
	_ =	sdelay $0x8  }
0xb9: {  	v3 =	vpop (erf)  }
0xba: {  	v2 =	vmul.f32 v3, v2;
	v3 =	vnsel vm0, $0x0, v3  }
0xbb: {  	[tilespmem:s30+$0x81C0] =	vst v3  }
0xbc: {  	[tilespmem:s30+$0x81B0] =	vst v2  }
0xbd: {  	[spmem:s3] =	stream.indirect.scatter.add.f32 [tilespmem:s4], [sflag:$0x9], $0x20, s21, s10, $0xb8;
	[tilespmem:$0x8BC0] =	vst v63  }
0xbe: {  	_ =	swait.ge [sflag:s14], $0xA0  }
0xbf: {  	[sflag:s14] =	ssyncset.done $0x0  }
0xc0: {  	s30 =	simm.s32 $0x4FB0;
	[sflag:s14] =	ssyncadd.s32 $0xFFFFFF60  }
0xc1: {  	[tilespmem:s30], [sflag:$0x3] =	stream.indirect.gather [hbm4b:s0+s10], $0x20, s12, s10, $0xb8;
	[tilespmem:$0x8BC0] =	vst v63  }
0xc2: {  	s13 =	smul.u32 $0x500, s13;
	s16 =	simm.s32 $0x4E70;
	s22 =	simm.s32 $0x63B0  }
0xc3: {  	[tilespmem:s22], [sflag:$0x5] =	stream.indirect.gather [hbm4b:s0+s10], $0x20, s16, s10, $0xb8;
	[tilespmem:$0x8BC0] =	vst v63  }
0xc4: {  	s13 =	sadd.s32 s24, s13;
	s30 =	simm.s32 $0x77B0  }
0xc5: {  	[tilespmem:s30], [sflag:$0x7] =	stream.strided.gather [hbm4b:s13+s23], $0x500, s25, s23, $0x38;
	[tilespmem:$0x8BC0] =	vst v63  }
0xc6: {  	_ =	swait.ge [sflag:s2], $0xA00  }
0xc7: {  	[sflag:s2] =	ssyncset.done $0x0  }
0xc8: {  	[sflag:s2] =	ssyncadd.s32 $0xFFFFF600  }
0xc9: {  	_ =	swait.ge [sflag:s5], $0xA00  }
0xca: {  	p1 =	seq.s32 s8, $0x3D;
	[sflag:s5] =	ssyncset.done $0x0  }
0xcb: {  	s13 =	sadd.s32 @!p1 s29, s17;
	[sflag:s5] =	ssyncadd.s32 $0xFFFFF600  }
0xcc: {  	s13 =	smul.u32 @!p1 $0xA, s13;
	_ =	swait.ge [sflag:s6], $0x500  }
0xcd: {  	s15 =	simm.s32 @!p1 $0x50;
	s16 =	simm.s32 @!p1 $0x4E200;
	[sflag:s6] =	ssyncset.done $0x0  }
0xce: {  	s17 =	simm.s32 @!p1 $0x4EC0;
	s13 =	sadd.s32 @!p1 s1, s13;
	[sflag:s6] =	ssyncadd.s32 $0xFFFFFB00  }
0xcf: {  	[tilespmem:s17], [sflag:$0x2] =	stream.strided.gather @!p1 [hbm4b:s13+s15], $0xA0, s16, s15, $0x38;
	[tilespmem:$0x8BC0] =	vst v63  }
0xd0: {  	_ =	swait.ge [sflag:s7], $0xA00  }
0xd1: {  	[sflag:s7] =	ssyncset.done $0x0  }
0xd2: {  	[sflag:s7] =	ssyncadd.s32 $0xFFFFF600  }
0xd3: {  	v2 =	vld [tilespmem:$0x4F10]  }
0xd4: {  	v3 =	vld [tilespmem:$0x4F20]  }
0xd5: {  	v4 =	vld [tilespmem:$0x4F30]  }
0xd6: {  	v5 =	vld [tilespmem:$0x4F40]  }
0xd7: {  	v6 =	vld [tilespmem:$0x4F50]  }
0xd8: {  	[tilespmem:$0x4F60] =	vst v2  }
0xd9: {  	[tilespmem:$0x4F70] =	vst v3  }
0xda: {  	[tilespmem:$0x4F80] =	vst v4  }
0xdb: {  	[tilespmem:$0x4F90] =	vst v5  }
0xdc: {  	s13 =	simm.s32 $0x0;
	[tilespmem:$0x4FA0] =	vst v6  }
0xdd: {  	v3 =	vld [tilespmem:s13+$0x59B0]  }
0xde: {  	v2 =	vld [tilespmem:s13+$0x6DB0]  }
0xdf: {  	s15 =	simm.s32 $0x7CB0  }
0xe0: {  	v4 =	vld [tilespmem:s15+$0x0];
	_ =	sdelay $0x2  }
0xe1: {  	v2 =	vadd.f32 v2, v3;
	_ =	sdelay $0x1  }
0xe2: {  	v2 =	vadd.f32 v4, v2;
	_ =	sdelay $0x1  }
0xe3: {  	v4 =	vmul.f32 $2.000000030e-01, v2  }
0xe4: {  	vm1 =	vgt.f32 v2, $0.0e+00  }
0xe5: {  	v2 =	vsel vm1, v2, v4  }
0xe6: {  	v2 =	vmul.f32 v2, v1;
	_ =	sdelay $0x1  }
0xe7: {  	v2 =	vadd.f32 $0.0e+00, v2;
	_ =	sdelay $0x1  }
0xe8: {  	(xrf2) =	vadd.scan.msk.f32 $0xffff, v2;
	_ =	sdelay $0x9  }
0xe9: {  	v2, _, _ =	vpop (xrf2)  }
0xea: {  	v2 =	vmul.f32 $1.442695020e+00, v2;
	_ =	sdelay $0x1  }
0xeb: {  	v2 =	vbroadcast v2, $0xF;
	_ =	sdelay $0x1  }
0xec: {  	(erf) = vpow2.f32 v2;
	_ =	sdelay $0x8  }
0xed: {  	s17 =	simm.s32 $0x20;
	v4 =	vpop (erf)  }
0xee: {  	s16 =	simm.s32 $0x100;
	v2 =	vld [tilespmem:s17+$0x59B0];
	v3 =	vmul.f32 v4, v3;
	v4 =	vnsel vm0, $0x0, v4  }
.LBB2_7:
0xef: {  	p1 =	sne.s32 s16, $0x2780;
	v5 =	vld [tilespmem:s17+$0x6DB0];
	[tilespmem:s13+$0x81C0] =	vst v4  }
0xf0: {  	s15 =	sadd.s32 $0x10, s15;
	[tilespmem:s13+$0x81B0] =	vst v3;
	s13 =	smov.u32 s17  }
0xf1: {  	v3 =	vld [tilespmem:s15+$0x0];
	_ =	sdelay $0x2  }
0xf2: {  	v4 =	vadd.f32 v5, v2;
	_ =	sdelay $0x1  }
0xf3: {  	v3 =	vadd.f32 v3, v4;
	_ =	sdelay $0x1  }
0xf4: {  	v4 =	vmul.f32 $2.000000030e-01, v3  }
0xf5: {  	vm1 =	vgt.f32 v3, $0.0e+00  }
0xf6: {  	v3 =	vsel vm1, v3, v4  }
0xf7: {  	v3 =	vmul.f32 v3, v1;
	_ =	sdelay $0x1  }
0xf8: {  	v3 =	vadd.f32 $0.0e+00, v3;
	_ =	sdelay $0x1  }
0xf9: {  	(xrf2) =	vadd.scan.msk.f32 $0xffff, v3;
	_ =	sdelay $0x9  }
0xfa: {  	v3, _, _ =	vpop (xrf2)  }
0xfb: {  	v3 =	vmul.f32 $1.442695020e+00, v3;
	_ =	sdelay $0x1  }
0xfc: {  	v3 =	vbroadcast v3, $0xF;
	_ =	sdelay $0x1  }
0xfd: {  	(erf) = vpow2.f32 v3;
	_ =	sdelay $0x5  }
.Ltmp2:
0xfe: {  	(pc) =	sbr.rel @p1 .LBB2_7-.Ltmp2, $3  }
0xff: {  	_ =	sdelay $0x1  }
0x100: {  	s17 =	sshra.s32 s16, $0x2;
	v4 =	vpop (erf)  }
0x101: {  	s16 =	sadd.s32 $0x80, s16;
	v3 =	vmul.f32 v4, v2;
	v2 =	vld [tilespmem:s17+$0x59B0];
	v4 =	vnsel vm0, $0x0, v4  }
0x102: {  	v5 =	vld [tilespmem:s17+$0x6DB0];
	[tilespmem:s13+$0x81C0] =	vst v4  }
0x103: {  	s30 =	sadd.s32 $0x10, s15;
	[tilespmem:s13+$0x81B0] =	vst v3  }
0x104: {  	v3 =	vld [tilespmem:s30+$0x0];
	_ =	sdelay $0x2  }
0x105: {  	v63 =	vadd.f32 v5, v2;
	_ =	sdelay $0x1  }
0x106: {  	v3 =	vadd.f32 v3, v63;
	_ =	sdelay $0x1  }
0x107: {  	v4 =	vmul.f32 $2.000000030e-01, v3  }
0x108: {  	vm1 =	vgt.f32 v3, $0.0e+00  }
0x109: {  	v3 =	vsel vm1, v3, v4  }
0x10a: {  	v3 =	vmul.f32 v3, v1;
	_ =	sdelay $0x1  }
0x10b: {  	v3 =	vadd.f32 $0.0e+00, v3;
	_ =	sdelay $0x1  }
0x10c: {  	(xrf2) =	vadd.scan.msk.f32 $0xffff, v3;
	_ =	sdelay $0x9  }
0x10d: {  	v3, _, _ =	vpop (xrf2)  }
0x10e: {  	v3 =	vmul.f32 $1.442695020e+00, v3;
	_ =	sdelay $0x1  }
0x10f: {  	v3 =	vbroadcast v3, $0xF;
	_ =	sdelay $0x1  }
0x110: {  	(erf) = vpow2.f32 v3;
	_ =	sdelay $0x6  }
0x111: {  	s8 =	sadd.s32 $0x1, s8  }
0x112: {  	p1 =	sne.s32 s8, $0x3E  }
.Ltmp3:
0x113: {  	v3 =	vpop (erf);
	(pc) =	sbr.rel @p1 .LBB2_4-.Ltmp3, $4  }
0x114: {  	v2 =	vmul.f32 v3, v2;
	v3 =	vnsel vm0, $0x0, v3  }
0x115: {  	[tilespmem:s17+$0x81C0] =	vst v3  }
0x116: {  	[tilespmem:s17+$0x81B0] =	vst v2  }
0x117: {  	[spmem:s3] =	stream.indirect.scatter.add.f32 [tilespmem:s4], [sflag:$0x9], $0x20, s21, s10, $0xb8;
	[tilespmem:$0x8BC0] =	vst v63  }
0x118: {  	_ =	swait.ge [sflag:s18], $0xA00  }
0x119: {  	[sflag:s18] =	ssyncset.done $0x0  }
0x11a: {  	[sflag:s18] =	ssyncadd.s32 $0xFFFFF600  }
0x11b: {  	_ =	swait.ge [sflag:s19], $0xA00  }
0x11c: {  	[sflag:s19] =	ssyncset.done $0x0  }
0x11d: {  	[sflag:s19] =	ssyncadd.s32 $0xFFFFF600  }
0x11e: {  	_ =	swait.ge [sflag:s20], $0x500  }
0x11f: {  	[sflag:s20] =	ssyncset.done $0x0  }
0x120: {  	[sflag:s20] =	ssyncadd.s32 $0xFFFFFB00  }
0x121: {  	_ =	swait.ge [sflag:s7], $0xA00  }
0x122: {  	[sflag:s7] =	ssyncset.done $0x0  }
0x123: {  	[sflag:s7] =	ssyncadd.s32 $0xFFFFF600  }
0x124: {  	v2 =	vld [tilespmem:$0x4E70]  }
0x125: {  	v3 =	vld [tilespmem:$0x4E80]  }
0x126: {  	v4 =	vld [tilespmem:$0x4E90]  }
0x127: {  	v5 =	vld [tilespmem:$0x4EA0]  }
0x128: {  	v6 =	vld [tilespmem:$0x4EB0]  }
0x129: {  	[tilespmem:$0x4F60] =	vst v2  }
0x12a: {  	[tilespmem:$0x4F70] =	vst v3  }
0x12b: {  	[tilespmem:$0x4F80] =	vst v4  }
0x12c: {  	[tilespmem:$0x4F90] =	vst v5  }
0x12d: {  	s8 =	simm.s32 $0x0;
	[tilespmem:$0x4FA0] =	vst v6  }
0x12e: {  	v3 =	vld [tilespmem:s8+$0x4FB0]  }
0x12f: {  	v2 =	vld [tilespmem:s8+$0x63B0]  }
0x130: {  	s13 =	simm.s32 $0x77B0  }
0x131: {  	v4 =	vld [tilespmem:s13+$0x0];
	_ =	sdelay $0x2  }
0x132: {  	v2 =	vadd.f32 v2, v3;
	_ =	sdelay $0x1  }
0x133: {  	v2 =	vadd.f32 v4, v2;
	_ =	sdelay $0x1  }
0x134: {  	v4 =	vmul.f32 $2.000000030e-01, v2  }
0x135: {  	vm1 =	vgt.f32 v2, $0.0e+00  }
0x136: {  	v2 =	vsel vm1, v2, v4  }
0x137: {  	v2 =	vmul.f32 v2, v1;
	_ =	sdelay $0x1  }
0x138: {  	v2 =	vadd.f32 $0.0e+00, v2;
	_ =	sdelay $0x1  }
0x139: {  	(xrf2) =	vadd.scan.msk.f32 $0xffff, v2;
	_ =	sdelay $0x9  }
0x13a: {  	v2, _, _ =	vpop (xrf2)  }
0x13b: {  	v2 =	vmul.f32 $1.442695020e+00, v2;
	_ =	sdelay $0x1  }
0x13c: {  	v2 =	vbroadcast v2, $0xF;
	_ =	sdelay $0x1  }
0x13d: {  	(erf) = vpow2.f32 v2;
	_ =	sdelay $0x8  }
0x13e: {  	s16 =	simm.s32 $0x20;
	v4 =	vpop (erf)  }
0x13f: {  	s15 =	simm.s32 $0x100;
	v2 =	vld [tilespmem:s16+$0x4FB0];
	v3 =	vmul.f32 v4, v3;
	v4 =	vnsel vm0, $0x0, v4  }
.LBB2_10:
0x140: {  	p1 =	sne.s32 s15, $0x2780;
	v5 =	vld [tilespmem:s16+$0x63B0];
	[tilespmem:s8+$0x81C0] =	vst v4  }
0x141: {  	s13 =	sadd.s32 $0x10, s13;
	[tilespmem:s8+$0x81B0] =	vst v3;
	s8 =	smov.u32 s16  }
0x142: {  	v3 =	vld [tilespmem:s13+$0x0];
	_ =	sdelay $0x2  }
0x143: {  	v4 =	vadd.f32 v5, v2;
	_ =	sdelay $0x1  }
0x144: {  	v3 =	vadd.f32 v3, v4;
	_ =	sdelay $0x1  }
0x145: {  	v4 =	vmul.f32 $2.000000030e-01, v3  }
0x146: {  	vm1 =	vgt.f32 v3, $0.0e+00  }
0x147: {  	v3 =	vsel vm1, v3, v4  }
0x148: {  	v3 =	vmul.f32 v3, v1;
	_ =	sdelay $0x1  }
0x149: {  	v3 =	vadd.f32 $0.0e+00, v3;
	_ =	sdelay $0x1  }
0x14a: {  	(xrf2) =	vadd.scan.msk.f32 $0xffff, v3;
	_ =	sdelay $0x9  }
0x14b: {  	v3, _, _ =	vpop (xrf2)  }
0x14c: {  	v3 =	vmul.f32 $1.442695020e+00, v3;
	_ =	sdelay $0x1  }
0x14d: {  	v3 =	vbroadcast v3, $0xF;
	_ =	sdelay $0x1  }
0x14e: {  	(erf) = vpow2.f32 v3;
	_ =	sdelay $0x5  }
.Ltmp4:
0x14f: {  	(pc) =	sbr.rel @p1 .LBB2_10-.Ltmp4, $3  }
0x150: {  	_ =	sdelay $0x1  }
0x151: {  	s16 =	sshra.s32 s15, $0x2;
	v4 =	vpop (erf)  }
0x152: {  	s15 =	sadd.s32 $0x80, s15;
	v3 =	vmul.f32 v4, v2;
	v2 =	vld [tilespmem:s16+$0x4FB0];
	v4 =	vnsel vm0, $0x0, v4  }
0x153: {  	v5 =	vld [tilespmem:s16+$0x63B0];
	[tilespmem:s8+$0x81C0] =	vst v4  }
0x154: {  	s15 =	sadd.s32 $0x10, s13;
	[tilespmem:s8+$0x81B0] =	vst v3  }
0x155: {  	v3 =	vld [tilespmem:s15+$0x0];
	_ =	sdelay $0x2  }
0x156: {  	v63 =	vadd.f32 v5, v2;
	_ =	sdelay $0x1  }
0x157: {  	v3 =	vadd.f32 v3, v63;
	_ =	sdelay $0x1  }
0x158: {  	v4 =	vmul.f32 $2.000000030e-01, v3  }
0x159: {  	vm1 =	vgt.f32 v3, $0.0e+00  }
0x15a: {  	v3 =	vsel vm1, v3, v4  }
0x15b: {  	v1 =	vmul.f32 v3, v1;
	_ =	sdelay $0x1  }
0x15c: {  	v1 =	vadd.f32 $0.0e+00, v1;
	_ =	sdelay $0x1  }
0x15d: {  	(xrf2) =	vadd.scan.msk.f32 $0xffff, v1;
	_ =	sdelay $0x9  }
0x15e: {  	v1, _, _ =	vpop (xrf2)  }
0x15f: {  	v1 =	vmul.f32 $1.442695020e+00, v1;
	_ =	sdelay $0x1  }
0x160: {  	v1 =	vbroadcast v1, $0xF;
	_ =	sdelay $0x1  }
0x161: {  	(erf) = vpow2.f32 v1;
	_ =	sdelay $0x8  }
0x162: {  	v1 =	vpop (erf)  }
0x163: {  	v2 =	vmul.f32 v1, v2;
	v1 =	vnsel vm0, $0x0, v1  }
0x164: {  	[tilespmem:s16+$0x81C0] =	vst v1  }
0x165: {  	[tilespmem:s16+$0x81B0] =	vst v2  }
0x166: {  	[spmem:s3] =	stream.indirect.scatter.add.f32 [tilespmem:s4], [sflag:$0x9], $0x20, s21, s10, $0xb8;
	[tilespmem:$0x8BC0] =	vst v63  }
0x167: {  	_ =	swait.ge [sflag:s7], $0xA00  }
0x168: {  	[sflag:s7] =	ssyncset.done $0x0  }
0x169: {  	[sflag:s7] =	ssyncadd.s32 $0xFFFFF600  }
0x16a: {  	s17 =	stileid.u32;
	[bflag:$0x0] =	sbarrier.arrive $0xFFFF  }
0x16b: {  	s8 =	sshll.u32 s17, $0x6;
	s16 =	rddreg [dreg:$0x5]  }
0x16c: {  	s8 =	sor.u32 $0x1C0A, s8;
	s15 =	rddreg [dreg:$0x8];
	s22 =	sshrl.u32 s16, $0x3  }
0x16d: {  	[hbm:s15], [sflag:s8] =	dma.local [spmem:s22], $0x140  }
0x16e: {  	_ =	swait.ge [sflag:s9], $0x140  }
0x16f: {  	[sflag:s9] =	ssyncset.done $0x0;
	s17 =	rddreg [dreg:$0x6]  }
0x170: {  	s22 =	rddreg [dreg:$0x9];
	[sflag:s9] =	ssyncadd.s32 $0xFFFFFEC0;
	s15 =	sshrl.u32 s17, $0x3  }
0x171: {  	[hbm:s22], [sflag:s8] =	dma.local [spmem:s15], $0x140  }
0x172: {  	_ =	swait.ge [sflag:s9], $0x140  }
0x173: {  	[sflag:s9] =	ssyncset.done $0x0;
	s22 =	rddreg [dreg:$0x7]  }
0x174: {  	s15 =	rddreg [dreg:$0xa];
	[sflag:s9] =	ssyncadd.s32 $0xFFFFFEC0;
	s13 =	sshrl.u32 s22, $0x3  }
0x175: {  	[hbm:s15], [sflag:s8] =	dma.local [spmem:s13], $0x140  }
0x176: {  	_ =	swait.ge [sflag:s9], $0x140  }
0x177: {  	[sflag:s9] =	ssyncset.done $0x0;
	s30 =	rddreg [dreg:$0x10]  }
0x178: {  	s15 =	rddreg [dreg:$0xb];
	[sflag:s9] =	ssyncadd.s32 $0xFFFFFEC0;
	s13 =	sshrl.u32 s30, $0x3  }
0x179: {  	[hbm:s15], [sflag:s8] =	dma.local [spmem:s13], $0x140  }
0x17a: {  	_ =	swait.ge [sflag:s9], $0x140  }
0x17b: {  	[sflag:s9] =	ssyncset.done $0x0;
	s15 =	rddreg [dreg:$0x11]  }
0x17c: {  	[sflag:s9] =	ssyncadd.s32 $0xFFFFFEC0;
	s13 =	sshrl.u32 s15, $0x3;
	s15 =	rddreg [dreg:$0xc]  }
0x17d: {  	[hbm:s15], [sflag:s8] =	dma.local [spmem:s13], $0x140  }
0x17e: {  	_ =	swait.ge [sflag:s9], $0x140  }
0x17f: {  	[sflag:s9] =	ssyncset.done $0x0;
	s15 =	rddreg [dreg:$0x12]  }
0x180: {  	[sflag:s9] =	ssyncadd.s32 $0xFFFFFEC0;
	s13 =	sshrl.u32 s15, $0x3;
	s15 =	rddreg [dreg:$0xd]  }
0x181: {  	[hbm:s15], [sflag:s8] =	dma.local [spmem:s13], $0x140  }
0x182: {  	_ =	swait.ge [sflag:s9], $0x140  }
0x183: {  	[sflag:s9] =	ssyncset.done $0x0;
	s15 =	rddreg [dreg:$0x13]  }
0x184: {  	[sflag:s9] =	ssyncadd.s32 $0xFFFFFEC0;
	s13 =	sshrl.u32 s15, $0x3;
	s15 =	rddreg [dreg:$0xe]  }
0x185: {  	[hbm:s15], [sflag:s8] =	dma.local [spmem:s13], $0x140  }
0x186: {  	_ =	swait.ge [sflag:s9], $0x140  }
0x187: {  	[sflag:s9] =	ssyncset.done $0x0;
	s15 =	rddreg [dreg:$0x14]  }
0x188: {  	[sflag:s9] =	ssyncadd.s32 $0xFFFFFEC0;
	s13 =	sshrl.u32 s15, $0x3;
	s15 =	rddreg [dreg:$0xf]  }
0x189: {  	[hbm:s15], [sflag:s8] =	dma.local [spmem:s13], $0x100  }
0x18a: {  	_ =	swait.ge [sflag:s9], $0x100  }
0x18b: {  	[sflag:s9] =	ssyncset.done $0x0;
	s13 =	rddreg [dreg:$0x1a]  }
0x18c: {  	s15 =	rddreg [dreg:$0x18];
	[sflag:s9] =	ssyncadd.s32 $0xFFFFFF00;
	s13 =	sshrl.u32 @!p0 s13, $0x3  }
0x18d: {  	[hbm:s15], [sflag:s8] =	dma.local @!p0 [spmem:s13], $0x40  }
0x18e: {  	s8 =	simm.s32 @!p0 $0xA  }
0x18f: {  	_ =	swait.ge @!p0 [sflag:s8], $0x40  }
0x190: {  	s13 =	rddreg [dreg:$0x4]  }
0x191: {  	s15 =	sadd.s32 $0x1, s13;
	s13 =	rddreg [dreg:$0x19]  }
0x192: {  	p1 =	sne.s32 s15, s13  }
.Ltmp5:
0x193: {  	_ = 	snop;
	(pc) =	sbr.rel @p1 .LBB2_1-.Ltmp5, $3  }
0x194: {  	_ =	sdelay $0x1  }
0x195: {  	[sflag:s8] =	ssyncset.done @!p0 $0x0  }
0x196: {  	[sflag:s8] =	ssyncadd.s32 @!p0 $0xFFFFFFC0  }
0x197: {  	_ =	sfence.sel $0x180000  }
0x198: {  	[bflag:$0x0] =	sbarrier.arrive $0xFFFF  }
0x199: {  	_ =	strace $0x9000004A  }
0x19a: {  	s0 =	stileid.u32;
	[bflag:$0x2] =	sbarrier.arrive $0xFFFF  }
0x19b: {  	p0 =	sne.s32 s0, $0x0;
	s0 =	rddreg [dreg:$0x3]  }
0x19c: {  	s0 =	sadd.s32 @!p0 $0x100000, s0  }
0x19d: {  	[sflag:s0] =	ssyncadd.tile.s32 @!p0 $0x1;
	_ =	shalt  }
.Lfunc_end2:
_tile_overlayer_lowered:
.L_overlay_start_2:
0x19e: {  	(tag) =	ssettag $0x2  }
0x19f: {  	s0 =	rddreg [dreg:$0x0];
	s2 =	stileid.u32  }
0x1a0: {  	s1 =	rddreg [dreg:$0x1];
	p0 =	sne.s32 s2, $0x0  }
0x1a1: {  	s3 =	rddreg [dreg:$0x2];
	[bflag:$0x3] =	sbarrier.arrive $0xFFFF;
	s2 =	simm.s32 @!p0 $0x1C0A  }
0x1a2: {  	[timem:s3], [sflag:s2] =	dma.local @!p0 [hbm:s0], s1  }
0x1a3: {  	s0 =	simm.s32 @!p0 $0xA  }
0x1a4: {  	_ =	swait.ge @!p0 [sflag:s0], s1  }
0x1a5: {  	s1 =	ssub.s32 @!p0 $0x0, s1;
	[sflag:s0] =	ssyncset.done @!p0 $0x0  }
0x1a6: {  	[sflag:s0] =	ssyncadd.s32 @!p0 s1  }
0x1a7: {  	[bflag:$0x3] =	sbarrier.arrive $0xFFFF  }
0x1a8: {  	_ =	shalt  }

// kernel: kernel.8.cloned.1.call-start
scs
__scs_entry_jumppad:
0x0: {  	(pc) =	sbr.rel $0x88, $3  }
0x1: {  	(tag) =	ssettag $0x0;
	lr =	simm.s32 $0x1  }
0x2: {  	[smem:$0x3F94] =	sst lr;
	_ =	strace $0xD0000000  }
0x3: {  	_ = 	snop  }
0x4: {  	_ = 	snop  }
0x5: {  	_ = 	snop  }
0x6: {  	_ = 	snop  }
0x7: {  	_ = 	snop  }
__scs_overlays_trampoline_lowered:
0x8: {  	[smem:$0x3FA3] =	sst s0  }
0x9: {  	[smem:$0x3FA4] =	sst s1  }
0xa: {  	[smem:$0x3FA5] =	sst s2  }
0xb: {  	[smem:$0x3FA6] =	sst s3  }
0xc: {  	[smem:$0x3FA7] =	sst s4  }
0xd: {  	[smem:$0x3FA8] =	sst s5  }
0xe: {  	[smem:$0x3FA9] =	sst s6  }
0xf: {  	[smem:$0x3FAA] =	sst s7  }
0x10: {  	[smem:$0x3FAB] =	sst s8  }
0x11: {  	[smem:$0x3FAC] =	sst s9;
	s0 =	simm.s32 @!p0 $0x0  }
0x12: {  	s1 =	sld [smem:$0x3F92];
	s0 =	simm.s32 @p0 $0x1  }
0x13: {  	[smem:$0x3FAD] =	sst s0;
	s0 =	simm.s32 @!p1 $0x0  }
0x14: {  	s2 =	sld [smem:$0x3F91];
	s0 =	simm.s32 @p1 $0x1  }
0x15: {  	[smem:$0x3FAE] =	sst s0;
	s0 =	simm.s32 @!p2 $0x0  }
0x16: {  	s3 =	sld [smem:$0x3FDB];
	s0 =	simm.s32 @p2 $0x1  }
0x17: {  	s4 =	simm.s32 $0x1BF5;
	[smem:$0x3FB0] =	sst s0  }
0x18: {  	s0 =	sld [smem:$0x3F93];
	_ =	swait.ge [sflag:s4], $0x0  }
0x19: {  	s7 =	sld [smem:$0x3F94]  }
0x1a: {  	s8 =	sadd.s32 $0xFFFFE003, lr  }
0x1b: {  	s9 =	sadd.s32 $0xFFFFFEF7, lr;
	s5 =	simm.s32 $0xFFFFFFFF;
	p2 =	slt.u32 s8, $0xFFFFF086  }
0x1c: {  	p1 =	slt.u32 s9, $0xF7A;
	s5 =	simm.s32 @!p2 $0x0  }
0x1d: {  	s5 =	simm.s32 @p1 $0x1;
	p0 =	seq.s32 s7, s2  }
0x1e: {  	s7 =	smul.u32 @!p0 $0xF7A, s2;
	p2 =	seq.s32 @!p0 s5, $0x0  }
0x1f: {  	s9 =	smul.u32 $0xF7A, s1;
	s8 =	simm.s32 @!p0 $0x1BF5;
	p2 =	por !p2, p0  }
0x20: {  	[sflag:s8] =	ssyncset.s32 @!p0 $0xFFFFF086;
	s6 =	sadd.s32 @!p0 s3, s7;
	s7 =	simm.s32 @!p0 $0x108  }
0x21: {  	s3 =	sadd.s32 s3, s9;
	s6 =	sadd.s32 @!p0 $0x88, s6;
	s7 =	simm.s32 @p2 $0x1082  }
0x22: {  	[simem:s7], [sflag:s8] =	dma.local @!p0 [hbm:s6], $0xF7A  }
0x23: {  	s9 =	sor.u32 $0xD0000000, s2;
	s6 =	simm.s32 $0x108;
	_ =	swait.ge @!p0 [sflag:s8], $0x0  }
0x24: {  	s3 =	sadd.s32 $0x88, s3;
	s6 =	simm.s32 @!p1 $0x1082;
	[sflag:s4] =	ssyncset.s32 $0xFFFFF086  }
0x25: {  	[simem:s6], [sflag:s4] =	dma.local [hbm:s3], $0xF7A  }
0x26: {  	[smem:$0x3F94] =	sst s1;
	(tag) =	ssettag s2;
	_ =	strace s9  }
0x27: {  	s1 =	sld [smem:$0x3FA4]  }
0x28: {  	s2 =	sld [smem:$0x3FA5]  }
0x29: {  	s4 =	sld [smem:$0x3FA7]  }
0x2a: {  	p0 =	seq.s32 s5, $0x0;
	s5 =	sld [smem:$0x3FA8]  }
0x2b: {  	s6 =	sld [smem:$0x3FA9]  }
0x2c: {  	s7 =	sld [smem:$0x3FAA]  }
0x2d: {  	s3 =	simm.s32 $0x108;
	s8 =	sld [smem:$0x3FAB]  }
0x2e: {  	s3 =	simm.s32 @!p0 $0x1082;
	s9 =	sld [smem:$0x3FAC]  }
0x2f: {  	lr =	sadd.s32 s0, s3;
	s0 =	sld [smem:$0x3FA3]  }
0x30: {  	s3 =	sld [smem:$0x3FA6]  }
0x31: {  	[smem:$0x3FAF] =	sst s10  }
0x32: {  	s10 =	sld [smem:$0x3FAD];
	_ =	sdelay $0x3  }
0x33: {  	p0 =	seq.s32 s10, $0x1;
	s10 =	sld [smem:$0x3FAF];
	_ =	sdelay $0x3  }
0x34: {  	[smem:$0x3FAF] =	sst s10  }
0x35: {  	s10 =	sld [smem:$0x3FAE];
	_ =	sdelay $0x3  }
0x36: {  	p1 =	seq.s32 s10, $0x1;
	s10 =	sld [smem:$0x3FAF];
	_ =	sdelay $0x3  }
0x37: {  	[smem:$0x3FAF] =	sst s10  }
0x38: {  	s10 =	sld [smem:$0x3FB0]  }
0x39: {  	_ = 	snop;
	(pc) =	sbr.ind lr, $3  }
0x3a: {  	_ = 	snop  }
0x3b: {  	_ = 	snop  }
0x3c: {  	p2 =	seq.s32 s10, $0x1;
	s10 =	sld [smem:$0x3FAF]  }
0x3d: {  	_ =	shalt  }
0x3e: {  	_ =	shalt  }
0x3f: {  	_ =	shalt  }
0x40: {  	_ =	shalt  }
0x41: {  	_ =	shalt  }
0x42: {  	_ =	shalt  }
0x43: {  	_ =	shalt  }
0x44: {  	_ =	shalt  }
0x45: {  	_ =	shalt  }
0x46: {  	_ =	shalt  }
0x47: {  	_ =	shalt  }
0x48: {  	_ =	shalt  }
0x49: {  	_ =	shalt  }
0x4a: {  	_ =	shalt  }
0x4b: {  	_ =	shalt  }
0x4c: {  	_ =	shalt  }
0x4d: {  	_ =	shalt  }
0x4e: {  	_ =	shalt  }
0x4f: {  	_ =	shalt  }
0x50: {  	_ =	shalt  }
0x51: {  	_ =	shalt  }
0x52: {  	_ =	shalt  }
0x53: {  	_ =	shalt  }
0x54: {  	_ =	shalt  }
0x55: {  	_ =	shalt  }
0x56: {  	_ =	shalt  }
0x57: {  	_ =	shalt  }
0x58: {  	_ =	shalt  }
0x59: {  	_ =	shalt  }
0x5a: {  	_ =	shalt  }
0x5b: {  	_ =	shalt  }
0x5c: {  	_ =	shalt  }
0x5d: {  	_ =	shalt  }
0x5e: {  	_ =	shalt  }
0x5f: {  	_ =	shalt  }
0x60: {  	_ =	shalt  }
0x61: {  	_ =	shalt  }
0x62: {  	_ =	shalt  }
0x63: {  	_ =	shalt  }
0x64: {  	_ =	shalt  }
0x65: {  	_ =	shalt  }
0x66: {  	_ =	shalt  }
0x67: {  	_ =	shalt  }
0x68: {  	_ =	shalt  }
0x69: {  	_ =	shalt  }
0x6a: {  	_ =	shalt  }
0x6b: {  	_ =	shalt  }
0x6c: {  	_ =	shalt  }
0x6d: {  	_ =	shalt  }
0x6e: {  	_ =	shalt  }
0x6f: {  	_ =	shalt  }
0x70: {  	_ =	shalt  }
0x71: {  	_ =	shalt  }
0x72: {  	_ =	shalt  }
0x73: {  	_ =	shalt  }
0x74: {  	_ =	shalt  }
0x75: {  	_ =	shalt  }
0x76: {  	_ =	shalt  }
0x77: {  	_ =	shalt  }
0x78: {  	_ =	shalt  }
0x79: {  	_ =	shalt  }
0x7a: {  	_ =	shalt  }
0x7b: {  	_ =	shalt  }
0x7c: {  	_ =	shalt  }
0x7d: {  	_ =	shalt  }
0x7e: {  	_ =	shalt  }
0x7f: {  	_ =	shalt  }
0x80: {  	_ =	shalt  }
0x81: {  	_ =	shalt  }
0x82: {  	_ =	shalt  }
0x83: {  	_ =	shalt  }
0x84: {  	_ =	shalt  }
0x85: {  	_ =	shalt  }
0x86: {  	_ =	shalt  }
0x87: {  	_ =	shalt  }
.Lfunc_end0:
.L_simem_size_0:
called_computation_lowered:
.L_overlay_start_0:
0x88: {  	s2 =	sld [smem:$0x3FD9]  }
0x89: {  	s3 =	sld [smem:$0x3FFE];
	_ =	sdelay $0x1  }
0x8a: {  	s1 =	srdreg.scid  }
0x8b: {  	s0 =	sand.u32 $0x1, s1  }
0x8c: {  	s17 =	sshll.u32 s0, $0xA;
	s2 =	sadd.s32 s3, s2  }
0x8d: {  	s2 =	sadd.s32 s2, s17  }
0x8e: {  	[smem:$0x3FBB] =	sst s2  }
0x8f: {  	_ = 	snop  }
0x90: {  	s2 =	sld [smem:$0x3FC3];
	(tm) =	ssettm $0x1  }
0x91: {  	s18 =	sld [smem:$0x3FFB];
	_ =	sdelay $0x3  }
0x92: {  	_ =	strace s18  }
0x93: {  	s3 =	sld [smem:$0x3FFC];
	_ =	sdelay $0x3  }
0x94: {  	_ =	strace s3  }
0x95: {  	s3 =	sld [smem:$0x3FFD];
	_ =	sdelay $0x3  }
0x96: {  	_ =	strace s3  }
0x97: {  	_ =	strace $0x8FFFFFFF  }
0x98: {  	s19 =	sld [smem:$0x3FDB];
	_ =	sdelay $0x1  }
0x99: {  	s4 =	simm.s32 $_scs_section_size  }
0x9a: {  	s5 =	simm.s32 $_size__tile_overlayer_lowered;
	s6 =	simm.s32 $_tile_overlayer_lowered  }
0x9b: {  	s22 =	simm.s32 $0x1BFF;
	s21 =	sshll.u32 s6, $0x1;
	s3 =	sadd.s32 s4, s19  }
0x9c: {  	s7 =	simm.s32 $0x0;
	s20 =	sshll.u32 s5, $0x1;
	s5 =	sadd.s32 s21, s3  }
0x9d: {  	[timem:s7], [sflag:s22] =	dma.local [hbm:s5], s20  }
0x9e: {  	_ =	swait.ge [sflag:s22], s20  }
0x9f: {  	s4 =	ssub.s32 $0x0, s20;
	[sflag:s22] =	ssyncset.done $0x0  }
0xa0: {  	[sflag:s22] =	ssyncadd.s32 s4;
	_ =	sdelay $0x1  }
0xa1: {  	s23 =	simm.s32 $0x1B8B  }
0xa2: {  	_ =	swait.ge [sflag:s23], $0x1  }
0xa3: {  	[sflag:s23] =	ssyncset.done $0x0  }
0xa4: {  	s25 =	simm.s32 $0x1B8E;
	s24 =	sld [smem:$0x3FFE];
	[sflag:s23] =	ssyncadd.s32 $0xFFFFFFFF  }
0xa5: {  	s26 =	simm.s32 $execute0_lowered;
	[smem:$0x3FD2] =	sst s25  }
0xa6: {  	s5 =	sshll.u32 s26, $0x1;
	_ =	strace $0x80000046;
	[dreg:$0x1] =	wrdreg $0xFFFFFFFF  }
0xa7: {  	s28 =	simm.s32 $_size_execute0_lowered;
	s3 =	sadd.s32 s3, s5;
	[dreg:$0x0] =	wrdreg $0x0  }
0xa8: {  	s5 =	sshll.u32 s28, $0x1;
	[dreg:$0x2] =	wrdreg s3  }
0xa9: {  	[dreg:$0x3] =	wrdreg s5  }
0xaa: {  	[dreg:$0x4] =	wrdreg $0xC0  }
0xab: {  	_ =	task [dreg:s7], $0x5FFFF  }
0xac: {  	[dreg:$0x1] =	wrdreg $0xFFFFFFFF  }
0xad: {  	[dreg:$0x0] =	wrdreg $0x60  }
0xae: {  	[dreg:$0x2] =	wrdreg s24  }
0xaf: {  	[dreg:$0x3] =	wrdreg s2  }
0xb0: {  	[dreg:$0x4] =	wrdreg $0x0  }
0xb1: {  	[dreg:$0x5] =	wrdreg $0x9  }
0xb2: {  	_ =	task.clear_ibuf [dreg:s7], $0x6FFFF;
	_ =	strace $0x90000046  }
0xb3: {  	s29 =	simm.s32 $0x9;
	_ =	strace $0x80000048  }
0xb4: {  	_ =	swait.ge [sflag:s29], $0x1  }
0xb5: {  	[sflag:s29] =	ssyncadd.s32 $0xFFFFFFFF  }
0xb6: {  	_ =	strace $0x90000048  }
0xb7: {  	_ =	sfence  }
0xb8: {  	s30 =	sld [smem:$0x0];
	_ =	sdelay $0x2  }
0xb9: {  	s31 =	sshll.u32 s1, $0xD;
	s1 =	sshrl.u32 s1, $0x2  }
0xba: {  	s3 =	sand.u32 $0x4000, s31;
	s1 =	sadd.s32 s1, s30  }
0xbb: {  	s0 =	sor.u32 s3, s0;
	s1 =	sshll.u32 s1, $0x11  }
0xbc: {  	s0 =	sor.u32 s1, s0  }
0xbd: {  	s0 =	sadd.s32 $0x8F2B, s0  }
0xbe: {  	[sflag:s0] =	ssyncadd.remote.s32 $0x1  }
0xbf: {  	_ =	sfence.sel $0xFFFF  }
0xc0: {  	[dreg:$0x0] =	wrdreg $0xFFFFFFFF;
	(pc) =	sbr.abs _section_cstart, $3  }
0xc1: {  	[dreg:$0x1] =	wrdreg $0xFFFFFFFF  }
0xc2: {  	_ =	task.clear_ibuf [dreg:s7], $0x2FFFF;
	_ =	strace $0x9FFFFFFF  }
0xc3: {  	(tm) =	ssettm $0x7FFFFFFF  }
tec
execute0_lowered:
.L_overlay_start_1:
0x0: {  	(tag) =	ssettag $0x1  }
0x1: {  	s0 =	srdreg.scid;
	s1 =	rddreg [dreg:$0x0];
	s2 =	simm.s32 $0x0  }
0x2: {  	s24 =	stileid.u32;
	s28 =	simm.s32 $0x5;
	s10 =	sand.u32 $0x1, s0  }
0x3: {  	s4 =	smul.u32 $0x15F00, s24;
	s5 =	sadd.s32 $0xA03A00, s1;
	s0 =	ssub.s32 $0x2, s10  }
0x4: {  	s22 =	sshll.u32 s24, $0x1;
	s15 =	smul.u32 $0x15F900, s10;
	s3 =	sshrl.u32 s0, $0x1  }
0x5: {  	s6 =	sadd.s32 $0x1680, s4;
	s7 =	sadd.s32 $0x2D00, s4;
	s8 =	sadd.s32 $0x4380, s4  }
0x6: {  	s9 =	sadd.s32 $0x5A00, s4;
	s11 =	sadd.s32 $0x8700, s4;
	s12 =	sadd.s32 $0x9D80, s4  }
0x7: {  	s13 =	sadd.s32 $0xB400, s4;
	s14 =	sadd.s32 $0xCA80, s4;
	s0 =	ssub.s32 s0, s3  }
0x8: {  	s3 =	sor.u32 s10, s22;
	s10 =	sadd.s32 $0x7080, s4;
	s16 =	sadd.s32 s4, s15  }
0x9: {  	s17 =	sadd.s32 s15, s6;
	s25 =	sadd.s32 s15, s7;
	s26 =	sadd.s32 s15, s8  }
0xa: {  	s18 =	sadd.s32 s15, s9;
	s22 =	sadd.s32 s15, s11;
	s16 =	sshrl.u32 s16, $0x3  }
0xb: {  	s17 =	sshrl.u32 s17, $0x3;
	s19 =	sshrl.u32 s18, $0x3;
	s16 =	sadd.s32 s5, s16  }
0xc: {  	s21 =	sadd.s32 s15, s10;
	s23 =	sadd.s32 s5, s17;
	[dreg:$0x4] =	wrdreg s16  }
0xd: {  	s17 =	sshrl.u32 s26, $0x3;
	s20 =	sadd.s32 s5, s19;
	[dreg:$0x5] =	wrdreg s23  }
0xe: {  	s19 =	sadd.s32 s15, s13;
	s16 =	sshrl.u32 s25, $0x3;
	[dreg:$0x8] =	wrdreg s20  }
0xf: {  	s23 =	sadd.s32 s15, s12;
	s25 =	sshrl.u32 s22, $0x3;
	s16 =	sadd.s32 s5, s16  }
0x10: {  	s26 =	sshrl.u32 s23, $0x3;
	[dreg:$0x6] =	wrdreg s16;
	s16 =	sadd.s32 s5, s17  }
0x11: {  	s18 =	sadd.s32 s5, s26;
	[dreg:$0x7] =	wrdreg s16;
	s16 =	sshrl.u32 s21, $0x3  }
0x12: {  	s20 =	sadd.s32 s15, s14;
	[dreg:$0xb] =	wrdreg s18;
	s16 =	sadd.s32 s5, s16  }
0x13: {  	s17 =	sadd.s32 $0xE100, s4;
	[dreg:$0x9] =	wrdreg s16;
	s16 =	sadd.s32 s5, s25  }
0x14: {  	s21 =	sshrl.u32 s20, $0x3;
	[dreg:$0xa] =	wrdreg s16;
	s16 =	sshrl.u32 s19, $0x3  }
0x15: {  	s22 =	sadd.s32 s15, s17;
	s18 =	sadd.s32 $0xF780, s4;
	s16 =	sadd.s32 s5, s16  }
0x16: {  	s23 =	sshrl.u32 s22, $0x3;
	[dreg:$0xc] =	wrdreg s16;
	s16 =	sadd.s32 s5, s21  }
0x17: {  	s20 =	sadd.s32 $0x12480, s4;
	[dreg:$0xd] =	wrdreg s16;
	s16 =	sadd.s32 s5, s23  }
0x18: {  	s19 =	sadd.s32 s15, s18;
	[dreg:$0xe] =	wrdreg s16;
	s16 =	sadd.s32 $0x10E00, s4  }
0x19: {  	s26 =	sadd.s32 s15, s20;
	s19 =	sshrl.u32 s19, $0x3;
	s21 =	sadd.s32 s15, s16  }
0x1a: {  	s22 =	sadd.s32 $0x13B00, s4;
	s19 =	sadd.s32 s5, s19;
	s25 =	sshrl.u32 s21, $0x3  }
0x1b: {  	[dreg:$0xf] =	wrdreg s19;
	s21 =	sshrl.u32 s26, $0x3;
	s19 =	sadd.s32 s5, s25  }
0x1c: {  	s23 =	sadd.s32 s15, s22;
	[dreg:$0x10] =	wrdreg s19;
	s19 =	sadd.s32 s5, s21  }
0x1d: {  	s21 =	sshrl.u32 s23, $0x3;
	[dreg:$0x11] =	wrdreg s19;
	s19 =	sadd.s32 $0x15180, s4  }
0x1e: {  	[smem:$0x7FF] =	sst s2;
	s21 =	sadd.s32 s5, s21;
	s23 =	sadd.s32 s15, s19  }
0x1f: {  	s29 =	simm.s32 $0x7;
	[dreg:$0x12] =	wrdreg s21;
	s23 =	sshrl.u32 s23, $0x3  }
0x20: {  	s30 =	simm.s32 $0x16030;
	s21 =	rddreg [dreg:$0x2];
	s23 =	sadd.s32 s5, s23  }
0x21: {  	s31 =	simm.s32 $0x9;
	s4 =	sadd.s32 s4, s21;
	[dreg:$0x13] =	wrdreg s23  }
0x22: {  	s25 =	sadd.s32 s6, s21;
	_ =	strace $0x80000047;
	[dreg:$0x14] =	wrdreg s4  }
0x23: {  	p0 =	sne.s32 s24, $0xF;
	s26 =	sadd.s32 s7, s21;
	[dreg:$0x15] =	wrdreg s25  }
0x24: {  	s24 =	simm.s32 $0x1A3D8;
	s6 =	sadd.s32 s9, s21;
	[dreg:$0x16] =	wrdreg s26  }
0x25: {  	s0 =	smax.u32 s0, $0x1;
	s7 =	sadd.s32 s10, s21;
	[dreg:$0x17] =	wrdreg s6  }
0x26: {  	s15 =	sshrl.u32 s15, $0x3;
	s9 =	sadd.s32 s11, s21;
	[dreg:$0x18] =	wrdreg s7  }
0x27: {  	s8 =	sadd.s32 s8, s21;
	s10 =	sadd.s32 s12, s21;
	[dreg:$0x19] =	wrdreg s9  }
0x28: {  	s11 =	sadd.s32 s13, s21;
	s12 =	sadd.s32 s14, s21;
	[dreg:$0x1a] =	wrdreg s10  }
0x29: {  	s13 =	sadd.s32 s17, s21;
	s14 =	smul.u32 $0x28, s3;
	[dreg:$0x1b] =	wrdreg s11  }
0x2a: {  	s18 =	sadd.s32 s18, s21;
	s17 =	smul.u32 $0x5, s3;
	[dreg:$0x1c] =	wrdreg s12  }
0x2b: {  	s5 =	sadd.s32 s5, s15;
	s15 =	sadd.s32 s16, s21;
	[dreg:$0x1d] =	wrdreg s13  }
0x2c: {  	s16 =	sadd.s32 s20, s21;
	s20 =	sadd.s32 s22, s21;
	[dreg:$0x1f] =	wrdreg s15  }
0x2d: {  	s22 =	smul.u32 $0x280, s3;
	s23 =	sadd.s32 s19, s21;
	[smem:$0x7F5] =	sst s16  }
0x2e: {  	s19 =	simm.s32 $0x0;
	[smem:$0x7F6] =	sst s20;
	s4 =	sshrl.u32 s14, $0x3  }
0x2f: {  	[smem:$0x7F7] =	sst s23;
	s9 =	sadd.s32 $0x3FA00, s1;
	s6 =	sadd.s32 s1, s17  }
0x30: {  	s26 =	sadd.s32 $0x2BE00, s5;
	[smem:$0x7FC] =	sst s0;
	s15 =	sadd.s32 $0x13A00, s1  }
0x31: {  	s17 =	sor.u32 $0x60, s3;
	s20 =	sadd.s32 $0x44A00, s1;
	s10 =	simm.s32 $0xA  }
0x32: {  	s11 =	simm.s32 $0x28;
	s12 =	simm.s32 $0x15FE0;
	[dreg:$0x1e] =	wrdreg s18  }
0x33: {  	s14 =	simm.s32 $0x2;
	s13 =	simm.s32 $0x176D8;
	[smem:$0x7F8] =	sst s6  }
0x34: {  	s23 =	simm.s32 $0x16008;
	s25 =	sadd.s32 s9, s22;
	[smem:$0x7FB] =	sst s26  }
0x35: {  	s4 =	sadd.s32 s1, s4;
	s6 =	sadd.s32 $0x15F000, s21;
	[smem:$0x7FA] =	sst s25  }
0x36: {  	s22 =	simm.s32 $0x1E258;
	s4 =	sadd.s32 $0xA0, s4;
	[smem:$0x7FD] =	sst s6  }
0x37: {  	v0 =	vimm.f32 $0.0e+00;
	vm0 =	vmmov $0x1;
	s26 =	simm.s32 $0x3;
	s25 =	simm.s32 $0x1CE58;
	[smem:$0x7F9] =	sst s4  }
.LBB2_1:
0x38: {  	s0 =	simm.s32 $0x0;
	s4 =	simm.s32 $0x240  }
.LBB2_2:
0x39: {  	p1 =	sne.s32 s4, $0x57C0;
	[tilespmem:s0+$0x1E2D8] =	vst v0  }
0x3a: {  	[tilespmem:s0+$0x1E258] =	vst v0  }
0x3b: {  	[tilespmem:s0+$0x1E268] =	vst v0  }
0x3c: {  	[tilespmem:s0+$0x1E278] =	vst v0  }
.Ltmp0:
0x3d: {  	[tilespmem:s0+$0x1E288] =	vst v0;
	(pc) =	sbr.rel @p1 .LBB2_2-.Ltmp0, $4  }
0x3e: {  	[tilespmem:s0+$0x1E298] =	vst v0  }
0x3f: {  	[tilespmem:s0+$0x1E2A8] =	vst v0  }
0x40: {  	[tilespmem:s0+$0x1E2B8] =	vst v0  }
0x41: {  	[tilespmem:s0+$0x1E2C8] =	vst v0;
	s0 =	sshra.s32 s4, $0x2;
	s4 =	sadd.s32 $0x240, s4  }
0x42: {  	[tilespmem:s0+$0x1E2D8] =	vst v0  }
0x43: {  	[tilespmem:s0+$0x1E258] =	vst v0  }
0x44: {  	[tilespmem:s0+$0x1E268] =	vst v0  }
0x45: {  	[tilespmem:s0+$0x1E278] =	vst v0  }
0x46: {  	[tilespmem:s0+$0x1E288] =	vst v0  }
0x47: {  	[tilespmem:s0+$0x1E298] =	vst v0  }
0x48: {  	[tilespmem:s0+$0x1E2A8] =	vst v0  }
0x49: {  	[tilespmem:s0+$0x1E2B8] =	vst v0  }
0x4a: {  	[tilespmem:s0+$0x1E2C8] =	vst v0;
	s7 =	rddreg [dreg:$0x14]  }
0x4b: {  	[spmem:s7] =	stream.linear.scatter [tilespmem:s22], [sflag:$0xA], $0x1680, $0x38;
	[tilespmem:$0x1F958] =	vst v63  }
0x4c: {  	_ =	swait.ge [sflag:s10], $0x1680  }
0x4d: {  	[sflag:s10] =	ssyncset.done $0x0  }
0x4e: {  	s16 =	rddreg [dreg:$0x15];
	[sflag:s10] =	ssyncadd.s32 $0xFFFFE980  }
0x4f: {  	[spmem:s16] =	stream.linear.scatter [tilespmem:s22], [sflag:$0xA], $0x1680, $0x38;
	[tilespmem:$0x1F958] =	vst v63  }
0x50: {  	_ =	swait.ge [sflag:s10], $0x1680  }
0x51: {  	[sflag:s10] =	ssyncset.done $0x0  }
0x52: {  	s4 =	rddreg [dreg:$0x16];
	[sflag:s10] =	ssyncadd.s32 $0xFFFFE980  }
0x53: {  	[spmem:s4] =	stream.linear.scatter [tilespmem:s22], [sflag:$0xA], $0x1680, $0x38;
	[tilespmem:$0x1F958] =	vst v63  }
0x54: {  	_ =	swait.ge [sflag:s10], $0x1680  }
0x55: {  	[sflag:s10] =	ssyncset.done $0x0  }
0x56: {  	[sflag:s10] =	ssyncadd.s32 $0xFFFFE980  }
0x57: {  	[spmem:s8] =	stream.linear.scatter [tilespmem:s22], [sflag:$0xA], $0x1680, $0x38;
	[tilespmem:$0x1F958] =	vst v63  }
0x58: {  	_ =	swait.ge [sflag:s10], $0x1680  }
0x59: {  	[sflag:s10] =	ssyncset.done $0x0  }
0x5a: {  	s5 =	rddreg [dreg:$0x17];
	[sflag:s10] =	ssyncadd.s32 $0xFFFFE980  }
0x5b: {  	[spmem:s5] =	stream.linear.scatter [tilespmem:s22], [sflag:$0xA], $0x1680, $0x38;
	[tilespmem:$0x1F958] =	vst v63  }
0x5c: {  	_ =	swait.ge [sflag:s10], $0x1680  }
0x5d: {  	[sflag:s10] =	ssyncset.done $0x0  }
0x5e: {  	s7 =	rddreg [dreg:$0x18];
	[sflag:s10] =	ssyncadd.s32 $0xFFFFE980  }
0x5f: {  	[spmem:s7] =	stream.linear.scatter [tilespmem:s22], [sflag:$0xA], $0x1680, $0x38;
	[tilespmem:$0x1F958] =	vst v63  }
0x60: {  	_ =	swait.ge [sflag:s10], $0x1680  }
0x61: {  	[sflag:s10] =	ssyncset.done $0x0  }
0x62: {  	s16 =	smov.u32 s8;
	s8 =	rddreg [dreg:$0x19];
	[sflag:s10] =	ssyncadd.s32 $0xFFFFE980  }
0x63: {  	[spmem:s8] =	stream.linear.scatter [tilespmem:s22], [sflag:$0xA], $0x1680, $0x38;
	[tilespmem:$0x1F958] =	vst v63  }
0x64: {  	_ =	swait.ge [sflag:s10], $0x1680  }
0x65: {  	[sflag:s10] =	ssyncset.done $0x0  }
0x66: {  	s4 =	rddreg [dreg:$0x1a];
	[sflag:s10] =	ssyncadd.s32 $0xFFFFE980  }
0x67: {  	[spmem:s4] =	stream.linear.scatter [tilespmem:s22], [sflag:$0xA], $0x1680, $0x38;
	[tilespmem:$0x1F958] =	vst v63  }
0x68: {  	_ =	swait.ge [sflag:s10], $0x1680  }
0x69: {  	[sflag:s10] =	ssyncset.done $0x0  }
0x6a: {  	s5 =	rddreg [dreg:$0x1b];
	[sflag:s10] =	ssyncadd.s32 $0xFFFFE980  }
0x6b: {  	[spmem:s5] =	stream.linear.scatter [tilespmem:s22], [sflag:$0xA], $0x1680, $0x38;
	[tilespmem:$0x1F958] =	vst v63  }
0x6c: {  	_ =	swait.ge [sflag:s10], $0x1680  }
0x6d: {  	[sflag:s10] =	ssyncset.done $0x0  }
0x6e: {  	s7 =	rddreg [dreg:$0x1c];
	[sflag:s10] =	ssyncadd.s32 $0xFFFFE980  }
0x6f: {  	[spmem:s7] =	stream.linear.scatter [tilespmem:s22], [sflag:$0xA], $0x1680, $0x38;
	[tilespmem:$0x1F958] =	vst v63  }
0x70: {  	_ =	swait.ge [sflag:s10], $0x1680  }
0x71: {  	[sflag:s10] =	ssyncset.done $0x0  }
0x72: {  	s8 =	rddreg [dreg:$0x1d];
	[sflag:s10] =	ssyncadd.s32 $0xFFFFE980  }
0x73: {  	[spmem:s8] =	stream.linear.scatter [tilespmem:s22], [sflag:$0xA], $0x1680, $0x38;
	[tilespmem:$0x1F958] =	vst v63  }
0x74: {  	_ =	swait.ge [sflag:s10], $0x1680  }
0x75: {  	[sflag:s10] =	ssyncset.done $0x0  }
0x76: {  	[sflag:s10] =	ssyncadd.s32 $0xFFFFE980  }
0x77: {  	[spmem:s18] =	stream.linear.scatter [tilespmem:s22], [sflag:$0xA], $0x1680, $0x38;
	[tilespmem:$0x1F958] =	vst v63  }
0x78: {  	_ =	swait.ge [sflag:s10], $0x1680  }
0x79: {  	[sflag:s10] =	ssyncset.done $0x0  }
0x7a: {  	s18 =	rddreg [dreg:$0x1f];
	[sflag:s10] =	ssyncadd.s32 $0xFFFFE980  }
0x7b: {  	[spmem:s18] =	stream.linear.scatter [tilespmem:s22], [sflag:$0xA], $0x1680, $0x38;
	[tilespmem:$0x1F958] =	vst v63  }
0x7c: {  	_ =	swait.ge [sflag:s10], $0x1680  }
0x7d: {  	s4 =	sld [smem:$0x7F5]  }
0x7e: {  	[sflag:s10] =	ssyncset.done $0x0  }
0x7f: {  	[sflag:s10] =	ssyncadd.s32 $0xFFFFE980  }
0x80: {  	[spmem:s4] =	stream.linear.scatter [tilespmem:s22], [sflag:$0xA], $0x1680, $0x38;
	[tilespmem:$0x1F958] =	vst v63  }
0x81: {  	_ =	swait.ge [sflag:s10], $0x1680  }
0x82: {  	s5 =	sld [smem:$0x7F6]  }
0x83: {  	[sflag:s10] =	ssyncset.done $0x0  }
0x84: {  	[sflag:s10] =	ssyncadd.s32 $0xFFFFE980  }
0x85: {  	[spmem:s5] =	stream.linear.scatter [tilespmem:s22], [sflag:$0xA], $0x1680, $0x38;
	[tilespmem:$0x1F958] =	vst v63  }
0x86: {  	_ =	swait.ge [sflag:s10], $0x1680  }
0x87: {  	s7 =	sld [smem:$0x7F7]  }
0x88: {  	[sflag:s10] =	ssyncset.done $0x0  }
0x89: {  	[sflag:s10] =	ssyncadd.s32 $0xFFFFE980  }
0x8a: {  	[spmem:s7] =	stream.linear.scatter [tilespmem:s22], [sflag:$0xA], $0xD80, $0x38;
	[tilespmem:$0x1F958] =	vst v63  }
0x8b: {  	_ =	swait.ge [sflag:s10], $0xD80  }
0x8c: {  	[sflag:s10] =	ssyncset.done $0x0  }
0x8d: {  	s0 =	simm.s32 @!p0 $0x1E258;
	[sflag:s10] =	ssyncadd.s32 $0xFFFFF280  }
0x8e: {  	[spmem:s6] =	stream.linear.scatter @!p0 [tilespmem:s0], [sflag:$0xA], $0x900, $0x38;
	[tilespmem:$0x1F958] =	vst v63  }
0x8f: {  	s0 =	simm.s32 @!p0 $0xA  }
0x90: {  	_ =	swait.ge @!p0 [sflag:s0], $0x900  }
0x91: {  	[sflag:s0] =	ssyncset.done @!p0 $0x0  }
0x92: {  	[sflag:s0] =	ssyncadd.s32 @!p0 $0xFFFFF700  }
0x93: {  	[bflag:$0x0] =	sbarrier.arrive $0xFFFF  }
0x94: {  	s18 =	simm.s32 $0x0;
	s4 =	simm.s32 $0x1F8D8;
	s8 =	rddreg [dreg:$0x1]  }
0x95: {  	[tilespmem:s4], [sflag:$0xA] =	stream.linear.gather [hbm4b:s8+s18], $0x80, $0x38;
	[tilespmem:$0x1F958] =	vst v63  }
0x96: {  	_ =	swait.ge [sflag:s10], $0x80  }
0x97: {  	[sflag:s10] =	ssyncset.done $0x0  }
0x98: {  	[sflag:s10] =	ssyncadd.s32 $0xFFFFFF80  }
0x99: {  	v1 =	vld [tilespmem:$0x1F8D8]  }
0x9a: {  	v2 =	vld [tilespmem:$0x1F8E8]  }
0x9b: {  	v3 =	vld [tilespmem:$0x1F8F8]  }
0x9c: {  	v4 =	vld [tilespmem:$0x1F908]  }
0x9d: {  	s4 =	sld [smem:$0x7F8];
	v5 =	vld [tilespmem:$0x1F918]  }
0x9e: {  	v6 =	vld [tilespmem:$0x1F928]  }
0x9f: {  	s5 =	simm.s32 $0x15F90;
	s6 =	simm.s32 $0x4E200;
	s7 =	sld [smem:$0x7F9];
	v7 =	vld [tilespmem:$0x1F938]  }
0xa0: {  	v8 =	vld [tilespmem:$0x1F948];
	[tilespmem:s5], [sflag:$0x1] =	stream.strided.gather [hbm4b:s4+s11], $0x50, s6, s11, $0x38  }
0xa1: {  	s8 =	simm.s32 $0x1  }
0xa2: {  	[tilespmem:s12], [sflag:$0x2] =	stream.strided.gather [hbm4b:s7+s11], $0x50, s6, s11, $0x38;
	[tilespmem:$0x1F958] =	vst v63  }
0xa3: {  	_ =	swait.ge [sflag:s8], $0x50  }
0xa4: {  	[sflag:s8] =	ssyncset.done $0x0  }
0xa5: {  	s4 =	simm.s32 $0x16058;
	[sflag:s8] =	ssyncadd.s32 $0xFFFFFFB0  }
0xa6: {  	[tilespmem:s4], [sflag:$0x3] =	stream.indirect.gather [hbm4b:s15+s11], $0x90, s5, s11, $0xb8;
	[tilespmem:$0x1F958] =	vst v63  }
0xa7: {  	s6 =	simm.s32 $0x18D58;
	s7 =	sld [smem:$0x7FA];
	s5 =	simm.s32 $0x15FB8  }
0xa8: {  	[tilespmem:s6], [sflag:$0x5] =	stream.indirect.gather [hbm4b:s15+s11], $0x90, s5, s11, $0xb8;
	[tilespmem:$0x1F958] =	vst v63  }
0xa9: {  	s8 =	simm.s32 $0x1BA58  }
0xaa: {  	[tilespmem:s8], [sflag:$0x7] =	stream.linear.gather [hbm4b:s7+s18], $0x1400, $0x38;
	[tilespmem:$0x1F958] =	vst v63  }
.LBB2_4:
0xab: {  	_ =	swait.ge [sflag:s14], $0x50  }
0xac: {  	s0 =	sshll.u32 s18, $0x6;
	[sflag:s14] =	ssyncset.done $0x0  }
0xad: {  	s4 =	sor.u32 s3, s0;
	[sflag:s14] =	ssyncadd.s32 $0xFFFFFFB0  }
0xae: {  	[tilespmem:s13], [sflag:$0x4] =	stream.indirect.gather [hbm4b:s15+s11], $0x90, s12, s11, $0xb8;
	[tilespmem:$0x1F958] =	vst v63  }
0xaf: {  	s4 =	smul.u32 $0x280, s4  }
0xb0: {  	[tilespmem:s24], [sflag:$0x6] =	stream.indirect.gather [hbm4b:s15+s11], $0x90, s23, s11, $0xb8;
	[tilespmem:$0x1F958] =	vst v63  }
0xb1: {  	s4 =	sadd.s32 s20, s4  }
0xb2: {  	[tilespmem:s25], [sflag:$0x8] =	stream.linear.gather [hbm4b:s4+s2], $0x1400, $0x38;
	[tilespmem:$0x1F958] =	vst v63  }
0xb3: {  	_ =	swait.ge [sflag:s26], $0x1680  }
0xb4: {  	[sflag:s26] =	ssyncset.done $0x0  }
0xb5: {  	s8 =	sshll.u32 s18, $0x1;
	[sflag:s26] =	ssyncadd.s32 $0xFFFFE980  }
0xb6: {  	p1 =	seq.s32 s18, $0x7C;
	s4 =	sadd.s32 $0x2, s8;
	_ =	swait.ge [sflag:s28], $0x1680  }
0xb7: {  	s4 =	sshll.u32 @!p1 s4, $0x5;
	[sflag:s28] =	ssyncset.done $0x0  }
0xb8: {  	s6 =	simm.s32 @!p1 $0x28;
	s4 =	sor.u32 @!p1 s3, s4;
	[sflag:s28] =	ssyncadd.s32 $0xFFFFE980  }
0xb9: {  	p2 =	seq.s32 @!p1 s18, $0x0;
	s5 =	smul.u32 @!p1 $0x5, s4;
	_ =	swait.ge [sflag:s29], $0x1400  }
0xba: {  	s7 =	simm.s32 @!p1 $0x4E200;
	p2 =	por p1, !p2;
	[sflag:s29] =	ssyncset.done $0x0  }
0xbb: {  	s8 =	simm.s32 @!p1 $0x15F90;
	s5 =	sadd.s32 @!p1 s1, s5;
	[sflag:s29] =	ssyncadd.s32 $0xFFFFEC00  }
0xbc: {  	[tilespmem:s8], [sflag:$0x1] =	stream.strided.gather @!p1 [hbm4b:s5+s6], $0x50, s7, s6, $0x38;
	[tilespmem:$0x1F958] =	vst v63  }
0xbd: {  	_ =	swait.ge @p2 [sflag:s31], $0x1680  }
0xbe: {  	[sflag:s31] =	ssyncset.done @p2 $0x0  }
0xbf: {  	[sflag:s31] =	ssyncadd.s32 @p2 $0xFFFFE980  }
0xc0: {  	v9 =	vld [tilespmem:$0x15FB8]  }
0xc1: {  	v10 =	vld [tilespmem:$0x15FC8]  }
0xc2: {  	v11 =	vld [tilespmem:$0x15FD0];
	_ =	sdelay $0x2  }
0xc3: {  	[tilespmem:$0x16030] =	vst v9  }
0xc4: {  	[tilespmem:$0x16040] =	vst v10  }
0xc5: {  	s5 =	simm.s32 $0x0;
	[tilespmem:$0x16048] =	vst v11  }
0xc6: {  	v10 =	vld [tilespmem:s5+$0x160C8]  }
0xc7: {  	v9 =	vld [tilespmem:s5+$0x18DC8]  }
0xc8: {  	v13 =	vld [tilespmem:s5+$0x160B8]  }
0xc9: {  	v11 =	vld [tilespmem:s5+$0x18DB8]  }
0xca: {  	v15 =	vld [tilespmem:s5+$0x160A8]  }
0xcb: {  	v12 =	vld [tilespmem:s5+$0x18DA8]  }
0xcc: {  	v16 =	vld [tilespmem:s5+$0x16098]  }
0xcd: {  	v23 =	vld [tilespmem:s5+$0x16088]  }
0xce: {  	v24 =	vld [tilespmem:s5+$0x16078]  }
0xcf: {  	v25 =	vld [tilespmem:s5+$0x16068]  }
0xd0: {  	v26 =	vld [tilespmem:s5+$0x16058]  }
0xd1: {  	v14 =	vld [tilespmem:s5+$0x18D58]  }
0xd2: {  	s6 =	simm.s32 $0x1BA98;
	v17 =	vld [tilespmem:s5+$0x18D68]  }
0xd3: {  	v18 =	vld [tilespmem:s6+$0xFFFFFFC0]  }
0xd4: {  	v19 =	vld [tilespmem:s5+$0x18D78]  }
0xd5: {  	v20 =	vld [tilespmem:s6+$0xFFFFFFD0]  }
0xd6: {  	v21 =	vld [tilespmem:s5+$0x18D88];
	v14 =	vadd.f32 v14, v26  }
0xd7: {  	v22 =	vld [tilespmem:s6+$0xFFFFFFE0]  }
0xd8: {  	v27 =	vld [tilespmem:s5+$0x18D98];
	v17 =	vadd.f32 v17, v25;
	v14 =	vadd.f32 v18, v14  }
0xd9: {  	v11 =	vadd.f32 v11, v13;
	v9 =	vadd.f32 v9, v10;
	v18 =	vld [tilespmem:s6+$0xFFFFFFF0]  }
0xda: {  	v19 =	vadd.f32 v19, v24;
	v17 =	vadd.f32 v20, v17;
	v28 =	vmul.f32 $2.000000030e-01, v14  }
0xdb: {  	v21 =	vadd.f32 v21, v23;
	v12 =	vadd.f32 v12, v15;
	v20 =	vld [tilespmem:s6+$0x0];
	vm1 =	vgt.f32 v14, $0.0e+00  }
0xdc: {  	v19 =	vadd.f32 v22, v19;
	v60 =	vmul.f32 $2.000000030e-01, v17;
	v14 =	vsel vm1, v14, v28  }
0xdd: {  	v27 =	vadd.f32 v27, v16;
	v22 =	vld [tilespmem:s6+$0x10];
	vm1 =	vgt.f32 v17, $0.0e+00;
	v14 =	vmul.f32 v14, v1  }
0xde: {  	v61 =	vmul.f32 $2.000000030e-01, v19;
	v17 =	vsel vm1, v17, v60;
	v18 =	vadd.f32 v18, v21  }
0xdf: {  	v21 =	vld [tilespmem:s6+$0x20];
	vm1 =	vgt.f32 v19, $0.0e+00;
	v17 =	vmul.f32 v17, v2;
	v14 =	vadd.f32 $0.0e+00, v14  }
0xe0: {  	v20 =	vadd.f32 v20, v27;
	v19 =	vsel vm1, v19, v61;
	v62 =	vmul.f32 $2.000000030e-01, v18  }
0xe1: {  	v27 =	vld [tilespmem:s6+$0x30];
	vm1 =	vgt.f32 v18, $0.0e+00;
	v14 =	vadd.f32 v17, v14;
	v17 =	vmul.f32 v19, v3  }
0xe2: {  	v12 =	vadd.f32 v22, v12;
	v18 =	vsel vm1, v18, v62;
	v19 =	vmul.f32 $2.000000030e-01, v20  }
0xe3: {  	vm1 =	vgt.f32 v20, $0.0e+00;
	v14 =	vadd.f32 v17, v14;
	v17 =	vmul.f32 v18, v4  }
0xe4: {  	v11 =	vadd.f32 v21, v11;
	v18 =	vsel vm1, v20, v19;
	v19 =	vmul.f32 $2.000000030e-01, v12  }
0xe5: {  	vm1 =	vgt.f32 v12, $0.0e+00;
	v14 =	vadd.f32 v17, v14;
	v17 =	vmul.f32 v18, v5  }
0xe6: {  	v9 =	vadd.f32 v27, v9;
	v12 =	vsel vm1, v12, v19;
	v18 =	vmul.f32 $2.000000030e-01, v11  }
0xe7: {  	vm1 =	vgt.f32 v11, $0.0e+00;
	v12 =	vmul.f32 v12, v6;
	v14 =	vadd.f32 v17, v14  }
0xe8: {  	v11 =	vsel vm1, v11, v18;
	v17 =	vmul.f32 $2.000000030e-01, v9  }
0xe9: {  	vm1 =	vgt.f32 v9, $0.0e+00;
	v11 =	vmul.f32 v11, v7;
	v12 =	vadd.f32 v12, v14  }
0xea: {  	v9 =	vsel vm1, v9, v17  }
0xeb: {  	v9 =	vmul.f32 v9, v8;
	v11 =	vadd.f32 v11, v12;
	_ =	sdelay $0x1  }
0xec: {  	v9 =	vadd.f32 v9, v11;
	_ =	sdelay $0x1  }
0xed: {  	(xrf2) =	vadd.scan.msk.f32 $0xffff, v9;
	_ =	sdelay $0x9  }
0xee: {  	v9, _, _ =	vpop (xrf2)  }
0xef: {  	v9 =	vmul.f32 $1.442695020e+00, v9;
	_ =	sdelay $0x1  }
0xf0: {  	v9 =	vbroadcast v9, $0xF;
	_ =	sdelay $0x1  }
0xf1: {  	(erf) = vpow2.f32 v9;
	_ =	sdelay $0x2  }
0xf2: {  	s7 =	simm.s32 $0x90  }
0xf3: {  	v20 =	vld [tilespmem:s7+$0x18DB8]  }
0xf4: {  	v19 =	vld [tilespmem:s7+$0x18DC8]  }
0xf5: {  	v18 =	vld [tilespmem:s7+$0x18DA8]  }
0xf6: {  	v14 =	vld [tilespmem:s7+$0x16098]  }
0xf7: {  	v17 =	vld [tilespmem:s7+$0x18D98]  }
0xf8: {  	v12 =	vld [tilespmem:s7+$0x160A8];
	v27 =	vpop (erf)  }
0xf9: {  	v11 =	vld [tilespmem:s7+$0x160B8];
	v21 =	vnsel vm0, $0x0, v27;
	v22 =	vmul.f32 v27, v10  }
0xfa: {  	v9 =	vld [tilespmem:s7+$0x160C8];
	v13 =	vmul.f32 v27, v13;
	[tilespmem:s5+$0x1E2D8] =	vst v21  }
0xfb: {  	v15 =	vmul.f32 v27, v15;
	v10 =	vld [tilespmem:s7+$0x16088];
	[tilespmem:s5+$0x1E2C8] =	vst v22  }
0xfc: {  	v16 =	vmul.f32 v27, v16;
	v21 =	vld [tilespmem:s7+$0x18D88];
	[tilespmem:s5+$0x1E2B8] =	vst v13  }
0xfd: {  	v63 =	vmul.f32 v27, v23;
	v13 =	vld [tilespmem:s7+$0x16078];
	[tilespmem:s5+$0x1E2A8] =	vst v15  }
0xfe: {  	v24 =	vmul.f32 v27, v24;
	v22 =	vld [tilespmem:s7+$0x18D78];
	[tilespmem:s5+$0x1E298] =	vst v16  }
0xff: {  	s8 =	simm.s32 $0x480;
	v23 =	vmul.f32 v27, v26;
	v25 =	vmul.f32 v27, v25;
	v15 =	vld [tilespmem:s7+$0x16068];
	[tilespmem:s5+$0x1E288] =	vst v63  }
.LBB2_5:
0x100: {  	p2 =	sne.s32 s8, $0x57C0;
	v16 =	vld [tilespmem:s7+$0x16058];
	[tilespmem:s5+$0x1E278] =	vst v24  }
0x101: {  	v24 =	vld [tilespmem:s7+$0x18D58];
	[tilespmem:s5+$0x1E268] =	vst v25  }
0x102: {  	s6 =	sadd.s32 $0x80, s6;
	v25 =	vld [tilespmem:s7+$0x18D68];
	[tilespmem:s5+$0x1E258] =	vst v23;
	s5 =	smov.u32 s7  }
0x103: {  	v23 =	vld [tilespmem:s6+$0xFFFFFFC0]  }
0x104: {  	v26 =	vld [tilespmem:s6+$0xFFFFFFD0]  }
0x105: {  	v27 =	vld [tilespmem:s6+$0xFFFFFFE0]  }
0x106: {  	v24 =	vadd.f32 v24, v16;
	v28 =	vld [tilespmem:s6+$0xFFFFFFF0]  }
0x107: {  	v29 =	vld [tilespmem:s6+$0x0]  }
0x108: {  	v23 =	vadd.f32 v23, v24;
	v24 =	vadd.f32 v25, v15;
	v25 =	vld [tilespmem:s6+$0x10]  }
0x109: {  	v20 =	vadd.f32 v20, v11;
	v19 =	vadd.f32 v19, v9;
	v30 =	vld [tilespmem:s6+$0x20]  }
0x10a: {  	v22 =	vadd.f32 v22, v13;
	v31 =	vmul.f32 $2.000000030e-01, v23;
	v24 =	vadd.f32 v26, v24;
	v26 =	vld [tilespmem:s6+$0x30]  }
0x10b: {  	v18 =	vadd.f32 v18, v12;
	v21 =	vadd.f32 v21, v10;
	vm1 =	vgt.f32 v23, $0.0e+00  }
0x10c: {  	v22 =	vadd.f32 v27, v22;
	v23 =	vsel vm1, v23, v31;
	v31 =	vmul.f32 $2.000000030e-01, v24  }
0x10d: {  	v17 =	vadd.f32 v17, v14;
	vm1 =	vgt.f32 v24, $0.0e+00;
	v23 =	vmul.f32 v23, v1  }
0x10e: {  	v21 =	vadd.f32 v28, v21;
	v27 =	vmul.f32 $2.000000030e-01, v22;
	v24 =	vsel vm1, v24, v31  }
0x10f: {  	vm1 =	vgt.f32 v22, $0.0e+00;
	v23 =	vadd.f32 $0.0e+00, v23;
	v24 =	vmul.f32 v24, v2  }
0x110: {  	v17 =	vadd.f32 v29, v17;
	v22 =	vsel vm1, v22, v27;
	v27 =	vmul.f32 $2.000000030e-01, v21  }
0x111: {  	vm1 =	vgt.f32 v21, $0.0e+00;
	v22 =	vmul.f32 v22, v3;
	v23 =	vadd.f32 v24, v23  }
0x112: {  	v18 =	vadd.f32 v25, v18;
	v21 =	vsel vm1, v21, v27;
	v24 =	vmul.f32 $2.000000030e-01, v17  }
0x113: {  	vm1 =	vgt.f32 v17, $0.0e+00;
	v21 =	vmul.f32 v21, v4;
	v22 =	vadd.f32 v22, v23  }
0x114: {  	v20 =	vadd.f32 v30, v20;
	v17 =	vsel vm1, v17, v24;
	v23 =	vmul.f32 $2.000000030e-01, v18  }
0x115: {  	vm1 =	vgt.f32 v18, $0.0e+00;
	v17 =	vmul.f32 v17, v5;
	v21 =	vadd.f32 v21, v22  }
0x116: {  	v19 =	vadd.f32 v26, v19;
	v18 =	vsel vm1, v18, v23;
	v22 =	vmul.f32 $2.000000030e-01, v20  }
0x117: {  	vm1 =	vgt.f32 v20, $0.0e+00;
	v18 =	vmul.f32 v18, v6;
	v17 =	vadd.f32 v17, v21  }
0x118: {  	v20 =	vsel vm1, v20, v22;
	v21 =	vmul.f32 $2.000000030e-01, v19  }
0x119: {  	vm1 =	vgt.f32 v19, $0.0e+00;
	v17 =	vadd.f32 v18, v17;
	v18 =	vmul.f32 v20, v7  }
0x11a: {  	v19 =	vsel vm1, v19, v21  }
0x11b: {  	v17 =	vadd.f32 v18, v17;
	v18 =	vmul.f32 v19, v8;
	_ =	sdelay $0x1  }
0x11c: {  	v17 =	vadd.f32 v18, v17;
	_ =	sdelay $0x1  }
0x11d: {  	(xrf2) =	vadd.scan.msk.f32 $0xffff, v17;
	_ =	sdelay $0x9  }
0x11e: {  	v17, _, _ =	vpop (xrf2)  }
0x11f: {  	v17 =	vmul.f32 $1.442695020e+00, v17;
	_ =	sdelay $0x1  }
0x120: {  	v17 =	vbroadcast v17, $0xF;
	_ =	sdelay $0x1  }
0x121: {  	(erf) = vpow2.f32 v17;
	_ =	sdelay $0x2  }
0x122: {  	s7 =	sshra.s32 s8, $0x2  }
0x123: {  	v17 =	vld [tilespmem:s7+$0x160C8]  }
0x124: {  	v19 =	vld [tilespmem:s7+$0x18DC8]  }
0x125: {  	v21 =	vld [tilespmem:s7+$0x160B8]  }
0x126: {  	v20 =	vld [tilespmem:s7+$0x18DB8]  }
0x127: {  	v22 =	vld [tilespmem:s7+$0x160A8]  }
0x128: {  	v18 =	vld [tilespmem:s7+$0x18DA8];
	v25 =	vpop (erf)  }
0x129: {  	v26 =	vld [tilespmem:s7+$0x16098];
	v27 =	vmul.f32 v25, v11;
	v23 =	vmul.f32 v25, v9;
	v24 =	vnsel vm0, $0x0, v25;
	v9 =	vmovc v17  }
0x12a: {  	v14 =	vmul.f32 v25, v14;
	v28 =	vmul.f32 v25, v12;
	v17 =	vld [tilespmem:s7+$0x18D98];
	[tilespmem:s5+$0x1E2D8] =	vst v24;
	v11 =	vmov v21  }
.Ltmp1:
0x12b: {  	v29 =	vmul.f32 v25, v10;
	v24 =	vmul.f32 v25, v13;
	v10 =	vld [tilespmem:s7+$0x16088];
	[tilespmem:s5+$0x1E2C8] =	vst v23;
	(pc) =	sbr.rel @p2 .LBB2_5-.Ltmp1, $4  }
0x12c: {  	v23 =	vmul.f32 v25, v16;
	v25 =	vmul.f32 v25, v15;
	v21 =	vld [tilespmem:s7+$0x18D88];
	[tilespmem:s5+$0x1E2B8] =	vst v27;
	v12 =	vmov v22  }
0x12d: {  	v13 =	vld [tilespmem:s7+$0x16078];
	[tilespmem:s5+$0x1E2A8] =	vst v28  }
0x12e: {  	v22 =	vld [tilespmem:s7+$0x18D78];
	[tilespmem:s5+$0x1E298] =	vst v14;
	v14 =	vmov v26  }
0x12f: {  	s8 =	sadd.s32 $0x240, s8;
	v15 =	vld [tilespmem:s7+$0x16068];
	[tilespmem:s5+$0x1E288] =	vst v29  }
0x130: {  	v16 =	vld [tilespmem:s7+$0x16058];
	[tilespmem:s5+$0x1E278] =	vst v24  }
0x131: {  	v24 =	vld [tilespmem:s7+$0x18D58];
	[tilespmem:s5+$0x1E268] =	vst v25  }
0x132: {  	s8 =	sadd.s32 $0x80, s6;
	v25 =	vld [tilespmem:s7+$0x18D68];
	[tilespmem:s5+$0x1E258] =	vst v23  }
0x133: {  	v23 =	vld [tilespmem:s8+$0xFFFFFFC0];
	_ =	sdelay $0x1  }
0x134: {  	v26 =	vld [tilespmem:s8+$0xFFFFFFD0]  }
0x135: {  	v24 =	vadd.f32 v24, v16  }
0x136: {  	v27 =	vld [tilespmem:s8+$0xFFFFFFE0]  }
0x137: {  	v23 =	vadd.f32 v23, v24;
	v24 =	vadd.f32 v25, v15  }
0x138: {  	v20 =	vadd.f32 v20, v11;
	v19 =	vadd.f32 v19, v9;
	v25 =	vld [tilespmem:s8+$0xFFFFFFF0]  }
0x139: {  	v22 =	vadd.f32 v22, v13;
	v28 =	vmul.f32 $2.000000030e-01, v23;
	v24 =	vadd.f32 v26, v24  }
0x13a: {  	v18 =	vadd.f32 v18, v12;
	v21 =	vadd.f32 v21, v10;
	v26 =	vld [tilespmem:s8+$0x0];
	vm1 =	vgt.f32 v23, $0.0e+00  }
0x13b: {  	v22 =	vadd.f32 v27, v22;
	v23 =	vsel vm1, v23, v28;
	v56 =	vmul.f32 $2.000000030e-01, v24  }
0x13c: {  	v17 =	vadd.f32 v17, v14;
	v27 =	vld [tilespmem:s8+$0x10];
	vm1 =	vgt.f32 v24, $0.0e+00;
	v23 =	vmul.f32 v23, v1  }
0x13d: {  	v57 =	vmul.f32 $2.000000030e-01, v22;
	v21 =	vadd.f32 v25, v21;
	v24 =	vsel vm1, v24, v56  }
0x13e: {  	v25 =	vld [tilespmem:s8+$0x20];
	vm1 =	vgt.f32 v22, $0.0e+00;
	v23 =	vadd.f32 $0.0e+00, v23;
	v24 =	vmul.f32 v24, v2  }
0x13f: {  	v22 =	vsel vm1, v22, v57;
	v58 =	vmul.f32 $2.000000030e-01, v21;
	v17 =	vadd.f32 v26, v17  }
0x140: {  	v26 =	vld [tilespmem:s8+$0x30];
	vm1 =	vgt.f32 v21, $0.0e+00;
	v22 =	vmul.f32 v22, v3;
	v23 =	vadd.f32 v24, v23  }
0x141: {  	v18 =	vadd.f32 v27, v18;
	v21 =	vsel vm1, v21, v58;
	v24 =	vmul.f32 $2.000000030e-01, v17  }
0x142: {  	vm1 =	vgt.f32 v17, $0.0e+00;
	v21 =	vmul.f32 v21, v4;
	v22 =	vadd.f32 v22, v23  }
0x143: {  	v20 =	vadd.f32 v25, v20;
	v17 =	vsel vm1, v17, v24;
	v23 =	vmul.f32 $2.000000030e-01, v18  }
0x144: {  	vm1 =	vgt.f32 v18, $0.0e+00;
	v17 =	vmul.f32 v17, v5;
	v21 =	vadd.f32 v21, v22  }
0x145: {  	v19 =	vadd.f32 v26, v19;
	v18 =	vsel vm1, v18, v23;
	v22 =	vmul.f32 $2.000000030e-01, v20  }
0x146: {  	vm1 =	vgt.f32 v20, $0.0e+00;
	v18 =	vmul.f32 v18, v6;
	v17 =	vadd.f32 v17, v21  }
0x147: {  	v20 =	vsel vm1, v20, v22;
	v21 =	vmul.f32 $2.000000030e-01, v19  }
0x148: {  	vm1 =	vgt.f32 v19, $0.0e+00;
	v17 =	vadd.f32 v18, v17;
	v18 =	vmul.f32 v20, v7  }
0x149: {  	v19 =	vsel vm1, v19, v21  }
0x14a: {  	v17 =	vadd.f32 v18, v17;
	v18 =	vmul.f32 v19, v8;
	_ =	sdelay $0x1  }
0x14b: {  	v17 =	vadd.f32 v18, v17;
	_ =	sdelay $0x1  }
0x14c: {  	(xrf2) =	vadd.scan.msk.f32 $0xffff, v17;
	_ =	sdelay $0x9  }
0x14d: {  	v17, _, _ =	vpop (xrf2)  }
0x14e: {  	v17 =	vmul.f32 $1.442695020e+00, v17;
	_ =	sdelay $0x1  }
0x14f: {  	v17 =	vbroadcast v17, $0xF;
	_ =	sdelay $0x1  }
0x150: {  	(erf) = vpow2.f32 v17;
	_ =	sdelay $0x8  }
0x151: {  	v17 =	vpop (erf)  }
0x152: {  	v9 =	vmul.f32 v17, v9;
	v18 =	vnsel vm0, $0x0, v17  }
0x153: {  	v11 =	vmul.f32 v17, v11;
	[tilespmem:s7+$0x1E2D8] =	vst v18  }
0x154: {  	v12 =	vmul.f32 v17, v12;
	[tilespmem:s7+$0x1E2C8] =	vst v9  }
0x155: {  	v10 =	vmul.f32 v17, v10;
	[tilespmem:s7+$0x1E2B8] =	vst v11  }
0x156: {  	v9 =	vmul.f32 v17, v14;
	[tilespmem:s7+$0x1E2A8] =	vst v12  }
0x157: {  	v11 =	vmul.f32 v17, v13;
	[tilespmem:s7+$0x1E288] =	vst v10  }
0x158: {  	v10 =	vmul.f32 v17, v16;
	[tilespmem:s7+$0x1E298] =	vst v9  }
0x159: {  	v9 =	vmul.f32 v17, v15;
	[tilespmem:s7+$0x1E278] =	vst v11  }
0x15a: {  	[tilespmem:s7+$0x1E258] =	vst v10  }
0x15b: {  	s5 =	simm.s32 @p1 $0x4;
	[tilespmem:s7+$0x1E268] =	vst v9  }
0x15c: {  	[spmem:s21] =	stream.indirect.scatter.add.f32 [tilespmem:s22], [sflag:$0x9], $0x90, s30, s11, $0xb8;
	[tilespmem:$0x1F958] =	vst v63  }
0x15d: {  	_ =	swait.ge @p1 [sflag:s5], $0x1680  }
0x15e: {  	[sflag:s5] =	ssyncset.done @p1 $0x0  }
0x15f: {  	[sflag:s5] =	ssyncadd.s32 @p1 $0xFFFFE980;
	s5 =	simm.s32 @p1 $0x6  }
0x160: {  	_ =	swait.ge @p1 [sflag:s5], $0x1680  }
0x161: {  	[sflag:s5] =	ssyncset.done @p1 $0x0  }
0x162: {  	[sflag:s5] =	ssyncadd.s32 @p1 $0xFFFFE980;
	s5 =	simm.s32 @p1 $0x8  }
0x163: {  	_ =	swait.ge @p1 [sflag:s5], $0x1400  }
0x164: {  	[sflag:s5] =	ssyncset.done @p1 $0x0  }
0x165: {  	[sflag:s5] =	ssyncadd.s32 @p1 $0xFFFFEC00;
	s5 =	simm.s32 @!p1 $0x1  }
0x166: {  	_ =	swait.ge @!p1 [sflag:s5], $0x50  }
0x167: {  	s6 =	simm.s32 @!p1 $0x15F90;
	[sflag:s5] =	ssyncset.done @!p1 $0x0  }
0x168: {  	s7 =	simm.s32 @!p1 $0x16058;
	[sflag:s5] =	ssyncadd.s32 @!p1 $0xFFFFFFB0;
	s5 =	simm.s32 @!p1 $0x28  }
0x169: {  	[tilespmem:s7], [sflag:$0x3] =	stream.indirect.gather @!p1 [hbm4b:s15+s5], $0x90, s6, s5, $0xb8;
	[tilespmem:$0x1F958] =	vst v63  }
0x16a: {  	s4 =	smul.u32 @!p1 $0x280, s4;
	s6 =	simm.s32 @!p1 $0x15FB8;
	s7 =	simm.s32 @!p1 $0x18D58  }
0x16b: {  	[tilespmem:s7], [sflag:$0x5] =	stream.indirect.gather @!p1 [hbm4b:s15+s5], $0x90, s6, s5, $0xb8;
	[tilespmem:$0x1F958] =	vst v63  }
0x16c: {  	s4 =	sadd.s32 @!p1 s9, s4;
	s6 =	simm.s32 @!p1 $0x0;
	s7 =	simm.s32 @!p1 $0x1BA58  }
0x16d: {  	[tilespmem:s7], [sflag:$0x7] =	stream.linear.gather @!p1 [hbm4b:s4+s6], $0x1400, $0x38;
	[tilespmem:$0x1F958] =	vst v63  }
0x16e: {  	s4 =	simm.s32 @!p1 $0x4  }
0x16f: {  	_ =	swait.ge @!p1 [sflag:s4], $0x1680  }
0x170: {  	[sflag:s4] =	ssyncset.done @!p1 $0x0  }
0x171: {  	[sflag:s4] =	ssyncadd.s32 @!p1 $0xFFFFE980;
	s4 =	simm.s32 @!p1 $0x6  }
0x172: {  	_ =	swait.ge @!p1 [sflag:s4], $0x1680  }
0x173: {  	s0 =	sadd.s32 @!p1 s17, s0;
	[sflag:s4] =	ssyncset.done @!p1 $0x0  }
0x174: {  	s0 =	smul.u32 @!p1 $0x5, s0;
	[sflag:s4] =	ssyncadd.s32 @!p1 $0xFFFFE980;
	s4 =	simm.s32 @!p1 $0x8  }
0x175: {  	_ =	swait.ge @!p1 [sflag:s4], $0x1400  }
0x176: {  	s0 =	sadd.s32 @!p1 s1, s0;
	[sflag:s4] =	ssyncset.done @!p1 $0x0  }
0x177: {  	s6 =	simm.s32 @!p1 $0x15FE0;
	[sflag:s4] =	ssyncadd.s32 @!p1 $0xFFFFEC00;
	s4 =	simm.s32 @!p1 $0x4E200  }
0x178: {  	[tilespmem:s6], [sflag:$0x2] =	stream.strided.gather @!p1 [hbm4b:s0+s5], $0x50, s4, s5, $0x38;
	[tilespmem:$0x1F958] =	vst v63  }
0x179: {  	_ =	swait.ge [sflag:s31], $0x1680  }
0x17a: {  	[sflag:s31] =	ssyncset.done $0x0  }
0x17b: {  	[sflag:s31] =	ssyncadd.s32 $0xFFFFE980  }
0x17c: {  	v9 =	vld [tilespmem:$0x16008]  }
0x17d: {  	v10 =	vld [tilespmem:$0x16018]  }
0x17e: {  	v11 =	vld [tilespmem:$0x16020];
	_ =	sdelay $0x2  }
0x17f: {  	[tilespmem:$0x16030] =	vst v9  }
0x180: {  	[tilespmem:$0x16040] =	vst v10  }
0x181: {  	s0 =	simm.s32 $0x0;
	[tilespmem:$0x16048] =	vst v11  }
0x182: {  	v10 =	vld [tilespmem:s0+$0x17748]  }
0x183: {  	v9 =	vld [tilespmem:s0+$0x1A448]  }
0x184: {  	v13 =	vld [tilespmem:s0+$0x17738]  }
0x185: {  	v11 =	vld [tilespmem:s0+$0x1A438]  }
0x186: {  	v15 =	vld [tilespmem:s0+$0x17728]  }
0x187: {  	v12 =	vld [tilespmem:s0+$0x1A428]  }
0x188: {  	v16 =	vld [tilespmem:s0+$0x17718]  }
0x189: {  	v23 =	vld [tilespmem:s0+$0x17708]  }
0x18a: {  	v24 =	vld [tilespmem:s0+$0x176F8]  }
0x18b: {  	v25 =	vld [tilespmem:s0+$0x176E8]  }
0x18c: {  	v26 =	vld [tilespmem:s0+$0x176D8]  }
0x18d: {  	v14 =	vld [tilespmem:s0+$0x1A3D8]  }
0x18e: {  	s4 =	simm.s32 $0x1CE98;
	v17 =	vld [tilespmem:s0+$0x1A3E8]  }
0x18f: {  	v18 =	vld [tilespmem:s4+$0xFFFFFFC0]  }
0x190: {  	v19 =	vld [tilespmem:s0+$0x1A3F8]  }
0x191: {  	v20 =	vld [tilespmem:s4+$0xFFFFFFD0]  }
0x192: {  	v21 =	vld [tilespmem:s0+$0x1A408];
	v14 =	vadd.f32 v14, v26  }
0x193: {  	v22 =	vld [tilespmem:s4+$0xFFFFFFE0]  }
0x194: {  	v27 =	vld [tilespmem:s0+$0x1A418];
	v17 =	vadd.f32 v17, v25;
	v14 =	vadd.f32 v18, v14  }
0x195: {  	v11 =	vadd.f32 v11, v13;
	v9 =	vadd.f32 v9, v10;
	v18 =	vld [tilespmem:s4+$0xFFFFFFF0]  }
0x196: {  	v19 =	vadd.f32 v19, v24;
	v17 =	vadd.f32 v20, v17;
	v59 =	vmul.f32 $2.000000030e-01, v14  }
0x197: {  	v21 =	vadd.f32 v21, v23;
	v12 =	vadd.f32 v12, v15;
	v20 =	vld [tilespmem:s4+$0x0];
	vm1 =	vgt.f32 v14, $0.0e+00  }
0x198: {  	v19 =	vadd.f32 v22, v19;
	v60 =	vmul.f32 $2.000000030e-01, v17;
	v14 =	vsel vm1, v14, v59  }
0x199: {  	v27 =	vadd.f32 v27, v16;
	v22 =	vld [tilespmem:s4+$0x10];
	vm1 =	vgt.f32 v17, $0.0e+00;
	v14 =	vmul.f32 v14, v1  }
0x19a: {  	v61 =	vmul.f32 $2.000000030e-01, v19;
	v17 =	vsel vm1, v17, v60;
	v18 =	vadd.f32 v18, v21  }
0x19b: {  	v21 =	vld [tilespmem:s4+$0x20];
	vm1 =	vgt.f32 v19, $0.0e+00;
	v17 =	vmul.f32 v17, v2;
	v14 =	vadd.f32 $0.0e+00, v14  }
0x19c: {  	v20 =	vadd.f32 v20, v27;
	v19 =	vsel vm1, v19, v61;
	v62 =	vmul.f32 $2.000000030e-01, v18  }
0x19d: {  	v27 =	vld [tilespmem:s4+$0x30];
	vm1 =	vgt.f32 v18, $0.0e+00;
	v14 =	vadd.f32 v17, v14;
	v17 =	vmul.f32 v19, v3  }
0x19e: {  	v12 =	vadd.f32 v22, v12;
	v18 =	vsel vm1, v18, v62;
	v19 =	vmul.f32 $2.000000030e-01, v20  }
0x19f: {  	vm1 =	vgt.f32 v20, $0.0e+00;
	v14 =	vadd.f32 v17, v14;
	v17 =	vmul.f32 v18, v4  }
0x1a0: {  	v11 =	vadd.f32 v21, v11;
	v18 =	vsel vm1, v20, v19;
	v19 =	vmul.f32 $2.000000030e-01, v12  }
0x1a1: {  	vm1 =	vgt.f32 v12, $0.0e+00;
	v14 =	vadd.f32 v17, v14;
	v17 =	vmul.f32 v18, v5  }
0x1a2: {  	v9 =	vadd.f32 v27, v9;
	v12 =	vsel vm1, v12, v19;
	v18 =	vmul.f32 $2.000000030e-01, v11  }
0x1a3: {  	vm1 =	vgt.f32 v11, $0.0e+00;
	v12 =	vmul.f32 v12, v6;
	v14 =	vadd.f32 v17, v14  }
0x1a4: {  	v11 =	vsel vm1, v11, v18;
	v17 =	vmul.f32 $2.000000030e-01, v9  }
0x1a5: {  	vm1 =	vgt.f32 v9, $0.0e+00;
	v11 =	vmul.f32 v11, v7;
	v12 =	vadd.f32 v12, v14  }
0x1a6: {  	v9 =	vsel vm1, v9, v17  }
0x1a7: {  	v9 =	vmul.f32 v9, v8;
	v11 =	vadd.f32 v11, v12;
	_ =	sdelay $0x1  }
0x1a8: {  	v9 =	vadd.f32 v9, v11;
	_ =	sdelay $0x1  }
0x1a9: {  	(xrf2) =	vadd.scan.msk.f32 $0xffff, v9;
	_ =	sdelay $0x9  }
0x1aa: {  	v9, _, _ =	vpop (xrf2)  }
0x1ab: {  	v9 =	vmul.f32 $1.442695020e+00, v9;
	_ =	sdelay $0x1  }
0x1ac: {  	v9 =	vbroadcast v9, $0xF;
	_ =	sdelay $0x1  }
0x1ad: {  	(erf) = vpow2.f32 v9;
	_ =	sdelay $0x2  }
0x1ae: {  	s5 =	simm.s32 $0x90  }
0x1af: {  	v20 =	vld [tilespmem:s5+$0x1A438]  }
0x1b0: {  	v19 =	vld [tilespmem:s5+$0x1A448]  }
0x1b1: {  	v18 =	vld [tilespmem:s5+$0x1A428]  }
0x1b2: {  	v14 =	vld [tilespmem:s5+$0x17718]  }
0x1b3: {  	v17 =	vld [tilespmem:s5+$0x1A418]  }
0x1b4: {  	v12 =	vld [tilespmem:s5+$0x17728];
	v27 =	vpop (erf)  }
0x1b5: {  	v11 =	vld [tilespmem:s5+$0x17738];
	v21 =	vnsel vm0, $0x0, v27;
	v22 =	vmul.f32 v27, v10  }
0x1b6: {  	v9 =	vld [tilespmem:s5+$0x17748];
	v13 =	vmul.f32 v27, v13;
	[tilespmem:s0+$0x1E2D8] =	vst v21  }
0x1b7: {  	v15 =	vmul.f32 v27, v15;
	v10 =	vld [tilespmem:s5+$0x17708];
	[tilespmem:s0+$0x1E2C8] =	vst v22  }
0x1b8: {  	v16 =	vmul.f32 v27, v16;
	v21 =	vld [tilespmem:s5+$0x1A408];
	[tilespmem:s0+$0x1E2B8] =	vst v13  }
0x1b9: {  	v63 =	vmul.f32 v27, v23;
	v13 =	vld [tilespmem:s5+$0x176F8];
	[tilespmem:s0+$0x1E2A8] =	vst v15  }
0x1ba: {  	v24 =	vmul.f32 v27, v24;
	v22 =	vld [tilespmem:s5+$0x1A3F8];
	[tilespmem:s0+$0x1E298] =	vst v16  }
0x1bb: {  	s6 =	simm.s32 $0x480;
	v23 =	vmul.f32 v27, v26;
	v25 =	vmul.f32 v27, v25;
	v15 =	vld [tilespmem:s5+$0x176E8];
	[tilespmem:s0+$0x1E288] =	vst v63  }
.LBB2_7:
0x1bc: {  	p1 =	sne.s32 s6, $0x57C0;
	v16 =	vld [tilespmem:s5+$0x176D8];
	[tilespmem:s0+$0x1E278] =	vst v24  }
0x1bd: {  	v24 =	vld [tilespmem:s5+$0x1A3D8];
	[tilespmem:s0+$0x1E268] =	vst v25  }
0x1be: {  	s4 =	sadd.s32 $0x80, s4;
	v25 =	vld [tilespmem:s5+$0x1A3E8];
	[tilespmem:s0+$0x1E258] =	vst v23;
	s0 =	smov.u32 s5  }
0x1bf: {  	v23 =	vld [tilespmem:s4+$0xFFFFFFC0]  }
0x1c0: {  	v26 =	vld [tilespmem:s4+$0xFFFFFFD0]  }
0x1c1: {  	v27 =	vld [tilespmem:s4+$0xFFFFFFE0]  }
0x1c2: {  	v24 =	vadd.f32 v24, v16;
	v28 =	vld [tilespmem:s4+$0xFFFFFFF0]  }
0x1c3: {  	v29 =	vld [tilespmem:s4+$0x0]  }
0x1c4: {  	v23 =	vadd.f32 v23, v24;
	v24 =	vadd.f32 v25, v15;
	v25 =	vld [tilespmem:s4+$0x10]  }
0x1c5: {  	v20 =	vadd.f32 v20, v11;
	v19 =	vadd.f32 v19, v9;
	v30 =	vld [tilespmem:s4+$0x20]  }
0x1c6: {  	v22 =	vadd.f32 v22, v13;
	v31 =	vmul.f32 $2.000000030e-01, v23;
	v24 =	vadd.f32 v26, v24;
	v26 =	vld [tilespmem:s4+$0x30]  }
0x1c7: {  	v18 =	vadd.f32 v18, v12;
	v21 =	vadd.f32 v21, v10;
	vm1 =	vgt.f32 v23, $0.0e+00  }
0x1c8: {  	v22 =	vadd.f32 v27, v22;
	v23 =	vsel vm1, v23, v31;
	v31 =	vmul.f32 $2.000000030e-01, v24  }
0x1c9: {  	v17 =	vadd.f32 v17, v14;
	vm1 =	vgt.f32 v24, $0.0e+00;
	v23 =	vmul.f32 v23, v1  }
0x1ca: {  	v21 =	vadd.f32 v28, v21;
	v27 =	vmul.f32 $2.000000030e-01, v22;
	v24 =	vsel vm1, v24, v31  }
0x1cb: {  	vm1 =	vgt.f32 v22, $0.0e+00;
	v23 =	vadd.f32 $0.0e+00, v23;
	v24 =	vmul.f32 v24, v2  }
0x1cc: {  	v17 =	vadd.f32 v29, v17;
	v22 =	vsel vm1, v22, v27;
	v27 =	vmul.f32 $2.000000030e-01, v21  }
0x1cd: {  	vm1 =	vgt.f32 v21, $0.0e+00;
	v22 =	vmul.f32 v22, v3;
	v23 =	vadd.f32 v24, v23  }
0x1ce: {  	v18 =	vadd.f32 v25, v18;
	v21 =	vsel vm1, v21, v27;
	v24 =	vmul.f32 $2.000000030e-01, v17  }
0x1cf: {  	vm1 =	vgt.f32 v17, $0.0e+00;
	v21 =	vmul.f32 v21, v4;
	v22 =	vadd.f32 v22, v23  }
0x1d0: {  	v20 =	vadd.f32 v30, v20;
	v17 =	vsel vm1, v17, v24;
	v23 =	vmul.f32 $2.000000030e-01, v18  }
0x1d1: {  	vm1 =	vgt.f32 v18, $0.0e+00;
	v17 =	vmul.f32 v17, v5;
	v21 =	vadd.f32 v21, v22  }
0x1d2: {  	v19 =	vadd.f32 v26, v19;
	v18 =	vsel vm1, v18, v23;
	v22 =	vmul.f32 $2.000000030e-01, v20  }
0x1d3: {  	vm1 =	vgt.f32 v20, $0.0e+00;
	v18 =	vmul.f32 v18, v6;
	v17 =	vadd.f32 v17, v21  }
0x1d4: {  	v20 =	vsel vm1, v20, v22;
	v21 =	vmul.f32 $2.000000030e-01, v19  }
0x1d5: {  	vm1 =	vgt.f32 v19, $0.0e+00;
	v17 =	vadd.f32 v18, v17;
	v18 =	vmul.f32 v20, v7  }
0x1d6: {  	v19 =	vsel vm1, v19, v21  }
0x1d7: {  	v17 =	vadd.f32 v18, v17;
	v18 =	vmul.f32 v19, v8;
	_ =	sdelay $0x1  }
0x1d8: {  	v17 =	vadd.f32 v18, v17;
	_ =	sdelay $0x1  }
0x1d9: {  	(xrf2) =	vadd.scan.msk.f32 $0xffff, v17;
	_ =	sdelay $0x9  }
0x1da: {  	v17, _, _ =	vpop (xrf2)  }
0x1db: {  	v17 =	vmul.f32 $1.442695020e+00, v17;
	_ =	sdelay $0x1  }
0x1dc: {  	v17 =	vbroadcast v17, $0xF;
	_ =	sdelay $0x1  }
0x1dd: {  	(erf) = vpow2.f32 v17;
	_ =	sdelay $0x2  }
0x1de: {  	s5 =	sshra.s32 s6, $0x2  }
0x1df: {  	v17 =	vld [tilespmem:s5+$0x17748]  }
0x1e0: {  	v19 =	vld [tilespmem:s5+$0x1A448]  }
0x1e1: {  	v21 =	vld [tilespmem:s5+$0x17738]  }
0x1e2: {  	v20 =	vld [tilespmem:s5+$0x1A438]  }
0x1e3: {  	v22 =	vld [tilespmem:s5+$0x17728]  }
0x1e4: {  	v18 =	vld [tilespmem:s5+$0x1A428];
	v25 =	vpop (erf)  }
0x1e5: {  	v26 =	vld [tilespmem:s5+$0x17718];
	v27 =	vmul.f32 v25, v11;
	v23 =	vmul.f32 v25, v9;
	v24 =	vnsel vm0, $0x0, v25;
	v9 =	vmovc v17  }
0x1e6: {  	v14 =	vmul.f32 v25, v14;
	v28 =	vmul.f32 v25, v12;
	v17 =	vld [tilespmem:s5+$0x1A418];
	[tilespmem:s0+$0x1E2D8] =	vst v24;
	v11 =	vmov v21  }
.Ltmp2:
0x1e7: {  	v29 =	vmul.f32 v25, v10;
	v24 =	vmul.f32 v25, v13;
	v10 =	vld [tilespmem:s5+$0x17708];
	[tilespmem:s0+$0x1E2C8] =	vst v23;
	(pc) =	sbr.rel @p1 .LBB2_7-.Ltmp2, $4  }
0x1e8: {  	v23 =	vmul.f32 v25, v16;
	v25 =	vmul.f32 v25, v15;
	v21 =	vld [tilespmem:s5+$0x1A408];
	[tilespmem:s0+$0x1E2B8] =	vst v27;
	v12 =	vmov v22  }
0x1e9: {  	v13 =	vld [tilespmem:s5+$0x176F8];
	[tilespmem:s0+$0x1E2A8] =	vst v28  }
0x1ea: {  	v22 =	vld [tilespmem:s5+$0x1A3F8];
	[tilespmem:s0+$0x1E298] =	vst v14;
	v14 =	vmov v26  }
0x1eb: {  	s6 =	sadd.s32 $0x240, s6;
	v15 =	vld [tilespmem:s5+$0x176E8];
	[tilespmem:s0+$0x1E288] =	vst v29  }
0x1ec: {  	v16 =	vld [tilespmem:s5+$0x176D8];
	[tilespmem:s0+$0x1E278] =	vst v24  }
0x1ed: {  	v24 =	vld [tilespmem:s5+$0x1A3D8];
	[tilespmem:s0+$0x1E268] =	vst v25  }
0x1ee: {  	s8 =	sadd.s32 $0x80, s4;
	v25 =	vld [tilespmem:s5+$0x1A3E8];
	[tilespmem:s0+$0x1E258] =	vst v23  }
0x1ef: {  	v23 =	vld [tilespmem:s8+$0xFFFFFFC0];
	_ =	sdelay $0x1  }
0x1f0: {  	v26 =	vld [tilespmem:s8+$0xFFFFFFD0]  }
0x1f1: {  	v24 =	vadd.f32 v24, v16  }
0x1f2: {  	v27 =	vld [tilespmem:s8+$0xFFFFFFE0]  }
0x1f3: {  	v47 =	vadd.f32 v25, v15;
	v23 =	vadd.f32 v23, v24  }
0x1f4: {  	v20 =	vadd.f32 v20, v11;
	v19 =	vadd.f32 v19, v9;
	v48 =	vld [tilespmem:s8+$0xFFFFFFF0]  }
0x1f5: {  	v22 =	vadd.f32 v22, v13;
	v24 =	vadd.f32 v26, v47;
	v28 =	vmul.f32 $2.000000030e-01, v23  }
0x1f6: {  	v18 =	vadd.f32 v18, v12;
	v21 =	vadd.f32 v21, v10;
	v49 =	vld [tilespmem:s8+$0x0];
	vm1 =	vgt.f32 v23, $0.0e+00  }
0x1f7: {  	v22 =	vadd.f32 v27, v22;
	v50 =	vmul.f32 $2.000000030e-01, v24;
	v23 =	vsel vm1, v23, v28  }
0x1f8: {  	v17 =	vadd.f32 v17, v14;
	v51 =	vld [tilespmem:s8+$0x10];
	vm1 =	vgt.f32 v24, $0.0e+00;
	v23 =	vmul.f32 v23, v1  }
0x1f9: {  	v21 =	vadd.f32 v48, v21;
	v52 =	vmul.f32 $2.000000030e-01, v22;
	v24 =	vsel vm1, v24, v50  }
0x1fa: {  	v53 =	vld [tilespmem:s8+$0x20];
	vm1 =	vgt.f32 v22, $0.0e+00;
	v24 =	vmul.f32 v24, v2;
	v23 =	vadd.f32 $0.0e+00, v23  }
0x1fb: {  	v17 =	vadd.f32 v49, v17;
	v54 =	vmul.f32 $2.000000030e-01, v21;
	v22 =	vsel vm1, v22, v52  }
0x1fc: {  	v55 =	vld [tilespmem:s8+$0x30];
	vm1 =	vgt.f32 v21, $0.0e+00;
	v22 =	vmul.f32 v22, v3;
	v23 =	vadd.f32 v24, v23  }
0x1fd: {  	v18 =	vadd.f32 v51, v18;
	v56 =	vmul.f32 $2.000000030e-01, v17;
	v21 =	vsel vm1, v21, v54  }
0x1fe: {  	vm1 =	vgt.f32 v17, $0.0e+00;
	v21 =	vmul.f32 v21, v4;
	v22 =	vadd.f32 v22, v23  }
0x1ff: {  	v20 =	vadd.f32 v53, v20;
	v57 =	vmul.f32 $2.000000030e-01, v18;
	v17 =	vsel vm1, v17, v56  }
0x200: {  	vm1 =	vgt.f32 v18, $0.0e+00;
	v17 =	vmul.f32 v17, v5;
	v21 =	vadd.f32 v21, v22  }
0x201: {  	v19 =	vadd.f32 v55, v19;
	v58 =	vmul.f32 $2.000000030e-01, v20;
	v18 =	vsel vm1, v18, v57  }
0x202: {  	vm1 =	vgt.f32 v20, $0.0e+00;
	v18 =	vmul.f32 v18, v6;
	v17 =	vadd.f32 v17, v21  }
0x203: {  	v59 =	vmul.f32 $2.000000030e-01, v19;
	v20 =	vsel vm1, v20, v58  }
0x204: {  	vm1 =	vgt.f32 v19, $0.0e+00;
	v60 =	vmul.f32 v20, v7;
	v17 =	vadd.f32 v18, v17  }
0x205: {  	v19 =	vsel vm1, v19, v59  }
0x206: {  	v61 =	vmul.f32 v19, v8;
	v17 =	vadd.f32 v60, v17;
	_ =	sdelay $0x1  }
0x207: {  	v17 =	vadd.f32 v61, v17;
	_ =	sdelay $0x1  }
0x208: {  	(xrf2) =	vadd.scan.msk.f32 $0xffff, v17;
	_ =	sdelay $0x9  }
0x209: {  	v17, _, _ =	vpop (xrf2)  }
0x20a: {  	v17 =	vmul.f32 $1.442695020e+00, v17;
	_ =	sdelay $0x1  }
0x20b: {  	v17 =	vbroadcast v17, $0xF;
	_ =	sdelay $0x1  }
0x20c: {  	(erf) = vpow2.f32 v17;
	_ =	sdelay $0x8  }
0x20d: {  	v17 =	vpop (erf)  }
0x20e: {  	v9 =	vmul.f32 v17, v9;
	v62 =	vnsel vm0, $0x0, v17  }
0x20f: {  	v11 =	vmul.f32 v17, v11;
	[tilespmem:s5+$0x1E2D8] =	vst v62  }
0x210: {  	v63 =	vmul.f32 v17, v12;
	[tilespmem:s5+$0x1E2C8] =	vst v9  }
0x211: {  	v10 =	vmul.f32 v17, v10;
	[tilespmem:s5+$0x1E2B8] =	vst v11  }
0x212: {  	s18 =	sadd.s32 $0x1, s18;
	v9 =	vmul.f32 v17, v14;
	[tilespmem:s5+$0x1E2A8] =	vst v63  }
0x213: {  	p1 =	sne.s32 s18, $0x7D;
	v11 =	vmul.f32 v17, v13;
	[tilespmem:s5+$0x1E288] =	vst v10  }
.Ltmp3:
0x214: {  	v10 =	vmul.f32 v17, v16;
	[tilespmem:s5+$0x1E298] =	vst v9;
	(pc) =	sbr.rel @p1 .LBB2_4-.Ltmp3, $4  }
0x215: {  	v9 =	vmul.f32 v17, v15;
	[tilespmem:s5+$0x1E278] =	vst v11  }
0x216: {  	[tilespmem:s5+$0x1E258] =	vst v10  }
0x217: {  	[tilespmem:s5+$0x1E268] =	vst v9  }
0x218: {  	[spmem:s21] =	stream.indirect.scatter.add.f32 [tilespmem:s22], [sflag:$0x9], $0x90, s30, s11, $0xb8;
	[tilespmem:$0x1F958] =	vst v63  }
0x219: {  	_ =	swait.ge [sflag:s31], $0x1680  }
0x21a: {  	[sflag:s31] =	ssyncset.done $0x0  }
0x21b: {  	[sflag:s31] =	ssyncadd.s32 $0xFFFFE980  }
0x21c: {  	s0 =	stileid.u32;
	[bflag:$0x0] =	sbarrier.arrive $0xFFFF  }
0x21d: {  	s0 =	sshll.u32 s0, $0x6;
	s4 =	rddreg [dreg:$0x14]  }
0x21e: {  	s0 =	sor.u32 $0x1C0A, s0;
	s5 =	rddreg [dreg:$0x4];
	s4 =	sshrl.u32 s4, $0x3  }
0x21f: {  	[hbm:s5], [sflag:s0] =	dma.local [spmem:s4], $0x2D0  }
0x220: {  	_ =	swait.ge [sflag:s10], $0x2D0  }
0x221: {  	[sflag:s10] =	ssyncset.done $0x0;
	s6 =	rddreg [dreg:$0x15]  }
0x222: {  	s7 =	rddreg [dreg:$0x5];
	[sflag:s10] =	ssyncadd.s32 $0xFFFFFD30;
	s4 =	sshrl.u32 s6, $0x3  }
0x223: {  	[hbm:s7], [sflag:s0] =	dma.local [spmem:s4], $0x2D0  }
0x224: {  	_ =	swait.ge [sflag:s10], $0x2D0  }
0x225: {  	[sflag:s10] =	ssyncset.done $0x0;
	s8 =	rddreg [dreg:$0x16]  }
0x226: {  	s18 =	rddreg [dreg:$0x6];
	[sflag:s10] =	ssyncadd.s32 $0xFFFFFD30;
	s4 =	sshrl.u32 s8, $0x3  }
0x227: {  	[hbm:s18], [sflag:s0] =	dma.local [spmem:s4], $0x2D0  }
0x228: {  	_ =	swait.ge [sflag:s10], $0x2D0  }
0x229: {  	[sflag:s10] =	ssyncset.done $0x0  }
0x22a: {  	s6 =	sshrl.u32 s16, $0x3;
	s7 =	rddreg [dreg:$0x7];
	[sflag:s10] =	ssyncadd.s32 $0xFFFFFD30  }
0x22b: {  	[hbm:s7], [sflag:s0] =	dma.local [spmem:s6], $0x2D0  }
0x22c: {  	_ =	swait.ge [sflag:s10], $0x2D0  }
0x22d: {  	s8 =	smov.u32 s16;
	[sflag:s10] =	ssyncset.done $0x0;
	s16 =	rddreg [dreg:$0x17]  }
0x22e: {  	s18 =	rddreg [dreg:$0x8];
	[sflag:s10] =	ssyncadd.s32 $0xFFFFFD30;
	s4 =	sshrl.u32 s16, $0x3  }
0x22f: {  	[hbm:s18], [sflag:s0] =	dma.local [spmem:s4], $0x2D0  }
0x230: {  	_ =	swait.ge [sflag:s10], $0x2D0  }
0x231: {  	[sflag:s10] =	ssyncset.done $0x0;
	s6 =	rddreg [dreg:$0x18]  }
0x232: {  	s7 =	rddreg [dreg:$0x9];
	[sflag:s10] =	ssyncadd.s32 $0xFFFFFD30;
	s4 =	sshrl.u32 s6, $0x3  }
0x233: {  	[hbm:s7], [sflag:s0] =	dma.local [spmem:s4], $0x2D0  }
0x234: {  	_ =	swait.ge [sflag:s10], $0x2D0  }
0x235: {  	[sflag:s10] =	ssyncset.done $0x0;
	s16 =	rddreg [dreg:$0x19]  }
0x236: {  	s18 =	rddreg [dreg:$0xa];
	[sflag:s10] =	ssyncadd.s32 $0xFFFFFD30;
	s4 =	sshrl.u32 s16, $0x3  }
0x237: {  	[hbm:s18], [sflag:s0] =	dma.local [spmem:s4], $0x2D0  }
0x238: {  	_ =	swait.ge [sflag:s10], $0x2D0  }
0x239: {  	[sflag:s10] =	ssyncset.done $0x0;
	s6 =	rddreg [dreg:$0x1a]  }
0x23a: {  	s7 =	rddreg [dreg:$0xb];
	[sflag:s10] =	ssyncadd.s32 $0xFFFFFD30;
	s4 =	sshrl.u32 s6, $0x3  }
0x23b: {  	[hbm:s7], [sflag:s0] =	dma.local [spmem:s4], $0x2D0  }
0x23c: {  	_ =	swait.ge [sflag:s10], $0x2D0  }
0x23d: {  	[sflag:s10] =	ssyncset.done $0x0;
	s16 =	rddreg [dreg:$0x1b]  }
0x23e: {  	s18 =	rddreg [dreg:$0xc];
	[sflag:s10] =	ssyncadd.s32 $0xFFFFFD30;
	s4 =	sshrl.u32 s16, $0x3  }
0x23f: {  	[hbm:s18], [sflag:s0] =	dma.local [spmem:s4], $0x2D0  }
0x240: {  	_ =	swait.ge [sflag:s10], $0x2D0  }
0x241: {  	[sflag:s10] =	ssyncset.done $0x0;
	s6 =	rddreg [dreg:$0x1c]  }
0x242: {  	s7 =	rddreg [dreg:$0xd];
	[sflag:s10] =	ssyncadd.s32 $0xFFFFFD30;
	s4 =	sshrl.u32 s6, $0x3  }
0x243: {  	[hbm:s7], [sflag:s0] =	dma.local [spmem:s4], $0x2D0  }
0x244: {  	_ =	swait.ge [sflag:s10], $0x2D0  }
0x245: {  	[sflag:s10] =	ssyncset.done $0x0;
	s16 =	rddreg [dreg:$0x1d]  }
0x246: {  	s18 =	rddreg [dreg:$0xe];
	[sflag:s10] =	ssyncadd.s32 $0xFFFFFD30;
	s4 =	sshrl.u32 s16, $0x3  }
0x247: {  	[hbm:s18], [sflag:s0] =	dma.local [spmem:s4], $0x2D0  }
0x248: {  	_ =	swait.ge [sflag:s10], $0x2D0  }
0x249: {  	[sflag:s10] =	ssyncset.done $0x0;
	s18 =	rddreg [dreg:$0x1e]  }
0x24a: {  	s6 =	rddreg [dreg:$0xf];
	[sflag:s10] =	ssyncadd.s32 $0xFFFFFD30;
	s5 =	sshrl.u32 s18, $0x3  }
0x24b: {  	[hbm:s6], [sflag:s0] =	dma.local [spmem:s5], $0x2D0  }
0x24c: {  	_ =	swait.ge [sflag:s10], $0x2D0  }
0x24d: {  	[sflag:s10] =	ssyncset.done $0x0;
	s7 =	rddreg [dreg:$0x1f]  }
0x24e: {  	s16 =	rddreg [dreg:$0x10];
	[sflag:s10] =	ssyncadd.s32 $0xFFFFFD30;
	s4 =	sshrl.u32 s7, $0x3  }
0x24f: {  	[hbm:s16], [sflag:s0] =	dma.local [spmem:s4], $0x2D0  }
0x250: {  	_ =	swait.ge [sflag:s10], $0x2D0  }
0x251: {  	s5 =	sld [smem:$0x7F5];
	_ =	sdelay $0x1  }
0x252: {  	[sflag:s10] =	ssyncset.done $0x0  }
0x253: {  	s6 =	rddreg [dreg:$0x11];
	[sflag:s10] =	ssyncadd.s32 $0xFFFFFD30;
	s4 =	sshrl.u32 s5, $0x3  }
0x254: {  	[hbm:s6], [sflag:s0] =	dma.local [spmem:s4], $0x2D0  }
0x255: {  	_ =	swait.ge [sflag:s10], $0x2D0  }
0x256: {  	s7 =	sld [smem:$0x7F6];
	_ =	sdelay $0x1  }
0x257: {  	[sflag:s10] =	ssyncset.done $0x0  }
0x258: {  	s16 =	rddreg [dreg:$0x12];
	[sflag:s10] =	ssyncadd.s32 $0xFFFFFD30;
	s4 =	sshrl.u32 s7, $0x3  }
0x259: {  	[hbm:s16], [sflag:s0] =	dma.local [spmem:s4], $0x2D0  }
0x25a: {  	_ =	swait.ge [sflag:s10], $0x2D0  }
0x25b: {  	s6 =	sld [smem:$0x7F7];
	_ =	sdelay $0x1  }
0x25c: {  	[sflag:s10] =	ssyncset.done $0x0  }
0x25d: {  	s7 =	rddreg [dreg:$0x13];
	[sflag:s10] =	ssyncadd.s32 $0xFFFFFD30;
	s4 =	sshrl.u32 s6, $0x3  }
0x25e: {  	[hbm:s7], [sflag:s0] =	dma.local [spmem:s4], $0x1B0  }
0x25f: {  	_ =	swait.ge [sflag:s10], $0x1B0  }
0x260: {  	s6 =	sld [smem:$0x7FD]  }
0x261: {  	s5 =	sld [smem:$0x7FB]  }
0x262: {  	[sflag:s10] =	ssyncset.done $0x0  }
0x263: {  	[sflag:s10] =	ssyncadd.s32 $0xFFFFFE50;
	s4 =	sshrl.u32 @!p0 s6, $0x3  }
0x264: {  	[hbm:s5], [sflag:s0] =	dma.local @!p0 [spmem:s4], $0x120  }
0x265: {  	s0 =	simm.s32 @!p0 $0xA  }
0x266: {  	_ =	swait.ge @!p0 [sflag:s0], $0x120  }
0x267: {  	s16 =	sld [smem:$0x7FC];
	_ =	sdelay $0x1  }
0x268: {  	s19 =	sadd.s32 $0x1, s19  }
0x269: {  	p1 =	sne.s32 s19, s16  }
.Ltmp4:
0x26a: {  	_ = 	snop;
	(pc) =	sbr.rel @p1 .LBB2_1-.Ltmp4, $3  }
0x26b: {  	_ =	sdelay $0x1  }
0x26c: {  	[sflag:s0] =	ssyncset.done @!p0 $0x0  }
0x26d: {  	[sflag:s0] =	ssyncadd.s32 @!p0 $0xFFFFFEE0  }
0x26e: {  	_ =	sfence.sel $0x180000  }
0x26f: {  	[bflag:$0x0] =	sbarrier.arrive $0xFFFF  }
0x270: {  	_ =	strace $0x90000047  }
0x271: {  	s0 =	stileid.u32;
	[bflag:$0x2] =	sbarrier.arrive $0xFFFF  }
0x272: {  	p0 =	sne.s32 s0, $0x0;
	s0 =	rddreg [dreg:$0x3]  }
0x273: {  	s0 =	sadd.s32 @!p0 $0x100000, s0  }
0x274: {  	[sflag:s0] =	ssyncadd.tile.s32 @!p0 $0x1;
	_ =	shalt  }
.Lfunc_end2:
_tile_overlayer_lowered:
.L_overlay_start_2:
0x275: {  	(tag) =	ssettag $0x2  }
0x276: {  	s0 =	rddreg [dreg:$0x0];
	s2 =	stileid.u32  }
0x277: {  	s1 =	rddreg [dreg:$0x1];
	p0 =	sne.s32 s2, $0x0  }
0x278: {  	s3 =	rddreg [dreg:$0x2];
	[bflag:$0x3] =	sbarrier.arrive $0xFFFF;
	s2 =	simm.s32 @!p0 $0x1C0A  }
0x279: {  	[timem:s3], [sflag:s2] =	dma.local @!p0 [hbm:s0], s1  }
0x27a: {  	s0 =	simm.s32 @!p0 $0xA  }
0x27b: {  	_ =	swait.ge @!p0 [sflag:s0], s1  }
0x27c: {  	s1 =	ssub.s32 @!p0 $0x0, s1;
	[sflag:s0] =	ssyncset.done @!p0 $0x0  }
0x27d: {  	[sflag:s0] =	ssyncadd.s32 @!p0 s1  }
0x27e: {  	[bflag:$0x3] =	sbarrier.arrive $0xFFFF  }
0x27f: {  	_ =	shalt  }

</sc_bundles>
